<compile_context>
chip_gen: v7x
topology: tpu7x:2x2x1
jax: 0.10.2.dev20260603
libtpu: 0.0.44.dev20260713+nightly
codegen_flags: <defaults>
</compile_context>

<pallas_src>
import functools

import jax
import jax.numpy as jnp
from jax import lax
from jax.experimental import pallas as pl
from jax.experimental.pallas import tpu as pltpu
from jax.experimental.pallas import tpu_sc as plsc

T = 64
B = 32
SPATIAL = (64, 64, 64)
N = SPATIAL[0] * SPATIAL[1] * SPATIAL[2] * 2
NC, NS, L = 2, 16, 16
NW = NC * NS
NPW = N // NW
C = 512
NSUB = NPW // C
RW = 128
KR = C // RW
ROWS = N // RW
NSL = C // L
NSTEP = T + B
SLEN = NSTEP + L
X0R = 0
ACC = 1
DBASE = 8
SBASE = DBASE + T
AROWS = SBASE + B


def _sc_body(emit_b, rowb_hbm, sb_hbm, sd_hbm, x0_hbm, delta_hbm,
             out_hbm, arena, rowv, idxv, sbv, sdv, sem):
    wid = lax.axis_index("s") * NC + lax.axis_index("c")

    pltpu.sync_copy(rowb_hbm, rowv)
    pltpu.sync_copy(sb_hbm, sbv)
    pltpu.sync_copy(sd_hbm, sdv)

    def subchunk(sc, carry):
        g = wid * NSUB + sc
        off = g * C
        pltpu.sync_copy(delta_hbm.at[:, pl.ds(off, C)],
                        arena.at[pl.ds(DBASE, T)])
        pltpu.sync_copy(x0_hbm.at[pl.ds(off, C)], arena.at[X0R])
        for i in range(NSL):
            arena[ACC, pl.ds(i * L, L)] = jnp.zeros((L,), jnp.float32)
        for k in range(KR):
            for i in range(B // L):
                idxv[k, pl.ds(i * L, L)] = rowv[pl.ds(i * L, L)] + (g * KR + k)

        def step(k, cr):
            src = sbv[pl.ds(k, L)][0]
            dst = sdv[pl.ds(k, L)][0]
            for i in range(NSL):
                arena[dst, pl.ds(i * L, L)] = (
                    arena[ACC, pl.ds(i * L, L)]
                    + arena[src, pl.ds(i * L, L)])
            return cr

        lax.fori_loop(0, NSTEP, step, jnp.int32(0))

        if emit_b:
            def bsub(j, cr):
                for i in range(NSL):
                    arena[SBASE + j, pl.ds(i * L, L)] = (
                        arena[SBASE + j, pl.ds(i * L, L)]
                        - arena[ACC, pl.ds(i * L, L)])
                return cr

            lax.fori_loop(0, B, bsub, jnp.int32(0))

        cpys = [
            pltpu.make_async_copy(
                arena.at[pl.ds(SBASE, B), pl.ds(k * RW, RW)],
                out_hbm.at[idxv.at[k]], sem)
            for k in range(KR)
        ]
        for cp in cpys:
            cp.start()
        for cp in cpys:
            cp.wait()
        return carry

    lax.fori_loop(0, NSUB, subchunk, jnp.int32(0))


def _make_kernel(emit_b):
    return functools.partial(
        pl.kernel,
        out_type=jax.ShapeDtypeStruct((B * ROWS, RW), jnp.float32),
        scratch_types=[
            pltpu.VMEM((AROWS, C), jnp.float32),
            pltpu.VMEM((B,), jnp.int32),
            pltpu.VMEM((KR, B), jnp.int32),
            pltpu.VMEM((SLEN,), jnp.int32),
            pltpu.VMEM((SLEN,), jnp.int32),
            pltpu.SemaphoreType.DMA,
        ],
        mesh=plsc.VectorSubcoreMesh(core_axis_name="c", subcore_axis_name="s"),
    )(functools.partial(_sc_body, emit_b))


@jax.jit
def _sc_call(ts, rowb, x0f, d2):
    jb = jnp.arange(B, dtype=jnp.int32)
    jt = jnp.arange(T, dtype=jnp.int32)
    pos_e = ts + jb
    pos_a = jt + jnp.searchsorted(ts, jt, side="right").astype(jnp.int32)
    sb = jnp.zeros(SLEN, jnp.int32).at[pos_e].set(X0R).at[pos_a].set(DBASE + jt)
    sd = jnp.zeros(SLEN, jnp.int32).at[pos_e].set(SBASE + jb).at[pos_a].set(ACC)

    outf = _make_kernel(False)(rowb, sb, sd, x0f, d2)
    outb = _make_kernel(True)(rowb, sb, sd, x0f, d2)
    return outf, outb


def kernel(slices, x0, delta):
    t_idx = slices[:, 0].astype(jnp.int32)
    order = jnp.argsort(t_idx)
    ts = t_idx[order]
    rowb = (order * ROWS).astype(jnp.int32)
    x0f = x0.reshape(N)
    d2 = delta.reshape(T, N)
    outf, outb = _sc_call(ts, rowb, x0f, d2)
    f = outf.reshape(B, *SPATIAL, 2)
    b = outb.reshape(B, *SPATIAL, 2)
    return (lax.complex(f[..., 0], f[..., 1]),
            lax.complex(b[..., 0], b[..., 1]))

# --- scband reference (transcript-rebuilt; emitter-appended) ---
"""Pipeline reference for scband-residual-grid-41961830482446 (READ-ONLY COPY).

The authoritative reference and input builder live on the scoring server;
editing this copy changes nothing except your own understanding.
"""

import jax, jax.numpy as jnp
import numpy as np

T, X, Y, Z = 64, 64, 64, 64
B = 32


def _view_as_complex(a):
    # torch.view_as_complex: last dim of size 2 -> complex
    return jax.lax.complex(a[..., 0], a[..., 1])


def setup_inputs(seed: int = 0) -> dict:
    key = jax.random.key(seed)
    k1, k2, k3 = jax.random.split(key, 3)
    # slices: list of (t, x, y, z) index tuples; only t (col 0) is used by forward.
    slices = jax.random.randint(k1, (B, 4), 0, T, dtype=jnp.int64)
    # learned parameters sized per init_kwargs size=(t, x, y, z)
    x0 = 0.001 * jax.random.uniform(k2, (X, Y, Z, 2), dtype=jnp.float32)
    delta = 0.001 * jax.random.uniform(k3, (T, X, Y, Z, 2), dtype=jnp.float32)
    return {"slices": slices, "x0": x0, "delta": delta}


def reference(slices, x0, delta):
    # double_direction=True path of ResidualGrid.forward
    cum_sum = jnp.cumsum(delta, axis=0)                      # [T, X, Y, Z, 2]
    rev_cum_sum = delta - cum_sum + cum_sum[-1]              # reverse cumulative sum
    # einx.rearrange('x y z c, t x y z c -> (1+t) x y z c', x0, x0 + cum_sum[:-1])
    images_forward = jnp.concatenate([x0[None], x0[None] + cum_sum[:-1]], axis=0)  # [T, X, Y, Z, 2]
    images_backward = x0[None] - rev_cum_sum                 # [T, X, Y, Z, 2]
    t_idx = slices[:, 0]
    f_stack = jnp.take(images_forward, t_idx, axis=0)        # gather, [B, X, Y, Z, 2]
    b_stack = jnp.take(images_backward, t_idx, axis=0)       # gather, [B, X, Y, Z, 2]
    return (_view_as_complex(f_stack), _view_as_complex(b_stack))

if __name__ == "__main__":
    import jax
    _d = setup_inputs()
    print(jax.jit(kernel)(*tuple(_d.values())))

</pallas_src>

<mosaic_0001>
#map = affine_map<(d0, d1) -> (0)>
#map1 = affine_map<(d0, d1) -> (0, 0)>
module attributes {stable_mosaic.version = 14 : i64} {
  func.func @_sc_body(%arg0: i32, %arg1: i32, %arg2: memref<32xi32, #tpu.memory_space<hbm>>, %arg3: memref<112xi32, #tpu.memory_space<hbm>>, %arg4: memref<112xi32, #tpu.memory_space<hbm>>, %arg5: memref<524288xf32, #tpu.memory_space<hbm>>, %arg6: memref<64x524288xf32, #tpu.memory_space<hbm>>, %arg7: memref<131072x128xf32, #tpu.memory_space<hbm>>, %arg8: memref<104x512xf32, #tpu.memory_space<vmem>>, %arg9: memref<32xi32, #tpu.memory_space<vmem>>, %arg10: memref<4x32xi32, #tpu.memory_space<vmem>>, %arg11: memref<112xi32, #tpu.memory_space<vmem>>, %arg12: memref<112xi32, #tpu.memory_space<vmem>>, %arg13: memref<!tpu.dma_semaphore, #tpu.memory_space<semaphore_mem>>) attributes {dimension_semantics = [#tpu.dimension_semantics<core_parallel>, #tpu.dimension_semantics<subcore_parallel>], iteration_bounds = array<i64: 2, 16>, scalar_prefetch = 0 : i64, scratch_operands = 6 : i64, tpu.core_type = #tpu.core_type<sc_vector_subcore>, window_params = [{transform_indices = #map}, {transform_indices = #map}, {transform_indices = #map}, {transform_indices = #map}, {transform_indices = #map1}, {transform_indices = #map1}]} {
    %mul3A = arith.constant 2 : i32
    %mul3A_0 = arith.muli %arg1, %mul3A : i32
    %add3A = arith.addi %mul3A_0, %arg0 : i32
    "tpu.region"() ({
      %run_scoped3A = tpu.sem_alloc : memref<!tpu.dma_semaphore, #tpu.memory_space<semaphore_mem>>
      tpu.enqueue_dma source(%arg2 : memref<32xi32, #tpu.memory_space<hbm>>) target(%arg9 : memref<32xi32, #tpu.memory_space<vmem>>) target_semaphore(%run_scoped3A : memref<!tpu.dma_semaphore, #tpu.memory_space<semaphore_mem>>)
      tpu.wait_dma2 semaphore(%run_scoped3A : memref<!tpu.dma_semaphore, #tpu.memory_space<semaphore_mem>>) src(%arg2 : memref<32xi32, #tpu.memory_space<hbm>>) dst(%arg9 : memref<32xi32, #tpu.memory_space<vmem>>)
      tpu.yield
    }) : () -> ()
    "tpu.region"() ({
      %run_scoped3A = tpu.sem_alloc : memref<!tpu.dma_semaphore, #tpu.memory_space<semaphore_mem>>
      tpu.enqueue_dma source(%arg3 : memref<112xi32, #tpu.memory_space<hbm>>) target(%arg11 : memref<112xi32, #tpu.memory_space<vmem>>) target_semaphore(%run_scoped3A : memref<!tpu.dma_semaphore, #tpu.memory_space<semaphore_mem>>)
      tpu.wait_dma2 semaphore(%run_scoped3A : memref<!tpu.dma_semaphore, #tpu.memory_space<semaphore_mem>>) src(%arg3 : memref<112xi32, #tpu.memory_space<hbm>>) dst(%arg11 : memref<112xi32, #tpu.memory_space<vmem>>)
      tpu.yield
    }) : () -> ()
    "tpu.region"() ({
      %run_scoped3A = tpu.sem_alloc : memref<!tpu.dma_semaphore, #tpu.memory_space<semaphore_mem>>
      tpu.enqueue_dma source(%arg4 : memref<112xi32, #tpu.memory_space<hbm>>) target(%arg12 : memref<112xi32, #tpu.memory_space<vmem>>) target_semaphore(%run_scoped3A : memref<!tpu.dma_semaphore, #tpu.memory_space<semaphore_mem>>)
      tpu.wait_dma2 semaphore(%run_scoped3A : memref<!tpu.dma_semaphore, #tpu.memory_space<semaphore_mem>>) src(%arg4 : memref<112xi32, #tpu.memory_space<hbm>>) dst(%arg12 : memref<112xi32, #tpu.memory_space<vmem>>)
      tpu.yield
    }) : () -> ()
    %scan3A = arith.constant 0 : i32
    %scan3A_1 = arith.constant 0 : i32
    %scan3A_2 = arith.constant 32 : i32
    %scan3A_3 = arith.addi %scan3A_1, %scan3A_2 : i32
    %scan3A_4 = arith.constant 1 : i32
    scf.for %scan3A_6 = %scan3A_1 to %scan3A_3 step %scan3A_4  : i32 {
      %mul3A_7 = arith.constant 32 : i32
      %mul3A_8 = arith.muli %add3A, %mul3A_7 : i32
      %add3A_9 = arith.addi %mul3A_8, %scan3A_6 : i32
      %mul3A_10 = arith.constant 512 : i32
      %mul3A_11 = arith.muli %add3A_9, %mul3A_10 : i32
      "tpu.region"() ({
        %run_scoped3A_475 = tpu.sem_alloc : memref<!tpu.dma_semaphore, #tpu.memory_space<semaphore_mem>>
        %dma_start3A_476 = arith.constant 8 : i32
        %dma_start3A_477 = arith.constant 0 : i32
        %dma_start3A_478 = tpu.memref_slice %arg8[%dma_start3A_476, %dma_start3A_477] : memref<104x512xf32, #tpu.memory_space<vmem>> -> memref<64x512xf32, #tpu.memory_space<vmem>>
        %dma_start3A_479 = arith.constant 0 : i32
        %dma_start3A_480 = tpu.memref_slice %arg6[%dma_start3A_479, %mul3A_11] : memref<64x524288xf32, #tpu.memory_space<hbm>> -> memref<64x512xf32, #tpu.memory_space<hbm>>
        %dma_start3A_481 = arith.constant 8 : i32
        %dma_start3A_482 = arith.constant 0 : i32
        %dma_start3A_483 = tpu.memref_slice %arg8[%dma_start3A_481, %dma_start3A_482] : memref<104x512xf32, #tpu.memory_space<vmem>> -> memref<64x512xf32, #tpu.memory_space<vmem>>
        %dma_start3A_484 = arith.constant 0 : i32
        %dma_start3A_485 = tpu.memref_slice %arg6[%dma_start3A_484, %mul3A_11] : memref<64x524288xf32, #tpu.memory_space<hbm>> -> memref<64x512xf32, #tpu.memory_space<hbm>>
        tpu.enqueue_dma source(%dma_start3A_485 : memref<64x512xf32, #tpu.memory_space<hbm>>) target(%dma_start3A_483 : memref<64x512xf32, #tpu.memory_space<vmem>>) target_semaphore(%run_scoped3A_475 : memref<!tpu.dma_semaphore, #tpu.memory_space<semaphore_mem>>)
        %dma_wait3A_486 = arith.constant 8 : i32
        %dma_wait3A_487 = arith.constant 0 : i32
        %dma_wait3A_488 = tpu.memref_slice %arg8[%dma_wait3A_486, %dma_wait3A_487] : memref<104x512xf32, #tpu.memory_space<vmem>> -> memref<64x512xf32, #tpu.memory_space<vmem>>
        %dma_wait3A_489 = arith.constant 0 : i32
        %dma_wait3A_490 = tpu.memref_slice %arg6[%dma_wait3A_489, %mul3A_11] : memref<64x524288xf32, #tpu.memory_space<hbm>> -> memref<64x512xf32, #tpu.memory_space<hbm>>
        %dma_wait3A_491 = arith.constant 8 : i32
        %dma_wait3A_492 = arith.constant 0 : i32
        %dma_wait3A_493 = tpu.memref_slice %arg8[%dma_wait3A_491, %dma_wait3A_492] : memref<104x512xf32, #tpu.memory_space<vmem>> -> memref<64x512xf32, #tpu.memory_space<vmem>>
        %dma_wait3A_494 = arith.constant 0 : i32
        %dma_wait3A_495 = tpu.memref_slice %arg6[%dma_wait3A_494, %mul3A_11] : memref<64x524288xf32, #tpu.memory_space<hbm>> -> memref<64x512xf32, #tpu.memory_space<hbm>>
        tpu.wait_dma2 semaphore(%run_scoped3A_475 : memref<!tpu.dma_semaphore, #tpu.memory_space<semaphore_mem>>) src(%dma_wait3A_495 : memref<64x512xf32, #tpu.memory_space<hbm>>) dst(%dma_wait3A_493 : memref<64x512xf32, #tpu.memory_space<vmem>>)
        tpu.yield
      }) : () -> ()
      %run_scoped3A = arith.constant 0 : i32
      "tpu.region"() ({
        %run_scoped3A_475 = tpu.sem_alloc : memref<!tpu.dma_semaphore, #tpu.memory_space<semaphore_mem>>
        %dma_start3A_476 = arith.constant 0 : i32
        %dma_start3A_477 = tpu.memref_slice %arg8[%run_scoped3A, %dma_start3A_476] : memref<104x512xf32, #tpu.memory_space<vmem>> -> memref<1x512xf32, #tpu.memory_space<vmem>>
        %dma_start3A_478 = tpu.memref_squeeze %dma_start3A_477 : memref<1x512xf32, #tpu.memory_space<vmem>> -> memref<512xf32, #tpu.memory_space<vmem>>
        %dma_start3A_479 = tpu.memref_slice %arg5[%mul3A_11] : memref<524288xf32, #tpu.memory_space<hbm>> -> memref<512xf32, #tpu.memory_space<hbm>>
        %dma_start3A_480 = arith.constant 0 : i32
        %dma_start3A_481 = tpu.memref_slice %arg8[%run_scoped3A, %dma_start3A_480] : memref<104x512xf32, #tpu.memory_space<vmem>> -> memref<1x512xf32, #tpu.memory_space<vmem>>
        %dma_start3A_482 = tpu.memref_squeeze %dma_start3A_481 : memref<1x512xf32, #tpu.memory_space<vmem>> -> memref<512xf32, #tpu.memory_space<vmem>>
        %dma_start3A_483 = tpu.memref_slice %arg5[%mul3A_11] : memref<524288xf32, #tpu.memory_space<hbm>> -> memref<512xf32, #tpu.memory_space<hbm>>
        tpu.enqueue_dma source(%dma_start3A_483 : memref<512xf32, #tpu.memory_space<hbm>>) target(%dma_start3A_482 : memref<512xf32, #tpu.memory_space<vmem>>) target_semaphore(%run_scoped3A_475 : memref<!tpu.dma_semaphore, #tpu.memory_space<semaphore_mem>>)
        %dma_wait3A_484 = arith.constant 0 : i32
        %dma_wait3A_485 = tpu.memref_slice %arg8[%run_scoped3A, %dma_wait3A_484] : memref<104x512xf32, #tpu.memory_space<vmem>> -> memref<1x512xf32, #tpu.memory_space<vmem>>
        %dma_wait3A_486 = tpu.memref_squeeze %dma_wait3A_485 : memref<1x512xf32, #tpu.memory_space<vmem>> -> memref<512xf32, #tpu.memory_space<vmem>>
        %dma_wait3A_487 = tpu.memref_slice %arg5[%mul3A_11] : memref<524288xf32, #tpu.memory_space<hbm>> -> memref<512xf32, #tpu.memory_space<hbm>>
        %dma_wait3A_488 = arith.constant 0 : i32
        %dma_wait3A_489 = tpu.memref_slice %arg8[%run_scoped3A, %dma_wait3A_488] : memref<104x512xf32, #tpu.memory_space<vmem>> -> memref<1x512xf32, #tpu.memory_space<vmem>>
        %dma_wait3A_490 = tpu.memref_squeeze %dma_wait3A_489 : memref<1x512xf32, #tpu.memory_space<vmem>> -> memref<512xf32, #tpu.memory_space<vmem>>
        %dma_wait3A_491 = tpu.memref_slice %arg5[%mul3A_11] : memref<524288xf32, #tpu.memory_space<hbm>> -> memref<512xf32, #tpu.memory_space<hbm>>
        tpu.wait_dma2 semaphore(%run_scoped3A_475 : memref<!tpu.dma_semaphore, #tpu.memory_space<semaphore_mem>>) src(%dma_wait3A_491 : memref<512xf32, #tpu.memory_space<hbm>>) dst(%dma_wait3A_490 : memref<512xf32, #tpu.memory_space<vmem>>)
        tpu.yield
      }) : () -> ()
      %broadcast_in_dim3A = arith.constant 0.000000e+00 : f32
      %broadcast_in_dim3A_12 = vector.broadcast %broadcast_in_dim3A : f32 to vector<16xf32>
      %swap3A = arith.constant 1 : i32
      %swap3A_13 = arith.index_cast %swap3A : i32 to index
      %swap3A_14 = arith.constant 0 : index
      %swap3A_15 = tpu.vector_load %arg8[%swap3A_13, %swap3A_14] {strides = array<i32>} : memref<104x512xf32, #tpu.memory_space<vmem>>, vector<1x16xf32>,
      %swap3A_16 = vector.shape_cast %swap3A_15 : vector<1x16xf32> to vector<16xf32>
      %swap3A_17 = vector.shape_cast %broadcast_in_dim3A_12 : vector<16xf32> to vector<1x16xf32>
      tpu.vector_store %arg8[%swap3A_13, %swap3A_14], %swap3A_17 {strides = array<i32>} : memref<104x512xf32, #tpu.memory_space<vmem>>, vector<1x16xf32>,
      %broadcast_in_dim3A_18 = arith.constant 0.000000e+00 : f32
      %broadcast_in_dim3A_19 = vector.broadcast %broadcast_in_dim3A_18 : f32 to vector<16xf32>
      %swap3A_20 = arith.constant 1 : i32
      %swap3A_21 = arith.index_cast %swap3A_20 : i32 to index
      %swap3A_22 = arith.constant 16 : index
      %swap3A_23 = tpu.vector_load %arg8[%swap3A_21, %swap3A_22] {strides = array<i32>} : memref<104x512xf32, #tpu.memory_space<vmem>>, vector<1x16xf32>,
      %swap3A_24 = vector.shape_cast %swap3A_23 : vector<1x16xf32> to vector<16xf32>
      %swap3A_25 = vector.shape_cast %broadcast_in_dim3A_19 : vector<16xf32> to vector<1x16xf32>
      tpu.vector_store %arg8[%swap3A_21, %swap3A_22], %swap3A_25 {strides = array<i32>} : memref<104x512xf32, #tpu.memory_space<vmem>>, vector<1x16xf32>,
      %broadcast_in_dim3A_26 = arith.constant 0.000000e+00 : f32
      %broadcast_in_dim3A_27 = vector.broadcast %broadcast_in_dim3A_26 : f32 to vector<16xf32>
      %swap3A_28 = arith.constant 1 : i32
      %swap3A_29 = arith.index_cast %swap3A_28 : i32 to index
      %swap3A_30 = arith.constant 32 : index
      %swap3A_31 = tpu.vector_load %arg8[%swap3A_29, %swap3A_30] {strides = array<i32>} : memref<104x512xf32, #tpu.memory_space<vmem>>, vector<1x16xf32>,
      %swap3A_32 = vector.shape_cast %swap3A_31 : vector<1x16xf32> to vector<16xf32>
      %swap3A_33 = vector.shape_cast %broadcast_in_dim3A_27 : vector<16xf32> to vector<1x16xf32>
      tpu.vector_store %arg8[%swap3A_29, %swap3A_30], %swap3A_33 {strides = array<i32>} : memref<104x512xf32, #tpu.memory_space<vmem>>, vector<1x16xf32>,
      %broadcast_in_dim3A_34 = arith.constant 0.000000e+00 : f32
      %broadcast_in_dim3A_35 = vector.broadcast %broadcast_in_dim3A_34 : f32 to vector<16xf32>
      %swap3A_36 = arith.constant 1 : i32
      %swap3A_37 = arith.index_cast %swap3A_36 : i32 to index
      %swap3A_38 = arith.constant 48 : index
      %swap3A_39 = tpu.vector_load %arg8[%swap3A_37, %swap3A_38] {strides = array<i32>} : memref<104x512xf32, #tpu.memory_space<vmem>>, vector<1x16xf32>,
      %swap3A_40 = vector.shape_cast %swap3A_39 : vector<1x16xf32> to vector<16xf32>
      %swap3A_41 = vector.shape_cast %broadcast_in_dim3A_35 : vector<16xf32> to vector<1x16xf32>
      tpu.vector_store %arg8[%swap3A_37, %swap3A_38], %swap3A_41 {strides = array<i32>} : memref<104x512xf32, #tpu.memory_space<vmem>>, vector<1x16xf32>,
      %broadcast_in_dim3A_42 = arith.constant 0.000000e+00 : f32
      %broadcast_in_dim3A_43 = vector.broadcast %broadcast_in_dim3A_42 : f32 to vector<16xf32>
      %swap3A_44 = arith.constant 1 : i32
      %swap3A_45 = arith.index_cast %swap3A_44 : i32 to index
      %swap3A_46 = arith.constant 64 : index
      %swap3A_47 = tpu.vector_load %arg8[%swap3A_45, %swap3A_46] {strides = array<i32>} : memref<104x512xf32, #tpu.memory_space<vmem>>, vector<1x16xf32>,
      %swap3A_48 = vector.shape_cast %swap3A_47 : vector<1x16xf32> to vector<16xf32>
      %swap3A_49 = vector.shape_cast %broadcast_in_dim3A_43 : vector<16xf32> to vector<1x16xf32>
      tpu.vector_store %arg8[%swap3A_45, %swap3A_46], %swap3A_49 {strides = array<i32>} : memref<104x512xf32, #tpu.memory_space<vmem>>, vector<1x16xf32>,
      %broadcast_in_dim3A_50 = arith.constant 0.000000e+00 : f32
      %broadcast_in_dim3A_51 = vector.broadcast %broadcast_in_dim3A_50 : f32 to vector<16xf32>
      %swap3A_52 = arith.constant 1 : i32
      %swap3A_53 = arith.index_cast %swap3A_52 : i32 to index
      %swap3A_54 = arith.constant 80 : index
      %swap3A_55 = tpu.vector_load %arg8[%swap3A_53, %swap3A_54] {strides = array<i32>} : memref<104x512xf32, #tpu.memory_space<vmem>>, vector<1x16xf32>,
      %swap3A_56 = vector.shape_cast %swap3A_55 : vector<1x16xf32> to vector<16xf32>
      %swap3A_57 = vector.shape_cast %broadcast_in_dim3A_51 : vector<16xf32> to vector<1x16xf32>
      tpu.vector_store %arg8[%swap3A_53, %swap3A_54], %swap3A_57 {strides = array<i32>} : memref<104x512xf32, #tpu.memory_space<vmem>>, vector<1x16xf32>,
      %broadcast_in_dim3A_58 = arith.constant 0.000000e+00 : f32
      %broadcast_in_dim3A_59 = vector.broadcast %broadcast_in_dim3A_58 : f32 to vector<16xf32>
      %swap3A_60 = arith.constant 1 : i32
      %swap3A_61 = arith.index_cast %swap3A_60 : i32 to index
      %swap3A_62 = arith.constant 96 : index
      %swap3A_63 = tpu.vector_load %arg8[%swap3A_61, %swap3A_62] {strides = array<i32>} : memref<104x512xf32, #tpu.memory_space<vmem>>, vector<1x16xf32>,
      %swap3A_64 = vector.shape_cast %swap3A_63 : vector<1x16xf32> to vector<16xf32>
      %swap3A_65 = vector.shape_cast %broadcast_in_dim3A_59 : vector<16xf32> to vector<1x16xf32>
      tpu.vector_store %arg8[%swap3A_61, %swap3A_62], %swap3A_65 {strides = array<i32>} : memref<104x512xf32, #tpu.memory_space<vmem>>, vector<1x16xf32>,
      %broadcast_in_dim3A_66 = arith.constant 0.000000e+00 : f32
      %broadcast_in_dim3A_67 = vector.broadcast %broadcast_in_dim3A_66 : f32 to vector<16xf32>
      %swap3A_68 = arith.constant 1 : i32
      %swap3A_69 = arith.index_cast %swap3A_68 : i32 to index
      %swap3A_70 = arith.constant 112 : index
      %swap3A_71 = tpu.vector_load %arg8[%swap3A_69, %swap3A_70] {strides = array<i32>} : memref<104x512xf32, #tpu.memory_space<vmem>>, vector<1x16xf32>,
      %swap3A_72 = vector.shape_cast %swap3A_71 : vector<1x16xf32> to vector<16xf32>
      %swap3A_73 = vector.shape_cast %broadcast_in_dim3A_67 : vector<16xf32> to vector<1x16xf32>
      tpu.vector_store %arg8[%swap3A_69, %swap3A_70], %swap3A_73 {strides = array<i32>} : memref<104x512xf32, #tpu.memory_space<vmem>>, vector<1x16xf32>,
      %broadcast_in_dim3A_74 = arith.constant 0.000000e+00 : f32
      %broadcast_in_dim3A_75 = vector.broadcast %broadcast_in_dim3A_74 : f32 to vector<16xf32>
      %swap3A_76 = arith.constant 1 : i32
      %swap3A_77 = arith.index_cast %swap3A_76 : i32 to index
      %swap3A_78 = arith.constant 128 : index
      %swap3A_79 = tpu.vector_load %arg8[%swap3A_77, %swap3A_78] {strides = array<i32>} : memref<104x512xf32, #tpu.memory_space<vmem>>, vector<1x16xf32>,
      %swap3A_80 = vector.shape_cast %swap3A_79 : vector<1x16xf32> to vector<16xf32>
      %swap3A_81 = vector.shape_cast %broadcast_in_dim3A_75 : vector<16xf32> to vector<1x16xf32>
      tpu.vector_store %arg8[%swap3A_77, %swap3A_78], %swap3A_81 {strides = array<i32>} : memref<104x512xf32, #tpu.memory_space<vmem>>, vector<1x16xf32>,
      %broadcast_in_dim3A_82 = arith.constant 0.000000e+00 : f32
      %broadcast_in_dim3A_83 = vector.broadcast %broadcast_in_dim3A_82 : f32 to vector<16xf32>
      %swap3A_84 = arith.constant 1 : i32
      %swap3A_85 = arith.index_cast %swap3A_84 : i32 to index
      %swap3A_86 = arith.constant 144 : index
      %swap3A_87 = tpu.vector_load %arg8[%swap3A_85, %swap3A_86] {strides = array<i32>} : memref<104x512xf32, #tpu.memory_space<vmem>>, vector<1x16xf32>,
      %swap3A_88 = vector.shape_cast %swap3A_87 : vector<1x16xf32> to vector<16xf32>
      %swap3A_89 = vector.shape_cast %broadcast_in_dim3A_83 : vector<16xf32> to vector<1x16xf32>
      tpu.vector_store %arg8[%swap3A_85, %swap3A_86], %swap3A_89 {strides = array<i32>} : memref<104x512xf32, #tpu.memory_space<vmem>>, vector<1x16xf32>,
      %broadcast_in_dim3A_90 = arith.constant 0.000000e+00 : f32
      %broadcast_in_dim3A_91 = vector.broadcast %broadcast_in_dim3A_90 : f32 to vector<16xf32>
      %swap3A_92 = arith.constant 1 : i32
      %swap3A_93 = arith.index_cast %swap3A_92 : i32 to index
      %swap3A_94 = arith.constant 160 : index
      %swap3A_95 = tpu.vector_load %arg8[%swap3A_93, %swap3A_94] {strides = array<i32>} : memref<104x512xf32, #tpu.memory_space<vmem>>, vector<1x16xf32>,
      %swap3A_96 = vector.shape_cast %swap3A_95 : vector<1x16xf32> to vector<16xf32>
      %swap3A_97 = vector.shape_cast %broadcast_in_dim3A_91 : vector<16xf32> to vector<1x16xf32>
      tpu.vector_store %arg8[%swap3A_93, %swap3A_94], %swap3A_97 {strides = array<i32>} : memref<104x512xf32, #tpu.memory_space<vmem>>, vector<1x16xf32>,
      %broadcast_in_dim3A_98 = arith.constant 0.000000e+00 : f32
      %broadcast_in_dim3A_99 = vector.broadcast %broadcast_in_dim3A_98 : f32 to vector<16xf32>
      %swap3A_100 = arith.constant 1 : i32
      %swap3A_101 = arith.index_cast %swap3A_100 : i32 to index
      %swap3A_102 = arith.constant 176 : index
      %swap3A_103 = tpu.vector_load %arg8[%swap3A_101, %swap3A_102] {strides = array<i32>} : memref<104x512xf32, #tpu.memory_space<vmem>>, vector<1x16xf32>,
      %swap3A_104 = vector.shape_cast %swap3A_103 : vector<1x16xf32> to vector<16xf32>
      %swap3A_105 = vector.shape_cast %broadcast_in_dim3A_99 : vector<16xf32> to vector<1x16xf32>
      tpu.vector_store %arg8[%swap3A_101, %swap3A_102], %swap3A_105 {strides = array<i32>} : memref<104x512xf32, #tpu.memory_space<vmem>>, vector<1x16xf32>,
      %broadcast_in_dim3A_106 = arith.constant 0.000000e+00 : f32
      %broadcast_in_dim3A_107 = vector.broadcast %broadcast_in_dim3A_106 : f32 to vector<16xf32>
      %swap3A_108 = arith.constant 1 : i32
      %swap3A_109 = arith.index_cast %swap3A_108 : i32 to index
      %swap3A_110 = arith.constant 192 : index
      %swap3A_111 = tpu.vector_load %arg8[%swap3A_109, %swap3A_110] {strides = array<i32>} : memref<104x512xf32, #tpu.memory_space<vmem>>, vector<1x16xf32>,
      %swap3A_112 = vector.shape_cast %swap3A_111 : vector<1x16xf32> to vector<16xf32>
      %swap3A_113 = vector.shape_cast %broadcast_in_dim3A_107 : vector<16xf32> to vector<1x16xf32>
      tpu.vector_store %arg8[%swap3A_109, %swap3A_110], %swap3A_113 {strides = array<i32>} : memref<104x512xf32, #tpu.memory_space<vmem>>, vector<1x16xf32>,
      %broadcast_in_dim3A_114 = arith.constant 0.000000e+00 : f32
      %broadcast_in_dim3A_115 = vector.broadcast %broadcast_in_dim3A_114 : f32 to vector<16xf32>
      %swap3A_116 = arith.constant 1 : i32
      %swap3A_117 = arith.index_cast %swap3A_116 : i32 to index
      %swap3A_118 = arith.constant 208 : index
      %swap3A_119 = tpu.vector_load %arg8[%swap3A_117, %swap3A_118] {strides = array<i32>} : memref<104x512xf32, #tpu.memory_space<vmem>>, vector<1x16xf32>,
      %swap3A_120 = vector.shape_cast %swap3A_119 : vector<1x16xf32> to vector<16xf32>
      %swap3A_121 = vector.shape_cast %broadcast_in_dim3A_115 : vector<16xf32> to vector<1x16xf32>
      tpu.vector_store %arg8[%swap3A_117, %swap3A_118], %swap3A_121 {strides = array<i32>} : memref<104x512xf32, #tpu.memory_space<vmem>>, vector<1x16xf32>,
      %broadcast_in_dim3A_122 = arith.constant 0.000000e+00 : f32
      %broadcast_in_dim3A_123 = vector.broadcast %broadcast_in_dim3A_122 : f32 to vector<16xf32>
      %swap3A_124 = arith.constant 1 : i32
      %swap3A_125 = arith.index_cast %swap3A_124 : i32 to index
      %swap3A_126 = arith.constant 224 : index
      %swap3A_127 = tpu.vector_load %arg8[%swap3A_125, %swap3A_126] {strides = array<i32>} : memref<104x512xf32, #tpu.memory_space<vmem>>, vector<1x16xf32>,
      %swap3A_128 = vector.shape_cast %swap3A_127 : vector<1x16xf32> to vector<16xf32>
      %swap3A_129 = vector.shape_cast %broadcast_in_dim3A_123 : vector<16xf32> to vector<1x16xf32>
      tpu.vector_store %arg8[%swap3A_125, %swap3A_126], %swap3A_129 {strides = array<i32>} : memref<104x512xf32, #tpu.memory_space<vmem>>, vector<1x16xf32>,
      %broadcast_in_dim3A_130 = arith.constant 0.000000e+00 : f32
      %broadcast_in_dim3A_131 = vector.broadcast %broadcast_in_dim3A_130 : f32 to vector<16xf32>
      %swap3A_132 = arith.constant 1 : i32
      %swap3A_133 = arith.index_cast %swap3A_132 : i32 to index
      %swap3A_134 = arith.constant 240 : index
      %swap3A_135 = tpu.vector_load %arg8[%swap3A_133, %swap3A_134] {strides = array<i32>} : memref<104x512xf32, #tpu.memory_space<vmem>>, vector<1x16xf32>,
      %swap3A_136 = vector.shape_cast %swap3A_135 : vector<1x16xf32> to vector<16xf32>
      %swap3A_137 = vector.shape_cast %broadcast_in_dim3A_131 : vector<16xf32> to vector<1x16xf32>
      tpu.vector_store %arg8[%swap3A_133, %swap3A_134], %swap3A_137 {strides = array<i32>} : memref<104x512xf32, #tpu.memory_space<vmem>>, vector<1x16xf32>,
      %broadcast_in_dim3A_138 = arith.constant 0.000000e+00 : f32
      %broadcast_in_dim3A_139 = vector.broadcast %broadcast_in_dim3A_138 : f32 to vector<16xf32>
      %swap3A_140 = arith.constant 1 : i32
      %swap3A_141 = arith.index_cast %swap3A_140 : i32 to index
      %swap3A_142 = arith.constant 256 : index
      %swap3A_143 = tpu.vector_load %arg8[%swap3A_141, %swap3A_142] {strides = array<i32>} : memref<104x512xf32, #tpu.memory_space<vmem>>, vector<1x16xf32>,
      %swap3A_144 = vector.shape_cast %swap3A_143 : vector<1x16xf32> to vector<16xf32>
      %swap3A_145 = vector.shape_cast %broadcast_in_dim3A_139 : vector<16xf32> to vector<1x16xf32>
      tpu.vector_store %arg8[%swap3A_141, %swap3A_142], %swap3A_145 {strides = array<i32>} : memref<104x512xf32, #tpu.memory_space<vmem>>, vector<1x16xf32>,
      %broadcast_in_dim3A_146 = arith.constant 0.000000e+00 : f32
      %broadcast_in_dim3A_147 = vector.broadcast %broadcast_in_dim3A_146 : f32 to vector<16xf32>
      %swap3A_148 = arith.constant 1 : i32
      %swap3A_149 = arith.index_cast %swap3A_148 : i32 to index
      %swap3A_150 = arith.constant 272 : index
      %swap3A_151 = tpu.vector_load %arg8[%swap3A_149, %swap3A_150] {strides = array<i32>} : memref<104x512xf32, #tpu.memory_space<vmem>>, vector<1x16xf32>,
      %swap3A_152 = vector.shape_cast %swap3A_151 : vector<1x16xf32> to vector<16xf32>
      %swap3A_153 = vector.shape_cast %broadcast_in_dim3A_147 : vector<16xf32> to vector<1x16xf32>
      tpu.vector_store %arg8[%swap3A_149, %swap3A_150], %swap3A_153 {strides = array<i32>} : memref<104x512xf32, #tpu.memory_space<vmem>>, vector<1x16xf32>,
      %broadcast_in_dim3A_154 = arith.constant 0.000000e+00 : f32
      %broadcast_in_dim3A_155 = vector.broadcast %broadcast_in_dim3A_154 : f32 to vector<16xf32>
      %swap3A_156 = arith.constant 1 : i32
      %swap3A_157 = arith.index_cast %swap3A_156 : i32 to index
      %swap3A_158 = arith.constant 288 : index
      %swap3A_159 = tpu.vector_load %arg8[%swap3A_157, %swap3A_158] {strides = array<i32>} : memref<104x512xf32, #tpu.memory_space<vmem>>, vector<1x16xf32>,
      %swap3A_160 = vector.shape_cast %swap3A_159 : vector<1x16xf32> to vector<16xf32>
      %swap3A_161 = vector.shape_cast %broadcast_in_dim3A_155 : vector<16xf32> to vector<1x16xf32>
      tpu.vector_store %arg8[%swap3A_157, %swap3A_158], %swap3A_161 {strides = array<i32>} : memref<104x512xf32, #tpu.memory_space<vmem>>, vector<1x16xf32>,
      %broadcast_in_dim3A_162 = arith.constant 0.000000e+00 : f32
      %broadcast_in_dim3A_163 = vector.broadcast %broadcast_in_dim3A_162 : f32 to vector<16xf32>
      %swap3A_164 = arith.constant 1 : i32
      %swap3A_165 = arith.index_cast %swap3A_164 : i32 to index
      %swap3A_166 = arith.constant 304 : index
      %swap3A_167 = tpu.vector_load %arg8[%swap3A_165, %swap3A_166] {strides = array<i32>} : memref<104x512xf32, #tpu.memory_space<vmem>>, vector<1x16xf32>,
      %swap3A_168 = vector.shape_cast %swap3A_167 : vector<1x16xf32> to vector<16xf32>
      %swap3A_169 = vector.shape_cast %broadcast_in_dim3A_163 : vector<16xf32> to vector<1x16xf32>
      tpu.vector_store %arg8[%swap3A_165, %swap3A_166], %swap3A_169 {strides = array<i32>} : memref<104x512xf32, #tpu.memory_space<vmem>>, vector<1x16xf32>,
      %broadcast_in_dim3A_170 = arith.constant 0.000000e+00 : f32
      %broadcast_in_dim3A_171 = vector.broadcast %broadcast_in_dim3A_170 : f32 to vector<16xf32>
      %swap3A_172 = arith.constant 1 : i32
      %swap3A_173 = arith.index_cast %swap3A_172 : i32 to index
      %swap3A_174 = arith.constant 320 : index
      %swap3A_175 = tpu.vector_load %arg8[%swap3A_173, %swap3A_174] {strides = array<i32>} : memref<104x512xf32, #tpu.memory_space<vmem>>, vector<1x16xf32>,
      %swap3A_176 = vector.shape_cast %swap3A_175 : vector<1x16xf32> to vector<16xf32>
      %swap3A_177 = vector.shape_cast %broadcast_in_dim3A_171 : vector<16xf32> to vector<1x16xf32>
      tpu.vector_store %arg8[%swap3A_173, %swap3A_174], %swap3A_177 {strides = array<i32>} : memref<104x512xf32, #tpu.memory_space<vmem>>, vector<1x16xf32>,
      %broadcast_in_dim3A_178 = arith.constant 0.000000e+00 : f32
      %broadcast_in_dim3A_179 = vector.broadcast %broadcast_in_dim3A_178 : f32 to vector<16xf32>
      %swap3A_180 = arith.constant 1 : i32
      %swap3A_181 = arith.index_cast %swap3A_180 : i32 to index
      %swap3A_182 = arith.constant 336 : index
      %swap3A_183 = tpu.vector_load %arg8[%swap3A_181, %swap3A_182] {strides = array<i32>} : memref<104x512xf32, #tpu.memory_space<vmem>>, vector<1x16xf32>,
      %swap3A_184 = vector.shape_cast %swap3A_183 : vector<1x16xf32> to vector<16xf32>
      %swap3A_185 = vector.shape_cast %broadcast_in_dim3A_179 : vector<16xf32> to vector<1x16xf32>
      tpu.vector_store %arg8[%swap3A_181, %swap3A_182], %swap3A_185 {strides = array<i32>} : memref<104x512xf32, #tpu.memory_space<vmem>>, vector<1x16xf32>,
      %broadcast_in_dim3A_186 = arith.constant 0.000000e+00 : f32
      %broadcast_in_dim3A_187 = vector.broadcast %broadcast_in_dim3A_186 : f32 to vector<16xf32>
      %swap3A_188 = arith.constant 1 : i32
      %swap3A_189 = arith.index_cast %swap3A_188 : i32 to index
      %swap3A_190 = arith.constant 352 : index
      %swap3A_191 = tpu.vector_load %arg8[%swap3A_189, %swap3A_190] {strides = array<i32>} : memref<104x512xf32, #tpu.memory_space<vmem>>, vector<1x16xf32>,
      %swap3A_192 = vector.shape_cast %swap3A_191 : vector<1x16xf32> to vector<16xf32>
      %swap3A_193 = vector.shape_cast %broadcast_in_dim3A_187 : vector<16xf32> to vector<1x16xf32>
      tpu.vector_store %arg8[%swap3A_189, %swap3A_190], %swap3A_193 {strides = array<i32>} : memref<104x512xf32, #tpu.memory_space<vmem>>, vector<1x16xf32>,
      %broadcast_in_dim3A_194 = arith.constant 0.000000e+00 : f32
      %broadcast_in_dim3A_195 = vector.broadcast %broadcast_in_dim3A_194 : f32 to vector<16xf32>
      %swap3A_196 = arith.constant 1 : i32
      %swap3A_197 = arith.index_cast %swap3A_196 : i32 to index
      %swap3A_198 = arith.constant 368 : index
      %swap3A_199 = tpu.vector_load %arg8[%swap3A_197, %swap3A_198] {strides = array<i32>} : memref<104x512xf32, #tpu.memory_space<vmem>>, vector<1x16xf32>,
      %swap3A_200 = vector.shape_cast %swap3A_199 : vector<1x16xf32> to vector<16xf32>
      %swap3A_201 = vector.shape_cast %broadcast_in_dim3A_195 : vector<16xf32> to vector<1x16xf32>
      tpu.vector_store %arg8[%swap3A_197, %swap3A_198], %swap3A_201 {strides = array<i32>} : memref<104x512xf32, #tpu.memory_space<vmem>>, vector<1x16xf32>,
      %broadcast_in_dim3A_202 = arith.constant 0.000000e+00 : f32
      %broadcast_in_dim3A_203 = vector.broadcast %broadcast_in_dim3A_202 : f32 to vector<16xf32>
      %swap3A_204 = arith.constant 1 : i32
      %swap3A_205 = arith.index_cast %swap3A_204 : i32 to index
      %swap3A_206 = arith.constant 384 : index
      %swap3A_207 = tpu.vector_load %arg8[%swap3A_205, %swap3A_206] {strides = array<i32>} : memref<104x512xf32, #tpu.memory_space<vmem>>, vector<1x16xf32>,
      %swap3A_208 = vector.shape_cast %swap3A_207 : vector<1x16xf32> to vector<16xf32>
      %swap3A_209 = vector.shape_cast %broadcast_in_dim3A_203 : vector<16xf32> to vector<1x16xf32>
      tpu.vector_store %arg8[%swap3A_205, %swap3A_206], %swap3A_209 {strides = array<i32>} : memref<104x512xf32, #tpu.memory_space<vmem>>, vector<1x16xf32>,
      %broadcast_in_dim3A_210 = arith.constant 0.000000e+00 : f32
      %broadcast_in_dim3A_211 = vector.broadcast %broadcast_in_dim3A_210 : f32 to vector<16xf32>
      %swap3A_212 = arith.constant 1 : i32
      %swap3A_213 = arith.index_cast %swap3A_212 : i32 to index
      %swap3A_214 = arith.constant 400 : index
      %swap3A_215 = tpu.vector_load %arg8[%swap3A_213, %swap3A_214] {strides = array<i32>} : memref<104x512xf32, #tpu.memory_space<vmem>>, vector<1x16xf32>,
      %swap3A_216 = vector.shape_cast %swap3A_215 : vector<1x16xf32> to vector<16xf32>
      %swap3A_217 = vector.shape_cast %broadcast_in_dim3A_211 : vector<16xf32> to vector<1x16xf32>
      tpu.vector_store %arg8[%swap3A_213, %swap3A_214], %swap3A_217 {strides = array<i32>} : memref<104x512xf32, #tpu.memory_space<vmem>>, vector<1x16xf32>,
      %broadcast_in_dim3A_218 = arith.constant 0.000000e+00 : f32
      %broadcast_in_dim3A_219 = vector.broadcast %broadcast_in_dim3A_218 : f32 to vector<16xf32>
      %swap3A_220 = arith.constant 1 : i32
      %swap3A_221 = arith.index_cast %swap3A_220 : i32 to index
      %swap3A_222 = arith.constant 416 : index
      %swap3A_223 = tpu.vector_load %arg8[%swap3A_221, %swap3A_222] {strides = array<i32>} : memref<104x512xf32, #tpu.memory_space<vmem>>, vector<1x16xf32>,
      %swap3A_224 = vector.shape_cast %swap3A_223 : vector<1x16xf32> to vector<16xf32>
      %swap3A_225 = vector.shape_cast %broadcast_in_dim3A_219 : vector<16xf32> to vector<1x16xf32>
      tpu.vector_store %arg8[%swap3A_221, %swap3A_222], %swap3A_225 {strides = array<i32>} : memref<104x512xf32, #tpu.memory_space<vmem>>, vector<1x16xf32>,
      %broadcast_in_dim3A_226 = arith.constant 0.000000e+00 : f32
      %broadcast_in_dim3A_227 = vector.broadcast %broadcast_in_dim3A_226 : f32 to vector<16xf32>
      %swap3A_228 = arith.constant 1 : i32
      %swap3A_229 = arith.index_cast %swap3A_228 : i32 to index
      %swap3A_230 = arith.constant 432 : index
      %swap3A_231 = tpu.vector_load %arg8[%swap3A_229, %swap3A_230] {strides = array<i32>} : memref<104x512xf32, #tpu.memory_space<vmem>>, vector<1x16xf32>,
      %swap3A_232 = vector.shape_cast %swap3A_231 : vector<1x16xf32> to vector<16xf32>
      %swap3A_233 = vector.shape_cast %broadcast_in_dim3A_227 : vector<16xf32> to vector<1x16xf32>
      tpu.vector_store %arg8[%swap3A_229, %swap3A_230], %swap3A_233 {strides = array<i32>} : memref<104x512xf32, #tpu.memory_space<vmem>>, vector<1x16xf32>,
      %broadcast_in_dim3A_234 = arith.constant 0.000000e+00 : f32
      %broadcast_in_dim3A_235 = vector.broadcast %broadcast_in_dim3A_234 : f32 to vector<16xf32>
      %swap3A_236 = arith.constant 1 : i32
      %swap3A_237 = arith.index_cast %swap3A_236 : i32 to index
      %swap3A_238 = arith.constant 448 : index
      %swap3A_239 = tpu.vector_load %arg8[%swap3A_237, %swap3A_238] {strides = array<i32>} : memref<104x512xf32, #tpu.memory_space<vmem>>, vector<1x16xf32>,
      %swap3A_240 = vector.shape_cast %swap3A_239 : vector<1x16xf32> to vector<16xf32>
      %swap3A_241 = vector.shape_cast %broadcast_in_dim3A_235 : vector<16xf32> to vector<1x16xf32>
      tpu.vector_store %arg8[%swap3A_237, %swap3A_238], %swap3A_241 {strides = array<i32>} : memref<104x512xf32, #tpu.memory_space<vmem>>, vector<1x16xf32>,
      %broadcast_in_dim3A_242 = arith.constant 0.000000e+00 : f32
      %broadcast_in_dim3A_243 = vector.broadcast %broadcast_in_dim3A_242 : f32 to vector<16xf32>
      %swap3A_244 = arith.constant 1 : i32
      %swap3A_245 = arith.index_cast %swap3A_244 : i32 to index
      %swap3A_246 = arith.constant 464 : index
      %swap3A_247 = tpu.vector_load %arg8[%swap3A_245, %swap3A_246] {strides = array<i32>} : memref<104x512xf32, #tpu.memory_space<vmem>>, vector<1x16xf32>,
      %swap3A_248 = vector.shape_cast %swap3A_247 : vector<1x16xf32> to vector<16xf32>
      %swap3A_249 = vector.shape_cast %broadcast_in_dim3A_243 : vector<16xf32> to vector<1x16xf32>
      tpu.vector_store %arg8[%swap3A_245, %swap3A_246], %swap3A_249 {strides = array<i32>} : memref<104x512xf32, #tpu.memory_space<vmem>>, vector<1x16xf32>,
      %broadcast_in_dim3A_250 = arith.constant 0.000000e+00 : f32
      %broadcast_in_dim3A_251 = vector.broadcast %broadcast_in_dim3A_250 : f32 to vector<16xf32>
      %swap3A_252 = arith.constant 1 : i32
      %swap3A_253 = arith.index_cast %swap3A_252 : i32 to index
      %swap3A_254 = arith.constant 480 : index
      %swap3A_255 = tpu.vector_load %arg8[%swap3A_253, %swap3A_254] {strides = array<i32>} : memref<104x512xf32, #tpu.memory_space<vmem>>, vector<1x16xf32>,
      %swap3A_256 = vector.shape_cast %swap3A_255 : vector<1x16xf32> to vector<16xf32>
      %swap3A_257 = vector.shape_cast %broadcast_in_dim3A_251 : vector<16xf32> to vector<1x16xf32>
      tpu.vector_store %arg8[%swap3A_253, %swap3A_254], %swap3A_257 {strides = array<i32>} : memref<104x512xf32, #tpu.memory_space<vmem>>, vector<1x16xf32>,
      %broadcast_in_dim3A_258 = arith.constant 0.000000e+00 : f32
      %broadcast_in_dim3A_259 = vector.broadcast %broadcast_in_dim3A_258 : f32 to vector<16xf32>
      %swap3A_260 = arith.constant 1 : i32
      %swap3A_261 = arith.index_cast %swap3A_260 : i32 to index
      %swap3A_262 = arith.constant 496 : index
      %swap3A_263 = tpu.vector_load %arg8[%swap3A_261, %swap3A_262] {strides = array<i32>} : memref<104x512xf32, #tpu.memory_space<vmem>>, vector<1x16xf32>,
      %swap3A_264 = vector.shape_cast %swap3A_263 : vector<1x16xf32> to vector<16xf32>
      %swap3A_265 = vector.shape_cast %broadcast_in_dim3A_259 : vector<16xf32> to vector<1x16xf32>
      tpu.vector_store %arg8[%swap3A_261, %swap3A_262], %swap3A_265 {strides = array<i32>} : memref<104x512xf32, #tpu.memory_space<vmem>>, vector<1x16xf32>,
      %get3A = arith.constant 0 : index
      %get3A_266 = tpu.vector_load %arg9[%get3A] {strides = array<i32>} : memref<32xi32, #tpu.memory_space<vmem>>, vector<16xi32>,
      %get3A_267 = vector.shape_cast %get3A_266 : vector<16xi32> to vector<16xi32>
      %mul3A_268 = arith.constant 4 : i32
      %mul3A_269 = arith.muli %add3A_9, %mul3A_268 : i32
      %add3A_270 = arith.constant 0 : i32
      %add3A_271 = arith.addi %mul3A_269, %add3A_270 : i32
      %add3A_272 = vector.broadcast %add3A_271 : i32 to vector<16xi32>
      %add3A_273 = arith.addi %get3A_267, %add3A_272 : vector<16xi32>
      %swap3A_274 = arith.constant 0 : i32
      %swap3A_275 = arith.index_cast %swap3A_274 : i32 to index
      %swap3A_276 = arith.constant 0 : index
      %swap3A_277 = tpu.vector_load %arg10[%swap3A_275, %swap3A_276] {strides = array<i32>} : memref<4x32xi32, #tpu.memory_space<vmem>>, vector<1x16xi32>,
      %swap3A_278 = vector.shape_cast %swap3A_277 : vector<1x16xi32> to vector<16xi32>
      %swap3A_279 = vector.shape_cast %add3A_273 : vector<16xi32> to vector<1x16xi32>
      tpu.vector_store %arg10[%swap3A_275, %swap3A_276], %swap3A_279 {strides = array<i32>} : memref<4x32xi32, #tpu.memory_space<vmem>>, vector<1x16xi32>,
      %get3A_280 = arith.constant 16 : index
      %get3A_281 = tpu.vector_load %arg9[%get3A_280] {strides = array<i32>} : memref<32xi32, #tpu.memory_space<vmem>>, vector<16xi32>,
      %get3A_282 = vector.shape_cast %get3A_281 : vector<16xi32> to vector<16xi32>
      %mul3A_283 = arith.constant 4 : i32
      %mul3A_284 = arith.muli %add3A_9, %mul3A_283 : i32
      %add3A_285 = arith.constant 0 : i32
      %add3A_286 = arith.addi %mul3A_284, %add3A_285 : i32
      %add3A_287 = vector.broadcast %add3A_286 : i32 to vector<16xi32>
      %add3A_288 = arith.addi %get3A_282, %add3A_287 : vector<16xi32>
      %swap3A_289 = arith.constant 0 : i32
      %swap3A_290 = arith.index_cast %swap3A_289 : i32 to index
      %swap3A_291 = arith.constant 16 : index
      %swap3A_292 = tpu.vector_load %arg10[%swap3A_290, %swap3A_291] {strides = array<i32>} : memref<4x32xi32, #tpu.memory_space<vmem>>, vector<1x16xi32>,
      %swap3A_293 = vector.shape_cast %swap3A_292 : vector<1x16xi32> to vector<16xi32>
      %swap3A_294 = vector.shape_cast %add3A_288 : vector<16xi32> to vector<1x16xi32>
      tpu.vector_store %arg10[%swap3A_290, %swap3A_291], %swap3A_294 {strides = array<i32>} : memref<4x32xi32, #tpu.memory_space<vmem>>, vector<1x16xi32>,
      %get3A_295 = arith.constant 0 : index
      %get3A_296 = tpu.vector_load %arg9[%get3A_295] {strides = array<i32>} : memref<32xi32, #tpu.memory_space<vmem>>, vector<16xi32>,
      %get3A_297 = vector.shape_cast %get3A_296 : vector<16xi32> to vector<16xi32>
      %mul3A_298 = arith.constant 4 : i32
      %mul3A_299 = arith.muli %add3A_9, %mul3A_298 : i32
      %add3A_300 = arith.constant 1 : i32
      %add3A_301 = arith.addi %mul3A_299, %add3A_300 : i32
      %add3A_302 = vector.broadcast %add3A_301 : i32 to vector<16xi32>
      %add3A_303 = arith.addi %get3A_297, %add3A_302 : vector<16xi32>
      %swap3A_304 = arith.constant 1 : i32
      %swap3A_305 = arith.index_cast %swap3A_304 : i32 to index
      %swap3A_306 = arith.constant 0 : index
      %swap3A_307 = tpu.vector_load %arg10[%swap3A_305, %swap3A_306] {strides = array<i32>} : memref<4x32xi32, #tpu.memory_space<vmem>>, vector<1x16xi32>,
      %swap3A_308 = vector.shape_cast %swap3A_307 : vector<1x16xi32> to vector<16xi32>
      %swap3A_309 = vector.shape_cast %add3A_303 : vector<16xi32> to vector<1x16xi32>
      tpu.vector_store %arg10[%swap3A_305, %swap3A_306], %swap3A_309 {strides = array<i32>} : memref<4x32xi32, #tpu.memory_space<vmem>>, vector<1x16xi32>,
      %get3A_310 = arith.constant 16 : index
      %get3A_311 = tpu.vector_load %arg9[%get3A_310] {strides = array<i32>} : memref<32xi32, #tpu.memory_space<vmem>>, vector<16xi32>,
      %get3A_312 = vector.shape_cast %get3A_311 : vector<16xi32> to vector<16xi32>
      %mul3A_313 = arith.constant 4 : i32
      %mul3A_314 = arith.muli %add3A_9, %mul3A_313 : i32
      %add3A_315 = arith.constant 1 : i32
      %add3A_316 = arith.addi %mul3A_314, %add3A_315 : i32
      %add3A_317 = vector.broadcast %add3A_316 : i32 to vector<16xi32>
      %add3A_318 = arith.addi %get3A_312, %add3A_317 : vector<16xi32>
      %swap3A_319 = arith.constant 1 : i32
      %swap3A_320 = arith.index_cast %swap3A_319 : i32 to index
      %swap3A_321 = arith.constant 16 : index
      %swap3A_322 = tpu.vector_load %arg10[%swap3A_320, %swap3A_321] {strides = array<i32>} : memref<4x32xi32, #tpu.memory_space<vmem>>, vector<1x16xi32>,
      %swap3A_323 = vector.shape_cast %swap3A_322 : vector<1x16xi32> to vector<16xi32>
      %swap3A_324 = vector.shape_cast %add3A_318 : vector<16xi32> to vector<1x16xi32>
      tpu.vector_store %arg10[%swap3A_320, %swap3A_321], %swap3A_324 {strides = array<i32>} : memref<4x32xi32, #tpu.memory_space<vmem>>, vector<1x16xi32>,
      %get3A_325 = arith.constant 0 : index
      %get3A_326 = tpu.vector_load %arg9[%get3A_325] {strides = array<i32>} : memref<32xi32, #tpu.memory_space<vmem>>, vector<16xi32>,
      %get3A_327 = vector.shape_cast %get3A_326 : vector<16xi32> to vector<16xi32>
      %mul3A_328 = arith.constant 4 : i32
      %mul3A_329 = arith.muli %add3A_9, %mul3A_328 : i32
      %add3A_330 = arith.constant 2 : i32
      %add3A_331 = arith.addi %mul3A_329, %add3A_330 : i32
      %add3A_332 = vector.broadcast %add3A_331 : i32 to vector<16xi32>
      %add3A_333 = arith.addi %get3A_327, %add3A_332 : vector<16xi32>
      %swap3A_334 = arith.constant 2 : i32
      %swap3A_335 = arith.index_cast %swap3A_334 : i32 to index
      %swap3A_336 = arith.constant 0 : index
      %swap3A_337 = tpu.vector_load %arg10[%swap3A_335, %swap3A_336] {strides = array<i32>} : memref<4x32xi32, #tpu.memory_space<vmem>>, vector<1x16xi32>,
      %swap3A_338 = vector.shape_cast %swap3A_337 : vector<1x16xi32> to vector<16xi32>
      %swap3A_339 = vector.shape_cast %add3A_333 : vector<16xi32> to vector<1x16xi32>
      tpu.vector_store %arg10[%swap3A_335, %swap3A_336], %swap3A_339 {strides = array<i32>} : memref<4x32xi32, #tpu.memory_space<vmem>>, vector<1x16xi32>,
      %get3A_340 = arith.constant 16 : index
      %get3A_341 = tpu.vector_load %arg9[%get3A_340] {strides = array<i32>} : memref<32xi32, #tpu.memory_space<vmem>>, vector<16xi32>,
      %get3A_342 = vector.shape_cast %get3A_341 : vector<16xi32> to vector<16xi32>
      %mul3A_343 = arith.constant 4 : i32
      %mul3A_344 = arith.muli %add3A_9, %mul3A_343 : i32
      %add3A_345 = arith.constant 2 : i32
      %add3A_346 = arith.addi %mul3A_344, %add3A_345 : i32
      %add3A_347 = vector.broadcast %add3A_346 : i32 to vector<16xi32>
      %add3A_348 = arith.addi %get3A_342, %add3A_347 : vector<16xi32>
      %swap3A_349 = arith.constant 2 : i32
      %swap3A_350 = arith.index_cast %swap3A_349 : i32 to index
      %swap3A_351 = arith.constant 16 : index
      %swap3A_352 = tpu.vector_load %arg10[%swap3A_350, %swap3A_351] {strides = array<i32>} : memref<4x32xi32, #tpu.memory_space<vmem>>, vector<1x16xi32>,
      %swap3A_353 = vector.shape_cast %swap3A_352 : vector<1x16xi32> to vector<16xi32>
      %swap3A_354 = vector.shape_cast %add3A_348 : vector<16xi32> to vector<1x16xi32>
      tpu.vector_store %arg10[%swap3A_350, %swap3A_351], %swap3A_354 {strides = array<i32>} : memref<4x32xi32, #tpu.memory_space<vmem>>, vector<1x16xi32>,
      %get3A_355 = arith.constant 0 : index
      %get3A_356 = tpu.vector_load %arg9[%get3A_355] {strides = array<i32>} : memref<32xi32, #tpu.memory_space<vmem>>, vector<16xi32>,
      %get3A_357 = vector.shape_cast %get3A_356 : vector<16xi32> to vector<16xi32>
      %mul3A_358 = arith.constant 4 : i32
      %mul3A_359 = arith.muli %add3A_9, %mul3A_358 : i32
      %add3A_360 = arith.constant 3 : i32
      %add3A_361 = arith.addi %mul3A_359, %add3A_360 : i32
      %add3A_362 = vector.broadcast %add3A_361 : i32 to vector<16xi32>
      %add3A_363 = arith.addi %get3A_357, %add3A_362 : vector<16xi32>
      %swap3A_364 = arith.constant 3 : i32
      %swap3A_365 = arith.index_cast %swap3A_364 : i32 to index
      %swap3A_366 = arith.constant 0 : index
      %swap3A_367 = tpu.vector_load %arg10[%swap3A_365, %swap3A_366] {strides = array<i32>} : memref<4x32xi32, #tpu.memory_space<vmem>>, vector<1x16xi32>,
      %swap3A_368 = vector.shape_cast %swap3A_367 : vector<1x16xi32> to vector<16xi32>
      %swap3A_369 = vector.shape_cast %add3A_363 : vector<16xi32> to vector<1x16xi32>
      tpu.vector_store %arg10[%swap3A_365, %swap3A_366], %swap3A_369 {strides = array<i32>} : memref<4x32xi32, #tpu.memory_space<vmem>>, vector<1x16xi32>,
      %get3A_370 = arith.constant 16 : index
      %get3A_371 = tpu.vector_load %arg9[%get3A_370] {strides = array<i32>} : memref<32xi32, #tpu.memory_space<vmem>>, vector<16xi32>,
      %get3A_372 = vector.shape_cast %get3A_371 : vector<16xi32> to vector<16xi32>
      %mul3A_373 = arith.constant 4 : i32
      %mul3A_374 = arith.muli %add3A_9, %mul3A_373 : i32
      %add3A_375 = arith.constant 3 : i32
      %add3A_376 = arith.addi %mul3A_374, %add3A_375 : i32
      %add3A_377 = vector.broadcast %add3A_376 : i32 to vector<16xi32>
      %add3A_378 = arith.addi %get3A_372, %add3A_377 : vector<16xi32>
      %swap3A_379 = arith.constant 3 : i32
      %swap3A_380 = arith.index_cast %swap3A_379 : i32 to index
      %swap3A_381 = arith.constant 16 : index
      %swap3A_382 = tpu.vector_load %arg10[%swap3A_380, %swap3A_381] {strides = array<i32>} : memref<4x32xi32, #tpu.memory_space<vmem>>, vector<1x16xi32>,
      %swap3A_383 = vector.shape_cast %swap3A_382 : vector<1x16xi32> to vector<16xi32>
      %swap3A_384 = vector.shape_cast %add3A_378 : vector<16xi32> to vector<1x16xi32>
      tpu.vector_store %arg10[%swap3A_380, %swap3A_381], %swap3A_384 {strides = array<i32>} : memref<4x32xi32, #tpu.memory_space<vmem>>, vector<1x16xi32>,
      %scan3A_385 = arith.constant 0 : i32
      %scan3A_386 = arith.constant 0 : i32
      %scan3A_387 = arith.constant 96 : i32
      %scan3A_388 = arith.addi %scan3A_386, %scan3A_387 : i32
      %scan3A_389 = arith.constant 1 : i32
      scf.for %scan3A_475 = %scan3A_386 to %scan3A_388 step %scan3A_389  : i32 {
        %get3A_476 = arith.index_cast %scan3A_475 : i32 to index
        %get3A_477 = tpu.vector_load %arg11[%get3A_476] {strides = array<i32>} : memref<112xi32, #tpu.memory_space<vmem>>, vector<16xi32>,
        %get3A_478 = vector.shape_cast %get3A_477 : vector<16xi32> to vector<16xi32>
        %slice3A = vector.extract_strided_slice %get3A_478 {offsets = [0], sizes = [1], strides = [1]} : vector<16xi32> to vector<1xi32>
        %squeeze3A = vector.extract %slice3A[0] : i32 from vector<1xi32>
        %get3A_479 = arith.index_cast %scan3A_475 : i32 to index
        %get3A_480 = tpu.vector_load %arg12[%get3A_479] {strides = array<i32>} : memref<112xi32, #tpu.memory_space<vmem>>, vector<16xi32>,
        %get3A_481 = vector.shape_cast %get3A_480 : vector<16xi32> to vector<16xi32>
        %slice3A_482 = vector.extract_strided_slice %get3A_481 {offsets = [0], sizes = [1], strides = [1]} : vector<16xi32> to vector<1xi32>
        %squeeze3A_483 = vector.extract %slice3A_482[0] : i32 from vector<1xi32>
        %get3A_484 = arith.constant 1 : i32
        %get3A_485 = arith.index_cast %get3A_484 : i32 to index
        %get3A_486 = arith.constant 0 : index
        %get3A_487 = tpu.vector_load %arg8[%get3A_485, %get3A_486] {strides = array<i32>} : memref<104x512xf32, #tpu.memory_space<vmem>>, vector<1x16xf32>,
        %get3A_488 = vector.shape_cast %get3A_487 : vector<1x16xf32> to vector<16xf32>
        %get3A_489 = arith.index_cast %squeeze3A : i32 to index
        %get3A_490 = arith.constant 0 : index
        %get3A_491 = tpu.vector_load %arg8[%get3A_489, %get3A_490] {strides = array<i32>} : memref<104x512xf32, #tpu.memory_space<vmem>>, vector<1x16xf32>,
        %get3A_492 = vector.shape_cast %get3A_491 : vector<1x16xf32> to vector<16xf32>
        %add3A_493 = arith.addf %get3A_488, %get3A_492 : vector<16xf32>
        %swap3A_494 = arith.index_cast %squeeze3A_483 : i32 to index
        %swap3A_495 = arith.constant 0 : index
        %swap3A_496 = tpu.vector_load %arg8[%swap3A_494, %swap3A_495] {strides = array<i32>} : memref<104x512xf32, #tpu.memory_space<vmem>>, vector<1x16xf32>,
        %swap3A_497 = vector.shape_cast %swap3A_496 : vector<1x16xf32> to vector<16xf32>
        %swap3A_498 = vector.shape_cast %add3A_493 : vector<16xf32> to vector<1x16xf32>
        tpu.vector_store %arg8[%swap3A_494, %swap3A_495], %swap3A_498 {strides = array<i32>} : memref<104x512xf32, #tpu.memory_space<vmem>>, vector<1x16xf32>,
        %get3A_499 = arith.constant 1 : i32
        %get3A_500 = arith.index_cast %get3A_499 : i32 to index
        %get3A_501 = arith.constant 16 : index
        %get3A_502 = tpu.vector_load %arg8[%get3A_500, %get3A_501] {strides = array<i32>} : memref<104x512xf32, #tpu.memory_space<vmem>>, vector<1x16xf32>,
        %get3A_503 = vector.shape_cast %get3A_502 : vector<1x16xf32> to vector<16xf32>
        %get3A_504 = arith.index_cast %squeeze3A : i32 to index
        %get3A_505 = arith.constant 16 : index
        %get3A_506 = tpu.vector_load %arg8[%get3A_504, %get3A_505] {strides = array<i32>} : memref<104x512xf32, #tpu.memory_space<vmem>>, vector<1x16xf32>,
        %get3A_507 = vector.shape_cast %get3A_506 : vector<1x16xf32> to vector<16xf32>
        %add3A_508 = arith.addf %get3A_503, %get3A_507 : vector<16xf32>
        %swap3A_509 = arith.index_cast %squeeze3A_483 : i32 to index
        %swap3A_510 = arith.constant 16 : index
        %swap3A_511 = tpu.vector_load %arg8[%swap3A_509, %swap3A_510] {strides = array<i32>} : memref<104x512xf32, #tpu.memory_space<vmem>>, vector<1x16xf32>,
        %swap3A_512 = vector.shape_cast %swap3A_511 : vector<1x16xf32> to vector<16xf32>
        %swap3A_513 = vector.shape_cast %add3A_508 : vector<16xf32> to vector<1x16xf32>
        tpu.vector_store %arg8[%swap3A_509, %swap3A_510], %swap3A_513 {strides = array<i32>} : memref<104x512xf32, #tpu.memory_space<vmem>>, vector<1x16xf32>,
        %get3A_514 = arith.constant 1 : i32
        %get3A_515 = arith.index_cast %get3A_514 : i32 to index
        %get3A_516 = arith.constant 32 : index
        %get3A_517 = tpu.vector_load %arg8[%get3A_515, %get3A_516] {strides = array<i32>} : memref<104x512xf32, #tpu.memory_space<vmem>>, vector<1x16xf32>,
        %get3A_518 = vector.shape_cast %get3A_517 : vector<1x16xf32> to vector<16xf32>
        %get3A_519 = arith.index_cast %squeeze3A : i32 to index
        %get3A_520 = arith.constant 32 : index
        %get3A_521 = tpu.vector_load %arg8[%get3A_519, %get3A_520] {strides = array<i32>} : memref<104x512xf32, #tpu.memory_space<vmem>>, vector<1x16xf32>,
        %get3A_522 = vector.shape_cast %get3A_521 : vector<1x16xf32> to vector<16xf32>
        %add3A_523 = arith.addf %get3A_518, %get3A_522 : vector<16xf32>
        %swap3A_524 = arith.index_cast %squeeze3A_483 : i32 to index
        %swap3A_525 = arith.constant 32 : index
        %swap3A_526 = tpu.vector_load %arg8[%swap3A_524, %swap3A_525] {strides = array<i32>} : memref<104x512xf32, #tpu.memory_space<vmem>>, vector<1x16xf32>,
        %swap3A_527 = vector.shape_cast %swap3A_526 : vector<1x16xf32> to vector<16xf32>
        %swap3A_528 = vector.shape_cast %add3A_523 : vector<16xf32> to vector<1x16xf32>
        tpu.vector_store %arg8[%swap3A_524, %swap3A_525], %swap3A_528 {strides = array<i32>} : memref<104x512xf32, #tpu.memory_space<vmem>>, vector<1x16xf32>,
        %get3A_529 = arith.constant 1 : i32
        %get3A_530 = arith.index_cast %get3A_529 : i32 to index
        %get3A_531 = arith.constant 48 : index
        %get3A_532 = tpu.vector_load %arg8[%get3A_530, %get3A_531] {strides = array<i32>} : memref<104x512xf32, #tpu.memory_space<vmem>>, vector<1x16xf32>,
        %get3A_533 = vector.shape_cast %get3A_532 : vector<1x16xf32> to vector<16xf32>
        %get3A_534 = arith.index_cast %squeeze3A : i32 to index
        %get3A_535 = arith.constant 48 : index
        %get3A_536 = tpu.vector_load %arg8[%get3A_534, %get3A_535] {strides = array<i32>} : memref<104x512xf32, #tpu.memory_space<vmem>>, vector<1x16xf32>,
        %get3A_537 = vector.shape_cast %get3A_536 : vector<1x16xf32> to vector<16xf32>
        %add3A_538 = arith.addf %get3A_533, %get3A_537 : vector<16xf32>
        %swap3A_539 = arith.index_cast %squeeze3A_483 : i32 to index
        %swap3A_540 = arith.constant 48 : index
        %swap3A_541 = tpu.vector_load %arg8[%swap3A_539, %swap3A_540] {strides = array<i32>} : memref<104x512xf32, #tpu.memory_space<vmem>>, vector<1x16xf32>,
        %swap3A_542 = vector.shape_cast %swap3A_541 : vector<1x16xf32> to vector<16xf32>
        %swap3A_543 = vector.shape_cast %add3A_538 : vector<16xf32> to vector<1x16xf32>
        tpu.vector_store %arg8[%swap3A_539, %swap3A_540], %swap3A_543 {strides = array<i32>} : memref<104x512xf32, #tpu.memory_space<vmem>>, vector<1x16xf32>,
        %get3A_544 = arith.constant 1 : i32
        %get3A_545 = arith.index_cast %get3A_544 : i32 to index
        %get3A_546 = arith.constant 64 : index
        %get3A_547 = tpu.vector_load %arg8[%get3A_545, %get3A_546] {strides = array<i32>} : memref<104x512xf32, #tpu.memory_space<vmem>>, vector<1x16xf32>,
        %get3A_548 = vector.shape_cast %get3A_547 : vector<1x16xf32> to vector<16xf32>
        %get3A_549 = arith.index_cast %squeeze3A : i32 to index
        %get3A_550 = arith.constant 64 : index
        %get3A_551 = tpu.vector_load %arg8[%get3A_549, %get3A_550] {strides = array<i32>} : memref<104x512xf32, #tpu.memory_space<vmem>>, vector<1x16xf32>,
        %get3A_552 = vector.shape_cast %get3A_551 : vector<1x16xf32> to vector<16xf32>
        %add3A_553 = arith.addf %get3A_548, %get3A_552 : vector<16xf32>
        %swap3A_554 = arith.index_cast %squeeze3A_483 : i32 to index
        %swap3A_555 = arith.constant 64 : index
        %swap3A_556 = tpu.vector_load %arg8[%swap3A_554, %swap3A_555] {strides = array<i32>} : memref<104x512xf32, #tpu.memory_space<vmem>>, vector<1x16xf32>,
        %swap3A_557 = vector.shape_cast %swap3A_556 : vector<1x16xf32> to vector<16xf32>
        %swap3A_558 = vector.shape_cast %add3A_553 : vector<16xf32> to vector<1x16xf32>
        tpu.vector_store %arg8[%swap3A_554, %swap3A_555], %swap3A_558 {strides = array<i32>} : memref<104x512xf32, #tpu.memory_space<vmem>>, vector<1x16xf32>,
        %get3A_559 = arith.constant 1 : i32
        %get3A_560 = arith.index_cast %get3A_559 : i32 to index
        %get3A_561 = arith.constant 80 : index
        %get3A_562 = tpu.vector_load %arg8[%get3A_560, %get3A_561] {strides = array<i32>} : memref<104x512xf32, #tpu.memory_space<vmem>>, vector<1x16xf32>,
        %get3A_563 = vector.shape_cast %get3A_562 : vector<1x16xf32> to vector<16xf32>
        %get3A_564 = arith.index_cast %squeeze3A : i32 to index
        %get3A_565 = arith.constant 80 : index
        %get3A_566 = tpu.vector_load %arg8[%get3A_564, %get3A_565] {strides = array<i32>} : memref<104x512xf32, #tpu.memory_space<vmem>>, vector<1x16xf32>,
        %get3A_567 = vector.shape_cast %get3A_566 : vector<1x16xf32> to vector<16xf32>
        %add3A_568 = arith.addf %get3A_563, %get3A_567 : vector<16xf32>
        %swap3A_569 = arith.index_cast %squeeze3A_483 : i32 to index
        %swap3A_570 = arith.constant 80 : index
        %swap3A_571 = tpu.vector_load %arg8[%swap3A_569, %swap3A_570] {strides = array<i32>} : memref<104x512xf32, #tpu.memory_space<vmem>>, vector<1x16xf32>,
        %swap3A_572 = vector.shape_cast %swap3A_571 : vector<1x16xf32> to vector<16xf32>
        %swap3A_573 = vector.shape_cast %add3A_568 : vector<16xf32> to vector<1x16xf32>
        tpu.vector_store %arg8[%swap3A_569, %swap3A_570], %swap3A_573 {strides = array<i32>} : memref<104x512xf32, #tpu.memory_space<vmem>>, vector<1x16xf32>,
        %get3A_574 = arith.constant 1 : i32
        %get3A_575 = arith.index_cast %get3A_574 : i32 to index
        %get3A_576 = arith.constant 96 : index
        %get3A_577 = tpu.vector_load %arg8[%get3A_575, %get3A_576] {strides = array<i32>} : memref<104x512xf32, #tpu.memory_space<vmem>>, vector<1x16xf32>,
        %get3A_578 = vector.shape_cast %get3A_577 : vector<1x16xf32> to vector<16xf32>
        %get3A_579 = arith.index_cast %squeeze3A : i32 to index
        %get3A_580 = arith.constant 96 : index
        %get3A_581 = tpu.vector_load %arg8[%get3A_579, %get3A_580] {strides = array<i32>} : memref<104x512xf32, #tpu.memory_space<vmem>>, vector<1x16xf32>,
        %get3A_582 = vector.shape_cast %get3A_581 : vector<1x16xf32> to vector<16xf32>
        %add3A_583 = arith.addf %get3A_578, %get3A_582 : vector<16xf32>
        %swap3A_584 = arith.index_cast %squeeze3A_483 : i32 to index
        %swap3A_585 = arith.constant 96 : index
        %swap3A_586 = tpu.vector_load %arg8[%swap3A_584, %swap3A_585] {strides = array<i32>} : memref<104x512xf32, #tpu.memory_space<vmem>>, vector<1x16xf32>,
        %swap3A_587 = vector.shape_cast %swap3A_586 : vector<1x16xf32> to vector<16xf32>
        %swap3A_588 = vector.shape_cast %add3A_583 : vector<16xf32> to vector<1x16xf32>
        tpu.vector_store %arg8[%swap3A_584, %swap3A_585], %swap3A_588 {strides = array<i32>} : memref<104x512xf32, #tpu.memory_space<vmem>>, vector<1x16xf32>,
        %get3A_589 = arith.constant 1 : i32
        %get3A_590 = arith.index_cast %get3A_589 : i32 to index
        %get3A_591 = arith.constant 112 : index
        %get3A_592 = tpu.vector_load %arg8[%get3A_590, %get3A_591] {strides = array<i32>} : memref<104x512xf32, #tpu.memory_space<vmem>>, vector<1x16xf32>,
        %get3A_593 = vector.shape_cast %get3A_592 : vector<1x16xf32> to vector<16xf32>
        %get3A_594 = arith.index_cast %squeeze3A : i32 to index
        %get3A_595 = arith.constant 112 : index
        %get3A_596 = tpu.vector_load %arg8[%get3A_594, %get3A_595] {strides = array<i32>} : memref<104x512xf32, #tpu.memory_space<vmem>>, vector<1x16xf32>,
        %get3A_597 = vector.shape_cast %get3A_596 : vector<1x16xf32> to vector<16xf32>
        %add3A_598 = arith.addf %get3A_593, %get3A_597 : vector<16xf32>
        %swap3A_599 = arith.index_cast %squeeze3A_483 : i32 to index
        %swap3A_600 = arith.constant 112 : index
        %swap3A_601 = tpu.vector_load %arg8[%swap3A_599, %swap3A_600] {strides = array<i32>} : memref<104x512xf32, #tpu.memory_space<vmem>>, vector<1x16xf32>,
        %swap3A_602 = vector.shape_cast %swap3A_601 : vector<1x16xf32> to vector<16xf32>
        %swap3A_603 = vector.shape_cast %add3A_598 : vector<16xf32> to vector<1x16xf32>
        tpu.vector_store %arg8[%swap3A_599, %swap3A_600], %swap3A_603 {strides = array<i32>} : memref<104x512xf32, #tpu.memory_space<vmem>>, vector<1x16xf32>,
        %get3A_604 = arith.constant 1 : i32
        %get3A_605 = arith.index_cast %get3A_604 : i32 to index
        %get3A_606 = arith.constant 128 : index
        %get3A_607 = tpu.vector_load %arg8[%get3A_605, %get3A_606] {strides = array<i32>} : memref<104x512xf32, #tpu.memory_space<vmem>>, vector<1x16xf32>,
        %get3A_608 = vector.shape_cast %get3A_607 : vector<1x16xf32> to vector<16xf32>
        %get3A_609 = arith.index_cast %squeeze3A : i32 to index
        %get3A_610 = arith.constant 128 : index
        %get3A_611 = tpu.vector_load %arg8[%get3A_609, %get3A_610] {strides = array<i32>} : memref<104x512xf32, #tpu.memory_space<vmem>>, vector<1x16xf32>,
        %get3A_612 = vector.shape_cast %get3A_611 : vector<1x16xf32> to vector<16xf32>
        %add3A_613 = arith.addf %get3A_608, %get3A_612 : vector<16xf32>
        %swap3A_614 = arith.index_cast %squeeze3A_483 : i32 to index
        %swap3A_615 = arith.constant 128 : index
        %swap3A_616 = tpu.vector_load %arg8[%swap3A_614, %swap3A_615] {strides = array<i32>} : memref<104x512xf32, #tpu.memory_space<vmem>>, vector<1x16xf32>,
        %swap3A_617 = vector.shape_cast %swap3A_616 : vector<1x16xf32> to vector<16xf32>
        %swap3A_618 = vector.shape_cast %add3A_613 : vector<16xf32> to vector<1x16xf32>
        tpu.vector_store %arg8[%swap3A_614, %swap3A_615], %swap3A_618 {strides = array<i32>} : memref<104x512xf32, #tpu.memory_space<vmem>>, vector<1x16xf32>,
        %get3A_619 = arith.constant 1 : i32
        %get3A_620 = arith.index_cast %get3A_619 : i32 to index
        %get3A_621 = arith.constant 144 : index
        %get3A_622 = tpu.vector_load %arg8[%get3A_620, %get3A_621] {strides = array<i32>} : memref<104x512xf32, #tpu.memory_space<vmem>>, vector<1x16xf32>,
        %get3A_623 = vector.shape_cast %get3A_622 : vector<1x16xf32> to vector<16xf32>
        %get3A_624 = arith.index_cast %squeeze3A : i32 to index
        %get3A_625 = arith.constant 144 : index
        %get3A_626 = tpu.vector_load %arg8[%get3A_624, %get3A_625] {strides = array<i32>} : memref<104x512xf32, #tpu.memory_space<vmem>>, vector<1x16xf32>,
        %get3A_627 = vector.shape_cast %get3A_626 : vector<1x16xf32> to vector<16xf32>
        %add3A_628 = arith.addf %get3A_623, %get3A_627 : vector<16xf32>
        %swap3A_629 = arith.index_cast %squeeze3A_483 : i32 to index
        %swap3A_630 = arith.constant 144 : index
        %swap3A_631 = tpu.vector_load %arg8[%swap3A_629, %swap3A_630] {strides = array<i32>} : memref<104x512xf32, #tpu.memory_space<vmem>>, vector<1x16xf32>,
        %swap3A_632 = vector.shape_cast %swap3A_631 : vector<1x16xf32> to vector<16xf32>
        %swap3A_633 = vector.shape_cast %add3A_628 : vector<16xf32> to vector<1x16xf32>
        tpu.vector_store %arg8[%swap3A_629, %swap3A_630], %swap3A_633 {strides = array<i32>} : memref<104x512xf32, #tpu.memory_space<vmem>>, vector<1x16xf32>,
        %get3A_634 = arith.constant 1 : i32
        %get3A_635 = arith.index_cast %get3A_634 : i32 to index
        %get3A_636 = arith.constant 160 : index
        %get3A_637 = tpu.vector_load %arg8[%get3A_635, %get3A_636] {strides = array<i32>} : memref<104x512xf32, #tpu.memory_space<vmem>>, vector<1x16xf32>,
        %get3A_638 = vector.shape_cast %get3A_637 : vector<1x16xf32> to vector<16xf32>
        %get3A_639 = arith.index_cast %squeeze3A : i32 to index
        %get3A_640 = arith.constant 160 : index
        %get3A_641 = tpu.vector_load %arg8[%get3A_639, %get3A_640] {strides = array<i32>} : memref<104x512xf32, #tpu.memory_space<vmem>>, vector<1x16xf32>,
        %get3A_642 = vector.shape_cast %get3A_641 : vector<1x16xf32> to vector<16xf32>
        %add3A_643 = arith.addf %get3A_638, %get3A_642 : vector<16xf32>
        %swap3A_644 = arith.index_cast %squeeze3A_483 : i32 to index
        %swap3A_645 = arith.constant 160 : index
        %swap3A_646 = tpu.vector_load %arg8[%swap3A_644, %swap3A_645] {strides = array<i32>} : memref<104x512xf32, #tpu.memory_space<vmem>>, vector<1x16xf32>,
        %swap3A_647 = vector.shape_cast %swap3A_646 : vector<1x16xf32> to vector<16xf32>
        %swap3A_648 = vector.shape_cast %add3A_643 : vector<16xf32> to vector<1x16xf32>
        tpu.vector_store %arg8[%swap3A_644, %swap3A_645], %swap3A_648 {strides = array<i32>} : memref<104x512xf32, #tpu.memory_space<vmem>>, vector<1x16xf32>,
        %get3A_649 = arith.constant 1 : i32
        %get3A_650 = arith.index_cast %get3A_649 : i32 to index
        %get3A_651 = arith.constant 176 : index
        %get3A_652 = tpu.vector_load %arg8[%get3A_650, %get3A_651] {strides = array<i32>} : memref<104x512xf32, #tpu.memory_space<vmem>>, vector<1x16xf32>,
        %get3A_653 = vector.shape_cast %get3A_652 : vector<1x16xf32> to vector<16xf32>
        %get3A_654 = arith.index_cast %squeeze3A : i32 to index
        %get3A_655 = arith.constant 176 : index
        %get3A_656 = tpu.vector_load %arg8[%get3A_654, %get3A_655] {strides = array<i32>} : memref<104x512xf32, #tpu.memory_space<vmem>>, vector<1x16xf32>,
        %get3A_657 = vector.shape_cast %get3A_656 : vector<1x16xf32> to vector<16xf32>
        %add3A_658 = arith.addf %get3A_653, %get3A_657 : vector<16xf32>
        %swap3A_659 = arith.index_cast %squeeze3A_483 : i32 to index
        %swap3A_660 = arith.constant 176 : index
        %swap3A_661 = tpu.vector_load %arg8[%swap3A_659, %swap3A_660] {strides = array<i32>} : memref<104x512xf32, #tpu.memory_space<vmem>>, vector<1x16xf32>,
        %swap3A_662 = vector.shape_cast %swap3A_661 : vector<1x16xf32> to vector<16xf32>
        %swap3A_663 = vector.shape_cast %add3A_658 : vector<16xf32> to vector<1x16xf32>
        tpu.vector_store %arg8[%swap3A_659, %swap3A_660], %swap3A_663 {strides = array<i32>} : memref<104x512xf32, #tpu.memory_space<vmem>>, vector<1x16xf32>,
        %get3A_664 = arith.constant 1 : i32
        %get3A_665 = arith.index_cast %get3A_664 : i32 to index
        %get3A_666 = arith.constant 192 : index
        %get3A_667 = tpu.vector_load %arg8[%get3A_665, %get3A_666] {strides = array<i32>} : memref<104x512xf32, #tpu.memory_space<vmem>>, vector<1x16xf32>,
        %get3A_668 = vector.shape_cast %get3A_667 : vector<1x16xf32> to vector<16xf32>
        %get3A_669 = arith.index_cast %squeeze3A : i32 to index
        %get3A_670 = arith.constant 192 : index
        %get3A_671 = tpu.vector_load %arg8[%get3A_669, %get3A_670] {strides = array<i32>} : memref<104x512xf32, #tpu.memory_space<vmem>>, vector<1x16xf32>,
        %get3A_672 = vector.shape_cast %get3A_671 : vector<1x16xf32> to vector<16xf32>
        %add3A_673 = arith.addf %get3A_668, %get3A_672 : vector<16xf32>
        %swap3A_674 = arith.index_cast %squeeze3A_483 : i32 to index
        %swap3A_675 = arith.constant 192 : index
        %swap3A_676 = tpu.vector_load %arg8[%swap3A_674, %swap3A_675] {strides = array<i32>} : memref<104x512xf32, #tpu.memory_space<vmem>>, vector<1x16xf32>,
        %swap3A_677 = vector.shape_cast %swap3A_676 : vector<1x16xf32> to vector<16xf32>
        %swap3A_678 = vector.shape_cast %add3A_673 : vector<16xf32> to vector<1x16xf32>
        tpu.vector_store %arg8[%swap3A_674, %swap3A_675], %swap3A_678 {strides = array<i32>} : memref<104x512xf32, #tpu.memory_space<vmem>>, vector<1x16xf32>,
        %get3A_679 = arith.constant 1 : i32
        %get3A_680 = arith.index_cast %get3A_679 : i32 to index
        %get3A_681 = arith.constant 208 : index
        %get3A_682 = tpu.vector_load %arg8[%get3A_680, %get3A_681] {strides = array<i32>} : memref<104x512xf32, #tpu.memory_space<vmem>>, vector<1x16xf32>,
        %get3A_683 = vector.shape_cast %get3A_682 : vector<1x16xf32> to vector<16xf32>
        %get3A_684 = arith.index_cast %squeeze3A : i32 to index
        %get3A_685 = arith.constant 208 : index
        %get3A_686 = tpu.vector_load %arg8[%get3A_684, %get3A_685] {strides = array<i32>} : memref<104x512xf32, #tpu.memory_space<vmem>>, vector<1x16xf32>,
        %get3A_687 = vector.shape_cast %get3A_686 : vector<1x16xf32> to vector<16xf32>
        %add3A_688 = arith.addf %get3A_683, %get3A_687 : vector<16xf32>
        %swap3A_689 = arith.index_cast %squeeze3A_483 : i32 to index
        %swap3A_690 = arith.constant 208 : index
        %swap3A_691 = tpu.vector_load %arg8[%swap3A_689, %swap3A_690] {strides = array<i32>} : memref<104x512xf32, #tpu.memory_space<vmem>>, vector<1x16xf32>,
        %swap3A_692 = vector.shape_cast %swap3A_691 : vector<1x16xf32> to vector<16xf32>
        %swap3A_693 = vector.shape_cast %add3A_688 : vector<16xf32> to vector<1x16xf32>
        tpu.vector_store %arg8[%swap3A_689, %swap3A_690], %swap3A_693 {strides = array<i32>} : memref<104x512xf32, #tpu.memory_space<vmem>>, vector<1x16xf32>,
        %get3A_694 = arith.constant 1 : i32
        %get3A_695 = arith.index_cast %get3A_694 : i32 to index
        %get3A_696 = arith.constant 224 : index
        %get3A_697 = tpu.vector_load %arg8[%get3A_695, %get3A_696] {strides = array<i32>} : memref<104x512xf32, #tpu.memory_space<vmem>>, vector<1x16xf32>,
        %get3A_698 = vector.shape_cast %get3A_697 : vector<1x16xf32> to vector<16xf32>
        %get3A_699 = arith.index_cast %squeeze3A : i32 to index
        %get3A_700 = arith.constant 224 : index
        %get3A_701 = tpu.vector_load %arg8[%get3A_699, %get3A_700] {strides = array<i32>} : memref<104x512xf32, #tpu.memory_space<vmem>>, vector<1x16xf32>,
        %get3A_702 = vector.shape_cast %get3A_701 : vector<1x16xf32> to vector<16xf32>
        %add3A_703 = arith.addf %get3A_698, %get3A_702 : vector<16xf32>
        %swap3A_704 = arith.index_cast %squeeze3A_483 : i32 to index
        %swap3A_705 = arith.constant 224 : index
        %swap3A_706 = tpu.vector_load %arg8[%swap3A_704, %swap3A_705] {strides = array<i32>} : memref<104x512xf32, #tpu.memory_space<vmem>>, vector<1x16xf32>,
        %swap3A_707 = vector.shape_cast %swap3A_706 : vector<1x16xf32> to vector<16xf32>
        %swap3A_708 = vector.shape_cast %add3A_703 : vector<16xf32> to vector<1x16xf32>
        tpu.vector_store %arg8[%swap3A_704, %swap3A_705], %swap3A_708 {strides = array<i32>} : memref<104x512xf32, #tpu.memory_space<vmem>>, vector<1x16xf32>,
        %get3A_709 = arith.constant 1 : i32
        %get3A_710 = arith.index_cast %get3A_709 : i32 to index
        %get3A_711 = arith.constant 240 : index
        %get3A_712 = tpu.vector_load %arg8[%get3A_710, %get3A_711] {strides = array<i32>} : memref<104x512xf32, #tpu.memory_space<vmem>>, vector<1x16xf32>,
        %get3A_713 = vector.shape_cast %get3A_712 : vector<1x16xf32> to vector<16xf32>
        %get3A_714 = arith.index_cast %squeeze3A : i32 to index
        %get3A_715 = arith.constant 240 : index
        %get3A_716 = tpu.vector_load %arg8[%get3A_714, %get3A_715] {strides = array<i32>} : memref<104x512xf32, #tpu.memory_space<vmem>>, vector<1x16xf32>,
        %get3A_717 = vector.shape_cast %get3A_716 : vector<1x16xf32> to vector<16xf32>
        %add3A_718 = arith.addf %get3A_713, %get3A_717 : vector<16xf32>
        %swap3A_719 = arith.index_cast %squeeze3A_483 : i32 to index
        %swap3A_720 = arith.constant 240 : index
        %swap3A_721 = tpu.vector_load %arg8[%swap3A_719, %swap3A_720] {strides = array<i32>} : memref<104x512xf32, #tpu.memory_space<vmem>>, vector<1x16xf32>,
        %swap3A_722 = vector.shape_cast %swap3A_721 : vector<1x16xf32> to vector<16xf32>
        %swap3A_723 = vector.shape_cast %add3A_718 : vector<16xf32> to vector<1x16xf32>
        tpu.vector_store %arg8[%swap3A_719, %swap3A_720], %swap3A_723 {strides = array<i32>} : memref<104x512xf32, #tpu.memory_space<vmem>>, vector<1x16xf32>,
        %get3A_724 = arith.constant 1 : i32
        %get3A_725 = arith.index_cast %get3A_724 : i32 to index
        %get3A_726 = arith.constant 256 : index
        %get3A_727 = tpu.vector_load %arg8[%get3A_725, %get3A_726] {strides = array<i32>} : memref<104x512xf32, #tpu.memory_space<vmem>>, vector<1x16xf32>,
        %get3A_728 = vector.shape_cast %get3A_727 : vector<1x16xf32> to vector<16xf32>
        %get3A_729 = arith.index_cast %squeeze3A : i32 to index
        %get3A_730 = arith.constant 256 : index
        %get3A_731 = tpu.vector_load %arg8[%get3A_729, %get3A_730] {strides = array<i32>} : memref<104x512xf32, #tpu.memory_space<vmem>>, vector<1x16xf32>,
        %get3A_732 = vector.shape_cast %get3A_731 : vector<1x16xf32> to vector<16xf32>
        %add3A_733 = arith.addf %get3A_728, %get3A_732 : vector<16xf32>
        %swap3A_734 = arith.index_cast %squeeze3A_483 : i32 to index
        %swap3A_735 = arith.constant 256 : index
        %swap3A_736 = tpu.vector_load %arg8[%swap3A_734, %swap3A_735] {strides = array<i32>} : memref<104x512xf32, #tpu.memory_space<vmem>>, vector<1x16xf32>,
        %swap3A_737 = vector.shape_cast %swap3A_736 : vector<1x16xf32> to vector<16xf32>
        %swap3A_738 = vector.shape_cast %add3A_733 : vector<16xf32> to vector<1x16xf32>
        tpu.vector_store %arg8[%swap3A_734, %swap3A_735], %swap3A_738 {strides = array<i32>} : memref<104x512xf32, #tpu.memory_space<vmem>>, vector<1x16xf32>,
        %get3A_739 = arith.constant 1 : i32
        %get3A_740 = arith.index_cast %get3A_739 : i32 to index
        %get3A_741 = arith.constant 272 : index
        %get3A_742 = tpu.vector_load %arg8[%get3A_740, %get3A_741] {strides = array<i32>} : memref<104x512xf32, #tpu.memory_space<vmem>>, vector<1x16xf32>,
        %get3A_743 = vector.shape_cast %get3A_742 : vector<1x16xf32> to vector<16xf32>
        %get3A_744 = arith.index_cast %squeeze3A : i32 to index
        %get3A_745 = arith.constant 272 : index
        %get3A_746 = tpu.vector_load %arg8[%get3A_744, %get3A_745] {strides = array<i32>} : memref<104x512xf32, #tpu.memory_space<vmem>>, vector<1x16xf32>,
        %get3A_747 = vector.shape_cast %get3A_746 : vector<1x16xf32> to vector<16xf32>
        %add3A_748 = arith.addf %get3A_743, %get3A_747 : vector<16xf32>
        %swap3A_749 = arith.index_cast %squeeze3A_483 : i32 to index
        %swap3A_750 = arith.constant 272 : index
        %swap3A_751 = tpu.vector_load %arg8[%swap3A_749, %swap3A_750] {strides = array<i32>} : memref<104x512xf32, #tpu.memory_space<vmem>>, vector<1x16xf32>,
        %swap3A_752 = vector.shape_cast %swap3A_751 : vector<1x16xf32> to vector<16xf32>
        %swap3A_753 = vector.shape_cast %add3A_748 : vector<16xf32> to vector<1x16xf32>
        tpu.vector_store %arg8[%swap3A_749, %swap3A_750], %swap3A_753 {strides = array<i32>} : memref<104x512xf32, #tpu.memory_space<vmem>>, vector<1x16xf32>,
        %get3A_754 = arith.constant 1 : i32
        %get3A_755 = arith.index_cast %get3A_754 : i32 to index
        %get3A_756 = arith.constant 288 : index
        %get3A_757 = tpu.vector_load %arg8[%get3A_755, %get3A_756] {strides = array<i32>} : memref<104x512xf32, #tpu.memory_space<vmem>>, vector<1x16xf32>,
        %get3A_758 = vector.shape_cast %get3A_757 : vector<1x16xf32> to vector<16xf32>
        %get3A_759 = arith.index_cast %squeeze3A : i32 to index
        %get3A_760 = arith.constant 288 : index
        %get3A_761 = tpu.vector_load %arg8[%get3A_759, %get3A_760] {strides = array<i32>} : memref<104x512xf32, #tpu.memory_space<vmem>>, vector<1x16xf32>,
        %get3A_762 = vector.shape_cast %get3A_761 : vector<1x16xf32> to vector<16xf32>
        %add3A_763 = arith.addf %get3A_758, %get3A_762 : vector<16xf32>
        %swap3A_764 = arith.index_cast %squeeze3A_483 : i32 to index
        %swap3A_765 = arith.constant 288 : index
        %swap3A_766 = tpu.vector_load %arg8[%swap3A_764, %swap3A_765] {strides = array<i32>} : memref<104x512xf32, #tpu.memory_space<vmem>>, vector<1x16xf32>,
        %swap3A_767 = vector.shape_cast %swap3A_766 : vector<1x16xf32> to vector<16xf32>
        %swap3A_768 = vector.shape_cast %add3A_763 : vector<16xf32> to vector<1x16xf32>
        tpu.vector_store %arg8[%swap3A_764, %swap3A_765], %swap3A_768 {strides = array<i32>} : memref<104x512xf32, #tpu.memory_space<vmem>>, vector<1x16xf32>,
        %get3A_769 = arith.constant 1 : i32
        %get3A_770 = arith.index_cast %get3A_769 : i32 to index
        %get3A_771 = arith.constant 304 : index
        %get3A_772 = tpu.vector_load %arg8[%get3A_770, %get3A_771] {strides = array<i32>} : memref<104x512xf32, #tpu.memory_space<vmem>>, vector<1x16xf32>,
        %get3A_773 = vector.shape_cast %get3A_772 : vector<1x16xf32> to vector<16xf32>
        %get3A_774 = arith.index_cast %squeeze3A : i32 to index
        %get3A_775 = arith.constant 304 : index
        %get3A_776 = tpu.vector_load %arg8[%get3A_774, %get3A_775] {strides = array<i32>} : memref<104x512xf32, #tpu.memory_space<vmem>>, vector<1x16xf32>,
        %get3A_777 = vector.shape_cast %get3A_776 : vector<1x16xf32> to vector<16xf32>
        %add3A_778 = arith.addf %get3A_773, %get3A_777 : vector<16xf32>
        %swap3A_779 = arith.index_cast %squeeze3A_483 : i32 to index
        %swap3A_780 = arith.constant 304 : index
        %swap3A_781 = tpu.vector_load %arg8[%swap3A_779, %swap3A_780] {strides = array<i32>} : memref<104x512xf32, #tpu.memory_space<vmem>>, vector<1x16xf32>,
        %swap3A_782 = vector.shape_cast %swap3A_781 : vector<1x16xf32> to vector<16xf32>
        %swap3A_783 = vector.shape_cast %add3A_778 : vector<16xf32> to vector<1x16xf32>
        tpu.vector_store %arg8[%swap3A_779, %swap3A_780], %swap3A_783 {strides = array<i32>} : memref<104x512xf32, #tpu.memory_space<vmem>>, vector<1x16xf32>,
        %get3A_784 = arith.constant 1 : i32
        %get3A_785 = arith.index_cast %get3A_784 : i32 to index
        %get3A_786 = arith.constant 320 : index
        %get3A_787 = tpu.vector_load %arg8[%get3A_785, %get3A_786] {strides = array<i32>} : memref<104x512xf32, #tpu.memory_space<vmem>>, vector<1x16xf32>,
        %get3A_788 = vector.shape_cast %get3A_787 : vector<1x16xf32> to vector<16xf32>
        %get3A_789 = arith.index_cast %squeeze3A : i32 to index
        %get3A_790 = arith.constant 320 : index
        %get3A_791 = tpu.vector_load %arg8[%get3A_789, %get3A_790] {strides = array<i32>} : memref<104x512xf32, #tpu.memory_space<vmem>>, vector<1x16xf32>,
        %get3A_792 = vector.shape_cast %get3A_791 : vector<1x16xf32> to vector<16xf32>
        %add3A_793 = arith.addf %get3A_788, %get3A_792 : vector<16xf32>
        %swap3A_794 = arith.index_cast %squeeze3A_483 : i32 to index
        %swap3A_795 = arith.constant 320 : index
        %swap3A_796 = tpu.vector_load %arg8[%swap3A_794, %swap3A_795] {strides = array<i32>} : memref<104x512xf32, #tpu.memory_space<vmem>>, vector<1x16xf32>,
        %swap3A_797 = vector.shape_cast %swap3A_796 : vector<1x16xf32> to vector<16xf32>
        %swap3A_798 = vector.shape_cast %add3A_793 : vector<16xf32> to vector<1x16xf32>
        tpu.vector_store %arg8[%swap3A_794, %swap3A_795], %swap3A_798 {strides = array<i32>} : memref<104x512xf32, #tpu.memory_space<vmem>>, vector<1x16xf32>,
        %get3A_799 = arith.constant 1 : i32
        %get3A_800 = arith.index_cast %get3A_799 : i32 to index
        %get3A_801 = arith.constant 336 : index
        %get3A_802 = tpu.vector_load %arg8[%get3A_800, %get3A_801] {strides = array<i32>} : memref<104x512xf32, #tpu.memory_space<vmem>>, vector<1x16xf32>,
        %get3A_803 = vector.shape_cast %get3A_802 : vector<1x16xf32> to vector<16xf32>
        %get3A_804 = arith.index_cast %squeeze3A : i32 to index
        %get3A_805 = arith.constant 336 : index
        %get3A_806 = tpu.vector_load %arg8[%get3A_804, %get3A_805] {strides = array<i32>} : memref<104x512xf32, #tpu.memory_space<vmem>>, vector<1x16xf32>,
        %get3A_807 = vector.shape_cast %get3A_806 : vector<1x16xf32> to vector<16xf32>
        %add3A_808 = arith.addf %get3A_803, %get3A_807 : vector<16xf32>
        %swap3A_809 = arith.index_cast %squeeze3A_483 : i32 to index
        %swap3A_810 = arith.constant 336 : index
        %swap3A_811 = tpu.vector_load %arg8[%swap3A_809, %swap3A_810] {strides = array<i32>} : memref<104x512xf32, #tpu.memory_space<vmem>>, vector<1x16xf32>,
        %swap3A_812 = vector.shape_cast %swap3A_811 : vector<1x16xf32> to vector<16xf32>
        %swap3A_813 = vector.shape_cast %add3A_808 : vector<16xf32> to vector<1x16xf32>
        tpu.vector_store %arg8[%swap3A_809, %swap3A_810], %swap3A_813 {strides = array<i32>} : memref<104x512xf32, #tpu.memory_space<vmem>>, vector<1x16xf32>,
        %get3A_814 = arith.constant 1 : i32
        %get3A_815 = arith.index_cast %get3A_814 : i32 to index
        %get3A_816 = arith.constant 352 : index
        %get3A_817 = tpu.vector_load %arg8[%get3A_815, %get3A_816] {strides = array<i32>} : memref<104x512xf32, #tpu.memory_space<vmem>>, vector<1x16xf32>,
        %get3A_818 = vector.shape_cast %get3A_817 : vector<1x16xf32> to vector<16xf32>
        %get3A_819 = arith.index_cast %squeeze3A : i32 to index
        %get3A_820 = arith.constant 352 : index
        %get3A_821 = tpu.vector_load %arg8[%get3A_819, %get3A_820] {strides = array<i32>} : memref<104x512xf32, #tpu.memory_space<vmem>>, vector<1x16xf32>,
        %get3A_822 = vector.shape_cast %get3A_821 : vector<1x16xf32> to vector<16xf32>
        %add3A_823 = arith.addf %get3A_818, %get3A_822 : vector<16xf32>
        %swap3A_824 = arith.index_cast %squeeze3A_483 : i32 to index
        %swap3A_825 = arith.constant 352 : index
        %swap3A_826 = tpu.vector_load %arg8[%swap3A_824, %swap3A_825] {strides = array<i32>} : memref<104x512xf32, #tpu.memory_space<vmem>>, vector<1x16xf32>,
        %swap3A_827 = vector.shape_cast %swap3A_826 : vector<1x16xf32> to vector<16xf32>
        %swap3A_828 = vector.shape_cast %add3A_823 : vector<16xf32> to vector<1x16xf32>
        tpu.vector_store %arg8[%swap3A_824, %swap3A_825], %swap3A_828 {strides = array<i32>} : memref<104x512xf32, #tpu.memory_space<vmem>>, vector<1x16xf32>,
        %get3A_829 = arith.constant 1 : i32
        %get3A_830 = arith.index_cast %get3A_829 : i32 to index
        %get3A_831 = arith.constant 368 : index
        %get3A_832 = tpu.vector_load %arg8[%get3A_830, %get3A_831] {strides = array<i32>} : memref<104x512xf32, #tpu.memory_space<vmem>>, vector<1x16xf32>,
        %get3A_833 = vector.shape_cast %get3A_832 : vector<1x16xf32> to vector<16xf32>
        %get3A_834 = arith.index_cast %squeeze3A : i32 to index
        %get3A_835 = arith.constant 368 : index
        %get3A_836 = tpu.vector_load %arg8[%get3A_834, %get3A_835] {strides = array<i32>} : memref<104x512xf32, #tpu.memory_space<vmem>>, vector<1x16xf32>,
        %get3A_837 = vector.shape_cast %get3A_836 : vector<1x16xf32> to vector<16xf32>
        %add3A_838 = arith.addf %get3A_833, %get3A_837 : vector<16xf32>
        %swap3A_839 = arith.index_cast %squeeze3A_483 : i32 to index
        %swap3A_840 = arith.constant 368 : index
        %swap3A_841 = tpu.vector_load %arg8[%swap3A_839, %swap3A_840] {strides = array<i32>} : memref<104x512xf32, #tpu.memory_space<vmem>>, vector<1x16xf32>,
        %swap3A_842 = vector.shape_cast %swap3A_841 : vector<1x16xf32> to vector<16xf32>
        %swap3A_843 = vector.shape_cast %add3A_838 : vector<16xf32> to vector<1x16xf32>
        tpu.vector_store %arg8[%swap3A_839, %swap3A_840], %swap3A_843 {strides = array<i32>} : memref<104x512xf32, #tpu.memory_space<vmem>>, vector<1x16xf32>,
        %get3A_844 = arith.constant 1 : i32
        %get3A_845 = arith.index_cast %get3A_844 : i32 to index
        %get3A_846 = arith.constant 384 : index
        %get3A_847 = tpu.vector_load %arg8[%get3A_845, %get3A_846] {strides = array<i32>} : memref<104x512xf32, #tpu.memory_space<vmem>>, vector<1x16xf32>,
        %get3A_848 = vector.shape_cast %get3A_847 : vector<1x16xf32> to vector<16xf32>
        %get3A_849 = arith.index_cast %squeeze3A : i32 to index
        %get3A_850 = arith.constant 384 : index
        %get3A_851 = tpu.vector_load %arg8[%get3A_849, %get3A_850] {strides = array<i32>} : memref<104x512xf32, #tpu.memory_space<vmem>>, vector<1x16xf32>,
        %get3A_852 = vector.shape_cast %get3A_851 : vector<1x16xf32> to vector<16xf32>
        %add3A_853 = arith.addf %get3A_848, %get3A_852 : vector<16xf32>
        %swap3A_854 = arith.index_cast %squeeze3A_483 : i32 to index
        %swap3A_855 = arith.constant 384 : index
        %swap3A_856 = tpu.vector_load %arg8[%swap3A_854, %swap3A_855] {strides = array<i32>} : memref<104x512xf32, #tpu.memory_space<vmem>>, vector<1x16xf32>,
        %swap3A_857 = vector.shape_cast %swap3A_856 : vector<1x16xf32> to vector<16xf32>
        %swap3A_858 = vector.shape_cast %add3A_853 : vector<16xf32> to vector<1x16xf32>
        tpu.vector_store %arg8[%swap3A_854, %swap3A_855], %swap3A_858 {strides = array<i32>} : memref<104x512xf32, #tpu.memory_space<vmem>>, vector<1x16xf32>,
        %get3A_859 = arith.constant 1 : i32
        %get3A_860 = arith.index_cast %get3A_859 : i32 to index
        %get3A_861 = arith.constant 400 : index
        %get3A_862 = tpu.vector_load %arg8[%get3A_860, %get3A_861] {strides = array<i32>} : memref<104x512xf32, #tpu.memory_space<vmem>>, vector<1x16xf32>,
        %get3A_863 = vector.shape_cast %get3A_862 : vector<1x16xf32> to vector<16xf32>
        %get3A_864 = arith.index_cast %squeeze3A : i32 to index
        %get3A_865 = arith.constant 400 : index
        %get3A_866 = tpu.vector_load %arg8[%get3A_864, %get3A_865] {strides = array<i32>} : memref<104x512xf32, #tpu.memory_space<vmem>>, vector<1x16xf32>,
        %get3A_867 = vector.shape_cast %get3A_866 : vector<1x16xf32> to vector<16xf32>
        %add3A_868 = arith.addf %get3A_863, %get3A_867 : vector<16xf32>
        %swap3A_869 = arith.index_cast %squeeze3A_483 : i32 to index
        %swap3A_870 = arith.constant 400 : index
        %swap3A_871 = tpu.vector_load %arg8[%swap3A_869, %swap3A_870] {strides = array<i32>} : memref<104x512xf32, #tpu.memory_space<vmem>>, vector<1x16xf32>,
        %swap3A_872 = vector.shape_cast %swap3A_871 : vector<1x16xf32> to vector<16xf32>
        %swap3A_873 = vector.shape_cast %add3A_868 : vector<16xf32> to vector<1x16xf32>
        tpu.vector_store %arg8[%swap3A_869, %swap3A_870], %swap3A_873 {strides = array<i32>} : memref<104x512xf32, #tpu.memory_space<vmem>>, vector<1x16xf32>,
        %get3A_874 = arith.constant 1 : i32
        %get3A_875 = arith.index_cast %get3A_874 : i32 to index
        %get3A_876 = arith.constant 416 : index
        %get3A_877 = tpu.vector_load %arg8[%get3A_875, %get3A_876] {strides = array<i32>} : memref<104x512xf32, #tpu.memory_space<vmem>>, vector<1x16xf32>,
        %get3A_878 = vector.shape_cast %get3A_877 : vector<1x16xf32> to vector<16xf32>
        %get3A_879 = arith.index_cast %squeeze3A : i32 to index
        %get3A_880 = arith.constant 416 : index
        %get3A_881 = tpu.vector_load %arg8[%get3A_879, %get3A_880] {strides = array<i32>} : memref<104x512xf32, #tpu.memory_space<vmem>>, vector<1x16xf32>,
        %get3A_882 = vector.shape_cast %get3A_881 : vector<1x16xf32> to vector<16xf32>
        %add3A_883 = arith.addf %get3A_878, %get3A_882 : vector<16xf32>
        %swap3A_884 = arith.index_cast %squeeze3A_483 : i32 to index
        %swap3A_885 = arith.constant 416 : index
        %swap3A_886 = tpu.vector_load %arg8[%swap3A_884, %swap3A_885] {strides = array<i32>} : memref<104x512xf32, #tpu.memory_space<vmem>>, vector<1x16xf32>,
        %swap3A_887 = vector.shape_cast %swap3A_886 : vector<1x16xf32> to vector<16xf32>
        %swap3A_888 = vector.shape_cast %add3A_883 : vector<16xf32> to vector<1x16xf32>
        tpu.vector_store %arg8[%swap3A_884, %swap3A_885], %swap3A_888 {strides = array<i32>} : memref<104x512xf32, #tpu.memory_space<vmem>>, vector<1x16xf32>,
        %get3A_889 = arith.constant 1 : i32
        %get3A_890 = arith.index_cast %get3A_889 : i32 to index
        %get3A_891 = arith.constant 432 : index
        %get3A_892 = tpu.vector_load %arg8[%get3A_890, %get3A_891] {strides = array<i32>} : memref<104x512xf32, #tpu.memory_space<vmem>>, vector<1x16xf32>,
        %get3A_893 = vector.shape_cast %get3A_892 : vector<1x16xf32> to vector<16xf32>
        %get3A_894 = arith.index_cast %squeeze3A : i32 to index
        %get3A_895 = arith.constant 432 : index
        %get3A_896 = tpu.vector_load %arg8[%get3A_894, %get3A_895] {strides = array<i32>} : memref<104x512xf32, #tpu.memory_space<vmem>>, vector<1x16xf32>,
        %get3A_897 = vector.shape_cast %get3A_896 : vector<1x16xf32> to vector<16xf32>
        %add3A_898 = arith.addf %get3A_893, %get3A_897 : vector<16xf32>
        %swap3A_899 = arith.index_cast %squeeze3A_483 : i32 to index
        %swap3A_900 = arith.constant 432 : index
        %swap3A_901 = tpu.vector_load %arg8[%swap3A_899, %swap3A_900] {strides = array<i32>} : memref<104x512xf32, #tpu.memory_space<vmem>>, vector<1x16xf32>,
        %swap3A_902 = vector.shape_cast %swap3A_901 : vector<1x16xf32> to vector<16xf32>
        %swap3A_903 = vector.shape_cast %add3A_898 : vector<16xf32> to vector<1x16xf32>
        tpu.vector_store %arg8[%swap3A_899, %swap3A_900], %swap3A_903 {strides = array<i32>} : memref<104x512xf32, #tpu.memory_space<vmem>>, vector<1x16xf32>,
        %get3A_904 = arith.constant 1 : i32
        %get3A_905 = arith.index_cast %get3A_904 : i32 to index
        %get3A_906 = arith.constant 448 : index
        %get3A_907 = tpu.vector_load %arg8[%get3A_905, %get3A_906] {strides = array<i32>} : memref<104x512xf32, #tpu.memory_space<vmem>>, vector<1x16xf32>,
        %get3A_908 = vector.shape_cast %get3A_907 : vector<1x16xf32> to vector<16xf32>
        %get3A_909 = arith.index_cast %squeeze3A : i32 to index
        %get3A_910 = arith.constant 448 : index
        %get3A_911 = tpu.vector_load %arg8[%get3A_909, %get3A_910] {strides = array<i32>} : memref<104x512xf32, #tpu.memory_space<vmem>>, vector<1x16xf32>,
        %get3A_912 = vector.shape_cast %get3A_911 : vector<1x16xf32> to vector<16xf32>
        %add3A_913 = arith.addf %get3A_908, %get3A_912 : vector<16xf32>
        %swap3A_914 = arith.index_cast %squeeze3A_483 : i32 to index
        %swap3A_915 = arith.constant 448 : index
        %swap3A_916 = tpu.vector_load %arg8[%swap3A_914, %swap3A_915] {strides = array<i32>} : memref<104x512xf32, #tpu.memory_space<vmem>>, vector<1x16xf32>,
        %swap3A_917 = vector.shape_cast %swap3A_916 : vector<1x16xf32> to vector<16xf32>
        %swap3A_918 = vector.shape_cast %add3A_913 : vector<16xf32> to vector<1x16xf32>
        tpu.vector_store %arg8[%swap3A_914, %swap3A_915], %swap3A_918 {strides = array<i32>} : memref<104x512xf32, #tpu.memory_space<vmem>>, vector<1x16xf32>,
        %get3A_919 = arith.constant 1 : i32
        %get3A_920 = arith.index_cast %get3A_919 : i32 to index
        %get3A_921 = arith.constant 464 : index
        %get3A_922 = tpu.vector_load %arg8[%get3A_920, %get3A_921] {strides = array<i32>} : memref<104x512xf32, #tpu.memory_space<vmem>>, vector<1x16xf32>,
        %get3A_923 = vector.shape_cast %get3A_922 : vector<1x16xf32> to vector<16xf32>
        %get3A_924 = arith.index_cast %squeeze3A : i32 to index
        %get3A_925 = arith.constant 464 : index
        %get3A_926 = tpu.vector_load %arg8[%get3A_924, %get3A_925] {strides = array<i32>} : memref<104x512xf32, #tpu.memory_space<vmem>>, vector<1x16xf32>,
        %get3A_927 = vector.shape_cast %get3A_926 : vector<1x16xf32> to vector<16xf32>
        %add3A_928 = arith.addf %get3A_923, %get3A_927 : vector<16xf32>
        %swap3A_929 = arith.index_cast %squeeze3A_483 : i32 to index
        %swap3A_930 = arith.constant 464 : index
        %swap3A_931 = tpu.vector_load %arg8[%swap3A_929, %swap3A_930] {strides = array<i32>} : memref<104x512xf32, #tpu.memory_space<vmem>>, vector<1x16xf32>,
        %swap3A_932 = vector.shape_cast %swap3A_931 : vector<1x16xf32> to vector<16xf32>
        %swap3A_933 = vector.shape_cast %add3A_928 : vector<16xf32> to vector<1x16xf32>
        tpu.vector_store %arg8[%swap3A_929, %swap3A_930], %swap3A_933 {strides = array<i32>} : memref<104x512xf32, #tpu.memory_space<vmem>>, vector<1x16xf32>,
        %get3A_934 = arith.constant 1 : i32
        %get3A_935 = arith.index_cast %get3A_934 : i32 to index
        %get3A_936 = arith.constant 480 : index
        %get3A_937 = tpu.vector_load %arg8[%get3A_935, %get3A_936] {strides = array<i32>} : memref<104x512xf32, #tpu.memory_space<vmem>>, vector<1x16xf32>,
        %get3A_938 = vector.shape_cast %get3A_937 : vector<1x16xf32> to vector<16xf32>
        %get3A_939 = arith.index_cast %squeeze3A : i32 to index
        %get3A_940 = arith.constant 480 : index
        %get3A_941 = tpu.vector_load %arg8[%get3A_939, %get3A_940] {strides = array<i32>} : memref<104x512xf32, #tpu.memory_space<vmem>>, vector<1x16xf32>,
        %get3A_942 = vector.shape_cast %get3A_941 : vector<1x16xf32> to vector<16xf32>
        %add3A_943 = arith.addf %get3A_938, %get3A_942 : vector<16xf32>
        %swap3A_944 = arith.index_cast %squeeze3A_483 : i32 to index
        %swap3A_945 = arith.constant 480 : index
        %swap3A_946 = tpu.vector_load %arg8[%swap3A_944, %swap3A_945] {strides = array<i32>} : memref<104x512xf32, #tpu.memory_space<vmem>>, vector<1x16xf32>,
        %swap3A_947 = vector.shape_cast %swap3A_946 : vector<1x16xf32> to vector<16xf32>
        %swap3A_948 = vector.shape_cast %add3A_943 : vector<16xf32> to vector<1x16xf32>
        tpu.vector_store %arg8[%swap3A_944, %swap3A_945], %swap3A_948 {strides = array<i32>} : memref<104x512xf32, #tpu.memory_space<vmem>>, vector<1x16xf32>,
        %get3A_949 = arith.constant 1 : i32
        %get3A_950 = arith.index_cast %get3A_949 : i32 to index
        %get3A_951 = arith.constant 496 : index
        %get3A_952 = tpu.vector_load %arg8[%get3A_950, %get3A_951] {strides = array<i32>} : memref<104x512xf32, #tpu.memory_space<vmem>>, vector<1x16xf32>,
        %get3A_953 = vector.shape_cast %get3A_952 : vector<1x16xf32> to vector<16xf32>
        %get3A_954 = arith.index_cast %squeeze3A : i32 to index
        %get3A_955 = arith.constant 496 : index
        %get3A_956 = tpu.vector_load %arg8[%get3A_954, %get3A_955] {strides = array<i32>} : memref<104x512xf32, #tpu.memory_space<vmem>>, vector<1x16xf32>,
        %get3A_957 = vector.shape_cast %get3A_956 : vector<1x16xf32> to vector<16xf32>
        %add3A_958 = arith.addf %get3A_953, %get3A_957 : vector<16xf32>
        %swap3A_959 = arith.index_cast %squeeze3A_483 : i32 to index
        %swap3A_960 = arith.constant 496 : index
        %swap3A_961 = tpu.vector_load %arg8[%swap3A_959, %swap3A_960] {strides = array<i32>} : memref<104x512xf32, #tpu.memory_space<vmem>>, vector<1x16xf32>,
        %swap3A_962 = vector.shape_cast %swap3A_961 : vector<1x16xf32> to vector<16xf32>
        %swap3A_963 = vector.shape_cast %add3A_958 : vector<16xf32> to vector<1x16xf32>
        tpu.vector_store %arg8[%swap3A_959, %swap3A_960], %swap3A_963 {strides = array<i32>} : memref<104x512xf32, #tpu.memory_space<vmem>>, vector<1x16xf32>,
      }
      %scan3A_390 = arith.constant 96 : i32
      %scan3A_391 = arith.constant 0 : i32
      %scan3A_392 = arith.constant 0 : i32
      %scan3A_393 = arith.constant 32 : i32
      %scan3A_394 = arith.addi %scan3A_392, %scan3A_393 : i32
      %scan3A_395 = arith.constant 1 : i32
      scf.for %scan3A_475 = %scan3A_392 to %scan3A_394 step %scan3A_395  : i32 {
        %add3A_476 = arith.constant 72 : i32
        %add3A_477 = arith.addi %add3A_476, %scan3A_475 : i32
        %get3A_478 = arith.index_cast %add3A_477 : i32 to index
        %get3A_479 = arith.constant 0 : index
        %get3A_480 = tpu.vector_load %arg8[%get3A_478, %get3A_479] {strides = array<i32>} : memref<104x512xf32, #tpu.memory_space<vmem>>, vector<1x16xf32>,
        %get3A_481 = vector.shape_cast %get3A_480 : vector<1x16xf32> to vector<16xf32>
        %get3A_482 = arith.constant 1 : i32
        %get3A_483 = arith.index_cast %get3A_482 : i32 to index
        %get3A_484 = arith.constant 0 : index
        %get3A_485 = tpu.vector_load %arg8[%get3A_483, %get3A_484] {strides = array<i32>} : memref<104x512xf32, #tpu.memory_space<vmem>>, vector<1x16xf32>,
        %get3A_486 = vector.shape_cast %get3A_485 : vector<1x16xf32> to vector<16xf32>
        %sub3A = arith.subf %get3A_481, %get3A_486 : vector<16xf32>
        %add3A_487 = arith.constant 72 : i32
        %add3A_488 = arith.addi %add3A_487, %scan3A_475 : i32
        %swap3A_489 = arith.index_cast %add3A_488 : i32 to index
        %swap3A_490 = arith.constant 0 : index
        %swap3A_491 = tpu.vector_load %arg8[%swap3A_489, %swap3A_490] {strides = array<i32>} : memref<104x512xf32, #tpu.memory_space<vmem>>, vector<1x16xf32>,
        %swap3A_492 = vector.shape_cast %swap3A_491 : vector<1x16xf32> to vector<16xf32>
        %swap3A_493 = vector.shape_cast %sub3A : vector<16xf32> to vector<1x16xf32>
        tpu.vector_store %arg8[%swap3A_489, %swap3A_490], %swap3A_493 {strides = array<i32>} : memref<104x512xf32, #tpu.memory_space<vmem>>, vector<1x16xf32>,
        %add3A_494 = arith.constant 72 : i32
        %add3A_495 = arith.addi %add3A_494, %scan3A_475 : i32
        %get3A_496 = arith.index_cast %add3A_495 : i32 to index
        %get3A_497 = arith.constant 16 : index
        %get3A_498 = tpu.vector_load %arg8[%get3A_496, %get3A_497] {strides = array<i32>} : memref<104x512xf32, #tpu.memory_space<vmem>>, vector<1x16xf32>,
        %get3A_499 = vector.shape_cast %get3A_498 : vector<1x16xf32> to vector<16xf32>
        %get3A_500 = arith.constant 1 : i32
        %get3A_501 = arith.index_cast %get3A_500 : i32 to index
        %get3A_502 = arith.constant 16 : index
        %get3A_503 = tpu.vector_load %arg8[%get3A_501, %get3A_502] {strides = array<i32>} : memref<104x512xf32, #tpu.memory_space<vmem>>, vector<1x16xf32>,
        %get3A_504 = vector.shape_cast %get3A_503 : vector<1x16xf32> to vector<16xf32>
        %sub3A_505 = arith.subf %get3A_499, %get3A_504 : vector<16xf32>
        %add3A_506 = arith.constant 72 : i32
        %add3A_507 = arith.addi %add3A_506, %scan3A_475 : i32
        %swap3A_508 = arith.index_cast %add3A_507 : i32 to index
        %swap3A_509 = arith.constant 16 : index
        %swap3A_510 = tpu.vector_load %arg8[%swap3A_508, %swap3A_509] {strides = array<i32>} : memref<104x512xf32, #tpu.memory_space<vmem>>, vector<1x16xf32>,
        %swap3A_511 = vector.shape_cast %swap3A_510 : vector<1x16xf32> to vector<16xf32>
        %swap3A_512 = vector.shape_cast %sub3A_505 : vector<16xf32> to vector<1x16xf32>
        tpu.vector_store %arg8[%swap3A_508, %swap3A_509], %swap3A_512 {strides = array<i32>} : memref<104x512xf32, #tpu.memory_space<vmem>>, vector<1x16xf32>,
        %add3A_513 = arith.constant 72 : i32
        %add3A_514 = arith.addi %add3A_513, %scan3A_475 : i32
        %get3A_515 = arith.index_cast %add3A_514 : i32 to index
        %get3A_516 = arith.constant 32 : index
        %get3A_517 = tpu.vector_load %arg8[%get3A_515, %get3A_516] {strides = array<i32>} : memref<104x512xf32, #tpu.memory_space<vmem>>, vector<1x16xf32>,
        %get3A_518 = vector.shape_cast %get3A_517 : vector<1x16xf32> to vector<16xf32>
        %get3A_519 = arith.constant 1 : i32
        %get3A_520 = arith.index_cast %get3A_519 : i32 to index
        %get3A_521 = arith.constant 32 : index
        %get3A_522 = tpu.vector_load %arg8[%get3A_520, %get3A_521] {strides = array<i32>} : memref<104x512xf32, #tpu.memory_space<vmem>>, vector<1x16xf32>,
        %get3A_523 = vector.shape_cast %get3A_522 : vector<1x16xf32> to vector<16xf32>
        %sub3A_524 = arith.subf %get3A_518, %get3A_523 : vector<16xf32>
        %add3A_525 = arith.constant 72 : i32
        %add3A_526 = arith.addi %add3A_525, %scan3A_475 : i32
        %swap3A_527 = arith.index_cast %add3A_526 : i32 to index
        %swap3A_528 = arith.constant 32 : index
        %swap3A_529 = tpu.vector_load %arg8[%swap3A_527, %swap3A_528] {strides = array<i32>} : memref<104x512xf32, #tpu.memory_space<vmem>>, vector<1x16xf32>,
        %swap3A_530 = vector.shape_cast %swap3A_529 : vector<1x16xf32> to vector<16xf32>
        %swap3A_531 = vector.shape_cast %sub3A_524 : vector<16xf32> to vector<1x16xf32>
        tpu.vector_store %arg8[%swap3A_527, %swap3A_528], %swap3A_531 {strides = array<i32>} : memref<104x512xf32, #tpu.memory_space<vmem>>, vector<1x16xf32>,
        %add3A_532 = arith.constant 72 : i32
        %add3A_533 = arith.addi %add3A_532, %scan3A_475 : i32
        %get3A_534 = arith.index_cast %add3A_533 : i32 to index
        %get3A_535 = arith.constant 48 : index
        %get3A_536 = tpu.vector_load %arg8[%get3A_534, %get3A_535] {strides = array<i32>} : memref<104x512xf32, #tpu.memory_space<vmem>>, vector<1x16xf32>,
        %get3A_537 = vector.shape_cast %get3A_536 : vector<1x16xf32> to vector<16xf32>
        %get3A_538 = arith.constant 1 : i32
        %get3A_539 = arith.index_cast %get3A_538 : i32 to index
        %get3A_540 = arith.constant 48 : index
        %get3A_541 = tpu.vector_load %arg8[%get3A_539, %get3A_540] {strides = array<i32>} : memref<104x512xf32, #tpu.memory_space<vmem>>, vector<1x16xf32>,
        %get3A_542 = vector.shape_cast %get3A_541 : vector<1x16xf32> to vector<16xf32>
        %sub3A_543 = arith.subf %get3A_537, %get3A_542 : vector<16xf32>
        %add3A_544 = arith.constant 72 : i32
        %add3A_545 = arith.addi %add3A_544, %scan3A_475 : i32
        %swap3A_546 = arith.index_cast %add3A_545 : i32 to index
        %swap3A_547 = arith.constant 48 : index
        %swap3A_548 = tpu.vector_load %arg8[%swap3A_546, %swap3A_547] {strides = array<i32>} : memref<104x512xf32, #tpu.memory_space<vmem>>, vector<1x16xf32>,
        %swap3A_549 = vector.shape_cast %swap3A_548 : vector<1x16xf32> to vector<16xf32>
        %swap3A_550 = vector.shape_cast %sub3A_543 : vector<16xf32> to vector<1x16xf32>
        tpu.vector_store %arg8[%swap3A_546, %swap3A_547], %swap3A_550 {strides = array<i32>} : memref<104x512xf32, #tpu.memory_space<vmem>>, vector<1x16xf32>,
        %add3A_551 = arith.constant 72 : i32
        %add3A_552 = arith.addi %add3A_551, %scan3A_475 : i32
        %get3A_553 = arith.index_cast %add3A_552 : i32 to index
        %get3A_554 = arith.constant 64 : index
        %get3A_555 = tpu.vector_load %arg8[%get3A_553, %get3A_554] {strides = array<i32>} : memref<104x512xf32, #tpu.memory_space<vmem>>, vector<1x16xf32>,
        %get3A_556 = vector.shape_cast %get3A_555 : vector<1x16xf32> to vector<16xf32>
        %get3A_557 = arith.constant 1 : i32
        %get3A_558 = arith.index_cast %get3A_557 : i32 to index
        %get3A_559 = arith.constant 64 : index
        %get3A_560 = tpu.vector_load %arg8[%get3A_558, %get3A_559] {strides = array<i32>} : memref<104x512xf32, #tpu.memory_space<vmem>>, vector<1x16xf32>,
        %get3A_561 = vector.shape_cast %get3A_560 : vector<1x16xf32> to vector<16xf32>
        %sub3A_562 = arith.subf %get3A_556, %get3A_561 : vector<16xf32>
        %add3A_563 = arith.constant 72 : i32
        %add3A_564 = arith.addi %add3A_563, %scan3A_475 : i32
        %swap3A_565 = arith.index_cast %add3A_564 : i32 to index
        %swap3A_566 = arith.constant 64 : index
        %swap3A_567 = tpu.vector_load %arg8[%swap3A_565, %swap3A_566] {strides = array<i32>} : memref<104x512xf32, #tpu.memory_space<vmem>>, vector<1x16xf32>,
        %swap3A_568 = vector.shape_cast %swap3A_567 : vector<1x16xf32> to vector<16xf32>
        %swap3A_569 = vector.shape_cast %sub3A_562 : vector<16xf32> to vector<1x16xf32>
        tpu.vector_store %arg8[%swap3A_565, %swap3A_566], %swap3A_569 {strides = array<i32>} : memref<104x512xf32, #tpu.memory_space<vmem>>, vector<1x16xf32>,
        %add3A_570 = arith.constant 72 : i32
        %add3A_571 = arith.addi %add3A_570, %scan3A_475 : i32
        %get3A_572 = arith.index_cast %add3A_571 : i32 to index
        %get3A_573 = arith.constant 80 : index
        %get3A_574 = tpu.vector_load %arg8[%get3A_572, %get3A_573] {strides = array<i32>} : memref<104x512xf32, #tpu.memory_space<vmem>>, vector<1x16xf32>,
        %get3A_575 = vector.shape_cast %get3A_574 : vector<1x16xf32> to vector<16xf32>
        %get3A_576 = arith.constant 1 : i32
        %get3A_577 = arith.index_cast %get3A_576 : i32 to index
        %get3A_578 = arith.constant 80 : index
        %get3A_579 = tpu.vector_load %arg8[%get3A_577, %get3A_578] {strides = array<i32>} : memref<104x512xf32, #tpu.memory_space<vmem>>, vector<1x16xf32>,
        %get3A_580 = vector.shape_cast %get3A_579 : vector<1x16xf32> to vector<16xf32>
        %sub3A_581 = arith.subf %get3A_575, %get3A_580 : vector<16xf32>
        %add3A_582 = arith.constant 72 : i32
        %add3A_583 = arith.addi %add3A_582, %scan3A_475 : i32
        %swap3A_584 = arith.index_cast %add3A_583 : i32 to index
        %swap3A_585 = arith.constant 80 : index
        %swap3A_586 = tpu.vector_load %arg8[%swap3A_584, %swap3A_585] {strides = array<i32>} : memref<104x512xf32, #tpu.memory_space<vmem>>, vector<1x16xf32>,
        %swap3A_587 = vector.shape_cast %swap3A_586 : vector<1x16xf32> to vector<16xf32>
        %swap3A_588 = vector.shape_cast %sub3A_581 : vector<16xf32> to vector<1x16xf32>
        tpu.vector_store %arg8[%swap3A_584, %swap3A_585], %swap3A_588 {strides = array<i32>} : memref<104x512xf32, #tpu.memory_space<vmem>>, vector<1x16xf32>,
        %add3A_589 = arith.constant 72 : i32
        %add3A_590 = arith.addi %add3A_589, %scan3A_475 : i32
        %get3A_591 = arith.index_cast %add3A_590 : i32 to index
        %get3A_592 = arith.constant 96 : index
        %get3A_593 = tpu.vector_load %arg8[%get3A_591, %get3A_592] {strides = array<i32>} : memref<104x512xf32, #tpu.memory_space<vmem>>, vector<1x16xf32>,
        %get3A_594 = vector.shape_cast %get3A_593 : vector<1x16xf32> to vector<16xf32>
        %get3A_595 = arith.constant 1 : i32
        %get3A_596 = arith.index_cast %get3A_595 : i32 to index
        %get3A_597 = arith.constant 96 : index
        %get3A_598 = tpu.vector_load %arg8[%get3A_596, %get3A_597] {strides = array<i32>} : memref<104x512xf32, #tpu.memory_space<vmem>>, vector<1x16xf32>,
        %get3A_599 = vector.shape_cast %get3A_598 : vector<1x16xf32> to vector<16xf32>
        %sub3A_600 = arith.subf %get3A_594, %get3A_599 : vector<16xf32>
        %add3A_601 = arith.constant 72 : i32
        %add3A_602 = arith.addi %add3A_601, %scan3A_475 : i32
        %swap3A_603 = arith.index_cast %add3A_602 : i32 to index
        %swap3A_604 = arith.constant 96 : index
        %swap3A_605 = tpu.vector_load %arg8[%swap3A_603, %swap3A_604] {strides = array<i32>} : memref<104x512xf32, #tpu.memory_space<vmem>>, vector<1x16xf32>,
        %swap3A_606 = vector.shape_cast %swap3A_605 : vector<1x16xf32> to vector<16xf32>
        %swap3A_607 = vector.shape_cast %sub3A_600 : vector<16xf32> to vector<1x16xf32>
        tpu.vector_store %arg8[%swap3A_603, %swap3A_604], %swap3A_607 {strides = array<i32>} : memref<104x512xf32, #tpu.memory_space<vmem>>, vector<1x16xf32>,
        %add3A_608 = arith.constant 72 : i32
        %add3A_609 = arith.addi %add3A_608, %scan3A_475 : i32
        %get3A_610 = arith.index_cast %add3A_609 : i32 to index
        %get3A_611 = arith.constant 112 : index
        %get3A_612 = tpu.vector_load %arg8[%get3A_610, %get3A_611] {strides = array<i32>} : memref<104x512xf32, #tpu.memory_space<vmem>>, vector<1x16xf32>,
        %get3A_613 = vector.shape_cast %get3A_612 : vector<1x16xf32> to vector<16xf32>
        %get3A_614 = arith.constant 1 : i32
        %get3A_615 = arith.index_cast %get3A_614 : i32 to index
        %get3A_616 = arith.constant 112 : index
        %get3A_617 = tpu.vector_load %arg8[%get3A_615, %get3A_616] {strides = array<i32>} : memref<104x512xf32, #tpu.memory_space<vmem>>, vector<1x16xf32>,
        %get3A_618 = vector.shape_cast %get3A_617 : vector<1x16xf32> to vector<16xf32>
        %sub3A_619 = arith.subf %get3A_613, %get3A_618 : vector<16xf32>
        %add3A_620 = arith.constant 72 : i32
        %add3A_621 = arith.addi %add3A_620, %scan3A_475 : i32
        %swap3A_622 = arith.index_cast %add3A_621 : i32 to index
        %swap3A_623 = arith.constant 112 : index
        %swap3A_624 = tpu.vector_load %arg8[%swap3A_622, %swap3A_623] {strides = array<i32>} : memref<104x512xf32, #tpu.memory_space<vmem>>, vector<1x16xf32>,
        %swap3A_625 = vector.shape_cast %swap3A_624 : vector<1x16xf32> to vector<16xf32>
        %swap3A_626 = vector.shape_cast %sub3A_619 : vector<16xf32> to vector<1x16xf32>
        tpu.vector_store %arg8[%swap3A_622, %swap3A_623], %swap3A_626 {strides = array<i32>} : memref<104x512xf32, #tpu.memory_space<vmem>>, vector<1x16xf32>,
        %add3A_627 = arith.constant 72 : i32
        %add3A_628 = arith.addi %add3A_627, %scan3A_475 : i32
        %get3A_629 = arith.index_cast %add3A_628 : i32 to index
        %get3A_630 = arith.constant 128 : index
        %get3A_631 = tpu.vector_load %arg8[%get3A_629, %get3A_630] {strides = array<i32>} : memref<104x512xf32, #tpu.memory_space<vmem>>, vector<1x16xf32>,
        %get3A_632 = vector.shape_cast %get3A_631 : vector<1x16xf32> to vector<16xf32>
        %get3A_633 = arith.constant 1 : i32
        %get3A_634 = arith.index_cast %get3A_633 : i32 to index
        %get3A_635 = arith.constant 128 : index
        %get3A_636 = tpu.vector_load %arg8[%get3A_634, %get3A_635] {strides = array<i32>} : memref<104x512xf32, #tpu.memory_space<vmem>>, vector<1x16xf32>,
        %get3A_637 = vector.shape_cast %get3A_636 : vector<1x16xf32> to vector<16xf32>
        %sub3A_638 = arith.subf %get3A_632, %get3A_637 : vector<16xf32>
        %add3A_639 = arith.constant 72 : i32
        %add3A_640 = arith.addi %add3A_639, %scan3A_475 : i32
        %swap3A_641 = arith.index_cast %add3A_640 : i32 to index
        %swap3A_642 = arith.constant 128 : index
        %swap3A_643 = tpu.vector_load %arg8[%swap3A_641, %swap3A_642] {strides = array<i32>} : memref<104x512xf32, #tpu.memory_space<vmem>>, vector<1x16xf32>,
        %swap3A_644 = vector.shape_cast %swap3A_643 : vector<1x16xf32> to vector<16xf32>
        %swap3A_645 = vector.shape_cast %sub3A_638 : vector<16xf32> to vector<1x16xf32>
        tpu.vector_store %arg8[%swap3A_641, %swap3A_642], %swap3A_645 {strides = array<i32>} : memref<104x512xf32, #tpu.memory_space<vmem>>, vector<1x16xf32>,
        %add3A_646 = arith.constant 72 : i32
        %add3A_647 = arith.addi %add3A_646, %scan3A_475 : i32
        %get3A_648 = arith.index_cast %add3A_647 : i32 to index
        %get3A_649 = arith.constant 144 : index
        %get3A_650 = tpu.vector_load %arg8[%get3A_648, %get3A_649] {strides = array<i32>} : memref<104x512xf32, #tpu.memory_space<vmem>>, vector<1x16xf32>,
        %get3A_651 = vector.shape_cast %get3A_650 : vector<1x16xf32> to vector<16xf32>
        %get3A_652 = arith.constant 1 : i32
        %get3A_653 = arith.index_cast %get3A_652 : i32 to index
        %get3A_654 = arith.constant 144 : index
        %get3A_655 = tpu.vector_load %arg8[%get3A_653, %get3A_654] {strides = array<i32>} : memref<104x512xf32, #tpu.memory_space<vmem>>, vector<1x16xf32>,
        %get3A_656 = vector.shape_cast %get3A_655 : vector<1x16xf32> to vector<16xf32>
        %sub3A_657 = arith.subf %get3A_651, %get3A_656 : vector<16xf32>
        %add3A_658 = arith.constant 72 : i32
        %add3A_659 = arith.addi %add3A_658, %scan3A_475 : i32
        %swap3A_660 = arith.index_cast %add3A_659 : i32 to index
        %swap3A_661 = arith.constant 144 : index
        %swap3A_662 = tpu.vector_load %arg8[%swap3A_660, %swap3A_661] {strides = array<i32>} : memref<104x512xf32, #tpu.memory_space<vmem>>, vector<1x16xf32>,
        %swap3A_663 = vector.shape_cast %swap3A_662 : vector<1x16xf32> to vector<16xf32>
        %swap3A_664 = vector.shape_cast %sub3A_657 : vector<16xf32> to vector<1x16xf32>
        tpu.vector_store %arg8[%swap3A_660, %swap3A_661], %swap3A_664 {strides = array<i32>} : memref<104x512xf32, #tpu.memory_space<vmem>>, vector<1x16xf32>,
        %add3A_665 = arith.constant 72 : i32
        %add3A_666 = arith.addi %add3A_665, %scan3A_475 : i32
        %get3A_667 = arith.index_cast %add3A_666 : i32 to index
        %get3A_668 = arith.constant 160 : index
        %get3A_669 = tpu.vector_load %arg8[%get3A_667, %get3A_668] {strides = array<i32>} : memref<104x512xf32, #tpu.memory_space<vmem>>, vector<1x16xf32>,
        %get3A_670 = vector.shape_cast %get3A_669 : vector<1x16xf32> to vector<16xf32>
        %get3A_671 = arith.constant 1 : i32
        %get3A_672 = arith.index_cast %get3A_671 : i32 to index
        %get3A_673 = arith.constant 160 : index
        %get3A_674 = tpu.vector_load %arg8[%get3A_672, %get3A_673] {strides = array<i32>} : memref<104x512xf32, #tpu.memory_space<vmem>>, vector<1x16xf32>,
        %get3A_675 = vector.shape_cast %get3A_674 : vector<1x16xf32> to vector<16xf32>
        %sub3A_676 = arith.subf %get3A_670, %get3A_675 : vector<16xf32>
        %add3A_677 = arith.constant 72 : i32
        %add3A_678 = arith.addi %add3A_677, %scan3A_475 : i32
        %swap3A_679 = arith.index_cast %add3A_678 : i32 to index
        %swap3A_680 = arith.constant 160 : index
        %swap3A_681 = tpu.vector_load %arg8[%swap3A_679, %swap3A_680] {strides = array<i32>} : memref<104x512xf32, #tpu.memory_space<vmem>>, vector<1x16xf32>,
        %swap3A_682 = vector.shape_cast %swap3A_681 : vector<1x16xf32> to vector<16xf32>
        %swap3A_683 = vector.shape_cast %sub3A_676 : vector<16xf32> to vector<1x16xf32>
        tpu.vector_store %arg8[%swap3A_679, %swap3A_680], %swap3A_683 {strides = array<i32>} : memref<104x512xf32, #tpu.memory_space<vmem>>, vector<1x16xf32>,
        %add3A_684 = arith.constant 72 : i32
        %add3A_685 = arith.addi %add3A_684, %scan3A_475 : i32
        %get3A_686 = arith.index_cast %add3A_685 : i32 to index
        %get3A_687 = arith.constant 176 : index
        %get3A_688 = tpu.vector_load %arg8[%get3A_686, %get3A_687] {strides = array<i32>} : memref<104x512xf32, #tpu.memory_space<vmem>>, vector<1x16xf32>,
        %get3A_689 = vector.shape_cast %get3A_688 : vector<1x16xf32> to vector<16xf32>
        %get3A_690 = arith.constant 1 : i32
        %get3A_691 = arith.index_cast %get3A_690 : i32 to index
        %get3A_692 = arith.constant 176 : index
        %get3A_693 = tpu.vector_load %arg8[%get3A_691, %get3A_692] {strides = array<i32>} : memref<104x512xf32, #tpu.memory_space<vmem>>, vector<1x16xf32>,
        %get3A_694 = vector.shape_cast %get3A_693 : vector<1x16xf32> to vector<16xf32>
        %sub3A_695 = arith.subf %get3A_689, %get3A_694 : vector<16xf32>
        %add3A_696 = arith.constant 72 : i32
        %add3A_697 = arith.addi %add3A_696, %scan3A_475 : i32
        %swap3A_698 = arith.index_cast %add3A_697 : i32 to index
        %swap3A_699 = arith.constant 176 : index
        %swap3A_700 = tpu.vector_load %arg8[%swap3A_698, %swap3A_699] {strides = array<i32>} : memref<104x512xf32, #tpu.memory_space<vmem>>, vector<1x16xf32>,
        %swap3A_701 = vector.shape_cast %swap3A_700 : vector<1x16xf32> to vector<16xf32>
        %swap3A_702 = vector.shape_cast %sub3A_695 : vector<16xf32> to vector<1x16xf32>
        tpu.vector_store %arg8[%swap3A_698, %swap3A_699], %swap3A_702 {strides = array<i32>} : memref<104x512xf32, #tpu.memory_space<vmem>>, vector<1x16xf32>,
        %add3A_703 = arith.constant 72 : i32
        %add3A_704 = arith.addi %add3A_703, %scan3A_475 : i32
        %get3A_705 = arith.index_cast %add3A_704 : i32 to index
        %get3A_706 = arith.constant 192 : index
        %get3A_707 = tpu.vector_load %arg8[%get3A_705, %get3A_706] {strides = array<i32>} : memref<104x512xf32, #tpu.memory_space<vmem>>, vector<1x16xf32>,
        %get3A_708 = vector.shape_cast %get3A_707 : vector<1x16xf32> to vector<16xf32>
        %get3A_709 = arith.constant 1 : i32
        %get3A_710 = arith.index_cast %get3A_709 : i32 to index
        %get3A_711 = arith.constant 192 : index
        %get3A_712 = tpu.vector_load %arg8[%get3A_710, %get3A_711] {strides = array<i32>} : memref<104x512xf32, #tpu.memory_space<vmem>>, vector<1x16xf32>,
        %get3A_713 = vector.shape_cast %get3A_712 : vector<1x16xf32> to vector<16xf32>
        %sub3A_714 = arith.subf %get3A_708, %get3A_713 : vector<16xf32>
        %add3A_715 = arith.constant 72 : i32
        %add3A_716 = arith.addi %add3A_715, %scan3A_475 : i32
        %swap3A_717 = arith.index_cast %add3A_716 : i32 to index
        %swap3A_718 = arith.constant 192 : index
        %swap3A_719 = tpu.vector_load %arg8[%swap3A_717, %swap3A_718] {strides = array<i32>} : memref<104x512xf32, #tpu.memory_space<vmem>>, vector<1x16xf32>,
        %swap3A_720 = vector.shape_cast %swap3A_719 : vector<1x16xf32> to vector<16xf32>
        %swap3A_721 = vector.shape_cast %sub3A_714 : vector<16xf32> to vector<1x16xf32>
        tpu.vector_store %arg8[%swap3A_717, %swap3A_718], %swap3A_721 {strides = array<i32>} : memref<104x512xf32, #tpu.memory_space<vmem>>, vector<1x16xf32>,
        %add3A_722 = arith.constant 72 : i32
        %add3A_723 = arith.addi %add3A_722, %scan3A_475 : i32
        %get3A_724 = arith.index_cast %add3A_723 : i32 to index
        %get3A_725 = arith.constant 208 : index
        %get3A_726 = tpu.vector_load %arg8[%get3A_724, %get3A_725] {strides = array<i32>} : memref<104x512xf32, #tpu.memory_space<vmem>>, vector<1x16xf32>,
        %get3A_727 = vector.shape_cast %get3A_726 : vector<1x16xf32> to vector<16xf32>
        %get3A_728 = arith.constant 1 : i32
        %get3A_729 = arith.index_cast %get3A_728 : i32 to index
        %get3A_730 = arith.constant 208 : index
        %get3A_731 = tpu.vector_load %arg8[%get3A_729, %get3A_730] {strides = array<i32>} : memref<104x512xf32, #tpu.memory_space<vmem>>, vector<1x16xf32>,
        %get3A_732 = vector.shape_cast %get3A_731 : vector<1x16xf32> to vector<16xf32>
        %sub3A_733 = arith.subf %get3A_727, %get3A_732 : vector<16xf32>
        %add3A_734 = arith.constant 72 : i32
        %add3A_735 = arith.addi %add3A_734, %scan3A_475 : i32
        %swap3A_736 = arith.index_cast %add3A_735 : i32 to index
        %swap3A_737 = arith.constant 208 : index
        %swap3A_738 = tpu.vector_load %arg8[%swap3A_736, %swap3A_737] {strides = array<i32>} : memref<104x512xf32, #tpu.memory_space<vmem>>, vector<1x16xf32>,
        %swap3A_739 = vector.shape_cast %swap3A_738 : vector<1x16xf32> to vector<16xf32>
        %swap3A_740 = vector.shape_cast %sub3A_733 : vector<16xf32> to vector<1x16xf32>
        tpu.vector_store %arg8[%swap3A_736, %swap3A_737], %swap3A_740 {strides = array<i32>} : memref<104x512xf32, #tpu.memory_space<vmem>>, vector<1x16xf32>,
        %add3A_741 = arith.constant 72 : i32
        %add3A_742 = arith.addi %add3A_741, %scan3A_475 : i32
        %get3A_743 = arith.index_cast %add3A_742 : i32 to index
        %get3A_744 = arith.constant 224 : index
        %get3A_745 = tpu.vector_load %arg8[%get3A_743, %get3A_744] {strides = array<i32>} : memref<104x512xf32, #tpu.memory_space<vmem>>, vector<1x16xf32>,
        %get3A_746 = vector.shape_cast %get3A_745 : vector<1x16xf32> to vector<16xf32>
        %get3A_747 = arith.constant 1 : i32
        %get3A_748 = arith.index_cast %get3A_747 : i32 to index
        %get3A_749 = arith.constant 224 : index
        %get3A_750 = tpu.vector_load %arg8[%get3A_748, %get3A_749] {strides = array<i32>} : memref<104x512xf32, #tpu.memory_space<vmem>>, vector<1x16xf32>,
        %get3A_751 = vector.shape_cast %get3A_750 : vector<1x16xf32> to vector<16xf32>
        %sub3A_752 = arith.subf %get3A_746, %get3A_751 : vector<16xf32>
        %add3A_753 = arith.constant 72 : i32
        %add3A_754 = arith.addi %add3A_753, %scan3A_475 : i32
        %swap3A_755 = arith.index_cast %add3A_754 : i32 to index
        %swap3A_756 = arith.constant 224 : index
        %swap3A_757 = tpu.vector_load %arg8[%swap3A_755, %swap3A_756] {strides = array<i32>} : memref<104x512xf32, #tpu.memory_space<vmem>>, vector<1x16xf32>,
        %swap3A_758 = vector.shape_cast %swap3A_757 : vector<1x16xf32> to vector<16xf32>
        %swap3A_759 = vector.shape_cast %sub3A_752 : vector<16xf32> to vector<1x16xf32>
        tpu.vector_store %arg8[%swap3A_755, %swap3A_756], %swap3A_759 {strides = array<i32>} : memref<104x512xf32, #tpu.memory_space<vmem>>, vector<1x16xf32>,
        %add3A_760 = arith.constant 72 : i32
        %add3A_761 = arith.addi %add3A_760, %scan3A_475 : i32
        %get3A_762 = arith.index_cast %add3A_761 : i32 to index
        %get3A_763 = arith.constant 240 : index
        %get3A_764 = tpu.vector_load %arg8[%get3A_762, %get3A_763] {strides = array<i32>} : memref<104x512xf32, #tpu.memory_space<vmem>>, vector<1x16xf32>,
        %get3A_765 = vector.shape_cast %get3A_764 : vector<1x16xf32> to vector<16xf32>
        %get3A_766 = arith.constant 1 : i32
        %get3A_767 = arith.index_cast %get3A_766 : i32 to index
        %get3A_768 = arith.constant 240 : index
        %get3A_769 = tpu.vector_load %arg8[%get3A_767, %get3A_768] {strides = array<i32>} : memref<104x512xf32, #tpu.memory_space<vmem>>, vector<1x16xf32>,
        %get3A_770 = vector.shape_cast %get3A_769 : vector<1x16xf32> to vector<16xf32>
        %sub3A_771 = arith.subf %get3A_765, %get3A_770 : vector<16xf32>
        %add3A_772 = arith.constant 72 : i32
        %add3A_773 = arith.addi %add3A_772, %scan3A_475 : i32
        %swap3A_774 = arith.index_cast %add3A_773 : i32 to index
        %swap3A_775 = arith.constant 240 : index
        %swap3A_776 = tpu.vector_load %arg8[%swap3A_774, %swap3A_775] {strides = array<i32>} : memref<104x512xf32, #tpu.memory_space<vmem>>, vector<1x16xf32>,
        %swap3A_777 = vector.shape_cast %swap3A_776 : vector<1x16xf32> to vector<16xf32>
        %swap3A_778 = vector.shape_cast %sub3A_771 : vector<16xf32> to vector<1x16xf32>
        tpu.vector_store %arg8[%swap3A_774, %swap3A_775], %swap3A_778 {strides = array<i32>} : memref<104x512xf32, #tpu.memory_space<vmem>>, vector<1x16xf32>,
        %add3A_779 = arith.constant 72 : i32
        %add3A_780 = arith.addi %add3A_779, %scan3A_475 : i32
        %get3A_781 = arith.index_cast %add3A_780 : i32 to index
        %get3A_782 = arith.constant 256 : index
        %get3A_783 = tpu.vector_load %arg8[%get3A_781, %get3A_782] {strides = array<i32>} : memref<104x512xf32, #tpu.memory_space<vmem>>, vector<1x16xf32>,
        %get3A_784 = vector.shape_cast %get3A_783 : vector<1x16xf32> to vector<16xf32>
        %get3A_785 = arith.constant 1 : i32
        %get3A_786 = arith.index_cast %get3A_785 : i32 to index
        %get3A_787 = arith.constant 256 : index
        %get3A_788 = tpu.vector_load %arg8[%get3A_786, %get3A_787] {strides = array<i32>} : memref<104x512xf32, #tpu.memory_space<vmem>>, vector<1x16xf32>,
        %get3A_789 = vector.shape_cast %get3A_788 : vector<1x16xf32> to vector<16xf32>
        %sub3A_790 = arith.subf %get3A_784, %get3A_789 : vector<16xf32>
        %add3A_791 = arith.constant 72 : i32
        %add3A_792 = arith.addi %add3A_791, %scan3A_475 : i32
        %swap3A_793 = arith.index_cast %add3A_792 : i32 to index
        %swap3A_794 = arith.constant 256 : index
        %swap3A_795 = tpu.vector_load %arg8[%swap3A_793, %swap3A_794] {strides = array<i32>} : memref<104x512xf32, #tpu.memory_space<vmem>>, vector<1x16xf32>,
        %swap3A_796 = vector.shape_cast %swap3A_795 : vector<1x16xf32> to vector<16xf32>
        %swap3A_797 = vector.shape_cast %sub3A_790 : vector<16xf32> to vector<1x16xf32>
        tpu.vector_store %arg8[%swap3A_793, %swap3A_794], %swap3A_797 {strides = array<i32>} : memref<104x512xf32, #tpu.memory_space<vmem>>, vector<1x16xf32>,
        %add3A_798 = arith.constant 72 : i32
        %add3A_799 = arith.addi %add3A_798, %scan3A_475 : i32
        %get3A_800 = arith.index_cast %add3A_799 : i32 to index
        %get3A_801 = arith.constant 272 : index
        %get3A_802 = tpu.vector_load %arg8[%get3A_800, %get3A_801] {strides = array<i32>} : memref<104x512xf32, #tpu.memory_space<vmem>>, vector<1x16xf32>,
        %get3A_803 = vector.shape_cast %get3A_802 : vector<1x16xf32> to vector<16xf32>
        %get3A_804 = arith.constant 1 : i32
        %get3A_805 = arith.index_cast %get3A_804 : i32 to index
        %get3A_806 = arith.constant 272 : index
        %get3A_807 = tpu.vector_load %arg8[%get3A_805, %get3A_806] {strides = array<i32>} : memref<104x512xf32, #tpu.memory_space<vmem>>, vector<1x16xf32>,
        %get3A_808 = vector.shape_cast %get3A_807 : vector<1x16xf32> to vector<16xf32>
        %sub3A_809 = arith.subf %get3A_803, %get3A_808 : vector<16xf32>
        %add3A_810 = arith.constant 72 : i32
        %add3A_811 = arith.addi %add3A_810, %scan3A_475 : i32
        %swap3A_812 = arith.index_cast %add3A_811 : i32 to index
        %swap3A_813 = arith.constant 272 : index
        %swap3A_814 = tpu.vector_load %arg8[%swap3A_812, %swap3A_813] {strides = array<i32>} : memref<104x512xf32, #tpu.memory_space<vmem>>, vector<1x16xf32>,
        %swap3A_815 = vector.shape_cast %swap3A_814 : vector<1x16xf32> to vector<16xf32>
        %swap3A_816 = vector.shape_cast %sub3A_809 : vector<16xf32> to vector<1x16xf32>
        tpu.vector_store %arg8[%swap3A_812, %swap3A_813], %swap3A_816 {strides = array<i32>} : memref<104x512xf32, #tpu.memory_space<vmem>>, vector<1x16xf32>,
        %add3A_817 = arith.constant 72 : i32
        %add3A_818 = arith.addi %add3A_817, %scan3A_475 : i32
        %get3A_819 = arith.index_cast %add3A_818 : i32 to index
        %get3A_820 = arith.constant 288 : index
        %get3A_821 = tpu.vector_load %arg8[%get3A_819, %get3A_820] {strides = array<i32>} : memref<104x512xf32, #tpu.memory_space<vmem>>, vector<1x16xf32>,
        %get3A_822 = vector.shape_cast %get3A_821 : vector<1x16xf32> to vector<16xf32>
        %get3A_823 = arith.constant 1 : i32
        %get3A_824 = arith.index_cast %get3A_823 : i32 to index
        %get3A_825 = arith.constant 288 : index
        %get3A_826 = tpu.vector_load %arg8[%get3A_824, %get3A_825] {strides = array<i32>} : memref<104x512xf32, #tpu.memory_space<vmem>>, vector<1x16xf32>,
        %get3A_827 = vector.shape_cast %get3A_826 : vector<1x16xf32> to vector<16xf32>
        %sub3A_828 = arith.subf %get3A_822, %get3A_827 : vector<16xf32>
        %add3A_829 = arith.constant 72 : i32
        %add3A_830 = arith.addi %add3A_829, %scan3A_475 : i32
        %swap3A_831 = arith.index_cast %add3A_830 : i32 to index
        %swap3A_832 = arith.constant 288 : index
        %swap3A_833 = tpu.vector_load %arg8[%swap3A_831, %swap3A_832] {strides = array<i32>} : memref<104x512xf32, #tpu.memory_space<vmem>>, vector<1x16xf32>,
        %swap3A_834 = vector.shape_cast %swap3A_833 : vector<1x16xf32> to vector<16xf32>
        %swap3A_835 = vector.shape_cast %sub3A_828 : vector<16xf32> to vector<1x16xf32>
        tpu.vector_store %arg8[%swap3A_831, %swap3A_832], %swap3A_835 {strides = array<i32>} : memref<104x512xf32, #tpu.memory_space<vmem>>, vector<1x16xf32>,
        %add3A_836 = arith.constant 72 : i32
        %add3A_837 = arith.addi %add3A_836, %scan3A_475 : i32
        %get3A_838 = arith.index_cast %add3A_837 : i32 to index
        %get3A_839 = arith.constant 304 : index
        %get3A_840 = tpu.vector_load %arg8[%get3A_838, %get3A_839] {strides = array<i32>} : memref<104x512xf32, #tpu.memory_space<vmem>>, vector<1x16xf32>,
        %get3A_841 = vector.shape_cast %get3A_840 : vector<1x16xf32> to vector<16xf32>
        %get3A_842 = arith.constant 1 : i32
        %get3A_843 = arith.index_cast %get3A_842 : i32 to index
        %get3A_844 = arith.constant 304 : index
        %get3A_845 = tpu.vector_load %arg8[%get3A_843, %get3A_844] {strides = array<i32>} : memref<104x512xf32, #tpu.memory_space<vmem>>, vector<1x16xf32>,
        %get3A_846 = vector.shape_cast %get3A_845 : vector<1x16xf32> to vector<16xf32>
        %sub3A_847 = arith.subf %get3A_841, %get3A_846 : vector<16xf32>
        %add3A_848 = arith.constant 72 : i32
        %add3A_849 = arith.addi %add3A_848, %scan3A_475 : i32
        %swap3A_850 = arith.index_cast %add3A_849 : i32 to index
        %swap3A_851 = arith.constant 304 : index
        %swap3A_852 = tpu.vector_load %arg8[%swap3A_850, %swap3A_851] {strides = array<i32>} : memref<104x512xf32, #tpu.memory_space<vmem>>, vector<1x16xf32>,
        %swap3A_853 = vector.shape_cast %swap3A_852 : vector<1x16xf32> to vector<16xf32>
        %swap3A_854 = vector.shape_cast %sub3A_847 : vector<16xf32> to vector<1x16xf32>
        tpu.vector_store %arg8[%swap3A_850, %swap3A_851], %swap3A_854 {strides = array<i32>} : memref<104x512xf32, #tpu.memory_space<vmem>>, vector<1x16xf32>,
        %add3A_855 = arith.constant 72 : i32
        %add3A_856 = arith.addi %add3A_855, %scan3A_475 : i32
        %get3A_857 = arith.index_cast %add3A_856 : i32 to index
        %get3A_858 = arith.constant 320 : index
        %get3A_859 = tpu.vector_load %arg8[%get3A_857, %get3A_858] {strides = array<i32>} : memref<104x512xf32, #tpu.memory_space<vmem>>, vector<1x16xf32>,
        %get3A_860 = vector.shape_cast %get3A_859 : vector<1x16xf32> to vector<16xf32>
        %get3A_861 = arith.constant 1 : i32
        %get3A_862 = arith.index_cast %get3A_861 : i32 to index
        %get3A_863 = arith.constant 320 : index
        %get3A_864 = tpu.vector_load %arg8[%get3A_862, %get3A_863] {strides = array<i32>} : memref<104x512xf32, #tpu.memory_space<vmem>>, vector<1x16xf32>,
        %get3A_865 = vector.shape_cast %get3A_864 : vector<1x16xf32> to vector<16xf32>
        %sub3A_866 = arith.subf %get3A_860, %get3A_865 : vector<16xf32>
        %add3A_867 = arith.constant 72 : i32
        %add3A_868 = arith.addi %add3A_867, %scan3A_475 : i32
        %swap3A_869 = arith.index_cast %add3A_868 : i32 to index
        %swap3A_870 = arith.constant 320 : index
        %swap3A_871 = tpu.vector_load %arg8[%swap3A_869, %swap3A_870] {strides = array<i32>} : memref<104x512xf32, #tpu.memory_space<vmem>>, vector<1x16xf32>,
        %swap3A_872 = vector.shape_cast %swap3A_871 : vector<1x16xf32> to vector<16xf32>
        %swap3A_873 = vector.shape_cast %sub3A_866 : vector<16xf32> to vector<1x16xf32>
        tpu.vector_store %arg8[%swap3A_869, %swap3A_870], %swap3A_873 {strides = array<i32>} : memref<104x512xf32, #tpu.memory_space<vmem>>, vector<1x16xf32>,
        %add3A_874 = arith.constant 72 : i32
        %add3A_875 = arith.addi %add3A_874, %scan3A_475 : i32
        %get3A_876 = arith.index_cast %add3A_875 : i32 to index
        %get3A_877 = arith.constant 336 : index
        %get3A_878 = tpu.vector_load %arg8[%get3A_876, %get3A_877] {strides = array<i32>} : memref<104x512xf32, #tpu.memory_space<vmem>>, vector<1x16xf32>,
        %get3A_879 = vector.shape_cast %get3A_878 : vector<1x16xf32> to vector<16xf32>
        %get3A_880 = arith.constant 1 : i32
        %get3A_881 = arith.index_cast %get3A_880 : i32 to index
        %get3A_882 = arith.constant 336 : index
        %get3A_883 = tpu.vector_load %arg8[%get3A_881, %get3A_882] {strides = array<i32>} : memref<104x512xf32, #tpu.memory_space<vmem>>, vector<1x16xf32>,
        %get3A_884 = vector.shape_cast %get3A_883 : vector<1x16xf32> to vector<16xf32>
        %sub3A_885 = arith.subf %get3A_879, %get3A_884 : vector<16xf32>
        %add3A_886 = arith.constant 72 : i32
        %add3A_887 = arith.addi %add3A_886, %scan3A_475 : i32
        %swap3A_888 = arith.index_cast %add3A_887 : i32 to index
        %swap3A_889 = arith.constant 336 : index
        %swap3A_890 = tpu.vector_load %arg8[%swap3A_888, %swap3A_889] {strides = array<i32>} : memref<104x512xf32, #tpu.memory_space<vmem>>, vector<1x16xf32>,
        %swap3A_891 = vector.shape_cast %swap3A_890 : vector<1x16xf32> to vector<16xf32>
        %swap3A_892 = vector.shape_cast %sub3A_885 : vector<16xf32> to vector<1x16xf32>
        tpu.vector_store %arg8[%swap3A_888, %swap3A_889], %swap3A_892 {strides = array<i32>} : memref<104x512xf32, #tpu.memory_space<vmem>>, vector<1x16xf32>,
        %add3A_893 = arith.constant 72 : i32
        %add3A_894 = arith.addi %add3A_893, %scan3A_475 : i32
        %get3A_895 = arith.index_cast %add3A_894 : i32 to index
        %get3A_896 = arith.constant 352 : index
        %get3A_897 = tpu.vector_load %arg8[%get3A_895, %get3A_896] {strides = array<i32>} : memref<104x512xf32, #tpu.memory_space<vmem>>, vector<1x16xf32>,
        %get3A_898 = vector.shape_cast %get3A_897 : vector<1x16xf32> to vector<16xf32>
        %get3A_899 = arith.constant 1 : i32
        %get3A_900 = arith.index_cast %get3A_899 : i32 to index
        %get3A_901 = arith.constant 352 : index
        %get3A_902 = tpu.vector_load %arg8[%get3A_900, %get3A_901] {strides = array<i32>} : memref<104x512xf32, #tpu.memory_space<vmem>>, vector<1x16xf32>,
        %get3A_903 = vector.shape_cast %get3A_902 : vector<1x16xf32> to vector<16xf32>
        %sub3A_904 = arith.subf %get3A_898, %get3A_903 : vector<16xf32>
        %add3A_905 = arith.constant 72 : i32
        %add3A_906 = arith.addi %add3A_905, %scan3A_475 : i32
        %swap3A_907 = arith.index_cast %add3A_906 : i32 to index
        %swap3A_908 = arith.constant 352 : index
        %swap3A_909 = tpu.vector_load %arg8[%swap3A_907, %swap3A_908] {strides = array<i32>} : memref<104x512xf32, #tpu.memory_space<vmem>>, vector<1x16xf32>,
        %swap3A_910 = vector.shape_cast %swap3A_909 : vector<1x16xf32> to vector<16xf32>
        %swap3A_911 = vector.shape_cast %sub3A_904 : vector<16xf32> to vector<1x16xf32>
        tpu.vector_store %arg8[%swap3A_907, %swap3A_908], %swap3A_911 {strides = array<i32>} : memref<104x512xf32, #tpu.memory_space<vmem>>, vector<1x16xf32>,
        %add3A_912 = arith.constant 72 : i32
        %add3A_913 = arith.addi %add3A_912, %scan3A_475 : i32
        %get3A_914 = arith.index_cast %add3A_913 : i32 to index
        %get3A_915 = arith.constant 368 : index
        %get3A_916 = tpu.vector_load %arg8[%get3A_914, %get3A_915] {strides = array<i32>} : memref<104x512xf32, #tpu.memory_space<vmem>>, vector<1x16xf32>,
        %get3A_917 = vector.shape_cast %get3A_916 : vector<1x16xf32> to vector<16xf32>
        %get3A_918 = arith.constant 1 : i32
        %get3A_919 = arith.index_cast %get3A_918 : i32 to index
        %get3A_920 = arith.constant 368 : index
        %get3A_921 = tpu.vector_load %arg8[%get3A_919, %get3A_920] {strides = array<i32>} : memref<104x512xf32, #tpu.memory_space<vmem>>, vector<1x16xf32>,
        %get3A_922 = vector.shape_cast %get3A_921 : vector<1x16xf32> to vector<16xf32>
        %sub3A_923 = arith.subf %get3A_917, %get3A_922 : vector<16xf32>
        %add3A_924 = arith.constant 72 : i32
        %add3A_925 = arith.addi %add3A_924, %scan3A_475 : i32
        %swap3A_926 = arith.index_cast %add3A_925 : i32 to index
        %swap3A_927 = arith.constant 368 : index
        %swap3A_928 = tpu.vector_load %arg8[%swap3A_926, %swap3A_927] {strides = array<i32>} : memref<104x512xf32, #tpu.memory_space<vmem>>, vector<1x16xf32>,
        %swap3A_929 = vector.shape_cast %swap3A_928 : vector<1x16xf32> to vector<16xf32>
        %swap3A_930 = vector.shape_cast %sub3A_923 : vector<16xf32> to vector<1x16xf32>
        tpu.vector_store %arg8[%swap3A_926, %swap3A_927], %swap3A_930 {strides = array<i32>} : memref<104x512xf32, #tpu.memory_space<vmem>>, vector<1x16xf32>,
        %add3A_931 = arith.constant 72 : i32
        %add3A_932 = arith.addi %add3A_931, %scan3A_475 : i32
        %get3A_933 = arith.index_cast %add3A_932 : i32 to index
        %get3A_934 = arith.constant 384 : index
        %get3A_935 = tpu.vector_load %arg8[%get3A_933, %get3A_934] {strides = array<i32>} : memref<104x512xf32, #tpu.memory_space<vmem>>, vector<1x16xf32>,
        %get3A_936 = vector.shape_cast %get3A_935 : vector<1x16xf32> to vector<16xf32>
        %get3A_937 = arith.constant 1 : i32
        %get3A_938 = arith.index_cast %get3A_937 : i32 to index
        %get3A_939 = arith.constant 384 : index
        %get3A_940 = tpu.vector_load %arg8[%get3A_938, %get3A_939] {strides = array<i32>} : memref<104x512xf32, #tpu.memory_space<vmem>>, vector<1x16xf32>,
        %get3A_941 = vector.shape_cast %get3A_940 : vector<1x16xf32> to vector<16xf32>
        %sub3A_942 = arith.subf %get3A_936, %get3A_941 : vector<16xf32>
        %add3A_943 = arith.constant 72 : i32
        %add3A_944 = arith.addi %add3A_943, %scan3A_475 : i32
        %swap3A_945 = arith.index_cast %add3A_944 : i32 to index
        %swap3A_946 = arith.constant 384 : index
        %swap3A_947 = tpu.vector_load %arg8[%swap3A_945, %swap3A_946] {strides = array<i32>} : memref<104x512xf32, #tpu.memory_space<vmem>>, vector<1x16xf32>,
        %swap3A_948 = vector.shape_cast %swap3A_947 : vector<1x16xf32> to vector<16xf32>
        %swap3A_949 = vector.shape_cast %sub3A_942 : vector<16xf32> to vector<1x16xf32>
        tpu.vector_store %arg8[%swap3A_945, %swap3A_946], %swap3A_949 {strides = array<i32>} : memref<104x512xf32, #tpu.memory_space<vmem>>, vector<1x16xf32>,
        %add3A_950 = arith.constant 72 : i32
        %add3A_951 = arith.addi %add3A_950, %scan3A_475 : i32
        %get3A_952 = arith.index_cast %add3A_951 : i32 to index
        %get3A_953 = arith.constant 400 : index
        %get3A_954 = tpu.vector_load %arg8[%get3A_952, %get3A_953] {strides = array<i32>} : memref<104x512xf32, #tpu.memory_space<vmem>>, vector<1x16xf32>,
        %get3A_955 = vector.shape_cast %get3A_954 : vector<1x16xf32> to vector<16xf32>
        %get3A_956 = arith.constant 1 : i32
        %get3A_957 = arith.index_cast %get3A_956 : i32 to index
        %get3A_958 = arith.constant 400 : index
        %get3A_959 = tpu.vector_load %arg8[%get3A_957, %get3A_958] {strides = array<i32>} : memref<104x512xf32, #tpu.memory_space<vmem>>, vector<1x16xf32>,
        %get3A_960 = vector.shape_cast %get3A_959 : vector<1x16xf32> to vector<16xf32>
        %sub3A_961 = arith.subf %get3A_955, %get3A_960 : vector<16xf32>
        %add3A_962 = arith.constant 72 : i32
        %add3A_963 = arith.addi %add3A_962, %scan3A_475 : i32
        %swap3A_964 = arith.index_cast %add3A_963 : i32 to index
        %swap3A_965 = arith.constant 400 : index
        %swap3A_966 = tpu.vector_load %arg8[%swap3A_964, %swap3A_965] {strides = array<i32>} : memref<104x512xf32, #tpu.memory_space<vmem>>, vector<1x16xf32>,
        %swap3A_967 = vector.shape_cast %swap3A_966 : vector<1x16xf32> to vector<16xf32>
        %swap3A_968 = vector.shape_cast %sub3A_961 : vector<16xf32> to vector<1x16xf32>
        tpu.vector_store %arg8[%swap3A_964, %swap3A_965], %swap3A_968 {strides = array<i32>} : memref<104x512xf32, #tpu.memory_space<vmem>>, vector<1x16xf32>,
        %add3A_969 = arith.constant 72 : i32
        %add3A_970 = arith.addi %add3A_969, %scan3A_475 : i32
        %get3A_971 = arith.index_cast %add3A_970 : i32 to index
        %get3A_972 = arith.constant 416 : index
        %get3A_973 = tpu.vector_load %arg8[%get3A_971, %get3A_972] {strides = array<i32>} : memref<104x512xf32, #tpu.memory_space<vmem>>, vector<1x16xf32>,
        %get3A_974 = vector.shape_cast %get3A_973 : vector<1x16xf32> to vector<16xf32>
        %get3A_975 = arith.constant 1 : i32
        %get3A_976 = arith.index_cast %get3A_975 : i32 to index
        %get3A_977 = arith.constant 416 : index
        %get3A_978 = tpu.vector_load %arg8[%get3A_976, %get3A_977] {strides = array<i32>} : memref<104x512xf32, #tpu.memory_space<vmem>>, vector<1x16xf32>,
        %get3A_979 = vector.shape_cast %get3A_978 : vector<1x16xf32> to vector<16xf32>
        %sub3A_980 = arith.subf %get3A_974, %get3A_979 : vector<16xf32>
        %add3A_981 = arith.constant 72 : i32
        %add3A_982 = arith.addi %add3A_981, %scan3A_475 : i32
        %swap3A_983 = arith.index_cast %add3A_982 : i32 to index
        %swap3A_984 = arith.constant 416 : index
        %swap3A_985 = tpu.vector_load %arg8[%swap3A_983, %swap3A_984] {strides = array<i32>} : memref<104x512xf32, #tpu.memory_space<vmem>>, vector<1x16xf32>,
        %swap3A_986 = vector.shape_cast %swap3A_985 : vector<1x16xf32> to vector<16xf32>
        %swap3A_987 = vector.shape_cast %sub3A_980 : vector<16xf32> to vector<1x16xf32>
        tpu.vector_store %arg8[%swap3A_983, %swap3A_984], %swap3A_987 {strides = array<i32>} : memref<104x512xf32, #tpu.memory_space<vmem>>, vector<1x16xf32>,
        %add3A_988 = arith.constant 72 : i32
        %add3A_989 = arith.addi %add3A_988, %scan3A_475 : i32
        %get3A_990 = arith.index_cast %add3A_989 : i32 to index
        %get3A_991 = arith.constant 432 : index
        %get3A_992 = tpu.vector_load %arg8[%get3A_990, %get3A_991] {strides = array<i32>} : memref<104x512xf32, #tpu.memory_space<vmem>>, vector<1x16xf32>,
        %get3A_993 = vector.shape_cast %get3A_992 : vector<1x16xf32> to vector<16xf32>
        %get3A_994 = arith.constant 1 : i32
        %get3A_995 = arith.index_cast %get3A_994 : i32 to index
        %get3A_996 = arith.constant 432 : index
        %get3A_997 = tpu.vector_load %arg8[%get3A_995, %get3A_996] {strides = array<i32>} : memref<104x512xf32, #tpu.memory_space<vmem>>, vector<1x16xf32>,
        %get3A_998 = vector.shape_cast %get3A_997 : vector<1x16xf32> to vector<16xf32>
        %sub3A_999 = arith.subf %get3A_993, %get3A_998 : vector<16xf32>
        %add3A_1000 = arith.constant 72 : i32
        %add3A_1001 = arith.addi %add3A_1000, %scan3A_475 : i32
        %swap3A_1002 = arith.index_cast %add3A_1001 : i32 to index
        %swap3A_1003 = arith.constant 432 : index
        %swap3A_1004 = tpu.vector_load %arg8[%swap3A_1002, %swap3A_1003] {strides = array<i32>} : memref<104x512xf32, #tpu.memory_space<vmem>>, vector<1x16xf32>,
        %swap3A_1005 = vector.shape_cast %swap3A_1004 : vector<1x16xf32> to vector<16xf32>
        %swap3A_1006 = vector.shape_cast %sub3A_999 : vector<16xf32> to vector<1x16xf32>
        tpu.vector_store %arg8[%swap3A_1002, %swap3A_1003], %swap3A_1006 {strides = array<i32>} : memref<104x512xf32, #tpu.memory_space<vmem>>, vector<1x16xf32>,
        %add3A_1007 = arith.constant 72 : i32
        %add3A_1008 = arith.addi %add3A_1007, %scan3A_475 : i32
        %get3A_1009 = arith.index_cast %add3A_1008 : i32 to index
        %get3A_1010 = arith.constant 448 : index
        %get3A_1011 = tpu.vector_load %arg8[%get3A_1009, %get3A_1010] {strides = array<i32>} : memref<104x512xf32, #tpu.memory_space<vmem>>, vector<1x16xf32>,
        %get3A_1012 = vector.shape_cast %get3A_1011 : vector<1x16xf32> to vector<16xf32>
        %get3A_1013 = arith.constant 1 : i32
        %get3A_1014 = arith.index_cast %get3A_1013 : i32 to index
        %get3A_1015 = arith.constant 448 : index
        %get3A_1016 = tpu.vector_load %arg8[%get3A_1014, %get3A_1015] {strides = array<i32>} : memref<104x512xf32, #tpu.memory_space<vmem>>, vector<1x16xf32>,
        %get3A_1017 = vector.shape_cast %get3A_1016 : vector<1x16xf32> to vector<16xf32>
        %sub3A_1018 = arith.subf %get3A_1012, %get3A_1017 : vector<16xf32>
        %add3A_1019 = arith.constant 72 : i32
        %add3A_1020 = arith.addi %add3A_1019, %scan3A_475 : i32
        %swap3A_1021 = arith.index_cast %add3A_1020 : i32 to index
        %swap3A_1022 = arith.constant 448 : index
        %swap3A_1023 = tpu.vector_load %arg8[%swap3A_1021, %swap3A_1022] {strides = array<i32>} : memref<104x512xf32, #tpu.memory_space<vmem>>, vector<1x16xf32>,
        %swap3A_1024 = vector.shape_cast %swap3A_1023 : vector<1x16xf32> to vector<16xf32>
        %swap3A_1025 = vector.shape_cast %sub3A_1018 : vector<16xf32> to vector<1x16xf32>
        tpu.vector_store %arg8[%swap3A_1021, %swap3A_1022], %swap3A_1025 {strides = array<i32>} : memref<104x512xf32, #tpu.memory_space<vmem>>, vector<1x16xf32>,
        %add3A_1026 = arith.constant 72 : i32
        %add3A_1027 = arith.addi %add3A_1026, %scan3A_475 : i32
        %get3A_1028 = arith.index_cast %add3A_1027 : i32 to index
        %get3A_1029 = arith.constant 464 : index
        %get3A_1030 = tpu.vector_load %arg8[%get3A_1028, %get3A_1029] {strides = array<i32>} : memref<104x512xf32, #tpu.memory_space<vmem>>, vector<1x16xf32>,
        %get3A_1031 = vector.shape_cast %get3A_1030 : vector<1x16xf32> to vector<16xf32>
        %get3A_1032 = arith.constant 1 : i32
        %get3A_1033 = arith.index_cast %get3A_1032 : i32 to index
        %get3A_1034 = arith.constant 464 : index
        %get3A_1035 = tpu.vector_load %arg8[%get3A_1033, %get3A_1034] {strides = array<i32>} : memref<104x512xf32, #tpu.memory_space<vmem>>, vector<1x16xf32>,
        %get3A_1036 = vector.shape_cast %get3A_1035 : vector<1x16xf32> to vector<16xf32>
        %sub3A_1037 = arith.subf %get3A_1031, %get3A_1036 : vector<16xf32>
        %add3A_1038 = arith.constant 72 : i32
        %add3A_1039 = arith.addi %add3A_1038, %scan3A_475 : i32
        %swap3A_1040 = arith.index_cast %add3A_1039 : i32 to index
        %swap3A_1041 = arith.constant 464 : index
        %swap3A_1042 = tpu.vector_load %arg8[%swap3A_1040, %swap3A_1041] {strides = array<i32>} : memref<104x512xf32, #tpu.memory_space<vmem>>, vector<1x16xf32>,
        %swap3A_1043 = vector.shape_cast %swap3A_1042 : vector<1x16xf32> to vector<16xf32>
        %swap3A_1044 = vector.shape_cast %sub3A_1037 : vector<16xf32> to vector<1x16xf32>
        tpu.vector_store %arg8[%swap3A_1040, %swap3A_1041], %swap3A_1044 {strides = array<i32>} : memref<104x512xf32, #tpu.memory_space<vmem>>, vector<1x16xf32>,
        %add3A_1045 = arith.constant 72 : i32
        %add3A_1046 = arith.addi %add3A_1045, %scan3A_475 : i32
        %get3A_1047 = arith.index_cast %add3A_1046 : i32 to index
        %get3A_1048 = arith.constant 480 : index
        %get3A_1049 = tpu.vector_load %arg8[%get3A_1047, %get3A_1048] {strides = array<i32>} : memref<104x512xf32, #tpu.memory_space<vmem>>, vector<1x16xf32>,
        %get3A_1050 = vector.shape_cast %get3A_1049 : vector<1x16xf32> to vector<16xf32>
        %get3A_1051 = arith.constant 1 : i32
        %get3A_1052 = arith.index_cast %get3A_1051 : i32 to index
        %get3A_1053 = arith.constant 480 : index
        %get3A_1054 = tpu.vector_load %arg8[%get3A_1052, %get3A_1053] {strides = array<i32>} : memref<104x512xf32, #tpu.memory_space<vmem>>, vector<1x16xf32>,
        %get3A_1055 = vector.shape_cast %get3A_1054 : vector<1x16xf32> to vector<16xf32>
        %sub3A_1056 = arith.subf %get3A_1050, %get3A_1055 : vector<16xf32>
        %add3A_1057 = arith.constant 72 : i32
        %add3A_1058 = arith.addi %add3A_1057, %scan3A_475 : i32
        %swap3A_1059 = arith.index_cast %add3A_1058 : i32 to index
        %swap3A_1060 = arith.constant 480 : index
        %swap3A_1061 = tpu.vector_load %arg8[%swap3A_1059, %swap3A_1060] {strides = array<i32>} : memref<104x512xf32, #tpu.memory_space<vmem>>, vector<1x16xf32>,
        %swap3A_1062 = vector.shape_cast %swap3A_1061 : vector<1x16xf32> to vector<16xf32>
        %swap3A_1063 = vector.shape_cast %sub3A_1056 : vector<16xf32> to vector<1x16xf32>
        tpu.vector_store %arg8[%swap3A_1059, %swap3A_1060], %swap3A_1063 {strides = array<i32>} : memref<104x512xf32, #tpu.memory_space<vmem>>, vector<1x16xf32>,
        %add3A_1064 = arith.constant 72 : i32
        %add3A_1065 = arith.addi %add3A_1064, %scan3A_475 : i32
        %get3A_1066 = arith.index_cast %add3A_1065 : i32 to index
        %get3A_1067 = arith.constant 496 : index
        %get3A_1068 = tpu.vector_load %arg8[%get3A_1066, %get3A_1067] {strides = array<i32>} : memref<104x512xf32, #tpu.memory_space<vmem>>, vector<1x16xf32>,
        %get3A_1069 = vector.shape_cast %get3A_1068 : vector<1x16xf32> to vector<16xf32>
        %get3A_1070 = arith.constant 1 : i32
        %get3A_1071 = arith.index_cast %get3A_1070 : i32 to index
        %get3A_1072 = arith.constant 496 : index
        %get3A_1073 = tpu.vector_load %arg8[%get3A_1071, %get3A_1072] {strides = array<i32>} : memref<104x512xf32, #tpu.memory_space<vmem>>, vector<1x16xf32>,
        %get3A_1074 = vector.shape_cast %get3A_1073 : vector<1x16xf32> to vector<16xf32>
        %sub3A_1075 = arith.subf %get3A_1069, %get3A_1074 : vector<16xf32>
        %add3A_1076 = arith.constant 72 : i32
        %add3A_1077 = arith.addi %add3A_1076, %scan3A_475 : i32
        %swap3A_1078 = arith.index_cast %add3A_1077 : i32 to index
        %swap3A_1079 = arith.constant 496 : index
        %swap3A_1080 = tpu.vector_load %arg8[%swap3A_1078, %swap3A_1079] {strides = array<i32>} : memref<104x512xf32, #tpu.memory_space<vmem>>, vector<1x16xf32>,
        %swap3A_1081 = vector.shape_cast %swap3A_1080 : vector<1x16xf32> to vector<16xf32>
        %swap3A_1082 = vector.shape_cast %sub3A_1075 : vector<16xf32> to vector<1x16xf32>
        tpu.vector_store %arg8[%swap3A_1078, %swap3A_1079], %swap3A_1082 {strides = array<i32>} : memref<104x512xf32, #tpu.memory_space<vmem>>, vector<1x16xf32>,
      }
      %scan3A_396 = arith.constant 32 : i32
      %dma_start3A = arith.constant 0 : i32
      %dma_start3A_397 = arith.constant 72 : i32
      %dma_start3A_398 = arith.constant 0 : i32
      %dma_start3A_399 = tpu.memref_slice %arg8[%dma_start3A_397, %dma_start3A_398] : memref<104x512xf32, #tpu.memory_space<vmem>> -> memref<32x128xf32, #tpu.memory_space<vmem>>
      %dma_start3A_400 = arith.constant 0 : i32
      %dma_start3A_401 = tpu.memref_slice %arg10[%dma_start3A, %dma_start3A_400] : memref<4x32xi32, #tpu.memory_space<vmem>> -> memref<1x32xi32, #tpu.memory_space<vmem>>
      %dma_start3A_402 = tpu.memref_squeeze %dma_start3A_401 : memref<1x32xi32, #tpu.memory_space<vmem>> -> memref<32xi32, #tpu.memory_space<vmem>>
      %dma_start3A_403 = arith.constant 0 : i32
      %dma_start3A_404 = arith.constant 0 : i32
      %dma_start3A_405 = tpu.memref_slice %arg7[%dma_start3A_403, %dma_start3A_404] : memref<131072x128xf32, #tpu.memory_space<hbm>> -> memref<131072x128xf32, #tpu.memory_space<hbm>>
      tpu.enqueue_indirect_dma source(%dma_start3A_399 : memref<32x128xf32, #tpu.memory_space<vmem>>) target(%dma_start3A_405 : memref<131072x128xf32, #tpu.memory_space<hbm>>) offsets(%dma_start3A_402 : memref<32xi32, #tpu.memory_space<vmem>>) semaphore(%arg13 : memref<!tpu.dma_semaphore, #tpu.memory_space<semaphore_mem>>)
      %dma_start3A_406 = arith.constant 1 : i32
      %dma_start3A_407 = arith.constant 72 : i32
      %dma_start3A_408 = arith.constant 128 : i32
      %dma_start3A_409 = tpu.memref_slice %arg8[%dma_start3A_407, %dma_start3A_408] : memref<104x512xf32, #tpu.memory_space<vmem>> -> memref<32x128xf32, #tpu.memory_space<vmem>>
      %dma_start3A_410 = arith.constant 0 : i32
      %dma_start3A_411 = tpu.memref_slice %arg10[%dma_start3A_406, %dma_start3A_410] : memref<4x32xi32, #tpu.memory_space<vmem>> -> memref<1x32xi32, #tpu.memory_space<vmem>>
      %dma_start3A_412 = tpu.memref_squeeze %dma_start3A_411 : memref<1x32xi32, #tpu.memory_space<vmem>> -> memref<32xi32, #tpu.memory_space<vmem>>
      %dma_start3A_413 = arith.constant 0 : i32
      %dma_start3A_414 = arith.constant 0 : i32
      %dma_start3A_415 = tpu.memref_slice %arg7[%dma_start3A_413, %dma_start3A_414] : memref<131072x128xf32, #tpu.memory_space<hbm>> -> memref<131072x128xf32, #tpu.memory_space<hbm>>
      tpu.enqueue_indirect_dma source(%dma_start3A_409 : memref<32x128xf32, #tpu.memory_space<vmem>>) target(%dma_start3A_415 : memref<131072x128xf32, #tpu.memory_space<hbm>>) offsets(%dma_start3A_412 : memref<32xi32, #tpu.memory_space<vmem>>) semaphore(%arg13 : memref<!tpu.dma_semaphore, #tpu.memory_space<semaphore_mem>>)
      %dma_start3A_416 = arith.constant 2 : i32
      %dma_start3A_417 = arith.constant 72 : i32
      %dma_start3A_418 = arith.constant 256 : i32
      %dma_start3A_419 = tpu.memref_slice %arg8[%dma_start3A_417, %dma_start3A_418] : memref<104x512xf32, #tpu.memory_space<vmem>> -> memref<32x128xf32, #tpu.memory_space<vmem>>
      %dma_start3A_420 = arith.constant 0 : i32
      %dma_start3A_421 = tpu.memref_slice %arg10[%dma_start3A_416, %dma_start3A_420] : memref<4x32xi32, #tpu.memory_space<vmem>> -> memref<1x32xi32, #tpu.memory_space<vmem>>
      %dma_start3A_422 = tpu.memref_squeeze %dma_start3A_421 : memref<1x32xi32, #tpu.memory_space<vmem>> -> memref<32xi32, #tpu.memory_space<vmem>>
      %dma_start3A_423 = arith.constant 0 : i32
      %dma_start3A_424 = arith.constant 0 : i32
      %dma_start3A_425 = tpu.memref_slice %arg7[%dma_start3A_423, %dma_start3A_424] : memref<131072x128xf32, #tpu.memory_space<hbm>> -> memref<131072x128xf32, #tpu.memory_space<hbm>>
      tpu.enqueue_indirect_dma source(%dma_start3A_419 : memref<32x128xf32, #tpu.memory_space<vmem>>) target(%dma_start3A_425 : memref<131072x128xf32, #tpu.memory_space<hbm>>) offsets(%dma_start3A_422 : memref<32xi32, #tpu.memory_space<vmem>>) semaphore(%arg13 : memref<!tpu.dma_semaphore, #tpu.memory_space<semaphore_mem>>)
      %dma_start3A_426 = arith.constant 3 : i32
      %dma_start3A_427 = arith.constant 72 : i32
      %dma_start3A_428 = arith.constant 384 : i32
      %dma_start3A_429 = tpu.memref_slice %arg8[%dma_start3A_427, %dma_start3A_428] : memref<104x512xf32, #tpu.memory_space<vmem>> -> memref<32x128xf32, #tpu.memory_space<vmem>>
      %dma_start3A_430 = arith.constant 0 : i32
      %dma_start3A_431 = tpu.memref_slice %arg10[%dma_start3A_426, %dma_start3A_430] : memref<4x32xi32, #tpu.memory_space<vmem>> -> memref<1x32xi32, #tpu.memory_space<vmem>>
      %dma_start3A_432 = tpu.memref_squeeze %dma_start3A_431 : memref<1x32xi32, #tpu.memory_space<vmem>> -> memref<32xi32, #tpu.memory_space<vmem>>
      %dma_start3A_433 = arith.constant 0 : i32
      %dma_start3A_434 = arith.constant 0 : i32
      %dma_start3A_435 = tpu.memref_slice %arg7[%dma_start3A_433, %dma_start3A_434] : memref<131072x128xf32, #tpu.memory_space<hbm>> -> memref<131072x128xf32, #tpu.memory_space<hbm>>
      tpu.enqueue_indirect_dma source(%dma_start3A_429 : memref<32x128xf32, #tpu.memory_space<vmem>>) target(%dma_start3A_435 : memref<131072x128xf32, #tpu.memory_space<hbm>>) offsets(%dma_start3A_432 : memref<32xi32, #tpu.memory_space<vmem>>) semaphore(%arg13 : memref<!tpu.dma_semaphore, #tpu.memory_space<semaphore_mem>>)
      %dma_wait3A = arith.constant 0 : i32
      %dma_wait3A_436 = arith.constant 72 : i32
      %dma_wait3A_437 = arith.constant 0 : i32
      %dma_wait3A_438 = tpu.memref_slice %arg8[%dma_wait3A_436, %dma_wait3A_437] : memref<104x512xf32, #tpu.memory_space<vmem>> -> memref<32x128xf32, #tpu.memory_space<vmem>>
      %dma_wait3A_439 = arith.constant 0 : i32
      %dma_wait3A_440 = tpu.memref_slice %arg10[%dma_wait3A, %dma_wait3A_439] : memref<4x32xi32, #tpu.memory_space<vmem>> -> memref<1x32xi32, #tpu.memory_space<vmem>>
      %dma_wait3A_441 = tpu.memref_squeeze %dma_wait3A_440 : memref<1x32xi32, #tpu.memory_space<vmem>> -> memref<32xi32, #tpu.memory_space<vmem>>
      %dma_wait3A_442 = arith.constant 0 : i32
      %dma_wait3A_443 = arith.constant 0 : i32
      %dma_wait3A_444 = tpu.memref_slice %arg7[%dma_wait3A_442, %dma_wait3A_443] : memref<131072x128xf32, #tpu.memory_space<hbm>> -> memref<131072x128xf32, #tpu.memory_space<hbm>>
      tpu.wait_indirect_dma semaphore(%arg13 : memref<!tpu.dma_semaphore, #tpu.memory_space<semaphore_mem>>) src(%dma_wait3A_438 : memref<32x128xf32, #tpu.memory_space<vmem>>) dst(%dma_wait3A_444 : memref<131072x128xf32, #tpu.memory_space<hbm>>)
      %dma_wait3A_445 = arith.constant 1 : i32
      %dma_wait3A_446 = arith.constant 72 : i32
      %dma_wait3A_447 = arith.constant 128 : i32
      %dma_wait3A_448 = tpu.memref_slice %arg8[%dma_wait3A_446, %dma_wait3A_447] : memref<104x512xf32, #tpu.memory_space<vmem>> -> memref<32x128xf32, #tpu.memory_space<vmem>>
      %dma_wait3A_449 = arith.constant 0 : i32
      %dma_wait3A_450 = tpu.memref_slice %arg10[%dma_wait3A_445, %dma_wait3A_449] : memref<4x32xi32, #tpu.memory_space<vmem>> -> memref<1x32xi32, #tpu.memory_space<vmem>>
      %dma_wait3A_451 = tpu.memref_squeeze %dma_wait3A_450 : memref<1x32xi32, #tpu.memory_space<vmem>> -> memref<32xi32, #tpu.memory_space<vmem>>
      %dma_wait3A_452 = arith.constant 0 : i32
      %dma_wait3A_453 = arith.constant 0 : i32
      %dma_wait3A_454 = tpu.memref_slice %arg7[%dma_wait3A_452, %dma_wait3A_453] : memref<131072x128xf32, #tpu.memory_space<hbm>> -> memref<131072x128xf32, #tpu.memory_space<hbm>>
      tpu.wait_indirect_dma semaphore(%arg13 : memref<!tpu.dma_semaphore, #tpu.memory_space<semaphore_mem>>) src(%dma_wait3A_448 : memref<32x128xf32, #tpu.memory_space<vmem>>) dst(%dma_wait3A_454 : memref<131072x128xf32, #tpu.memory_space<hbm>>)
      %dma_wait3A_455 = arith.constant 2 : i32
      %dma_wait3A_456 = arith.constant 72 : i32
      %dma_wait3A_457 = arith.constant 256 : i32
      %dma_wait3A_458 = tpu.memref_slice %arg8[%dma_wait3A_456, %dma_wait3A_457] : memref<104x512xf32, #tpu.memory_space<vmem>> -> memref<32x128xf32, #tpu.memory_space<vmem>>
      %dma_wait3A_459 = arith.constant 0 : i32
      %dma_wait3A_460 = tpu.memref_slice %arg10[%dma_wait3A_455, %dma_wait3A_459] : memref<4x32xi32, #tpu.memory_space<vmem>> -> memref<1x32xi32, #tpu.memory_space<vmem>>
      %dma_wait3A_461 = tpu.memref_squeeze %dma_wait3A_460 : memref<1x32xi32, #tpu.memory_space<vmem>> -> memref<32xi32, #tpu.memory_space<vmem>>
      %dma_wait3A_462 = arith.constant 0 : i32
      %dma_wait3A_463 = arith.constant 0 : i32
      %dma_wait3A_464 = tpu.memref_slice %arg7[%dma_wait3A_462, %dma_wait3A_463] : memref<131072x128xf32, #tpu.memory_space<hbm>> -> memref<131072x128xf32, #tpu.memory_space<hbm>>
      tpu.wait_indirect_dma semaphore(%arg13 : memref<!tpu.dma_semaphore, #tpu.memory_space<semaphore_mem>>) src(%dma_wait3A_458 : memref<32x128xf32, #tpu.memory_space<vmem>>) dst(%dma_wait3A_464 : memref<131072x128xf32, #tpu.memory_space<hbm>>)
      %dma_wait3A_465 = arith.constant 3 : i32
      %dma_wait3A_466 = arith.constant 72 : i32
      %dma_wait3A_467 = arith.constant 384 : i32
      %dma_wait3A_468 = tpu.memref_slice %arg8[%dma_wait3A_466, %dma_wait3A_467] : memref<104x512xf32, #tpu.memory_space<vmem>> -> memref<32x128xf32, #tpu.memory_space<vmem>>
      %dma_wait3A_469 = arith.constant 0 : i32
      %dma_wait3A_470 = tpu.memref_slice %arg10[%dma_wait3A_465, %dma_wait3A_469] : memref<4x32xi32, #tpu.memory_space<vmem>> -> memref<1x32xi32, #tpu.memory_space<vmem>>
      %dma_wait3A_471 = tpu.memref_squeeze %dma_wait3A_470 : memref<1x32xi32, #tpu.memory_space<vmem>> -> memref<32xi32, #tpu.memory_space<vmem>>
      %dma_wait3A_472 = arith.constant 0 : i32
      %dma_wait3A_473 = arith.constant 0 : i32
      %dma_wait3A_474 = tpu.memref_slice %arg7[%dma_wait3A_472, %dma_wait3A_473] : memref<131072x128xf32, #tpu.memory_space<hbm>> -> memref<131072x128xf32, #tpu.memory_space<hbm>>
      tpu.wait_indirect_dma semaphore(%arg13 : memref<!tpu.dma_semaphore, #tpu.memory_space<semaphore_mem>>) src(%dma_wait3A_468 : memref<32x128xf32, #tpu.memory_space<vmem>>) dst(%dma_wait3A_474 : memref<131072x128xf32, #tpu.memory_space<hbm>>)
    }
    %scan3A_5 = arith.constant 32 : i32
    return
  }
}

#map = affine_map<(d0, d1) -> (0)>
#map1 = affine_map<(d0, d1) -> (0, 0)>
module attributes {stable_mosaic.version = 14 : i64} {
  func.func @_sc_body(%arg0: i32, %arg1: i32, %arg2: memref<32xi32, #tpu.memory_space<hbm>>, %arg3: memref<112xi32, #tpu.memory_space<hbm>>, %arg4: memref<112xi32, #tpu.memory_space<hbm>>, %arg5: memref<524288xf32, #tpu.memory_space<hbm>>, %arg6: memref<64x524288xf32, #tpu.memory_space<hbm>>, %arg7: memref<131072x128xf32, #tpu.memory_space<hbm>>, %arg8: memref<104x512xf32, #tpu.memory_space<vmem>>, %arg9: memref<32xi32, #tpu.memory_space<vmem>>, %arg10: memref<4x32xi32, #tpu.memory_space<vmem>>, %arg11: memref<112xi32, #tpu.memory_space<vmem>>, %arg12: memref<112xi32, #tpu.memory_space<vmem>>, %arg13: memref<!tpu.dma_semaphore, #tpu.memory_space<semaphore_mem>>) attributes {dimension_semantics = [#tpu.dimension_semantics<core_parallel>, #tpu.dimension_semantics<subcore_parallel>], iteration_bounds = array<i64: 2, 16>, scalar_prefetch = 0 : i64, scratch_operands = 6 : i64, tpu.core_type = #tpu.core_type<sc_vector_subcore>, window_params = [{transform_indices = #map}, {transform_indices = #map}, {transform_indices = #map}, {transform_indices = #map}, {transform_indices = #map1}, {transform_indices = #map1}]} {
    %mul3A = arith.constant 2 : i32
    %mul3A_0 = arith.muli %arg1, %mul3A : i32
    %add3A = arith.addi %mul3A_0, %arg0 : i32
    "tpu.region"() ({
      %run_scoped3A = tpu.sem_alloc : memref<!tpu.dma_semaphore, #tpu.memory_space<semaphore_mem>>
      tpu.enqueue_dma source(%arg2 : memref<32xi32, #tpu.memory_space<hbm>>) target(%arg9 : memref<32xi32, #tpu.memory_space<vmem>>) target_semaphore(%run_scoped3A : memref<!tpu.dma_semaphore, #tpu.memory_space<semaphore_mem>>)
      tpu.wait_dma2 semaphore(%run_scoped3A : memref<!tpu.dma_semaphore, #tpu.memory_space<semaphore_mem>>) src(%arg2 : memref<32xi32, #tpu.memory_space<hbm>>) dst(%arg9 : memref<32xi32, #tpu.memory_space<vmem>>)
      tpu.yield
    }) : () -> ()
    "tpu.region"() ({
      %run_scoped3A = tpu.sem_alloc : memref<!tpu.dma_semaphore, #tpu.memory_space<semaphore_mem>>
      tpu.enqueue_dma source(%arg3 : memref<112xi32, #tpu.memory_space<hbm>>) target(%arg11 : memref<112xi32, #tpu.memory_space<vmem>>) target_semaphore(%run_scoped3A : memref<!tpu.dma_semaphore, #tpu.memory_space<semaphore_mem>>)
      tpu.wait_dma2 semaphore(%run_scoped3A : memref<!tpu.dma_semaphore, #tpu.memory_space<semaphore_mem>>) src(%arg3 : memref<112xi32, #tpu.memory_space<hbm>>) dst(%arg11 : memref<112xi32, #tpu.memory_space<vmem>>)
      tpu.yield
    }) : () -> ()
    "tpu.region"() ({
      %run_scoped3A = tpu.sem_alloc : memref<!tpu.dma_semaphore, #tpu.memory_space<semaphore_mem>>
      tpu.enqueue_dma source(%arg4 : memref<112xi32, #tpu.memory_space<hbm>>) target(%arg12 : memref<112xi32, #tpu.memory_space<vmem>>) target_semaphore(%run_scoped3A : memref<!tpu.dma_semaphore, #tpu.memory_space<semaphore_mem>>)
      tpu.wait_dma2 semaphore(%run_scoped3A : memref<!tpu.dma_semaphore, #tpu.memory_space<semaphore_mem>>) src(%arg4 : memref<112xi32, #tpu.memory_space<hbm>>) dst(%arg12 : memref<112xi32, #tpu.memory_space<vmem>>)
      tpu.yield
    }) : () -> ()
    %scan3A = arith.constant 0 : i32
    %scan3A_1 = arith.constant 0 : i32
    %scan3A_2 = arith.constant 32 : i32
    %scan3A_3 = arith.addi %scan3A_1, %scan3A_2 : i32
    %scan3A_4 = arith.constant 1 : i32
    scf.for %scan3A_6 = %scan3A_1 to %scan3A_3 step %scan3A_4  : i32 {
      %mul3A_7 = arith.constant 32 : i32
      %mul3A_8 = arith.muli %add3A, %mul3A_7 : i32
      %add3A_9 = arith.addi %mul3A_8, %scan3A_6 : i32
      %mul3A_10 = arith.constant 512 : i32
      %mul3A_11 = arith.muli %add3A_9, %mul3A_10 : i32
      "tpu.region"() ({
        %run_scoped3A_469 = tpu.sem_alloc : memref<!tpu.dma_semaphore, #tpu.memory_space<semaphore_mem>>
        %dma_start3A_470 = arith.constant 8 : i32
        %dma_start3A_471 = arith.constant 0 : i32
        %dma_start3A_472 = tpu.memref_slice %arg8[%dma_start3A_470, %dma_start3A_471] : memref<104x512xf32, #tpu.memory_space<vmem>> -> memref<64x512xf32, #tpu.memory_space<vmem>>
        %dma_start3A_473 = arith.constant 0 : i32
        %dma_start3A_474 = tpu.memref_slice %arg6[%dma_start3A_473, %mul3A_11] : memref<64x524288xf32, #tpu.memory_space<hbm>> -> memref<64x512xf32, #tpu.memory_space<hbm>>
        %dma_start3A_475 = arith.constant 8 : i32
        %dma_start3A_476 = arith.constant 0 : i32
        %dma_start3A_477 = tpu.memref_slice %arg8[%dma_start3A_475, %dma_start3A_476] : memref<104x512xf32, #tpu.memory_space<vmem>> -> memref<64x512xf32, #tpu.memory_space<vmem>>
        %dma_start3A_478 = arith.constant 0 : i32
        %dma_start3A_479 = tpu.memref_slice %arg6[%dma_start3A_478, %mul3A_11] : memref<64x524288xf32, #tpu.memory_space<hbm>> -> memref<64x512xf32, #tpu.memory_space<hbm>>
        tpu.enqueue_dma source(%dma_start3A_479 : memref<64x512xf32, #tpu.memory_space<hbm>>) target(%dma_start3A_477 : memref<64x512xf32, #tpu.memory_space<vmem>>) target_semaphore(%run_scoped3A_469 : memref<!tpu.dma_semaphore, #tpu.memory_space<semaphore_mem>>)
        %dma_wait3A_480 = arith.constant 8 : i32
        %dma_wait3A_481 = arith.constant 0 : i32
        %dma_wait3A_482 = tpu.memref_slice %arg8[%dma_wait3A_480, %dma_wait3A_481] : memref<104x512xf32, #tpu.memory_space<vmem>> -> memref<64x512xf32, #tpu.memory_space<vmem>>
        %dma_wait3A_483 = arith.constant 0 : i32
        %dma_wait3A_484 = tpu.memref_slice %arg6[%dma_wait3A_483, %mul3A_11] : memref<64x524288xf32, #tpu.memory_space<hbm>> -> memref<64x512xf32, #tpu.memory_space<hbm>>
        %dma_wait3A_485 = arith.constant 8 : i32
        %dma_wait3A_486 = arith.constant 0 : i32
        %dma_wait3A_487 = tpu.memref_slice %arg8[%dma_wait3A_485, %dma_wait3A_486] : memref<104x512xf32, #tpu.memory_space<vmem>> -> memref<64x512xf32, #tpu.memory_space<vmem>>
        %dma_wait3A_488 = arith.constant 0 : i32
        %dma_wait3A_489 = tpu.memref_slice %arg6[%dma_wait3A_488, %mul3A_11] : memref<64x524288xf32, #tpu.memory_space<hbm>> -> memref<64x512xf32, #tpu.memory_space<hbm>>
        tpu.wait_dma2 semaphore(%run_scoped3A_469 : memref<!tpu.dma_semaphore, #tpu.memory_space<semaphore_mem>>) src(%dma_wait3A_489 : memref<64x512xf32, #tpu.memory_space<hbm>>) dst(%dma_wait3A_487 : memref<64x512xf32, #tpu.memory_space<vmem>>)
        tpu.yield
      }) : () -> ()
      %run_scoped3A = arith.constant 0 : i32
      "tpu.region"() ({
        %run_scoped3A_469 = tpu.sem_alloc : memref<!tpu.dma_semaphore, #tpu.memory_space<semaphore_mem>>
        %dma_start3A_470 = arith.constant 0 : i32
        %dma_start3A_471 = tpu.memref_slice %arg8[%run_scoped3A, %dma_start3A_470] : memref<104x512xf32, #tpu.memory_space<vmem>> -> memref<1x512xf32, #tpu.memory_space<vmem>>
        %dma_start3A_472 = tpu.memref_squeeze %dma_start3A_471 : memref<1x512xf32, #tpu.memory_space<vmem>> -> memref<512xf32, #tpu.memory_space<vmem>>
        %dma_start3A_473 = tpu.memref_slice %arg5[%mul3A_11] : memref<524288xf32, #tpu.memory_space<hbm>> -> memref<512xf32, #tpu.memory_space<hbm>>
        %dma_start3A_474 = arith.constant 0 : i32
        %dma_start3A_475 = tpu.memref_slice %arg8[%run_scoped3A, %dma_start3A_474] : memref<104x512xf32, #tpu.memory_space<vmem>> -> memref<1x512xf32, #tpu.memory_space<vmem>>
        %dma_start3A_476 = tpu.memref_squeeze %dma_start3A_475 : memref<1x512xf32, #tpu.memory_space<vmem>> -> memref<512xf32, #tpu.memory_space<vmem>>
        %dma_start3A_477 = tpu.memref_slice %arg5[%mul3A_11] : memref<524288xf32, #tpu.memory_space<hbm>> -> memref<512xf32, #tpu.memory_space<hbm>>
        tpu.enqueue_dma source(%dma_start3A_477 : memref<512xf32, #tpu.memory_space<hbm>>) target(%dma_start3A_476 : memref<512xf32, #tpu.memory_space<vmem>>) target_semaphore(%run_scoped3A_469 : memref<!tpu.dma_semaphore, #tpu.memory_space<semaphore_mem>>)
        %dma_wait3A_478 = arith.constant 0 : i32
        %dma_wait3A_479 = tpu.memref_slice %arg8[%run_scoped3A, %dma_wait3A_478] : memref<104x512xf32, #tpu.memory_space<vmem>> -> memref<1x512xf32, #tpu.memory_space<vmem>>
        %dma_wait3A_480 = tpu.memref_squeeze %dma_wait3A_479 : memref<1x512xf32, #tpu.memory_space<vmem>> -> memref<512xf32, #tpu.memory_space<vmem>>
        %dma_wait3A_481 = tpu.memref_slice %arg5[%mul3A_11] : memref<524288xf32, #tpu.memory_space<hbm>> -> memref<512xf32, #tpu.memory_space<hbm>>
        %dma_wait3A_482 = arith.constant 0 : i32
        %dma_wait3A_483 = tpu.memref_slice %arg8[%run_scoped3A, %dma_wait3A_482] : memref<104x512xf32, #tpu.memory_space<vmem>> -> memref<1x512xf32, #tpu.memory_space<vmem>>
        %dma_wait3A_484 = tpu.memref_squeeze %dma_wait3A_483 : memref<1x512xf32, #tpu.memory_space<vmem>> -> memref<512xf32, #tpu.memory_space<vmem>>
        %dma_wait3A_485 = tpu.memref_slice %arg5[%mul3A_11] : memref<524288xf32, #tpu.memory_space<hbm>> -> memref<512xf32, #tpu.memory_space<hbm>>
        tpu.wait_dma2 semaphore(%run_scoped3A_469 : memref<!tpu.dma_semaphore, #tpu.memory_space<semaphore_mem>>) src(%dma_wait3A_485 : memref<512xf32, #tpu.memory_space<hbm>>) dst(%dma_wait3A_484 : memref<512xf32, #tpu.memory_space<vmem>>)
        tpu.yield
      }) : () -> ()
      %broadcast_in_dim3A = arith.constant 0.000000e+00 : f32
      %broadcast_in_dim3A_12 = vector.broadcast %broadcast_in_dim3A : f32 to vector<16xf32>
      %swap3A = arith.constant 1 : i32
      %swap3A_13 = arith.index_cast %swap3A : i32 to index
      %swap3A_14 = arith.constant 0 : index
      %swap3A_15 = tpu.vector_load %arg8[%swap3A_13, %swap3A_14] {strides = array<i32>} : memref<104x512xf32, #tpu.memory_space<vmem>>, vector<1x16xf32>,
      %swap3A_16 = vector.shape_cast %swap3A_15 : vector<1x16xf32> to vector<16xf32>
      %swap3A_17 = vector.shape_cast %broadcast_in_dim3A_12 : vector<16xf32> to vector<1x16xf32>
      tpu.vector_store %arg8[%swap3A_13, %swap3A_14], %swap3A_17 {strides = array<i32>} : memref<104x512xf32, #tpu.memory_space<vmem>>, vector<1x16xf32>,
      %broadcast_in_dim3A_18 = arith.constant 0.000000e+00 : f32
      %broadcast_in_dim3A_19 = vector.broadcast %broadcast_in_dim3A_18 : f32 to vector<16xf32>
      %swap3A_20 = arith.constant 1 : i32
      %swap3A_21 = arith.index_cast %swap3A_20 : i32 to index
      %swap3A_22 = arith.constant 16 : index
      %swap3A_23 = tpu.vector_load %arg8[%swap3A_21, %swap3A_22] {strides = array<i32>} : memref<104x512xf32, #tpu.memory_space<vmem>>, vector<1x16xf32>,
      %swap3A_24 = vector.shape_cast %swap3A_23 : vector<1x16xf32> to vector<16xf32>
      %swap3A_25 = vector.shape_cast %broadcast_in_dim3A_19 : vector<16xf32> to vector<1x16xf32>
      tpu.vector_store %arg8[%swap3A_21, %swap3A_22], %swap3A_25 {strides = array<i32>} : memref<104x512xf32, #tpu.memory_space<vmem>>, vector<1x16xf32>,
      %broadcast_in_dim3A_26 = arith.constant 0.000000e+00 : f32
      %broadcast_in_dim3A_27 = vector.broadcast %broadcast_in_dim3A_26 : f32 to vector<16xf32>
      %swap3A_28 = arith.constant 1 : i32
      %swap3A_29 = arith.index_cast %swap3A_28 : i32 to index
      %swap3A_30 = arith.constant 32 : index
      %swap3A_31 = tpu.vector_load %arg8[%swap3A_29, %swap3A_30] {strides = array<i32>} : memref<104x512xf32, #tpu.memory_space<vmem>>, vector<1x16xf32>,
      %swap3A_32 = vector.shape_cast %swap3A_31 : vector<1x16xf32> to vector<16xf32>
      %swap3A_33 = vector.shape_cast %broadcast_in_dim3A_27 : vector<16xf32> to vector<1x16xf32>
      tpu.vector_store %arg8[%swap3A_29, %swap3A_30], %swap3A_33 {strides = array<i32>} : memref<104x512xf32, #tpu.memory_space<vmem>>, vector<1x16xf32>,
      %broadcast_in_dim3A_34 = arith.constant 0.000000e+00 : f32
      %broadcast_in_dim3A_35 = vector.broadcast %broadcast_in_dim3A_34 : f32 to vector<16xf32>
      %swap3A_36 = arith.constant 1 : i32
      %swap3A_37 = arith.index_cast %swap3A_36 : i32 to index
      %swap3A_38 = arith.constant 48 : index
      %swap3A_39 = tpu.vector_load %arg8[%swap3A_37, %swap3A_38] {strides = array<i32>} : memref<104x512xf32, #tpu.memory_space<vmem>>, vector<1x16xf32>,
      %swap3A_40 = vector.shape_cast %swap3A_39 : vector<1x16xf32> to vector<16xf32>
      %swap3A_41 = vector.shape_cast %broadcast_in_dim3A_35 : vector<16xf32> to vector<1x16xf32>
      tpu.vector_store %arg8[%swap3A_37, %swap3A_38], %swap3A_41 {strides = array<i32>} : memref<104x512xf32, #tpu.memory_space<vmem>>, vector<1x16xf32>,
      %broadcast_in_dim3A_42 = arith.constant 0.000000e+00 : f32
      %broadcast_in_dim3A_43 = vector.broadcast %broadcast_in_dim3A_42 : f32 to vector<16xf32>
      %swap3A_44 = arith.constant 1 : i32
      %swap3A_45 = arith.index_cast %swap3A_44 : i32 to index
      %swap3A_46 = arith.constant 64 : index
      %swap3A_47 = tpu.vector_load %arg8[%swap3A_45, %swap3A_46] {strides = array<i32>} : memref<104x512xf32, #tpu.memory_space<vmem>>, vector<1x16xf32>,
      %swap3A_48 = vector.shape_cast %swap3A_47 : vector<1x16xf32> to vector<16xf32>
      %swap3A_49 = vector.shape_cast %broadcast_in_dim3A_43 : vector<16xf32> to vector<1x16xf32>
      tpu.vector_store %arg8[%swap3A_45, %swap3A_46], %swap3A_49 {strides = array<i32>} : memref<104x512xf32, #tpu.memory_space<vmem>>, vector<1x16xf32>,
      %broadcast_in_dim3A_50 = arith.constant 0.000000e+00 : f32
      %broadcast_in_dim3A_51 = vector.broadcast %broadcast_in_dim3A_50 : f32 to vector<16xf32>
      %swap3A_52 = arith.constant 1 : i32
      %swap3A_53 = arith.index_cast %swap3A_52 : i32 to index
      %swap3A_54 = arith.constant 80 : index
      %swap3A_55 = tpu.vector_load %arg8[%swap3A_53, %swap3A_54] {strides = array<i32>} : memref<104x512xf32, #tpu.memory_space<vmem>>, vector<1x16xf32>,
      %swap3A_56 = vector.shape_cast %swap3A_55 : vector<1x16xf32> to vector<16xf32>
      %swap3A_57 = vector.shape_cast %broadcast_in_dim3A_51 : vector<16xf32> to vector<1x16xf32>
      tpu.vector_store %arg8[%swap3A_53, %swap3A_54], %swap3A_57 {strides = array<i32>} : memref<104x512xf32, #tpu.memory_space<vmem>>, vector<1x16xf32>,
      %broadcast_in_dim3A_58 = arith.constant 0.000000e+00 : f32
      %broadcast_in_dim3A_59 = vector.broadcast %broadcast_in_dim3A_58 : f32 to vector<16xf32>
      %swap3A_60 = arith.constant 1 : i32
      %swap3A_61 = arith.index_cast %swap3A_60 : i32 to index
      %swap3A_62 = arith.constant 96 : index
      %swap3A_63 = tpu.vector_load %arg8[%swap3A_61, %swap3A_62] {strides = array<i32>} : memref<104x512xf32, #tpu.memory_space<vmem>>, vector<1x16xf32>,
      %swap3A_64 = vector.shape_cast %swap3A_63 : vector<1x16xf32> to vector<16xf32>
      %swap3A_65 = vector.shape_cast %broadcast_in_dim3A_59 : vector<16xf32> to vector<1x16xf32>
      tpu.vector_store %arg8[%swap3A_61, %swap3A_62], %swap3A_65 {strides = array<i32>} : memref<104x512xf32, #tpu.memory_space<vmem>>, vector<1x16xf32>,
      %broadcast_in_dim3A_66 = arith.constant 0.000000e+00 : f32
      %broadcast_in_dim3A_67 = vector.broadcast %broadcast_in_dim3A_66 : f32 to vector<16xf32>
      %swap3A_68 = arith.constant 1 : i32
      %swap3A_69 = arith.index_cast %swap3A_68 : i32 to index
      %swap3A_70 = arith.constant 112 : index
      %swap3A_71 = tpu.vector_load %arg8[%swap3A_69, %swap3A_70] {strides = array<i32>} : memref<104x512xf32, #tpu.memory_space<vmem>>, vector<1x16xf32>,
      %swap3A_72 = vector.shape_cast %swap3A_71 : vector<1x16xf32> to vector<16xf32>
      %swap3A_73 = vector.shape_cast %broadcast_in_dim3A_67 : vector<16xf32> to vector<1x16xf32>
      tpu.vector_store %arg8[%swap3A_69, %swap3A_70], %swap3A_73 {strides = array<i32>} : memref<104x512xf32, #tpu.memory_space<vmem>>, vector<1x16xf32>,
      %broadcast_in_dim3A_74 = arith.constant 0.000000e+00 : f32
      %broadcast_in_dim3A_75 = vector.broadcast %broadcast_in_dim3A_74 : f32 to vector<16xf32>
      %swap3A_76 = arith.constant 1 : i32
      %swap3A_77 = arith.index_cast %swap3A_76 : i32 to index
      %swap3A_78 = arith.constant 128 : index
      %swap3A_79 = tpu.vector_load %arg8[%swap3A_77, %swap3A_78] {strides = array<i32>} : memref<104x512xf32, #tpu.memory_space<vmem>>, vector<1x16xf32>,
      %swap3A_80 = vector.shape_cast %swap3A_79 : vector<1x16xf32> to vector<16xf32>
      %swap3A_81 = vector.shape_cast %broadcast_in_dim3A_75 : vector<16xf32> to vector<1x16xf32>
      tpu.vector_store %arg8[%swap3A_77, %swap3A_78], %swap3A_81 {strides = array<i32>} : memref<104x512xf32, #tpu.memory_space<vmem>>, vector<1x16xf32>,
      %broadcast_in_dim3A_82 = arith.constant 0.000000e+00 : f32
      %broadcast_in_dim3A_83 = vector.broadcast %broadcast_in_dim3A_82 : f32 to vector<16xf32>
      %swap3A_84 = arith.constant 1 : i32
      %swap3A_85 = arith.index_cast %swap3A_84 : i32 to index
      %swap3A_86 = arith.constant 144 : index
      %swap3A_87 = tpu.vector_load %arg8[%swap3A_85, %swap3A_86] {strides = array<i32>} : memref<104x512xf32, #tpu.memory_space<vmem>>, vector<1x16xf32>,
      %swap3A_88 = vector.shape_cast %swap3A_87 : vector<1x16xf32> to vector<16xf32>
      %swap3A_89 = vector.shape_cast %broadcast_in_dim3A_83 : vector<16xf32> to vector<1x16xf32>
      tpu.vector_store %arg8[%swap3A_85, %swap3A_86], %swap3A_89 {strides = array<i32>} : memref<104x512xf32, #tpu.memory_space<vmem>>, vector<1x16xf32>,
      %broadcast_in_dim3A_90 = arith.constant 0.000000e+00 : f32
      %broadcast_in_dim3A_91 = vector.broadcast %broadcast_in_dim3A_90 : f32 to vector<16xf32>
      %swap3A_92 = arith.constant 1 : i32
      %swap3A_93 = arith.index_cast %swap3A_92 : i32 to index
      %swap3A_94 = arith.constant 160 : index
      %swap3A_95 = tpu.vector_load %arg8[%swap3A_93, %swap3A_94] {strides = array<i32>} : memref<104x512xf32, #tpu.memory_space<vmem>>, vector<1x16xf32>,
      %swap3A_96 = vector.shape_cast %swap3A_95 : vector<1x16xf32> to vector<16xf32>
      %swap3A_97 = vector.shape_cast %broadcast_in_dim3A_91 : vector<16xf32> to vector<1x16xf32>
      tpu.vector_store %arg8[%swap3A_93, %swap3A_94], %swap3A_97 {strides = array<i32>} : memref<104x512xf32, #tpu.memory_space<vmem>>, vector<1x16xf32>,
      %broadcast_in_dim3A_98 = arith.constant 0.000000e+00 : f32
      %broadcast_in_dim3A_99 = vector.broadcast %broadcast_in_dim3A_98 : f32 to vector<16xf32>
      %swap3A_100 = arith.constant 1 : i32
      %swap3A_101 = arith.index_cast %swap3A_100 : i32 to index
      %swap3A_102 = arith.constant 176 : index
      %swap3A_103 = tpu.vector_load %arg8[%swap3A_101, %swap3A_102] {strides = array<i32>} : memref<104x512xf32, #tpu.memory_space<vmem>>, vector<1x16xf32>,
      %swap3A_104 = vector.shape_cast %swap3A_103 : vector<1x16xf32> to vector<16xf32>
      %swap3A_105 = vector.shape_cast %broadcast_in_dim3A_99 : vector<16xf32> to vector<1x16xf32>
      tpu.vector_store %arg8[%swap3A_101, %swap3A_102], %swap3A_105 {strides = array<i32>} : memref<104x512xf32, #tpu.memory_space<vmem>>, vector<1x16xf32>,
      %broadcast_in_dim3A_106 = arith.constant 0.000000e+00 : f32
      %broadcast_in_dim3A_107 = vector.broadcast %broadcast_in_dim3A_106 : f32 to vector<16xf32>
      %swap3A_108 = arith.constant 1 : i32
      %swap3A_109 = arith.index_cast %swap3A_108 : i32 to index
      %swap3A_110 = arith.constant 192 : index
      %swap3A_111 = tpu.vector_load %arg8[%swap3A_109, %swap3A_110] {strides = array<i32>} : memref<104x512xf32, #tpu.memory_space<vmem>>, vector<1x16xf32>,
      %swap3A_112 = vector.shape_cast %swap3A_111 : vector<1x16xf32> to vector<16xf32>
      %swap3A_113 = vector.shape_cast %broadcast_in_dim3A_107 : vector<16xf32> to vector<1x16xf32>
      tpu.vector_store %arg8[%swap3A_109, %swap3A_110], %swap3A_113 {strides = array<i32>} : memref<104x512xf32, #tpu.memory_space<vmem>>, vector<1x16xf32>,
      %broadcast_in_dim3A_114 = arith.constant 0.000000e+00 : f32
      %broadcast_in_dim3A_115 = vector.broadcast %broadcast_in_dim3A_114 : f32 to vector<16xf32>
      %swap3A_116 = arith.constant 1 : i32
      %swap3A_117 = arith.index_cast %swap3A_116 : i32 to index
      %swap3A_118 = arith.constant 208 : index
      %swap3A_119 = tpu.vector_load %arg8[%swap3A_117, %swap3A_118] {strides = array<i32>} : memref<104x512xf32, #tpu.memory_space<vmem>>, vector<1x16xf32>,
      %swap3A_120 = vector.shape_cast %swap3A_119 : vector<1x16xf32> to vector<16xf32>
      %swap3A_121 = vector.shape_cast %broadcast_in_dim3A_115 : vector<16xf32> to vector<1x16xf32>
      tpu.vector_store %arg8[%swap3A_117, %swap3A_118], %swap3A_121 {strides = array<i32>} : memref<104x512xf32, #tpu.memory_space<vmem>>, vector<1x16xf32>,
      %broadcast_in_dim3A_122 = arith.constant 0.000000e+00 : f32
      %broadcast_in_dim3A_123 = vector.broadcast %broadcast_in_dim3A_122 : f32 to vector<16xf32>
      %swap3A_124 = arith.constant 1 : i32
      %swap3A_125 = arith.index_cast %swap3A_124 : i32 to index
      %swap3A_126 = arith.constant 224 : index
      %swap3A_127 = tpu.vector_load %arg8[%swap3A_125, %swap3A_126] {strides = array<i32>} : memref<104x512xf32, #tpu.memory_space<vmem>>, vector<1x16xf32>,
      %swap3A_128 = vector.shape_cast %swap3A_127 : vector<1x16xf32> to vector<16xf32>
      %swap3A_129 = vector.shape_cast %broadcast_in_dim3A_123 : vector<16xf32> to vector<1x16xf32>
      tpu.vector_store %arg8[%swap3A_125, %swap3A_126], %swap3A_129 {strides = array<i32>} : memref<104x512xf32, #tpu.memory_space<vmem>>, vector<1x16xf32>,
      %broadcast_in_dim3A_130 = arith.constant 0.000000e+00 : f32
      %broadcast_in_dim3A_131 = vector.broadcast %broadcast_in_dim3A_130 : f32 to vector<16xf32>
      %swap3A_132 = arith.constant 1 : i32
      %swap3A_133 = arith.index_cast %swap3A_132 : i32 to index
      %swap3A_134 = arith.constant 240 : index
      %swap3A_135 = tpu.vector_load %arg8[%swap3A_133, %swap3A_134] {strides = array<i32>} : memref<104x512xf32, #tpu.memory_space<vmem>>, vector<1x16xf32>,
      %swap3A_136 = vector.shape_cast %swap3A_135 : vector<1x16xf32> to vector<16xf32>
      %swap3A_137 = vector.shape_cast %broadcast_in_dim3A_131 : vector<16xf32> to vector<1x16xf32>
      tpu.vector_store %arg8[%swap3A_133, %swap3A_134], %swap3A_137 {strides = array<i32>} : memref<104x512xf32, #tpu.memory_space<vmem>>, vector<1x16xf32>,
      %broadcast_in_dim3A_138 = arith.constant 0.000000e+00 : f32
      %broadcast_in_dim3A_139 = vector.broadcast %broadcast_in_dim3A_138 : f32 to vector<16xf32>
      %swap3A_140 = arith.constant 1 : i32
      %swap3A_141 = arith.index_cast %swap3A_140 : i32 to index
      %swap3A_142 = arith.constant 256 : index
      %swap3A_143 = tpu.vector_load %arg8[%swap3A_141, %swap3A_142] {strides = array<i32>} : memref<104x512xf32, #tpu.memory_space<vmem>>, vector<1x16xf32>,
      %swap3A_144 = vector.shape_cast %swap3A_143 : vector<1x16xf32> to vector<16xf32>
      %swap3A_145 = vector.shape_cast %broadcast_in_dim3A_139 : vector<16xf32> to vector<1x16xf32>
      tpu.vector_store %arg8[%swap3A_141, %swap3A_142], %swap3A_145 {strides = array<i32>} : memref<104x512xf32, #tpu.memory_space<vmem>>, vector<1x16xf32>,
      %broadcast_in_dim3A_146 = arith.constant 0.000000e+00 : f32
      %broadcast_in_dim3A_147 = vector.broadcast %broadcast_in_dim3A_146 : f32 to vector<16xf32>
      %swap3A_148 = arith.constant 1 : i32
      %swap3A_149 = arith.index_cast %swap3A_148 : i32 to index
      %swap3A_150 = arith.constant 272 : index
      %swap3A_151 = tpu.vector_load %arg8[%swap3A_149, %swap3A_150] {strides = array<i32>} : memref<104x512xf32, #tpu.memory_space<vmem>>, vector<1x16xf32>,
      %swap3A_152 = vector.shape_cast %swap3A_151 : vector<1x16xf32> to vector<16xf32>
      %swap3A_153 = vector.shape_cast %broadcast_in_dim3A_147 : vector<16xf32> to vector<1x16xf32>
      tpu.vector_store %arg8[%swap3A_149, %swap3A_150], %swap3A_153 {strides = array<i32>} : memref<104x512xf32, #tpu.memory_space<vmem>>, vector<1x16xf32>,
      %broadcast_in_dim3A_154 = arith.constant 0.000000e+00 : f32
      %broadcast_in_dim3A_155 = vector.broadcast %broadcast_in_dim3A_154 : f32 to vector<16xf32>
      %swap3A_156 = arith.constant 1 : i32
      %swap3A_157 = arith.index_cast %swap3A_156 : i32 to index
      %swap3A_158 = arith.constant 288 : index
      %swap3A_159 = tpu.vector_load %arg8[%swap3A_157, %swap3A_158] {strides = array<i32>} : memref<104x512xf32, #tpu.memory_space<vmem>>, vector<1x16xf32>,
      %swap3A_160 = vector.shape_cast %swap3A_159 : vector<1x16xf32> to vector<16xf32>
      %swap3A_161 = vector.shape_cast %broadcast_in_dim3A_155 : vector<16xf32> to vector<1x16xf32>
      tpu.vector_store %arg8[%swap3A_157, %swap3A_158], %swap3A_161 {strides = array<i32>} : memref<104x512xf32, #tpu.memory_space<vmem>>, vector<1x16xf32>,
      %broadcast_in_dim3A_162 = arith.constant 0.000000e+00 : f32
      %broadcast_in_dim3A_163 = vector.broadcast %broadcast_in_dim3A_162 : f32 to vector<16xf32>
      %swap3A_164 = arith.constant 1 : i32
      %swap3A_165 = arith.index_cast %swap3A_164 : i32 to index
      %swap3A_166 = arith.constant 304 : index
      %swap3A_167 = tpu.vector_load %arg8[%swap3A_165, %swap3A_166] {strides = array<i32>} : memref<104x512xf32, #tpu.memory_space<vmem>>, vector<1x16xf32>,
      %swap3A_168 = vector.shape_cast %swap3A_167 : vector<1x16xf32> to vector<16xf32>
      %swap3A_169 = vector.shape_cast %broadcast_in_dim3A_163 : vector<16xf32> to vector<1x16xf32>
      tpu.vector_store %arg8[%swap3A_165, %swap3A_166], %swap3A_169 {strides = array<i32>} : memref<104x512xf32, #tpu.memory_space<vmem>>, vector<1x16xf32>,
      %broadcast_in_dim3A_170 = arith.constant 0.000000e+00 : f32
      %broadcast_in_dim3A_171 = vector.broadcast %broadcast_in_dim3A_170 : f32 to vector<16xf32>
      %swap3A_172 = arith.constant 1 : i32
      %swap3A_173 = arith.index_cast %swap3A_172 : i32 to index
      %swap3A_174 = arith.constant 320 : index
      %swap3A_175 = tpu.vector_load %arg8[%swap3A_173, %swap3A_174] {strides = array<i32>} : memref<104x512xf32, #tpu.memory_space<vmem>>, vector<1x16xf32>,
      %swap3A_176 = vector.shape_cast %swap3A_175 : vector<1x16xf32> to vector<16xf32>
      %swap3A_177 = vector.shape_cast %broadcast_in_dim3A_171 : vector<16xf32> to vector<1x16xf32>
      tpu.vector_store %arg8[%swap3A_173, %swap3A_174], %swap3A_177 {strides = array<i32>} : memref<104x512xf32, #tpu.memory_space<vmem>>, vector<1x16xf32>,
      %broadcast_in_dim3A_178 = arith.constant 0.000000e+00 : f32
      %broadcast_in_dim3A_179 = vector.broadcast %broadcast_in_dim3A_178 : f32 to vector<16xf32>
      %swap3A_180 = arith.constant 1 : i32
      %swap3A_181 = arith.index_cast %swap3A_180 : i32 to index
      %swap3A_182 = arith.constant 336 : index
      %swap3A_183 = tpu.vector_load %arg8[%swap3A_181, %swap3A_182] {strides = array<i32>} : memref<104x512xf32, #tpu.memory_space<vmem>>, vector<1x16xf32>,
      %swap3A_184 = vector.shape_cast %swap3A_183 : vector<1x16xf32> to vector<16xf32>
      %swap3A_185 = vector.shape_cast %broadcast_in_dim3A_179 : vector<16xf32> to vector<1x16xf32>
      tpu.vector_store %arg8[%swap3A_181, %swap3A_182], %swap3A_185 {strides = array<i32>} : memref<104x512xf32, #tpu.memory_space<vmem>>, vector<1x16xf32>,
      %broadcast_in_dim3A_186 = arith.constant 0.000000e+00 : f32
      %broadcast_in_dim3A_187 = vector.broadcast %broadcast_in_dim3A_186 : f32 to vector<16xf32>
      %swap3A_188 = arith.constant 1 : i32
      %swap3A_189 = arith.index_cast %swap3A_188 : i32 to index
      %swap3A_190 = arith.constant 352 : index
      %swap3A_191 = tpu.vector_load %arg8[%swap3A_189, %swap3A_190] {strides = array<i32>} : memref<104x512xf32, #tpu.memory_space<vmem>>, vector<1x16xf32>,
      %swap3A_192 = vector.shape_cast %swap3A_191 : vector<1x16xf32> to vector<16xf32>
      %swap3A_193 = vector.shape_cast %broadcast_in_dim3A_187 : vector<16xf32> to vector<1x16xf32>
      tpu.vector_store %arg8[%swap3A_189, %swap3A_190], %swap3A_193 {strides = array<i32>} : memref<104x512xf32, #tpu.memory_space<vmem>>, vector<1x16xf32>,
      %broadcast_in_dim3A_194 = arith.constant 0.000000e+00 : f32
      %broadcast_in_dim3A_195 = vector.broadcast %broadcast_in_dim3A_194 : f32 to vector<16xf32>
      %swap3A_196 = arith.constant 1 : i32
      %swap3A_197 = arith.index_cast %swap3A_196 : i32 to index
      %swap3A_198 = arith.constant 368 : index
      %swap3A_199 = tpu.vector_load %arg8[%swap3A_197, %swap3A_198] {strides = array<i32>} : memref<104x512xf32, #tpu.memory_space<vmem>>, vector<1x16xf32>,
      %swap3A_200 = vector.shape_cast %swap3A_199 : vector<1x16xf32> to vector<16xf32>
      %swap3A_201 = vector.shape_cast %broadcast_in_dim3A_195 : vector<16xf32> to vector<1x16xf32>
      tpu.vector_store %arg8[%swap3A_197, %swap3A_198], %swap3A_201 {strides = array<i32>} : memref<104x512xf32, #tpu.memory_space<vmem>>, vector<1x16xf32>,
      %broadcast_in_dim3A_202 = arith.constant 0.000000e+00 : f32
      %broadcast_in_dim3A_203 = vector.broadcast %broadcast_in_dim3A_202 : f32 to vector<16xf32>
      %swap3A_204 = arith.constant 1 : i32
      %swap3A_205 = arith.index_cast %swap3A_204 : i32 to index
      %swap3A_206 = arith.constant 384 : index
      %swap3A_207 = tpu.vector_load %arg8[%swap3A_205, %swap3A_206] {strides = array<i32>} : memref<104x512xf32, #tpu.memory_space<vmem>>, vector<1x16xf32>,
      %swap3A_208 = vector.shape_cast %swap3A_207 : vector<1x16xf32> to vector<16xf32>
      %swap3A_209 = vector.shape_cast %broadcast_in_dim3A_203 : vector<16xf32> to vector<1x16xf32>
      tpu.vector_store %arg8[%swap3A_205, %swap3A_206], %swap3A_209 {strides = array<i32>} : memref<104x512xf32, #tpu.memory_space<vmem>>, vector<1x16xf32>,
      %broadcast_in_dim3A_210 = arith.constant 0.000000e+00 : f32
      %broadcast_in_dim3A_211 = vector.broadcast %broadcast_in_dim3A_210 : f32 to vector<16xf32>
      %swap3A_212 = arith.constant 1 : i32
      %swap3A_213 = arith.index_cast %swap3A_212 : i32 to index
      %swap3A_214 = arith.constant 400 : index
      %swap3A_215 = tpu.vector_load %arg8[%swap3A_213, %swap3A_214] {strides = array<i32>} : memref<104x512xf32, #tpu.memory_space<vmem>>, vector<1x16xf32>,
      %swap3A_216 = vector.shape_cast %swap3A_215 : vector<1x16xf32> to vector<16xf32>
      %swap3A_217 = vector.shape_cast %broadcast_in_dim3A_211 : vector<16xf32> to vector<1x16xf32>
      tpu.vector_store %arg8[%swap3A_213, %swap3A_214], %swap3A_217 {strides = array<i32>} : memref<104x512xf32, #tpu.memory_space<vmem>>, vector<1x16xf32>,
      %broadcast_in_dim3A_218 = arith.constant 0.000000e+00 : f32
      %broadcast_in_dim3A_219 = vector.broadcast %broadcast_in_dim3A_218 : f32 to vector<16xf32>
      %swap3A_220 = arith.constant 1 : i32
      %swap3A_221 = arith.index_cast %swap3A_220 : i32 to index
      %swap3A_222 = arith.constant 416 : index
      %swap3A_223 = tpu.vector_load %arg8[%swap3A_221, %swap3A_222] {strides = array<i32>} : memref<104x512xf32, #tpu.memory_space<vmem>>, vector<1x16xf32>,
      %swap3A_224 = vector.shape_cast %swap3A_223 : vector<1x16xf32> to vector<16xf32>
      %swap3A_225 = vector.shape_cast %broadcast_in_dim3A_219 : vector<16xf32> to vector<1x16xf32>
      tpu.vector_store %arg8[%swap3A_221, %swap3A_222], %swap3A_225 {strides = array<i32>} : memref<104x512xf32, #tpu.memory_space<vmem>>, vector<1x16xf32>,
      %broadcast_in_dim3A_226 = arith.constant 0.000000e+00 : f32
      %broadcast_in_dim3A_227 = vector.broadcast %broadcast_in_dim3A_226 : f32 to vector<16xf32>
      %swap3A_228 = arith.constant 1 : i32
      %swap3A_229 = arith.index_cast %swap3A_228 : i32 to index
      %swap3A_230 = arith.constant 432 : index
      %swap3A_231 = tpu.vector_load %arg8[%swap3A_229, %swap3A_230] {strides = array<i32>} : memref<104x512xf32, #tpu.memory_space<vmem>>, vector<1x16xf32>,
      %swap3A_232 = vector.shape_cast %swap3A_231 : vector<1x16xf32> to vector<16xf32>
      %swap3A_233 = vector.shape_cast %broadcast_in_dim3A_227 : vector<16xf32> to vector<1x16xf32>
      tpu.vector_store %arg8[%swap3A_229, %swap3A_230], %swap3A_233 {strides = array<i32>} : memref<104x512xf32, #tpu.memory_space<vmem>>, vector<1x16xf32>,
      %broadcast_in_dim3A_234 = arith.constant 0.000000e+00 : f32
      %broadcast_in_dim3A_235 = vector.broadcast %broadcast_in_dim3A_234 : f32 to vector<16xf32>
      %swap3A_236 = arith.constant 1 : i32
      %swap3A_237 = arith.index_cast %swap3A_236 : i32 to index
      %swap3A_238 = arith.constant 448 : index
      %swap3A_239 = tpu.vector_load %arg8[%swap3A_237, %swap3A_238] {strides = array<i32>} : memref<104x512xf32, #tpu.memory_space<vmem>>, vector<1x16xf32>,
      %swap3A_240 = vector.shape_cast %swap3A_239 : vector<1x16xf32> to vector<16xf32>
      %swap3A_241 = vector.shape_cast %broadcast_in_dim3A_235 : vector<16xf32> to vector<1x16xf32>
      tpu.vector_store %arg8[%swap3A_237, %swap3A_238], %swap3A_241 {strides = array<i32>} : memref<104x512xf32, #tpu.memory_space<vmem>>, vector<1x16xf32>,
      %broadcast_in_dim3A_242 = arith.constant 0.000000e+00 : f32
      %broadcast_in_dim3A_243 = vector.broadcast %broadcast_in_dim3A_242 : f32 to vector<16xf32>
      %swap3A_244 = arith.constant 1 : i32
      %swap3A_245 = arith.index_cast %swap3A_244 : i32 to index
      %swap3A_246 = arith.constant 464 : index
      %swap3A_247 = tpu.vector_load %arg8[%swap3A_245, %swap3A_246] {strides = array<i32>} : memref<104x512xf32, #tpu.memory_space<vmem>>, vector<1x16xf32>,
      %swap3A_248 = vector.shape_cast %swap3A_247 : vector<1x16xf32> to vector<16xf32>
      %swap3A_249 = vector.shape_cast %broadcast_in_dim3A_243 : vector<16xf32> to vector<1x16xf32>
      tpu.vector_store %arg8[%swap3A_245, %swap3A_246], %swap3A_249 {strides = array<i32>} : memref<104x512xf32, #tpu.memory_space<vmem>>, vector<1x16xf32>,
      %broadcast_in_dim3A_250 = arith.constant 0.000000e+00 : f32
      %broadcast_in_dim3A_251 = vector.broadcast %broadcast_in_dim3A_250 : f32 to vector<16xf32>
      %swap3A_252 = arith.constant 1 : i32
      %swap3A_253 = arith.index_cast %swap3A_252 : i32 to index
      %swap3A_254 = arith.constant 480 : index
      %swap3A_255 = tpu.vector_load %arg8[%swap3A_253, %swap3A_254] {strides = array<i32>} : memref<104x512xf32, #tpu.memory_space<vmem>>, vector<1x16xf32>,
      %swap3A_256 = vector.shape_cast %swap3A_255 : vector<1x16xf32> to vector<16xf32>
      %swap3A_257 = vector.shape_cast %broadcast_in_dim3A_251 : vector<16xf32> to vector<1x16xf32>
      tpu.vector_store %arg8[%swap3A_253, %swap3A_254], %swap3A_257 {strides = array<i32>} : memref<104x512xf32, #tpu.memory_space<vmem>>, vector<1x16xf32>,
      %broadcast_in_dim3A_258 = arith.constant 0.000000e+00 : f32
      %broadcast_in_dim3A_259 = vector.broadcast %broadcast_in_dim3A_258 : f32 to vector<16xf32>
      %swap3A_260 = arith.constant 1 : i32
      %swap3A_261 = arith.index_cast %swap3A_260 : i32 to index
      %swap3A_262 = arith.constant 496 : index
      %swap3A_263 = tpu.vector_load %arg8[%swap3A_261, %swap3A_262] {strides = array<i32>} : memref<104x512xf32, #tpu.memory_space<vmem>>, vector<1x16xf32>,
      %swap3A_264 = vector.shape_cast %swap3A_263 : vector<1x16xf32> to vector<16xf32>
      %swap3A_265 = vector.shape_cast %broadcast_in_dim3A_259 : vector<16xf32> to vector<1x16xf32>
      tpu.vector_store %arg8[%swap3A_261, %swap3A_262], %swap3A_265 {strides = array<i32>} : memref<104x512xf32, #tpu.memory_space<vmem>>, vector<1x16xf32>,
      %get3A = arith.constant 0 : index
      %get3A_266 = tpu.vector_load %arg9[%get3A] {strides = array<i32>} : memref<32xi32, #tpu.memory_space<vmem>>, vector<16xi32>,
      %get3A_267 = vector.shape_cast %get3A_266 : vector<16xi32> to vector<16xi32>
      %mul3A_268 = arith.constant 4 : i32
      %mul3A_269 = arith.muli %add3A_9, %mul3A_268 : i32
      %add3A_270 = arith.constant 0 : i32
      %add3A_271 = arith.addi %mul3A_269, %add3A_270 : i32
      %add3A_272 = vector.broadcast %add3A_271 : i32 to vector<16xi32>
      %add3A_273 = arith.addi %get3A_267, %add3A_272 : vector<16xi32>
      %swap3A_274 = arith.constant 0 : i32
      %swap3A_275 = arith.index_cast %swap3A_274 : i32 to index
      %swap3A_276 = arith.constant 0 : index
      %swap3A_277 = tpu.vector_load %arg10[%swap3A_275, %swap3A_276] {strides = array<i32>} : memref<4x32xi32, #tpu.memory_space<vmem>>, vector<1x16xi32>,
      %swap3A_278 = vector.shape_cast %swap3A_277 : vector<1x16xi32> to vector<16xi32>
      %swap3A_279 = vector.shape_cast %add3A_273 : vector<16xi32> to vector<1x16xi32>
      tpu.vector_store %arg10[%swap3A_275, %swap3A_276], %swap3A_279 {strides = array<i32>} : memref<4x32xi32, #tpu.memory_space<vmem>>, vector<1x16xi32>,
      %get3A_280 = arith.constant 16 : index
      %get3A_281 = tpu.vector_load %arg9[%get3A_280] {strides = array<i32>} : memref<32xi32, #tpu.memory_space<vmem>>, vector<16xi32>,
      %get3A_282 = vector.shape_cast %get3A_281 : vector<16xi32> to vector<16xi32>
      %mul3A_283 = arith.constant 4 : i32
      %mul3A_284 = arith.muli %add3A_9, %mul3A_283 : i32
      %add3A_285 = arith.constant 0 : i32
      %add3A_286 = arith.addi %mul3A_284, %add3A_285 : i32
      %add3A_287 = vector.broadcast %add3A_286 : i32 to vector<16xi32>
      %add3A_288 = arith.addi %get3A_282, %add3A_287 : vector<16xi32>
      %swap3A_289 = arith.constant 0 : i32
      %swap3A_290 = arith.index_cast %swap3A_289 : i32 to index
      %swap3A_291 = arith.constant 16 : index
      %swap3A_292 = tpu.vector_load %arg10[%swap3A_290, %swap3A_291] {strides = array<i32>} : memref<4x32xi32, #tpu.memory_space<vmem>>, vector<1x16xi32>,
      %swap3A_293 = vector.shape_cast %swap3A_292 : vector<1x16xi32> to vector<16xi32>
      %swap3A_294 = vector.shape_cast %add3A_288 : vector<16xi32> to vector<1x16xi32>
      tpu.vector_store %arg10[%swap3A_290, %swap3A_291], %swap3A_294 {strides = array<i32>} : memref<4x32xi32, #tpu.memory_space<vmem>>, vector<1x16xi32>,
      %get3A_295 = arith.constant 0 : index
      %get3A_296 = tpu.vector_load %arg9[%get3A_295] {strides = array<i32>} : memref<32xi32, #tpu.memory_space<vmem>>, vector<16xi32>,
      %get3A_297 = vector.shape_cast %get3A_296 : vector<16xi32> to vector<16xi32>
      %mul3A_298 = arith.constant 4 : i32
      %mul3A_299 = arith.muli %add3A_9, %mul3A_298 : i32
      %add3A_300 = arith.constant 1 : i32
      %add3A_301 = arith.addi %mul3A_299, %add3A_300 : i32
      %add3A_302 = vector.broadcast %add3A_301 : i32 to vector<16xi32>
      %add3A_303 = arith.addi %get3A_297, %add3A_302 : vector<16xi32>
      %swap3A_304 = arith.constant 1 : i32
      %swap3A_305 = arith.index_cast %swap3A_304 : i32 to index
      %swap3A_306 = arith.constant 0 : index
      %swap3A_307 = tpu.vector_load %arg10[%swap3A_305, %swap3A_306] {strides = array<i32>} : memref<4x32xi32, #tpu.memory_space<vmem>>, vector<1x16xi32>,
      %swap3A_308 = vector.shape_cast %swap3A_307 : vector<1x16xi32> to vector<16xi32>
      %swap3A_309 = vector.shape_cast %add3A_303 : vector<16xi32> to vector<1x16xi32>
      tpu.vector_store %arg10[%swap3A_305, %swap3A_306], %swap3A_309 {strides = array<i32>} : memref<4x32xi32, #tpu.memory_space<vmem>>, vector<1x16xi32>,
      %get3A_310 = arith.constant 16 : index
      %get3A_311 = tpu.vector_load %arg9[%get3A_310] {strides = array<i32>} : memref<32xi32, #tpu.memory_space<vmem>>, vector<16xi32>,
      %get3A_312 = vector.shape_cast %get3A_311 : vector<16xi32> to vector<16xi32>
      %mul3A_313 = arith.constant 4 : i32
      %mul3A_314 = arith.muli %add3A_9, %mul3A_313 : i32
      %add3A_315 = arith.constant 1 : i32
      %add3A_316 = arith.addi %mul3A_314, %add3A_315 : i32
      %add3A_317 = vector.broadcast %add3A_316 : i32 to vector<16xi32>
      %add3A_318 = arith.addi %get3A_312, %add3A_317 : vector<16xi32>
      %swap3A_319 = arith.constant 1 : i32
      %swap3A_320 = arith.index_cast %swap3A_319 : i32 to index
      %swap3A_321 = arith.constant 16 : index
      %swap3A_322 = tpu.vector_load %arg10[%swap3A_320, %swap3A_321] {strides = array<i32>} : memref<4x32xi32, #tpu.memory_space<vmem>>, vector<1x16xi32>,
      %swap3A_323 = vector.shape_cast %swap3A_322 : vector<1x16xi32> to vector<16xi32>
      %swap3A_324 = vector.shape_cast %add3A_318 : vector<16xi32> to vector<1x16xi32>
      tpu.vector_store %arg10[%swap3A_320, %swap3A_321], %swap3A_324 {strides = array<i32>} : memref<4x32xi32, #tpu.memory_space<vmem>>, vector<1x16xi32>,
      %get3A_325 = arith.constant 0 : index
      %get3A_326 = tpu.vector_load %arg9[%get3A_325] {strides = array<i32>} : memref<32xi32, #tpu.memory_space<vmem>>, vector<16xi32>,
      %get3A_327 = vector.shape_cast %get3A_326 : vector<16xi32> to vector<16xi32>
      %mul3A_328 = arith.constant 4 : i32
      %mul3A_329 = arith.muli %add3A_9, %mul3A_328 : i32
      %add3A_330 = arith.constant 2 : i32
      %add3A_331 = arith.addi %mul3A_329, %add3A_330 : i32
      %add3A_332 = vector.broadcast %add3A_331 : i32 to vector<16xi32>
      %add3A_333 = arith.addi %get3A_327, %add3A_332 : vector<16xi32>
      %swap3A_334 = arith.constant 2 : i32
      %swap3A_335 = arith.index_cast %swap3A_334 : i32 to index
      %swap3A_336 = arith.constant 0 : index
      %swap3A_337 = tpu.vector_load %arg10[%swap3A_335, %swap3A_336] {strides = array<i32>} : memref<4x32xi32, #tpu.memory_space<vmem>>, vector<1x16xi32>,
      %swap3A_338 = vector.shape_cast %swap3A_337 : vector<1x16xi32> to vector<16xi32>
      %swap3A_339 = vector.shape_cast %add3A_333 : vector<16xi32> to vector<1x16xi32>
      tpu.vector_store %arg10[%swap3A_335, %swap3A_336], %swap3A_339 {strides = array<i32>} : memref<4x32xi32, #tpu.memory_space<vmem>>, vector<1x16xi32>,
      %get3A_340 = arith.constant 16 : index
      %get3A_341 = tpu.vector_load %arg9[%get3A_340] {strides = array<i32>} : memref<32xi32, #tpu.memory_space<vmem>>, vector<16xi32>,
      %get3A_342 = vector.shape_cast %get3A_341 : vector<16xi32> to vector<16xi32>
      %mul3A_343 = arith.constant 4 : i32
      %mul3A_344 = arith.muli %add3A_9, %mul3A_343 : i32
      %add3A_345 = arith.constant 2 : i32
      %add3A_346 = arith.addi %mul3A_344, %add3A_345 : i32
      %add3A_347 = vector.broadcast %add3A_346 : i32 to vector<16xi32>
      %add3A_348 = arith.addi %get3A_342, %add3A_347 : vector<16xi32>
      %swap3A_349 = arith.constant 2 : i32
      %swap3A_350 = arith.index_cast %swap3A_349 : i32 to index
      %swap3A_351 = arith.constant 16 : index
      %swap3A_352 = tpu.vector_load %arg10[%swap3A_350, %swap3A_351] {strides = array<i32>} : memref<4x32xi32, #tpu.memory_space<vmem>>, vector<1x16xi32>,
      %swap3A_353 = vector.shape_cast %swap3A_352 : vector<1x16xi32> to vector<16xi32>
      %swap3A_354 = vector.shape_cast %add3A_348 : vector<16xi32> to vector<1x16xi32>
      tpu.vector_store %arg10[%swap3A_350, %swap3A_351], %swap3A_354 {strides = array<i32>} : memref<4x32xi32, #tpu.memory_space<vmem>>, vector<1x16xi32>,
      %get3A_355 = arith.constant 0 : index
      %get3A_356 = tpu.vector_load %arg9[%get3A_355] {strides = array<i32>} : memref<32xi32, #tpu.memory_space<vmem>>, vector<16xi32>,
      %get3A_357 = vector.shape_cast %get3A_356 : vector<16xi32> to vector<16xi32>
      %mul3A_358 = arith.constant 4 : i32
      %mul3A_359 = arith.muli %add3A_9, %mul3A_358 : i32
      %add3A_360 = arith.constant 3 : i32
      %add3A_361 = arith.addi %mul3A_359, %add3A_360 : i32
      %add3A_362 = vector.broadcast %add3A_361 : i32 to vector<16xi32>
      %add3A_363 = arith.addi %get3A_357, %add3A_362 : vector<16xi32>
      %swap3A_364 = arith.constant 3 : i32
      %swap3A_365 = arith.index_cast %swap3A_364 : i32 to index
      %swap3A_366 = arith.constant 0 : index
      %swap3A_367 = tpu.vector_load %arg10[%swap3A_365, %swap3A_366] {strides = array<i32>} : memref<4x32xi32, #tpu.memory_space<vmem>>, vector<1x16xi32>,
      %swap3A_368 = vector.shape_cast %swap3A_367 : vector<1x16xi32> to vector<16xi32>
      %swap3A_369 = vector.shape_cast %add3A_363 : vector<16xi32> to vector<1x16xi32>
      tpu.vector_store %arg10[%swap3A_365, %swap3A_366], %swap3A_369 {strides = array<i32>} : memref<4x32xi32, #tpu.memory_space<vmem>>, vector<1x16xi32>,
      %get3A_370 = arith.constant 16 : index
      %get3A_371 = tpu.vector_load %arg9[%get3A_370] {strides = array<i32>} : memref<32xi32, #tpu.memory_space<vmem>>, vector<16xi32>,
      %get3A_372 = vector.shape_cast %get3A_371 : vector<16xi32> to vector<16xi32>
      %mul3A_373 = arith.constant 4 : i32
      %mul3A_374 = arith.muli %add3A_9, %mul3A_373 : i32
      %add3A_375 = arith.constant 3 : i32
      %add3A_376 = arith.addi %mul3A_374, %add3A_375 : i32
      %add3A_377 = vector.broadcast %add3A_376 : i32 to vector<16xi32>
      %add3A_378 = arith.addi %get3A_372, %add3A_377 : vector<16xi32>
      %swap3A_379 = arith.constant 3 : i32
      %swap3A_380 = arith.index_cast %swap3A_379 : i32 to index
      %swap3A_381 = arith.constant 16 : index
      %swap3A_382 = tpu.vector_load %arg10[%swap3A_380, %swap3A_381] {strides = array<i32>} : memref<4x32xi32, #tpu.memory_space<vmem>>, vector<1x16xi32>,
      %swap3A_383 = vector.shape_cast %swap3A_382 : vector<1x16xi32> to vector<16xi32>
      %swap3A_384 = vector.shape_cast %add3A_378 : vector<16xi32> to vector<1x16xi32>
      tpu.vector_store %arg10[%swap3A_380, %swap3A_381], %swap3A_384 {strides = array<i32>} : memref<4x32xi32, #tpu.memory_space<vmem>>, vector<1x16xi32>,
      %scan3A_385 = arith.constant 0 : i32
      %scan3A_386 = arith.constant 0 : i32
      %scan3A_387 = arith.constant 96 : i32
      %scan3A_388 = arith.addi %scan3A_386, %scan3A_387 : i32
      %scan3A_389 = arith.constant 1 : i32
      scf.for %scan3A_469 = %scan3A_386 to %scan3A_388 step %scan3A_389  : i32 {
        %get3A_470 = arith.index_cast %scan3A_469 : i32 to index
        %get3A_471 = tpu.vector_load %arg11[%get3A_470] {strides = array<i32>} : memref<112xi32, #tpu.memory_space<vmem>>, vector<16xi32>,
        %get3A_472 = vector.shape_cast %get3A_471 : vector<16xi32> to vector<16xi32>
        %slice3A = vector.extract_strided_slice %get3A_472 {offsets = [0], sizes = [1], strides = [1]} : vector<16xi32> to vector<1xi32>
        %squeeze3A = vector.extract %slice3A[0] : i32 from vector<1xi32>
        %get3A_473 = arith.index_cast %scan3A_469 : i32 to index
        %get3A_474 = tpu.vector_load %arg12[%get3A_473] {strides = array<i32>} : memref<112xi32, #tpu.memory_space<vmem>>, vector<16xi32>,
        %get3A_475 = vector.shape_cast %get3A_474 : vector<16xi32> to vector<16xi32>
        %slice3A_476 = vector.extract_strided_slice %get3A_475 {offsets = [0], sizes = [1], strides = [1]} : vector<16xi32> to vector<1xi32>
        %squeeze3A_477 = vector.extract %slice3A_476[0] : i32 from vector<1xi32>
        %get3A_478 = arith.constant 1 : i32
        %get3A_479 = arith.index_cast %get3A_478 : i32 to index
        %get3A_480 = arith.constant 0 : index
        %get3A_481 = tpu.vector_load %arg8[%get3A_479, %get3A_480] {strides = array<i32>} : memref<104x512xf32, #tpu.memory_space<vmem>>, vector<1x16xf32>,
        %get3A_482 = vector.shape_cast %get3A_481 : vector<1x16xf32> to vector<16xf32>
        %get3A_483 = arith.index_cast %squeeze3A : i32 to index
        %get3A_484 = arith.constant 0 : index
        %get3A_485 = tpu.vector_load %arg8[%get3A_483, %get3A_484] {strides = array<i32>} : memref<104x512xf32, #tpu.memory_space<vmem>>, vector<1x16xf32>,
        %get3A_486 = vector.shape_cast %get3A_485 : vector<1x16xf32> to vector<16xf32>
        %add3A_487 = arith.addf %get3A_482, %get3A_486 : vector<16xf32>
        %swap3A_488 = arith.index_cast %squeeze3A_477 : i32 to index
        %swap3A_489 = arith.constant 0 : index
        %swap3A_490 = tpu.vector_load %arg8[%swap3A_488, %swap3A_489] {strides = array<i32>} : memref<104x512xf32, #tpu.memory_space<vmem>>, vector<1x16xf32>,
        %swap3A_491 = vector.shape_cast %swap3A_490 : vector<1x16xf32> to vector<16xf32>
        %swap3A_492 = vector.shape_cast %add3A_487 : vector<16xf32> to vector<1x16xf32>
        tpu.vector_store %arg8[%swap3A_488, %swap3A_489], %swap3A_492 {strides = array<i32>} : memref<104x512xf32, #tpu.memory_space<vmem>>, vector<1x16xf32>,
        %get3A_493 = arith.constant 1 : i32
        %get3A_494 = arith.index_cast %get3A_493 : i32 to index
        %get3A_495 = arith.constant 16 : index
        %get3A_496 = tpu.vector_load %arg8[%get3A_494, %get3A_495] {strides = array<i32>} : memref<104x512xf32, #tpu.memory_space<vmem>>, vector<1x16xf32>,
        %get3A_497 = vector.shape_cast %get3A_496 : vector<1x16xf32> to vector<16xf32>
        %get3A_498 = arith.index_cast %squeeze3A : i32 to index
        %get3A_499 = arith.constant 16 : index
        %get3A_500 = tpu.vector_load %arg8[%get3A_498, %get3A_499] {strides = array<i32>} : memref<104x512xf32, #tpu.memory_space<vmem>>, vector<1x16xf32>,
        %get3A_501 = vector.shape_cast %get3A_500 : vector<1x16xf32> to vector<16xf32>
        %add3A_502 = arith.addf %get3A_497, %get3A_501 : vector<16xf32>
        %swap3A_503 = arith.index_cast %squeeze3A_477 : i32 to index
        %swap3A_504 = arith.constant 16 : index
        %swap3A_505 = tpu.vector_load %arg8[%swap3A_503, %swap3A_504] {strides = array<i32>} : memref<104x512xf32, #tpu.memory_space<vmem>>, vector<1x16xf32>,
        %swap3A_506 = vector.shape_cast %swap3A_505 : vector<1x16xf32> to vector<16xf32>
        %swap3A_507 = vector.shape_cast %add3A_502 : vector<16xf32> to vector<1x16xf32>
        tpu.vector_store %arg8[%swap3A_503, %swap3A_504], %swap3A_507 {strides = array<i32>} : memref<104x512xf32, #tpu.memory_space<vmem>>, vector<1x16xf32>,
        %get3A_508 = arith.constant 1 : i32
        %get3A_509 = arith.index_cast %get3A_508 : i32 to index
        %get3A_510 = arith.constant 32 : index
        %get3A_511 = tpu.vector_load %arg8[%get3A_509, %get3A_510] {strides = array<i32>} : memref<104x512xf32, #tpu.memory_space<vmem>>, vector<1x16xf32>,
        %get3A_512 = vector.shape_cast %get3A_511 : vector<1x16xf32> to vector<16xf32>
        %get3A_513 = arith.index_cast %squeeze3A : i32 to index
        %get3A_514 = arith.constant 32 : index
        %get3A_515 = tpu.vector_load %arg8[%get3A_513, %get3A_514] {strides = array<i32>} : memref<104x512xf32, #tpu.memory_space<vmem>>, vector<1x16xf32>,
        %get3A_516 = vector.shape_cast %get3A_515 : vector<1x16xf32> to vector<16xf32>
        %add3A_517 = arith.addf %get3A_512, %get3A_516 : vector<16xf32>
        %swap3A_518 = arith.index_cast %squeeze3A_477 : i32 to index
        %swap3A_519 = arith.constant 32 : index
        %swap3A_520 = tpu.vector_load %arg8[%swap3A_518, %swap3A_519] {strides = array<i32>} : memref<104x512xf32, #tpu.memory_space<vmem>>, vector<1x16xf32>,
        %swap3A_521 = vector.shape_cast %swap3A_520 : vector<1x16xf32> to vector<16xf32>
        %swap3A_522 = vector.shape_cast %add3A_517 : vector<16xf32> to vector<1x16xf32>
        tpu.vector_store %arg8[%swap3A_518, %swap3A_519], %swap3A_522 {strides = array<i32>} : memref<104x512xf32, #tpu.memory_space<vmem>>, vector<1x16xf32>,
        %get3A_523 = arith.constant 1 : i32
        %get3A_524 = arith.index_cast %get3A_523 : i32 to index
        %get3A_525 = arith.constant 48 : index
        %get3A_526 = tpu.vector_load %arg8[%get3A_524, %get3A_525] {strides = array<i32>} : memref<104x512xf32, #tpu.memory_space<vmem>>, vector<1x16xf32>,
        %get3A_527 = vector.shape_cast %get3A_526 : vector<1x16xf32> to vector<16xf32>
        %get3A_528 = arith.index_cast %squeeze3A : i32 to index
        %get3A_529 = arith.constant 48 : index
        %get3A_530 = tpu.vector_load %arg8[%get3A_528, %get3A_529] {strides = array<i32>} : memref<104x512xf32, #tpu.memory_space<vmem>>, vector<1x16xf32>,
        %get3A_531 = vector.shape_cast %get3A_530 : vector<1x16xf32> to vector<16xf32>
        %add3A_532 = arith.addf %get3A_527, %get3A_531 : vector<16xf32>
        %swap3A_533 = arith.index_cast %squeeze3A_477 : i32 to index
        %swap3A_534 = arith.constant 48 : index
        %swap3A_535 = tpu.vector_load %arg8[%swap3A_533, %swap3A_534] {strides = array<i32>} : memref<104x512xf32, #tpu.memory_space<vmem>>, vector<1x16xf32>,
        %swap3A_536 = vector.shape_cast %swap3A_535 : vector<1x16xf32> to vector<16xf32>
        %swap3A_537 = vector.shape_cast %add3A_532 : vector<16xf32> to vector<1x16xf32>
        tpu.vector_store %arg8[%swap3A_533, %swap3A_534], %swap3A_537 {strides = array<i32>} : memref<104x512xf32, #tpu.memory_space<vmem>>, vector<1x16xf32>,
        %get3A_538 = arith.constant 1 : i32
        %get3A_539 = arith.index_cast %get3A_538 : i32 to index
        %get3A_540 = arith.constant 64 : index
        %get3A_541 = tpu.vector_load %arg8[%get3A_539, %get3A_540] {strides = array<i32>} : memref<104x512xf32, #tpu.memory_space<vmem>>, vector<1x16xf32>,
        %get3A_542 = vector.shape_cast %get3A_541 : vector<1x16xf32> to vector<16xf32>
        %get3A_543 = arith.index_cast %squeeze3A : i32 to index
        %get3A_544 = arith.constant 64 : index
        %get3A_545 = tpu.vector_load %arg8[%get3A_543, %get3A_544] {strides = array<i32>} : memref<104x512xf32, #tpu.memory_space<vmem>>, vector<1x16xf32>,
        %get3A_546 = vector.shape_cast %get3A_545 : vector<1x16xf32> to vector<16xf32>
        %add3A_547 = arith.addf %get3A_542, %get3A_546 : vector<16xf32>
        %swap3A_548 = arith.index_cast %squeeze3A_477 : i32 to index
        %swap3A_549 = arith.constant 64 : index
        %swap3A_550 = tpu.vector_load %arg8[%swap3A_548, %swap3A_549] {strides = array<i32>} : memref<104x512xf32, #tpu.memory_space<vmem>>, vector<1x16xf32>,
        %swap3A_551 = vector.shape_cast %swap3A_550 : vector<1x16xf32> to vector<16xf32>
        %swap3A_552 = vector.shape_cast %add3A_547 : vector<16xf32> to vector<1x16xf32>
        tpu.vector_store %arg8[%swap3A_548, %swap3A_549], %swap3A_552 {strides = array<i32>} : memref<104x512xf32, #tpu.memory_space<vmem>>, vector<1x16xf32>,
        %get3A_553 = arith.constant 1 : i32
        %get3A_554 = arith.index_cast %get3A_553 : i32 to index
        %get3A_555 = arith.constant 80 : index
        %get3A_556 = tpu.vector_load %arg8[%get3A_554, %get3A_555] {strides = array<i32>} : memref<104x512xf32, #tpu.memory_space<vmem>>, vector<1x16xf32>,
        %get3A_557 = vector.shape_cast %get3A_556 : vector<1x16xf32> to vector<16xf32>
        %get3A_558 = arith.index_cast %squeeze3A : i32 to index
        %get3A_559 = arith.constant 80 : index
        %get3A_560 = tpu.vector_load %arg8[%get3A_558, %get3A_559] {strides = array<i32>} : memref<104x512xf32, #tpu.memory_space<vmem>>, vector<1x16xf32>,
        %get3A_561 = vector.shape_cast %get3A_560 : vector<1x16xf32> to vector<16xf32>
        %add3A_562 = arith.addf %get3A_557, %get3A_561 : vector<16xf32>
        %swap3A_563 = arith.index_cast %squeeze3A_477 : i32 to index
        %swap3A_564 = arith.constant 80 : index
        %swap3A_565 = tpu.vector_load %arg8[%swap3A_563, %swap3A_564] {strides = array<i32>} : memref<104x512xf32, #tpu.memory_space<vmem>>, vector<1x16xf32>,
        %swap3A_566 = vector.shape_cast %swap3A_565 : vector<1x16xf32> to vector<16xf32>
        %swap3A_567 = vector.shape_cast %add3A_562 : vector<16xf32> to vector<1x16xf32>
        tpu.vector_store %arg8[%swap3A_563, %swap3A_564], %swap3A_567 {strides = array<i32>} : memref<104x512xf32, #tpu.memory_space<vmem>>, vector<1x16xf32>,
        %get3A_568 = arith.constant 1 : i32
        %get3A_569 = arith.index_cast %get3A_568 : i32 to index
        %get3A_570 = arith.constant 96 : index
        %get3A_571 = tpu.vector_load %arg8[%get3A_569, %get3A_570] {strides = array<i32>} : memref<104x512xf32, #tpu.memory_space<vmem>>, vector<1x16xf32>,
        %get3A_572 = vector.shape_cast %get3A_571 : vector<1x16xf32> to vector<16xf32>
        %get3A_573 = arith.index_cast %squeeze3A : i32 to index
        %get3A_574 = arith.constant 96 : index
        %get3A_575 = tpu.vector_load %arg8[%get3A_573, %get3A_574] {strides = array<i32>} : memref<104x512xf32, #tpu.memory_space<vmem>>, vector<1x16xf32>,
        %get3A_576 = vector.shape_cast %get3A_575 : vector<1x16xf32> to vector<16xf32>
        %add3A_577 = arith.addf %get3A_572, %get3A_576 : vector<16xf32>
        %swap3A_578 = arith.index_cast %squeeze3A_477 : i32 to index
        %swap3A_579 = arith.constant 96 : index
        %swap3A_580 = tpu.vector_load %arg8[%swap3A_578, %swap3A_579] {strides = array<i32>} : memref<104x512xf32, #tpu.memory_space<vmem>>, vector<1x16xf32>,
        %swap3A_581 = vector.shape_cast %swap3A_580 : vector<1x16xf32> to vector<16xf32>
        %swap3A_582 = vector.shape_cast %add3A_577 : vector<16xf32> to vector<1x16xf32>
        tpu.vector_store %arg8[%swap3A_578, %swap3A_579], %swap3A_582 {strides = array<i32>} : memref<104x512xf32, #tpu.memory_space<vmem>>, vector<1x16xf32>,
        %get3A_583 = arith.constant 1 : i32
        %get3A_584 = arith.index_cast %get3A_583 : i32 to index
        %get3A_585 = arith.constant 112 : index
        %get3A_586 = tpu.vector_load %arg8[%get3A_584, %get3A_585] {strides = array<i32>} : memref<104x512xf32, #tpu.memory_space<vmem>>, vector<1x16xf32>,
        %get3A_587 = vector.shape_cast %get3A_586 : vector<1x16xf32> to vector<16xf32>
        %get3A_588 = arith.index_cast %squeeze3A : i32 to index
        %get3A_589 = arith.constant 112 : index
        %get3A_590 = tpu.vector_load %arg8[%get3A_588, %get3A_589] {strides = array<i32>} : memref<104x512xf32, #tpu.memory_space<vmem>>, vector<1x16xf32>,
        %get3A_591 = vector.shape_cast %get3A_590 : vector<1x16xf32> to vector<16xf32>
        %add3A_592 = arith.addf %get3A_587, %get3A_591 : vector<16xf32>
        %swap3A_593 = arith.index_cast %squeeze3A_477 : i32 to index
        %swap3A_594 = arith.constant 112 : index
        %swap3A_595 = tpu.vector_load %arg8[%swap3A_593, %swap3A_594] {strides = array<i32>} : memref<104x512xf32, #tpu.memory_space<vmem>>, vector<1x16xf32>,
        %swap3A_596 = vector.shape_cast %swap3A_595 : vector<1x16xf32> to vector<16xf32>
        %swap3A_597 = vector.shape_cast %add3A_592 : vector<16xf32> to vector<1x16xf32>
        tpu.vector_store %arg8[%swap3A_593, %swap3A_594], %swap3A_597 {strides = array<i32>} : memref<104x512xf32, #tpu.memory_space<vmem>>, vector<1x16xf32>,
        %get3A_598 = arith.constant 1 : i32
        %get3A_599 = arith.index_cast %get3A_598 : i32 to index
        %get3A_600 = arith.constant 128 : index
        %get3A_601 = tpu.vector_load %arg8[%get3A_599, %get3A_600] {strides = array<i32>} : memref<104x512xf32, #tpu.memory_space<vmem>>, vector<1x16xf32>,
        %get3A_602 = vector.shape_cast %get3A_601 : vector<1x16xf32> to vector<16xf32>
        %get3A_603 = arith.index_cast %squeeze3A : i32 to index
        %get3A_604 = arith.constant 128 : index
        %get3A_605 = tpu.vector_load %arg8[%get3A_603, %get3A_604] {strides = array<i32>} : memref<104x512xf32, #tpu.memory_space<vmem>>, vector<1x16xf32>,
        %get3A_606 = vector.shape_cast %get3A_605 : vector<1x16xf32> to vector<16xf32>
        %add3A_607 = arith.addf %get3A_602, %get3A_606 : vector<16xf32>
        %swap3A_608 = arith.index_cast %squeeze3A_477 : i32 to index
        %swap3A_609 = arith.constant 128 : index
        %swap3A_610 = tpu.vector_load %arg8[%swap3A_608, %swap3A_609] {strides = array<i32>} : memref<104x512xf32, #tpu.memory_space<vmem>>, vector<1x16xf32>,
        %swap3A_611 = vector.shape_cast %swap3A_610 : vector<1x16xf32> to vector<16xf32>
        %swap3A_612 = vector.shape_cast %add3A_607 : vector<16xf32> to vector<1x16xf32>
        tpu.vector_store %arg8[%swap3A_608, %swap3A_609], %swap3A_612 {strides = array<i32>} : memref<104x512xf32, #tpu.memory_space<vmem>>, vector<1x16xf32>,
        %get3A_613 = arith.constant 1 : i32
        %get3A_614 = arith.index_cast %get3A_613 : i32 to index
        %get3A_615 = arith.constant 144 : index
        %get3A_616 = tpu.vector_load %arg8[%get3A_614, %get3A_615] {strides = array<i32>} : memref<104x512xf32, #tpu.memory_space<vmem>>, vector<1x16xf32>,
        %get3A_617 = vector.shape_cast %get3A_616 : vector<1x16xf32> to vector<16xf32>
        %get3A_618 = arith.index_cast %squeeze3A : i32 to index
        %get3A_619 = arith.constant 144 : index
        %get3A_620 = tpu.vector_load %arg8[%get3A_618, %get3A_619] {strides = array<i32>} : memref<104x512xf32, #tpu.memory_space<vmem>>, vector<1x16xf32>,
        %get3A_621 = vector.shape_cast %get3A_620 : vector<1x16xf32> to vector<16xf32>
        %add3A_622 = arith.addf %get3A_617, %get3A_621 : vector<16xf32>
        %swap3A_623 = arith.index_cast %squeeze3A_477 : i32 to index
        %swap3A_624 = arith.constant 144 : index
        %swap3A_625 = tpu.vector_load %arg8[%swap3A_623, %swap3A_624] {strides = array<i32>} : memref<104x512xf32, #tpu.memory_space<vmem>>, vector<1x16xf32>,
        %swap3A_626 = vector.shape_cast %swap3A_625 : vector<1x16xf32> to vector<16xf32>
        %swap3A_627 = vector.shape_cast %add3A_622 : vector<16xf32> to vector<1x16xf32>
        tpu.vector_store %arg8[%swap3A_623, %swap3A_624], %swap3A_627 {strides = array<i32>} : memref<104x512xf32, #tpu.memory_space<vmem>>, vector<1x16xf32>,
        %get3A_628 = arith.constant 1 : i32
        %get3A_629 = arith.index_cast %get3A_628 : i32 to index
        %get3A_630 = arith.constant 160 : index
        %get3A_631 = tpu.vector_load %arg8[%get3A_629, %get3A_630] {strides = array<i32>} : memref<104x512xf32, #tpu.memory_space<vmem>>, vector<1x16xf32>,
        %get3A_632 = vector.shape_cast %get3A_631 : vector<1x16xf32> to vector<16xf32>
        %get3A_633 = arith.index_cast %squeeze3A : i32 to index
        %get3A_634 = arith.constant 160 : index
        %get3A_635 = tpu.vector_load %arg8[%get3A_633, %get3A_634] {strides = array<i32>} : memref<104x512xf32, #tpu.memory_space<vmem>>, vector<1x16xf32>,
        %get3A_636 = vector.shape_cast %get3A_635 : vector<1x16xf32> to vector<16xf32>
        %add3A_637 = arith.addf %get3A_632, %get3A_636 : vector<16xf32>
        %swap3A_638 = arith.index_cast %squeeze3A_477 : i32 to index
        %swap3A_639 = arith.constant 160 : index
        %swap3A_640 = tpu.vector_load %arg8[%swap3A_638, %swap3A_639] {strides = array<i32>} : memref<104x512xf32, #tpu.memory_space<vmem>>, vector<1x16xf32>,
        %swap3A_641 = vector.shape_cast %swap3A_640 : vector<1x16xf32> to vector<16xf32>
        %swap3A_642 = vector.shape_cast %add3A_637 : vector<16xf32> to vector<1x16xf32>
        tpu.vector_store %arg8[%swap3A_638, %swap3A_639], %swap3A_642 {strides = array<i32>} : memref<104x512xf32, #tpu.memory_space<vmem>>, vector<1x16xf32>,
        %get3A_643 = arith.constant 1 : i32
        %get3A_644 = arith.index_cast %get3A_643 : i32 to index
        %get3A_645 = arith.constant 176 : index
        %get3A_646 = tpu.vector_load %arg8[%get3A_644, %get3A_645] {strides = array<i32>} : memref<104x512xf32, #tpu.memory_space<vmem>>, vector<1x16xf32>,
        %get3A_647 = vector.shape_cast %get3A_646 : vector<1x16xf32> to vector<16xf32>
        %get3A_648 = arith.index_cast %squeeze3A : i32 to index
        %get3A_649 = arith.constant 176 : index
        %get3A_650 = tpu.vector_load %arg8[%get3A_648, %get3A_649] {strides = array<i32>} : memref<104x512xf32, #tpu.memory_space<vmem>>, vector<1x16xf32>,
        %get3A_651 = vector.shape_cast %get3A_650 : vector<1x16xf32> to vector<16xf32>
        %add3A_652 = arith.addf %get3A_647, %get3A_651 : vector<16xf32>
        %swap3A_653 = arith.index_cast %squeeze3A_477 : i32 to index
        %swap3A_654 = arith.constant 176 : index
        %swap3A_655 = tpu.vector_load %arg8[%swap3A_653, %swap3A_654] {strides = array<i32>} : memref<104x512xf32, #tpu.memory_space<vmem>>, vector<1x16xf32>,
        %swap3A_656 = vector.shape_cast %swap3A_655 : vector<1x16xf32> to vector<16xf32>
        %swap3A_657 = vector.shape_cast %add3A_652 : vector<16xf32> to vector<1x16xf32>
        tpu.vector_store %arg8[%swap3A_653, %swap3A_654], %swap3A_657 {strides = array<i32>} : memref<104x512xf32, #tpu.memory_space<vmem>>, vector<1x16xf32>,
        %get3A_658 = arith.constant 1 : i32
        %get3A_659 = arith.index_cast %get3A_658 : i32 to index
        %get3A_660 = arith.constant 192 : index
        %get3A_661 = tpu.vector_load %arg8[%get3A_659, %get3A_660] {strides = array<i32>} : memref<104x512xf32, #tpu.memory_space<vmem>>, vector<1x16xf32>,
        %get3A_662 = vector.shape_cast %get3A_661 : vector<1x16xf32> to vector<16xf32>
        %get3A_663 = arith.index_cast %squeeze3A : i32 to index
        %get3A_664 = arith.constant 192 : index
        %get3A_665 = tpu.vector_load %arg8[%get3A_663, %get3A_664] {strides = array<i32>} : memref<104x512xf32, #tpu.memory_space<vmem>>, vector<1x16xf32>,
        %get3A_666 = vector.shape_cast %get3A_665 : vector<1x16xf32> to vector<16xf32>
        %add3A_667 = arith.addf %get3A_662, %get3A_666 : vector<16xf32>
        %swap3A_668 = arith.index_cast %squeeze3A_477 : i32 to index
        %swap3A_669 = arith.constant 192 : index
        %swap3A_670 = tpu.vector_load %arg8[%swap3A_668, %swap3A_669] {strides = array<i32>} : memref<104x512xf32, #tpu.memory_space<vmem>>, vector<1x16xf32>,
        %swap3A_671 = vector.shape_cast %swap3A_670 : vector<1x16xf32> to vector<16xf32>
        %swap3A_672 = vector.shape_cast %add3A_667 : vector<16xf32> to vector<1x16xf32>
        tpu.vector_store %arg8[%swap3A_668, %swap3A_669], %swap3A_672 {strides = array<i32>} : memref<104x512xf32, #tpu.memory_space<vmem>>, vector<1x16xf32>,
        %get3A_673 = arith.constant 1 : i32
        %get3A_674 = arith.index_cast %get3A_673 : i32 to index
        %get3A_675 = arith.constant 208 : index
        %get3A_676 = tpu.vector_load %arg8[%get3A_674, %get3A_675] {strides = array<i32>} : memref<104x512xf32, #tpu.memory_space<vmem>>, vector<1x16xf32>,
        %get3A_677 = vector.shape_cast %get3A_676 : vector<1x16xf32> to vector<16xf32>
        %get3A_678 = arith.index_cast %squeeze3A : i32 to index
        %get3A_679 = arith.constant 208 : index
        %get3A_680 = tpu.vector_load %arg8[%get3A_678, %get3A_679] {strides = array<i32>} : memref<104x512xf32, #tpu.memory_space<vmem>>, vector<1x16xf32>,
        %get3A_681 = vector.shape_cast %get3A_680 : vector<1x16xf32> to vector<16xf32>
        %add3A_682 = arith.addf %get3A_677, %get3A_681 : vector<16xf32>
        %swap3A_683 = arith.index_cast %squeeze3A_477 : i32 to index
        %swap3A_684 = arith.constant 208 : index
        %swap3A_685 = tpu.vector_load %arg8[%swap3A_683, %swap3A_684] {strides = array<i32>} : memref<104x512xf32, #tpu.memory_space<vmem>>, vector<1x16xf32>,
        %swap3A_686 = vector.shape_cast %swap3A_685 : vector<1x16xf32> to vector<16xf32>
        %swap3A_687 = vector.shape_cast %add3A_682 : vector<16xf32> to vector<1x16xf32>
        tpu.vector_store %arg8[%swap3A_683, %swap3A_684], %swap3A_687 {strides = array<i32>} : memref<104x512xf32, #tpu.memory_space<vmem>>, vector<1x16xf32>,
        %get3A_688 = arith.constant 1 : i32
        %get3A_689 = arith.index_cast %get3A_688 : i32 to index
        %get3A_690 = arith.constant 224 : index
        %get3A_691 = tpu.vector_load %arg8[%get3A_689, %get3A_690] {strides = array<i32>} : memref<104x512xf32, #tpu.memory_space<vmem>>, vector<1x16xf32>,
        %get3A_692 = vector.shape_cast %get3A_691 : vector<1x16xf32> to vector<16xf32>
        %get3A_693 = arith.index_cast %squeeze3A : i32 to index
        %get3A_694 = arith.constant 224 : index
        %get3A_695 = tpu.vector_load %arg8[%get3A_693, %get3A_694] {strides = array<i32>} : memref<104x512xf32, #tpu.memory_space<vmem>>, vector<1x16xf32>,
        %get3A_696 = vector.shape_cast %get3A_695 : vector<1x16xf32> to vector<16xf32>
        %add3A_697 = arith.addf %get3A_692, %get3A_696 : vector<16xf32>
        %swap3A_698 = arith.index_cast %squeeze3A_477 : i32 to index
        %swap3A_699 = arith.constant 224 : index
        %swap3A_700 = tpu.vector_load %arg8[%swap3A_698, %swap3A_699] {strides = array<i32>} : memref<104x512xf32, #tpu.memory_space<vmem>>, vector<1x16xf32>,
        %swap3A_701 = vector.shape_cast %swap3A_700 : vector<1x16xf32> to vector<16xf32>
        %swap3A_702 = vector.shape_cast %add3A_697 : vector<16xf32> to vector<1x16xf32>
        tpu.vector_store %arg8[%swap3A_698, %swap3A_699], %swap3A_702 {strides = array<i32>} : memref<104x512xf32, #tpu.memory_space<vmem>>, vector<1x16xf32>,
        %get3A_703 = arith.constant 1 : i32
        %get3A_704 = arith.index_cast %get3A_703 : i32 to index
        %get3A_705 = arith.constant 240 : index
        %get3A_706 = tpu.vector_load %arg8[%get3A_704, %get3A_705] {strides = array<i32>} : memref<104x512xf32, #tpu.memory_space<vmem>>, vector<1x16xf32>,
        %get3A_707 = vector.shape_cast %get3A_706 : vector<1x16xf32> to vector<16xf32>
        %get3A_708 = arith.index_cast %squeeze3A : i32 to index
        %get3A_709 = arith.constant 240 : index
        %get3A_710 = tpu.vector_load %arg8[%get3A_708, %get3A_709] {strides = array<i32>} : memref<104x512xf32, #tpu.memory_space<vmem>>, vector<1x16xf32>,
        %get3A_711 = vector.shape_cast %get3A_710 : vector<1x16xf32> to vector<16xf32>
        %add3A_712 = arith.addf %get3A_707, %get3A_711 : vector<16xf32>
        %swap3A_713 = arith.index_cast %squeeze3A_477 : i32 to index
        %swap3A_714 = arith.constant 240 : index
        %swap3A_715 = tpu.vector_load %arg8[%swap3A_713, %swap3A_714] {strides = array<i32>} : memref<104x512xf32, #tpu.memory_space<vmem>>, vector<1x16xf32>,
        %swap3A_716 = vector.shape_cast %swap3A_715 : vector<1x16xf32> to vector<16xf32>
        %swap3A_717 = vector.shape_cast %add3A_712 : vector<16xf32> to vector<1x16xf32>
        tpu.vector_store %arg8[%swap3A_713, %swap3A_714], %swap3A_717 {strides = array<i32>} : memref<104x512xf32, #tpu.memory_space<vmem>>, vector<1x16xf32>,
        %get3A_718 = arith.constant 1 : i32
        %get3A_719 = arith.index_cast %get3A_718 : i32 to index
        %get3A_720 = arith.constant 256 : index
        %get3A_721 = tpu.vector_load %arg8[%get3A_719, %get3A_720] {strides = array<i32>} : memref<104x512xf32, #tpu.memory_space<vmem>>, vector<1x16xf32>,
        %get3A_722 = vector.shape_cast %get3A_721 : vector<1x16xf32> to vector<16xf32>
        %get3A_723 = arith.index_cast %squeeze3A : i32 to index
        %get3A_724 = arith.constant 256 : index
        %get3A_725 = tpu.vector_load %arg8[%get3A_723, %get3A_724] {strides = array<i32>} : memref<104x512xf32, #tpu.memory_space<vmem>>, vector<1x16xf32>,
        %get3A_726 = vector.shape_cast %get3A_725 : vector<1x16xf32> to vector<16xf32>
        %add3A_727 = arith.addf %get3A_722, %get3A_726 : vector<16xf32>
        %swap3A_728 = arith.index_cast %squeeze3A_477 : i32 to index
        %swap3A_729 = arith.constant 256 : index
        %swap3A_730 = tpu.vector_load %arg8[%swap3A_728, %swap3A_729] {strides = array<i32>} : memref<104x512xf32, #tpu.memory_space<vmem>>, vector<1x16xf32>,
        %swap3A_731 = vector.shape_cast %swap3A_730 : vector<1x16xf32> to vector<16xf32>
        %swap3A_732 = vector.shape_cast %add3A_727 : vector<16xf32> to vector<1x16xf32>
        tpu.vector_store %arg8[%swap3A_728, %swap3A_729], %swap3A_732 {strides = array<i32>} : memref<104x512xf32, #tpu.memory_space<vmem>>, vector<1x16xf32>,
        %get3A_733 = arith.constant 1 : i32
        %get3A_734 = arith.index_cast %get3A_733 : i32 to index
        %get3A_735 = arith.constant 272 : index
        %get3A_736 = tpu.vector_load %arg8[%get3A_734, %get3A_735] {strides = array<i32>} : memref<104x512xf32, #tpu.memory_space<vmem>>, vector<1x16xf32>,
        %get3A_737 = vector.shape_cast %get3A_736 : vector<1x16xf32> to vector<16xf32>
        %get3A_738 = arith.index_cast %squeeze3A : i32 to index
        %get3A_739 = arith.constant 272 : index
        %get3A_740 = tpu.vector_load %arg8[%get3A_738, %get3A_739] {strides = array<i32>} : memref<104x512xf32, #tpu.memory_space<vmem>>, vector<1x16xf32>,
        %get3A_741 = vector.shape_cast %get3A_740 : vector<1x16xf32> to vector<16xf32>
        %add3A_742 = arith.addf %get3A_737, %get3A_741 : vector<16xf32>
        %swap3A_743 = arith.index_cast %squeeze3A_477 : i32 to index
        %swap3A_744 = arith.constant 272 : index
        %swap3A_745 = tpu.vector_load %arg8[%swap3A_743, %swap3A_744] {strides = array<i32>} : memref<104x512xf32, #tpu.memory_space<vmem>>, vector<1x16xf32>,
        %swap3A_746 = vector.shape_cast %swap3A_745 : vector<1x16xf32> to vector<16xf32>
        %swap3A_747 = vector.shape_cast %add3A_742 : vector<16xf32> to vector<1x16xf32>
        tpu.vector_store %arg8[%swap3A_743, %swap3A_744], %swap3A_747 {strides = array<i32>} : memref<104x512xf32, #tpu.memory_space<vmem>>, vector<1x16xf32>,
        %get3A_748 = arith.constant 1 : i32
        %get3A_749 = arith.index_cast %get3A_748 : i32 to index
        %get3A_750 = arith.constant 288 : index
        %get3A_751 = tpu.vector_load %arg8[%get3A_749, %get3A_750] {strides = array<i32>} : memref<104x512xf32, #tpu.memory_space<vmem>>, vector<1x16xf32>,
        %get3A_752 = vector.shape_cast %get3A_751 : vector<1x16xf32> to vector<16xf32>
        %get3A_753 = arith.index_cast %squeeze3A : i32 to index
        %get3A_754 = arith.constant 288 : index
        %get3A_755 = tpu.vector_load %arg8[%get3A_753, %get3A_754] {strides = array<i32>} : memref<104x512xf32, #tpu.memory_space<vmem>>, vector<1x16xf32>,
        %get3A_756 = vector.shape_cast %get3A_755 : vector<1x16xf32> to vector<16xf32>
        %add3A_757 = arith.addf %get3A_752, %get3A_756 : vector<16xf32>
        %swap3A_758 = arith.index_cast %squeeze3A_477 : i32 to index
        %swap3A_759 = arith.constant 288 : index
        %swap3A_760 = tpu.vector_load %arg8[%swap3A_758, %swap3A_759] {strides = array<i32>} : memref<104x512xf32, #tpu.memory_space<vmem>>, vector<1x16xf32>,
        %swap3A_761 = vector.shape_cast %swap3A_760 : vector<1x16xf32> to vector<16xf32>
        %swap3A_762 = vector.shape_cast %add3A_757 : vector<16xf32> to vector<1x16xf32>
        tpu.vector_store %arg8[%swap3A_758, %swap3A_759], %swap3A_762 {strides = array<i32>} : memref<104x512xf32, #tpu.memory_space<vmem>>, vector<1x16xf32>,
        %get3A_763 = arith.constant 1 : i32
        %get3A_764 = arith.index_cast %get3A_763 : i32 to index
        %get3A_765 = arith.constant 304 : index
        %get3A_766 = tpu.vector_load %arg8[%get3A_764, %get3A_765] {strides = array<i32>} : memref<104x512xf32, #tpu.memory_space<vmem>>, vector<1x16xf32>,
        %get3A_767 = vector.shape_cast %get3A_766 : vector<1x16xf32> to vector<16xf32>
        %get3A_768 = arith.index_cast %squeeze3A : i32 to index
        %get3A_769 = arith.constant 304 : index
        %get3A_770 = tpu.vector_load %arg8[%get3A_768, %get3A_769] {strides = array<i32>} : memref<104x512xf32, #tpu.memory_space<vmem>>, vector<1x16xf32>,
        %get3A_771 = vector.shape_cast %get3A_770 : vector<1x16xf32> to vector<16xf32>
        %add3A_772 = arith.addf %get3A_767, %get3A_771 : vector<16xf32>
        %swap3A_773 = arith.index_cast %squeeze3A_477 : i32 to index
        %swap3A_774 = arith.constant 304 : index
        %swap3A_775 = tpu.vector_load %arg8[%swap3A_773, %swap3A_774] {strides = array<i32>} : memref<104x512xf32, #tpu.memory_space<vmem>>, vector<1x16xf32>,
        %swap3A_776 = vector.shape_cast %swap3A_775 : vector<1x16xf32> to vector<16xf32>
        %swap3A_777 = vector.shape_cast %add3A_772 : vector<16xf32> to vector<1x16xf32>
        tpu.vector_store %arg8[%swap3A_773, %swap3A_774], %swap3A_777 {strides = array<i32>} : memref<104x512xf32, #tpu.memory_space<vmem>>, vector<1x16xf32>,
        %get3A_778 = arith.constant 1 : i32
        %get3A_779 = arith.index_cast %get3A_778 : i32 to index
        %get3A_780 = arith.constant 320 : index
        %get3A_781 = tpu.vector_load %arg8[%get3A_779, %get3A_780] {strides = array<i32>} : memref<104x512xf32, #tpu.memory_space<vmem>>, vector<1x16xf32>,
        %get3A_782 = vector.shape_cast %get3A_781 : vector<1x16xf32> to vector<16xf32>
        %get3A_783 = arith.index_cast %squeeze3A : i32 to index
        %get3A_784 = arith.constant 320 : index
        %get3A_785 = tpu.vector_load %arg8[%get3A_783, %get3A_784] {strides = array<i32>} : memref<104x512xf32, #tpu.memory_space<vmem>>, vector<1x16xf32>,
        %get3A_786 = vector.shape_cast %get3A_785 : vector<1x16xf32> to vector<16xf32>
        %add3A_787 = arith.addf %get3A_782, %get3A_786 : vector<16xf32>
        %swap3A_788 = arith.index_cast %squeeze3A_477 : i32 to index
        %swap3A_789 = arith.constant 320 : index
        %swap3A_790 = tpu.vector_load %arg8[%swap3A_788, %swap3A_789] {strides = array<i32>} : memref<104x512xf32, #tpu.memory_space<vmem>>, vector<1x16xf32>,
        %swap3A_791 = vector.shape_cast %swap3A_790 : vector<1x16xf32> to vector<16xf32>
        %swap3A_792 = vector.shape_cast %add3A_787 : vector<16xf32> to vector<1x16xf32>
        tpu.vector_store %arg8[%swap3A_788, %swap3A_789], %swap3A_792 {strides = array<i32>} : memref<104x512xf32, #tpu.memory_space<vmem>>, vector<1x16xf32>,
        %get3A_793 = arith.constant 1 : i32
        %get3A_794 = arith.index_cast %get3A_793 : i32 to index
        %get3A_795 = arith.constant 336 : index
        %get3A_796 = tpu.vector_load %arg8[%get3A_794, %get3A_795] {strides = array<i32>} : memref<104x512xf32, #tpu.memory_space<vmem>>, vector<1x16xf32>,
        %get3A_797 = vector.shape_cast %get3A_796 : vector<1x16xf32> to vector<16xf32>
        %get3A_798 = arith.index_cast %squeeze3A : i32 to index
        %get3A_799 = arith.constant 336 : index
        %get3A_800 = tpu.vector_load %arg8[%get3A_798, %get3A_799] {strides = array<i32>} : memref<104x512xf32, #tpu.memory_space<vmem>>, vector<1x16xf32>,
        %get3A_801 = vector.shape_cast %get3A_800 : vector<1x16xf32> to vector<16xf32>
        %add3A_802 = arith.addf %get3A_797, %get3A_801 : vector<16xf32>
        %swap3A_803 = arith.index_cast %squeeze3A_477 : i32 to index
        %swap3A_804 = arith.constant 336 : index
        %swap3A_805 = tpu.vector_load %arg8[%swap3A_803, %swap3A_804] {strides = array<i32>} : memref<104x512xf32, #tpu.memory_space<vmem>>, vector<1x16xf32>,
        %swap3A_806 = vector.shape_cast %swap3A_805 : vector<1x16xf32> to vector<16xf32>
        %swap3A_807 = vector.shape_cast %add3A_802 : vector<16xf32> to vector<1x16xf32>
        tpu.vector_store %arg8[%swap3A_803, %swap3A_804], %swap3A_807 {strides = array<i32>} : memref<104x512xf32, #tpu.memory_space<vmem>>, vector<1x16xf32>,
        %get3A_808 = arith.constant 1 : i32
        %get3A_809 = arith.index_cast %get3A_808 : i32 to index
        %get3A_810 = arith.constant 352 : index
        %get3A_811 = tpu.vector_load %arg8[%get3A_809, %get3A_810] {strides = array<i32>} : memref<104x512xf32, #tpu.memory_space<vmem>>, vector<1x16xf32>,
        %get3A_812 = vector.shape_cast %get3A_811 : vector<1x16xf32> to vector<16xf32>
        %get3A_813 = arith.index_cast %squeeze3A : i32 to index
        %get3A_814 = arith.constant 352 : index
        %get3A_815 = tpu.vector_load %arg8[%get3A_813, %get3A_814] {strides = array<i32>} : memref<104x512xf32, #tpu.memory_space<vmem>>, vector<1x16xf32>,
        %get3A_816 = vector.shape_cast %get3A_815 : vector<1x16xf32> to vector<16xf32>
        %add3A_817 = arith.addf %get3A_812, %get3A_816 : vector<16xf32>
        %swap3A_818 = arith.index_cast %squeeze3A_477 : i32 to index
        %swap3A_819 = arith.constant 352 : index
        %swap3A_820 = tpu.vector_load %arg8[%swap3A_818, %swap3A_819] {strides = array<i32>} : memref<104x512xf32, #tpu.memory_space<vmem>>, vector<1x16xf32>,
        %swap3A_821 = vector.shape_cast %swap3A_820 : vector<1x16xf32> to vector<16xf32>
        %swap3A_822 = vector.shape_cast %add3A_817 : vector<16xf32> to vector<1x16xf32>
        tpu.vector_store %arg8[%swap3A_818, %swap3A_819], %swap3A_822 {strides = array<i32>} : memref<104x512xf32, #tpu.memory_space<vmem>>, vector<1x16xf32>,
        %get3A_823 = arith.constant 1 : i32
        %get3A_824 = arith.index_cast %get3A_823 : i32 to index
        %get3A_825 = arith.constant 368 : index
        %get3A_826 = tpu.vector_load %arg8[%get3A_824, %get3A_825] {strides = array<i32>} : memref<104x512xf32, #tpu.memory_space<vmem>>, vector<1x16xf32>,
        %get3A_827 = vector.shape_cast %get3A_826 : vector<1x16xf32> to vector<16xf32>
        %get3A_828 = arith.index_cast %squeeze3A : i32 to index
        %get3A_829 = arith.constant 368 : index
        %get3A_830 = tpu.vector_load %arg8[%get3A_828, %get3A_829] {strides = array<i32>} : memref<104x512xf32, #tpu.memory_space<vmem>>, vector<1x16xf32>,
        %get3A_831 = vector.shape_cast %get3A_830 : vector<1x16xf32> to vector<16xf32>
        %add3A_832 = arith.addf %get3A_827, %get3A_831 : vector<16xf32>
        %swap3A_833 = arith.index_cast %squeeze3A_477 : i32 to index
        %swap3A_834 = arith.constant 368 : index
        %swap3A_835 = tpu.vector_load %arg8[%swap3A_833, %swap3A_834] {strides = array<i32>} : memref<104x512xf32, #tpu.memory_space<vmem>>, vector<1x16xf32>,
        %swap3A_836 = vector.shape_cast %swap3A_835 : vector<1x16xf32> to vector<16xf32>
        %swap3A_837 = vector.shape_cast %add3A_832 : vector<16xf32> to vector<1x16xf32>
        tpu.vector_store %arg8[%swap3A_833, %swap3A_834], %swap3A_837 {strides = array<i32>} : memref<104x512xf32, #tpu.memory_space<vmem>>, vector<1x16xf32>,
        %get3A_838 = arith.constant 1 : i32
        %get3A_839 = arith.index_cast %get3A_838 : i32 to index
        %get3A_840 = arith.constant 384 : index
        %get3A_841 = tpu.vector_load %arg8[%get3A_839, %get3A_840] {strides = array<i32>} : memref<104x512xf32, #tpu.memory_space<vmem>>, vector<1x16xf32>,
        %get3A_842 = vector.shape_cast %get3A_841 : vector<1x16xf32> to vector<16xf32>
        %get3A_843 = arith.index_cast %squeeze3A : i32 to index
        %get3A_844 = arith.constant 384 : index
        %get3A_845 = tpu.vector_load %arg8[%get3A_843, %get3A_844] {strides = array<i32>} : memref<104x512xf32, #tpu.memory_space<vmem>>, vector<1x16xf32>,
        %get3A_846 = vector.shape_cast %get3A_845 : vector<1x16xf32> to vector<16xf32>
        %add3A_847 = arith.addf %get3A_842, %get3A_846 : vector<16xf32>
        %swap3A_848 = arith.index_cast %squeeze3A_477 : i32 to index
        %swap3A_849 = arith.constant 384 : index
        %swap3A_850 = tpu.vector_load %arg8[%swap3A_848, %swap3A_849] {strides = array<i32>} : memref<104x512xf32, #tpu.memory_space<vmem>>, vector<1x16xf32>,
        %swap3A_851 = vector.shape_cast %swap3A_850 : vector<1x16xf32> to vector<16xf32>
        %swap3A_852 = vector.shape_cast %add3A_847 : vector<16xf32> to vector<1x16xf32>
        tpu.vector_store %arg8[%swap3A_848, %swap3A_849], %swap3A_852 {strides = array<i32>} : memref<104x512xf32, #tpu.memory_space<vmem>>, vector<1x16xf32>,
        %get3A_853 = arith.constant 1 : i32
        %get3A_854 = arith.index_cast %get3A_853 : i32 to index
        %get3A_855 = arith.constant 400 : index
        %get3A_856 = tpu.vector_load %arg8[%get3A_854, %get3A_855] {strides = array<i32>} : memref<104x512xf32, #tpu.memory_space<vmem>>, vector<1x16xf32>,
        %get3A_857 = vector.shape_cast %get3A_856 : vector<1x16xf32> to vector<16xf32>
        %get3A_858 = arith.index_cast %squeeze3A : i32 to index
        %get3A_859 = arith.constant 400 : index
        %get3A_860 = tpu.vector_load %arg8[%get3A_858, %get3A_859] {strides = array<i32>} : memref<104x512xf32, #tpu.memory_space<vmem>>, vector<1x16xf32>,
        %get3A_861 = vector.shape_cast %get3A_860 : vector<1x16xf32> to vector<16xf32>
        %add3A_862 = arith.addf %get3A_857, %get3A_861 : vector<16xf32>
        %swap3A_863 = arith.index_cast %squeeze3A_477 : i32 to index
        %swap3A_864 = arith.constant 400 : index
        %swap3A_865 = tpu.vector_load %arg8[%swap3A_863, %swap3A_864] {strides = array<i32>} : memref<104x512xf32, #tpu.memory_space<vmem>>, vector<1x16xf32>,
        %swap3A_866 = vector.shape_cast %swap3A_865 : vector<1x16xf32> to vector<16xf32>
        %swap3A_867 = vector.shape_cast %add3A_862 : vector<16xf32> to vector<1x16xf32>
        tpu.vector_store %arg8[%swap3A_863, %swap3A_864], %swap3A_867 {strides = array<i32>} : memref<104x512xf32, #tpu.memory_space<vmem>>, vector<1x16xf32>,
        %get3A_868 = arith.constant 1 : i32
        %get3A_869 = arith.index_cast %get3A_868 : i32 to index
        %get3A_870 = arith.constant 416 : index
        %get3A_871 = tpu.vector_load %arg8[%get3A_869, %get3A_870] {strides = array<i32>} : memref<104x512xf32, #tpu.memory_space<vmem>>, vector<1x16xf32>,
        %get3A_872 = vector.shape_cast %get3A_871 : vector<1x16xf32> to vector<16xf32>
        %get3A_873 = arith.index_cast %squeeze3A : i32 to index
        %get3A_874 = arith.constant 416 : index
        %get3A_875 = tpu.vector_load %arg8[%get3A_873, %get3A_874] {strides = array<i32>} : memref<104x512xf32, #tpu.memory_space<vmem>>, vector<1x16xf32>,
        %get3A_876 = vector.shape_cast %get3A_875 : vector<1x16xf32> to vector<16xf32>
        %add3A_877 = arith.addf %get3A_872, %get3A_876 : vector<16xf32>
        %swap3A_878 = arith.index_cast %squeeze3A_477 : i32 to index
        %swap3A_879 = arith.constant 416 : index
        %swap3A_880 = tpu.vector_load %arg8[%swap3A_878, %swap3A_879] {strides = array<i32>} : memref<104x512xf32, #tpu.memory_space<vmem>>, vector<1x16xf32>,
        %swap3A_881 = vector.shape_cast %swap3A_880 : vector<1x16xf32> to vector<16xf32>
        %swap3A_882 = vector.shape_cast %add3A_877 : vector<16xf32> to vector<1x16xf32>
        tpu.vector_store %arg8[%swap3A_878, %swap3A_879], %swap3A_882 {strides = array<i32>} : memref<104x512xf32, #tpu.memory_space<vmem>>, vector<1x16xf32>,
        %get3A_883 = arith.constant 1 : i32
        %get3A_884 = arith.index_cast %get3A_883 : i32 to index
        %get3A_885 = arith.constant 432 : index
        %get3A_886 = tpu.vector_load %arg8[%get3A_884, %get3A_885] {strides = array<i32>} : memref<104x512xf32, #tpu.memory_space<vmem>>, vector<1x16xf32>,
        %get3A_887 = vector.shape_cast %get3A_886 : vector<1x16xf32> to vector<16xf32>
        %get3A_888 = arith.index_cast %squeeze3A : i32 to index
        %get3A_889 = arith.constant 432 : index
        %get3A_890 = tpu.vector_load %arg8[%get3A_888, %get3A_889] {strides = array<i32>} : memref<104x512xf32, #tpu.memory_space<vmem>>, vector<1x16xf32>,
        %get3A_891 = vector.shape_cast %get3A_890 : vector<1x16xf32> to vector<16xf32>
        %add3A_892 = arith.addf %get3A_887, %get3A_891 : vector<16xf32>
        %swap3A_893 = arith.index_cast %squeeze3A_477 : i32 to index
        %swap3A_894 = arith.constant 432 : index
        %swap3A_895 = tpu.vector_load %arg8[%swap3A_893, %swap3A_894] {strides = array<i32>} : memref<104x512xf32, #tpu.memory_space<vmem>>, vector<1x16xf32>,
        %swap3A_896 = vector.shape_cast %swap3A_895 : vector<1x16xf32> to vector<16xf32>
        %swap3A_897 = vector.shape_cast %add3A_892 : vector<16xf32> to vector<1x16xf32>
        tpu.vector_store %arg8[%swap3A_893, %swap3A_894], %swap3A_897 {strides = array<i32>} : memref<104x512xf32, #tpu.memory_space<vmem>>, vector<1x16xf32>,
        %get3A_898 = arith.constant 1 : i32
        %get3A_899 = arith.index_cast %get3A_898 : i32 to index
        %get3A_900 = arith.constant 448 : index
        %get3A_901 = tpu.vector_load %arg8[%get3A_899, %get3A_900] {strides = array<i32>} : memref<104x512xf32, #tpu.memory_space<vmem>>, vector<1x16xf32>,
        %get3A_902 = vector.shape_cast %get3A_901 : vector<1x16xf32> to vector<16xf32>
        %get3A_903 = arith.index_cast %squeeze3A : i32 to index
        %get3A_904 = arith.constant 448 : index
        %get3A_905 = tpu.vector_load %arg8[%get3A_903, %get3A_904] {strides = array<i32>} : memref<104x512xf32, #tpu.memory_space<vmem>>, vector<1x16xf32>,
        %get3A_906 = vector.shape_cast %get3A_905 : vector<1x16xf32> to vector<16xf32>
        %add3A_907 = arith.addf %get3A_902, %get3A_906 : vector<16xf32>
        %swap3A_908 = arith.index_cast %squeeze3A_477 : i32 to index
        %swap3A_909 = arith.constant 448 : index
        %swap3A_910 = tpu.vector_load %arg8[%swap3A_908, %swap3A_909] {strides = array<i32>} : memref<104x512xf32, #tpu.memory_space<vmem>>, vector<1x16xf32>,
        %swap3A_911 = vector.shape_cast %swap3A_910 : vector<1x16xf32> to vector<16xf32>
        %swap3A_912 = vector.shape_cast %add3A_907 : vector<16xf32> to vector<1x16xf32>
        tpu.vector_store %arg8[%swap3A_908, %swap3A_909], %swap3A_912 {strides = array<i32>} : memref<104x512xf32, #tpu.memory_space<vmem>>, vector<1x16xf32>,
        %get3A_913 = arith.constant 1 : i32
        %get3A_914 = arith.index_cast %get3A_913 : i32 to index
        %get3A_915 = arith.constant 464 : index
        %get3A_916 = tpu.vector_load %arg8[%get3A_914, %get3A_915] {strides = array<i32>} : memref<104x512xf32, #tpu.memory_space<vmem>>, vector<1x16xf32>,
        %get3A_917 = vector.shape_cast %get3A_916 : vector<1x16xf32> to vector<16xf32>
        %get3A_918 = arith.index_cast %squeeze3A : i32 to index
        %get3A_919 = arith.constant 464 : index
        %get3A_920 = tpu.vector_load %arg8[%get3A_918, %get3A_919] {strides = array<i32>} : memref<104x512xf32, #tpu.memory_space<vmem>>, vector<1x16xf32>,
        %get3A_921 = vector.shape_cast %get3A_920 : vector<1x16xf32> to vector<16xf32>
        %add3A_922 = arith.addf %get3A_917, %get3A_921 : vector<16xf32>
        %swap3A_923 = arith.index_cast %squeeze3A_477 : i32 to index
        %swap3A_924 = arith.constant 464 : index
        %swap3A_925 = tpu.vector_load %arg8[%swap3A_923, %swap3A_924] {strides = array<i32>} : memref<104x512xf32, #tpu.memory_space<vmem>>, vector<1x16xf32>,
        %swap3A_926 = vector.shape_cast %swap3A_925 : vector<1x16xf32> to vector<16xf32>
        %swap3A_927 = vector.shape_cast %add3A_922 : vector<16xf32> to vector<1x16xf32>
        tpu.vector_store %arg8[%swap3A_923, %swap3A_924], %swap3A_927 {strides = array<i32>} : memref<104x512xf32, #tpu.memory_space<vmem>>, vector<1x16xf32>,
        %get3A_928 = arith.constant 1 : i32
        %get3A_929 = arith.index_cast %get3A_928 : i32 to index
        %get3A_930 = arith.constant 480 : index
        %get3A_931 = tpu.vector_load %arg8[%get3A_929, %get3A_930] {strides = array<i32>} : memref<104x512xf32, #tpu.memory_space<vmem>>, vector<1x16xf32>,
        %get3A_932 = vector.shape_cast %get3A_931 : vector<1x16xf32> to vector<16xf32>
        %get3A_933 = arith.index_cast %squeeze3A : i32 to index
        %get3A_934 = arith.constant 480 : index
        %get3A_935 = tpu.vector_load %arg8[%get3A_933, %get3A_934] {strides = array<i32>} : memref<104x512xf32, #tpu.memory_space<vmem>>, vector<1x16xf32>,
        %get3A_936 = vector.shape_cast %get3A_935 : vector<1x16xf32> to vector<16xf32>
        %add3A_937 = arith.addf %get3A_932, %get3A_936 : vector<16xf32>
        %swap3A_938 = arith.index_cast %squeeze3A_477 : i32 to index
        %swap3A_939 = arith.constant 480 : index
        %swap3A_940 = tpu.vector_load %arg8[%swap3A_938, %swap3A_939] {strides = array<i32>} : memref<104x512xf32, #tpu.memory_space<vmem>>, vector<1x16xf32>,
        %swap3A_941 = vector.shape_cast %swap3A_940 : vector<1x16xf32> to vector<16xf32>
        %swap3A_942 = vector.shape_cast %add3A_937 : vector<16xf32> to vector<1x16xf32>
        tpu.vector_store %arg8[%swap3A_938, %swap3A_939], %swap3A_942 {strides = array<i32>} : memref<104x512xf32, #tpu.memory_space<vmem>>, vector<1x16xf32>,
        %get3A_943 = arith.constant 1 : i32
        %get3A_944 = arith.index_cast %get3A_943 : i32 to index
        %get3A_945 = arith.constant 496 : index
        %get3A_946 = tpu.vector_load %arg8[%get3A_944, %get3A_945] {strides = array<i32>} : memref<104x512xf32, #tpu.memory_space<vmem>>, vector<1x16xf32>,
        %get3A_947 = vector.shape_cast %get3A_946 : vector<1x16xf32> to vector<16xf32>
        %get3A_948 = arith.index_cast %squeeze3A : i32 to index
        %get3A_949 = arith.constant 496 : index
        %get3A_950 = tpu.vector_load %arg8[%get3A_948, %get3A_949] {strides = array<i32>} : memref<104x512xf32, #tpu.memory_space<vmem>>, vector<1x16xf32>,
        %get3A_951 = vector.shape_cast %get3A_950 : vector<1x16xf32> to vector<16xf32>
        %add3A_952 = arith.addf %get3A_947, %get3A_951 : vector<16xf32>
        %swap3A_953 = arith.index_cast %squeeze3A_477 : i32 to index
        %swap3A_954 = arith.constant 496 : index
        %swap3A_955 = tpu.vector_load %arg8[%swap3A_953, %swap3A_954] {strides = array<i32>} : memref<104x512xf32, #tpu.memory_space<vmem>>, vector<1x16xf32>,
        %swap3A_956 = vector.shape_cast %swap3A_955 : vector<1x16xf32> to vector<16xf32>
        %swap3A_957 = vector.shape_cast %add3A_952 : vector<16xf32> to vector<1x16xf32>
        tpu.vector_store %arg8[%swap3A_953, %swap3A_954], %swap3A_957 {strides = array<i32>} : memref<104x512xf32, #tpu.memory_space<vmem>>, vector<1x16xf32>,
      }
      %scan3A_390 = arith.constant 96 : i32
      %dma_start3A = arith.constant 0 : i32
      %dma_start3A_391 = arith.constant 72 : i32
      %dma_start3A_392 = arith.constant 0 : i32
      %dma_start3A_393 = tpu.memref_slice %arg8[%dma_start3A_391, %dma_start3A_392] : memref<104x512xf32, #tpu.memory_space<vmem>> -> memref<32x128xf32, #tpu.memory_space<vmem>>
      %dma_start3A_394 = arith.constant 0 : i32
      %dma_start3A_395 = tpu.memref_slice %arg10[%dma_start3A, %dma_start3A_394] : memref<4x32xi32, #tpu.memory_space<vmem>> -> memref<1x32xi32, #tpu.memory_space<vmem>>
      %dma_start3A_396 = tpu.memref_squeeze %dma_start3A_395 : memref<1x32xi32, #tpu.memory_space<vmem>> -> memref<32xi32, #tpu.memory_space<vmem>>
      %dma_start3A_397 = arith.constant 0 : i32
      %dma_start3A_398 = arith.constant 0 : i32
      %dma_start3A_399 = tpu.memref_slice %arg7[%dma_start3A_397, %dma_start3A_398] : memref<131072x128xf32, #tpu.memory_space<hbm>> -> memref<131072x128xf32, #tpu.memory_space<hbm>>
      tpu.enqueue_indirect_dma source(%dma_start3A_393 : memref<32x128xf32, #tpu.memory_space<vmem>>) target(%dma_start3A_399 : memref<131072x128xf32, #tpu.memory_space<hbm>>) offsets(%dma_start3A_396 : memref<32xi32, #tpu.memory_space<vmem>>) semaphore(%arg13 : memref<!tpu.dma_semaphore, #tpu.memory_space<semaphore_mem>>)
      %dma_start3A_400 = arith.constant 1 : i32
      %dma_start3A_401 = arith.constant 72 : i32
      %dma_start3A_402 = arith.constant 128 : i32
      %dma_start3A_403 = tpu.memref_slice %arg8[%dma_start3A_401, %dma_start3A_402] : memref<104x512xf32, #tpu.memory_space<vmem>> -> memref<32x128xf32, #tpu.memory_space<vmem>>
      %dma_start3A_404 = arith.constant 0 : i32
      %dma_start3A_405 = tpu.memref_slice %arg10[%dma_start3A_400, %dma_start3A_404] : memref<4x32xi32, #tpu.memory_space<vmem>> -> memref<1x32xi32, #tpu.memory_space<vmem>>
      %dma_start3A_406 = tpu.memref_squeeze %dma_start3A_405 : memref<1x32xi32, #tpu.memory_space<vmem>> -> memref<32xi32, #tpu.memory_space<vmem>>
      %dma_start3A_407 = arith.constant 0 : i32
      %dma_start3A_408 = arith.constant 0 : i32
      %dma_start3A_409 = tpu.memref_slice %arg7[%dma_start3A_407, %dma_start3A_408] : memref<131072x128xf32, #tpu.memory_space<hbm>> -> memref<131072x128xf32, #tpu.memory_space<hbm>>
      tpu.enqueue_indirect_dma source(%dma_start3A_403 : memref<32x128xf32, #tpu.memory_space<vmem>>) target(%dma_start3A_409 : memref<131072x128xf32, #tpu.memory_space<hbm>>) offsets(%dma_start3A_406 : memref<32xi32, #tpu.memory_space<vmem>>) semaphore(%arg13 : memref<!tpu.dma_semaphore, #tpu.memory_space<semaphore_mem>>)
      %dma_start3A_410 = arith.constant 2 : i32
      %dma_start3A_411 = arith.constant 72 : i32
      %dma_start3A_412 = arith.constant 256 : i32
      %dma_start3A_413 = tpu.memref_slice %arg8[%dma_start3A_411, %dma_start3A_412] : memref<104x512xf32, #tpu.memory_space<vmem>> -> memref<32x128xf32, #tpu.memory_space<vmem>>
      %dma_start3A_414 = arith.constant 0 : i32
      %dma_start3A_415 = tpu.memref_slice %arg10[%dma_start3A_410, %dma_start3A_414] : memref<4x32xi32, #tpu.memory_space<vmem>> -> memref<1x32xi32, #tpu.memory_space<vmem>>
      %dma_start3A_416 = tpu.memref_squeeze %dma_start3A_415 : memref<1x32xi32, #tpu.memory_space<vmem>> -> memref<32xi32, #tpu.memory_space<vmem>>
      %dma_start3A_417 = arith.constant 0 : i32
      %dma_start3A_418 = arith.constant 0 : i32
      %dma_start3A_419 = tpu.memref_slice %arg7[%dma_start3A_417, %dma_start3A_418] : memref<131072x128xf32, #tpu.memory_space<hbm>> -> memref<131072x128xf32, #tpu.memory_space<hbm>>
      tpu.enqueue_indirect_dma source(%dma_start3A_413 : memref<32x128xf32, #tpu.memory_space<vmem>>) target(%dma_start3A_419 : memref<131072x128xf32, #tpu.memory_space<hbm>>) offsets(%dma_start3A_416 : memref<32xi32, #tpu.memory_space<vmem>>) semaphore(%arg13 : memref<!tpu.dma_semaphore, #tpu.memory_space<semaphore_mem>>)
      %dma_start3A_420 = arith.constant 3 : i32
      %dma_start3A_421 = arith.constant 72 : i32
      %dma_start3A_422 = arith.constant 384 : i32
      %dma_start3A_423 = tpu.memref_slice %arg8[%dma_start3A_421, %dma_start3A_422] : memref<104x512xf32, #tpu.memory_space<vmem>> -> memref<32x128xf32, #tpu.memory_space<vmem>>
      %dma_start3A_424 = arith.constant 0 : i32
      %dma_start3A_425 = tpu.memref_slice %arg10[%dma_start3A_420, %dma_start3A_424] : memref<4x32xi32, #tpu.memory_space<vmem>> -> memref<1x32xi32, #tpu.memory_space<vmem>>
      %dma_start3A_426 = tpu.memref_squeeze %dma_start3A_425 : memref<1x32xi32, #tpu.memory_space<vmem>> -> memref<32xi32, #tpu.memory_space<vmem>>
      %dma_start3A_427 = arith.constant 0 : i32
      %dma_start3A_428 = arith.constant 0 : i32
      %dma_start3A_429 = tpu.memref_slice %arg7[%dma_start3A_427, %dma_start3A_428] : memref<131072x128xf32, #tpu.memory_space<hbm>> -> memref<131072x128xf32, #tpu.memory_space<hbm>>
      tpu.enqueue_indirect_dma source(%dma_start3A_423 : memref<32x128xf32, #tpu.memory_space<vmem>>) target(%dma_start3A_429 : memref<131072x128xf32, #tpu.memory_space<hbm>>) offsets(%dma_start3A_426 : memref<32xi32, #tpu.memory_space<vmem>>) semaphore(%arg13 : memref<!tpu.dma_semaphore, #tpu.memory_space<semaphore_mem>>)
      %dma_wait3A = arith.constant 0 : i32
      %dma_wait3A_430 = arith.constant 72 : i32
      %dma_wait3A_431 = arith.constant 0 : i32
      %dma_wait3A_432 = tpu.memref_slice %arg8[%dma_wait3A_430, %dma_wait3A_431] : memref<104x512xf32, #tpu.memory_space<vmem>> -> memref<32x128xf32, #tpu.memory_space<vmem>>
      %dma_wait3A_433 = arith.constant 0 : i32
      %dma_wait3A_434 = tpu.memref_slice %arg10[%dma_wait3A, %dma_wait3A_433] : memref<4x32xi32, #tpu.memory_space<vmem>> -> memref<1x32xi32, #tpu.memory_space<vmem>>
      %dma_wait3A_435 = tpu.memref_squeeze %dma_wait3A_434 : memref<1x32xi32, #tpu.memory_space<vmem>> -> memref<32xi32, #tpu.memory_space<vmem>>
      %dma_wait3A_436 = arith.constant 0 : i32
      %dma_wait3A_437 = arith.constant 0 : i32
      %dma_wait3A_438 = tpu.memref_slice %arg7[%dma_wait3A_436, %dma_wait3A_437] : memref<131072x128xf32, #tpu.memory_space<hbm>> -> memref<131072x128xf32, #tpu.memory_space<hbm>>
      tpu.wait_indirect_dma semaphore(%arg13 : memref<!tpu.dma_semaphore, #tpu.memory_space<semaphore_mem>>) src(%dma_wait3A_432 : memref<32x128xf32, #tpu.memory_space<vmem>>) dst(%dma_wait3A_438 : memref<131072x128xf32, #tpu.memory_space<hbm>>)
      %dma_wait3A_439 = arith.constant 1 : i32
      %dma_wait3A_440 = arith.constant 72 : i32
      %dma_wait3A_441 = arith.constant 128 : i32
      %dma_wait3A_442 = tpu.memref_slice %arg8[%dma_wait3A_440, %dma_wait3A_441] : memref<104x512xf32, #tpu.memory_space<vmem>> -> memref<32x128xf32, #tpu.memory_space<vmem>>
      %dma_wait3A_443 = arith.constant 0 : i32
      %dma_wait3A_444 = tpu.memref_slice %arg10[%dma_wait3A_439, %dma_wait3A_443] : memref<4x32xi32, #tpu.memory_space<vmem>> -> memref<1x32xi32, #tpu.memory_space<vmem>>
      %dma_wait3A_445 = tpu.memref_squeeze %dma_wait3A_444 : memref<1x32xi32, #tpu.memory_space<vmem>> -> memref<32xi32, #tpu.memory_space<vmem>>
      %dma_wait3A_446 = arith.constant 0 : i32
      %dma_wait3A_447 = arith.constant 0 : i32
      %dma_wait3A_448 = tpu.memref_slice %arg7[%dma_wait3A_446, %dma_wait3A_447] : memref<131072x128xf32, #tpu.memory_space<hbm>> -> memref<131072x128xf32, #tpu.memory_space<hbm>>
      tpu.wait_indirect_dma semaphore(%arg13 : memref<!tpu.dma_semaphore, #tpu.memory_space<semaphore_mem>>) src(%dma_wait3A_442 : memref<32x128xf32, #tpu.memory_space<vmem>>) dst(%dma_wait3A_448 : memref<131072x128xf32, #tpu.memory_space<hbm>>)
      %dma_wait3A_449 = arith.constant 2 : i32
      %dma_wait3A_450 = arith.constant 72 : i32
      %dma_wait3A_451 = arith.constant 256 : i32
      %dma_wait3A_452 = tpu.memref_slice %arg8[%dma_wait3A_450, %dma_wait3A_451] : memref<104x512xf32, #tpu.memory_space<vmem>> -> memref<32x128xf32, #tpu.memory_space<vmem>>
      %dma_wait3A_453 = arith.constant 0 : i32
      %dma_wait3A_454 = tpu.memref_slice %arg10[%dma_wait3A_449, %dma_wait3A_453] : memref<4x32xi32, #tpu.memory_space<vmem>> -> memref<1x32xi32, #tpu.memory_space<vmem>>
      %dma_wait3A_455 = tpu.memref_squeeze %dma_wait3A_454 : memref<1x32xi32, #tpu.memory_space<vmem>> -> memref<32xi32, #tpu.memory_space<vmem>>
      %dma_wait3A_456 = arith.constant 0 : i32
      %dma_wait3A_457 = arith.constant 0 : i32
      %dma_wait3A_458 = tpu.memref_slice %arg7[%dma_wait3A_456, %dma_wait3A_457] : memref<131072x128xf32, #tpu.memory_space<hbm>> -> memref<131072x128xf32, #tpu.memory_space<hbm>>
      tpu.wait_indirect_dma semaphore(%arg13 : memref<!tpu.dma_semaphore, #tpu.memory_space<semaphore_mem>>) src(%dma_wait3A_452 : memref<32x128xf32, #tpu.memory_space<vmem>>) dst(%dma_wait3A_458 : memref<131072x128xf32, #tpu.memory_space<hbm>>)
      %dma_wait3A_459 = arith.constant 3 : i32
      %dma_wait3A_460 = arith.constant 72 : i32
      %dma_wait3A_461 = arith.constant 384 : i32
      %dma_wait3A_462 = tpu.memref_slice %arg8[%dma_wait3A_460, %dma_wait3A_461] : memref<104x512xf32, #tpu.memory_space<vmem>> -> memref<32x128xf32, #tpu.memory_space<vmem>>
      %dma_wait3A_463 = arith.constant 0 : i32
      %dma_wait3A_464 = tpu.memref_slice %arg10[%dma_wait3A_459, %dma_wait3A_463] : memref<4x32xi32, #tpu.memory_space<vmem>> -> memref<1x32xi32, #tpu.memory_space<vmem>>
      %dma_wait3A_465 = tpu.memref_squeeze %dma_wait3A_464 : memref<1x32xi32, #tpu.memory_space<vmem>> -> memref<32xi32, #tpu.memory_space<vmem>>
      %dma_wait3A_466 = arith.constant 0 : i32
      %dma_wait3A_467 = arith.constant 0 : i32
      %dma_wait3A_468 = tpu.memref_slice %arg7[%dma_wait3A_466, %dma_wait3A_467] : memref<131072x128xf32, #tpu.memory_space<hbm>> -> memref<131072x128xf32, #tpu.memory_space<hbm>>
      tpu.wait_indirect_dma semaphore(%arg13 : memref<!tpu.dma_semaphore, #tpu.memory_space<semaphore_mem>>) src(%dma_wait3A_462 : memref<32x128xf32, #tpu.memory_space<vmem>>) dst(%dma_wait3A_468 : memref<131072x128xf32, #tpu.memory_space<hbm>>)
    }
    %scan3A_5 = arith.constant 32 : i32
    return
  }
}

</mosaic_0001>

<sc_bundles>
// kernel: _sc_call.4.cloned.1.call-start
scs
__scs_entry_jumppad:
0x0: {  	(pc) =	sbr.rel $0x88, $3  }
0x1: {  	(tag) =	ssettag $0x0;
	lr =	simm.s32 $0x1  }
0x2: {  	[smem:$0x3F9D] =	sst lr;
	_ =	strace $0xD0000000  }
0x3: {  	_ = 	snop  }
0x4: {  	_ = 	snop  }
0x5: {  	_ = 	snop  }
0x6: {  	_ = 	snop  }
0x7: {  	_ = 	snop  }
__scs_overlays_trampoline_lowered:
0x8: {  	[smem:$0x3FAC] =	sst s0  }
0x9: {  	[smem:$0x3FAD] =	sst s1  }
0xa: {  	[smem:$0x3FAE] =	sst s2  }
0xb: {  	[smem:$0x3FAF] =	sst s3  }
0xc: {  	[smem:$0x3FB0] =	sst s4  }
0xd: {  	[smem:$0x3FB1] =	sst s5  }
0xe: {  	[smem:$0x3FB2] =	sst s6  }
0xf: {  	[smem:$0x3FB3] =	sst s7  }
0x10: {  	[smem:$0x3FB4] =	sst s8  }
0x11: {  	[smem:$0x3FB5] =	sst s9;
	s0 =	simm.s32 @!p0 $0x0  }
0x12: {  	s1 =	sld [smem:$0x3F9B];
	s0 =	simm.s32 @p0 $0x1  }
0x13: {  	[smem:$0x3FB6] =	sst s0;
	s0 =	simm.s32 @!p1 $0x0  }
0x14: {  	s2 =	sld [smem:$0x3F9A];
	s0 =	simm.s32 @p1 $0x1  }
0x15: {  	[smem:$0x3FB7] =	sst s0;
	s0 =	simm.s32 @!p2 $0x0  }
0x16: {  	s3 =	sld [smem:$0x3FDB];
	s0 =	simm.s32 @p2 $0x1  }
0x17: {  	s4 =	simm.s32 $0x1BF5;
	[smem:$0x3FB9] =	sst s0  }
0x18: {  	s0 =	sld [smem:$0x3F9C];
	_ =	swait.ge [sflag:s4], $0x0  }
0x19: {  	s7 =	sld [smem:$0x3F9D]  }
0x1a: {  	s8 =	sadd.s32 $0xFFFFE003, lr  }
0x1b: {  	s9 =	sadd.s32 $0xFFFFFEF7, lr;
	s5 =	simm.s32 $0xFFFFFFFF;
	p2 =	slt.u32 s8, $0xFFFFF086  }
0x1c: {  	p1 =	slt.u32 s9, $0xF7A;
	s5 =	simm.s32 @!p2 $0x0  }
0x1d: {  	s5 =	simm.s32 @p1 $0x1;
	p0 =	seq.s32 s7, s2  }
0x1e: {  	s7 =	smul.u32 @!p0 $0xF7A, s2;
	p2 =	seq.s32 @!p0 s5, $0x0  }
0x1f: {  	s9 =	smul.u32 $0xF7A, s1;
	s8 =	simm.s32 @!p0 $0x1BF5;
	p2 =	por !p2, p0  }
0x20: {  	[sflag:s8] =	ssyncset.s32 @!p0 $0xFFFFF086;
	s6 =	sadd.s32 @!p0 s3, s7;
	s7 =	simm.s32 @!p0 $0x108  }
0x21: {  	s3 =	sadd.s32 s3, s9;
	s6 =	sadd.s32 @!p0 $0x88, s6;
	s7 =	simm.s32 @p2 $0x1082  }
0x22: {  	[simem:s7], [sflag:s8] =	dma.local @!p0 [hbm:s6], $0xF7A  }
0x23: {  	s9 =	sor.u32 $0xD0000000, s2;
	s6 =	simm.s32 $0x108;
	_ =	swait.ge @!p0 [sflag:s8], $0x0  }
0x24: {  	s3 =	sadd.s32 $0x88, s3;
	s6 =	simm.s32 @!p1 $0x1082;
	[sflag:s4] =	ssyncset.s32 $0xFFFFF086  }
0x25: {  	[simem:s6], [sflag:s4] =	dma.local [hbm:s3], $0xF7A  }
0x26: {  	[smem:$0x3F9D] =	sst s1;
	(tag) =	ssettag s2;
	_ =	strace s9  }
0x27: {  	s1 =	sld [smem:$0x3FAD]  }
0x28: {  	s2 =	sld [smem:$0x3FAE]  }
0x29: {  	s4 =	sld [smem:$0x3FB0]  }
0x2a: {  	p0 =	seq.s32 s5, $0x0;
	s5 =	sld [smem:$0x3FB1]  }
0x2b: {  	s6 =	sld [smem:$0x3FB2]  }
0x2c: {  	s7 =	sld [smem:$0x3FB3]  }
0x2d: {  	s3 =	simm.s32 $0x108;
	s8 =	sld [smem:$0x3FB4]  }
0x2e: {  	s3 =	simm.s32 @!p0 $0x1082;
	s9 =	sld [smem:$0x3FB5]  }
0x2f: {  	lr =	sadd.s32 s0, s3;
	s0 =	sld [smem:$0x3FAC]  }
0x30: {  	s3 =	sld [smem:$0x3FAF]  }
0x31: {  	[smem:$0x3FB8] =	sst s10  }
0x32: {  	s10 =	sld [smem:$0x3FB6];
	_ =	sdelay $0x3  }
0x33: {  	p0 =	seq.s32 s10, $0x1;
	s10 =	sld [smem:$0x3FB8];
	_ =	sdelay $0x3  }
0x34: {  	[smem:$0x3FB8] =	sst s10  }
0x35: {  	s10 =	sld [smem:$0x3FB7];
	_ =	sdelay $0x3  }
0x36: {  	p1 =	seq.s32 s10, $0x1;
	s10 =	sld [smem:$0x3FB8];
	_ =	sdelay $0x3  }
0x37: {  	[smem:$0x3FB8] =	sst s10  }
0x38: {  	s10 =	sld [smem:$0x3FB9]  }
0x39: {  	_ = 	snop;
	(pc) =	sbr.ind lr, $3  }
0x3a: {  	_ = 	snop  }
0x3b: {  	_ = 	snop  }
0x3c: {  	p2 =	seq.s32 s10, $0x1;
	s10 =	sld [smem:$0x3FB8]  }
0x3d: {  	_ =	shalt  }
0x3e: {  	_ =	shalt  }
0x3f: {  	_ =	shalt  }
0x40: {  	_ =	shalt  }
0x41: {  	_ =	shalt  }
0x42: {  	_ =	shalt  }
0x43: {  	_ =	shalt  }
0x44: {  	_ =	shalt  }
0x45: {  	_ =	shalt  }
0x46: {  	_ =	shalt  }
0x47: {  	_ =	shalt  }
0x48: {  	_ =	shalt  }
0x49: {  	_ =	shalt  }
0x4a: {  	_ =	shalt  }
0x4b: {  	_ =	shalt  }
0x4c: {  	_ =	shalt  }
0x4d: {  	_ =	shalt  }
0x4e: {  	_ =	shalt  }
0x4f: {  	_ =	shalt  }
0x50: {  	_ =	shalt  }
0x51: {  	_ =	shalt  }
0x52: {  	_ =	shalt  }
0x53: {  	_ =	shalt  }
0x54: {  	_ =	shalt  }
0x55: {  	_ =	shalt  }
0x56: {  	_ =	shalt  }
0x57: {  	_ =	shalt  }
0x58: {  	_ =	shalt  }
0x59: {  	_ =	shalt  }
0x5a: {  	_ =	shalt  }
0x5b: {  	_ =	shalt  }
0x5c: {  	_ =	shalt  }
0x5d: {  	_ =	shalt  }
0x5e: {  	_ =	shalt  }
0x5f: {  	_ =	shalt  }
0x60: {  	_ =	shalt  }
0x61: {  	_ =	shalt  }
0x62: {  	_ =	shalt  }
0x63: {  	_ =	shalt  }
0x64: {  	_ =	shalt  }
0x65: {  	_ =	shalt  }
0x66: {  	_ =	shalt  }
0x67: {  	_ =	shalt  }
0x68: {  	_ =	shalt  }
0x69: {  	_ =	shalt  }
0x6a: {  	_ =	shalt  }
0x6b: {  	_ =	shalt  }
0x6c: {  	_ =	shalt  }
0x6d: {  	_ =	shalt  }
0x6e: {  	_ =	shalt  }
0x6f: {  	_ =	shalt  }
0x70: {  	_ =	shalt  }
0x71: {  	_ =	shalt  }
0x72: {  	_ =	shalt  }
0x73: {  	_ =	shalt  }
0x74: {  	_ =	shalt  }
0x75: {  	_ =	shalt  }
0x76: {  	_ =	shalt  }
0x77: {  	_ =	shalt  }
0x78: {  	_ =	shalt  }
0x79: {  	_ =	shalt  }
0x7a: {  	_ =	shalt  }
0x7b: {  	_ =	shalt  }
0x7c: {  	_ =	shalt  }
0x7d: {  	_ =	shalt  }
0x7e: {  	_ =	shalt  }
0x7f: {  	_ =	shalt  }
0x80: {  	_ =	shalt  }
0x81: {  	_ =	shalt  }
0x82: {  	_ =	shalt  }
0x83: {  	_ =	shalt  }
0x84: {  	_ =	shalt  }
0x85: {  	_ =	shalt  }
0x86: {  	_ =	shalt  }
0x87: {  	_ =	shalt  }
.Lfunc_end0:
.L_simem_size_0:
called_computation_lowered:
.L_overlay_start_0:
0x88: {  	s2 =	sld [smem:$0x3FD9]  }
0x89: {  	s3 =	sld [smem:$0x3FFE];
	_ =	sdelay $0x1  }
0x8a: {  	s1 =	srdreg.scid  }
0x8b: {  	s0 =	sand.u32 $0x1, s1  }
0x8c: {  	s15 =	sshll.u32 s0, $0xA;
	s2 =	sadd.s32 s3, s2  }
0x8d: {  	s2 =	sadd.s32 s2, s15  }
0x8e: {  	[smem:$0x3FC4] =	sst s2  }
0x8f: {  	_ = 	snop  }
0x90: {  	s5 =	sld [smem:$0x3FD0]  }
0x91: {  	s4 =	sld [smem:$0x3FC8]  }
0x92: {  	s2 =	sld [smem:$0x3FC7]  }
0x93: {  	s6 =	simm.s32 $0xB;
	s7 =	simm.s32 $0x10;
	s16 =	sld [smem:$0x3FC6]  }
0x94: {  	[smem:s7], [sflag:s6] =	dma.local [hbm:s5], $0x1  }
0x95: {  	_ =	swait.eq [sflag:s6], $0x1  }
0x96: {  	[sflag:s6] =	ssyncset.done $0x0  }
0x97: {  	[sflag:s6] =	ssyncadd.s32 $0xFFFFFFFF  }
0x98: {  	s17 =	sld [smem:$0x10];
	(tm) =	ssettm $0x1  }
0x99: {  	s18 =	sld [smem:$0x3FFB];
	_ =	sdelay $0x3  }
0x9a: {  	_ =	strace s18  }
0x9b: {  	s5 =	sld [smem:$0x3FFC];
	_ =	sdelay $0x3  }
0x9c: {  	_ =	strace s5  }
0x9d: {  	s5 =	sld [smem:$0x3FFD];
	_ =	sdelay $0x3  }
0x9e: {  	_ =	strace s5  }
0x9f: {  	_ =	strace $0x8FFFFFFF  }
0xa0: {  	s19 =	sld [smem:$0x3FDB];
	_ =	sdelay $0x1  }
0xa1: {  	s20 =	simm.s32 $_scs_section_size  }
0xa2: {  	s8 =	simm.s32 $_size__tile_overlayer_lowered;
	s9 =	simm.s32 $_tile_overlayer_lowered  }
0xa3: {  	s10 =	simm.s32 $0x1BFF;
	s21 =	sshll.u32 s9, $0x1;
	s7 =	sadd.s32 s20, s19  }
0xa4: {  	s22 =	simm.s32 $0x0;
	s8 =	sshll.u32 s8, $0x1;
	s9 =	sadd.s32 s21, s7  }
0xa5: {  	[timem:s22], [sflag:s10] =	dma.local [hbm:s9], s8  }
0xa6: {  	_ =	swait.ge [sflag:s10], s8  }
0xa7: {  	s8 =	ssub.s32 $0x0, s8;
	[sflag:s10] =	ssyncset.done $0x0  }
0xa8: {  	[sflag:s10] =	ssyncadd.s32 s8;
	_ =	sdelay $0x1  }
0xa9: {  	s23 =	simm.s32 $0x1B8B  }
0xaa: {  	_ =	swait.ge [sflag:s23], $0x1  }
0xab: {  	[sflag:s23] =	ssyncset.done $0x0  }
0xac: {  	[sflag:s23] =	ssyncadd.s32 $0xFFFFFFFF  }
0xad: {  	s8 =	sld [smem:$0x0]  }
0xae: {  	s9 =	sand.u32 $0xFFFFFFFE, s1  }
0xaf: {  	p0 =	sne.s32 s1, s9  }
0xb0: {  	s9 =	sshll.u32 @p0 s9, $0xE  }
0xb1: {  	s9 =	sadd.s32 @p0 $0x11B8D, s9;
	s10 =	sshll.u32 @p0 s8, $0x11  }
0xb2: {  	s9 =	sor.u32 @p0 s10, s9  }
0xb3: {  	[sflag:s9] =	ssyncadd.remote.s32 @p0 $0x1;
	_ =	sdelay $0x1  }
0xb4: {  	s9 =	simm.s32 @p0 $0x1B8D  }
0xb5: {  	_ =	swait.eq @p0 [sflag:s9], $0x1  }
0xb6: {  	[sflag:s9] =	ssyncadd.s32 @p0 $0xFFFFFFFF  }
0xb7: {  	s10 =	sshll.u32 @!p0 s1, $0xE  }
0xb8: {  	s10 =	sor.u32 @!p0 $0x4000, s10;
	s9 =	simm.s32 @!p0 $0x1B8D  }
0xb9: {  	s8 =	sshll.u32 @!p0 s8, $0x11;
	s10 =	sadd.s32 @!p0 $0x11B8D, s10;
	_ =	swait.eq @!p0 [sflag:s9], $0x1  }
0xba: {  	s8 =	sor.u32 @!p0 s8, s10;
	[sflag:s9] =	ssyncadd.s32 @!p0 $0xFFFFFFFF  }
0xbb: {  	s25 =	simm.s32 $0x1B8E;
	s24 =	sld [smem:$0x3FFE];
	[sflag:s8] =	ssyncadd.remote.s32 @!p0 $0x1  }
0xbc: {  	s26 =	simm.s32 $execute0_lowered;
	[smem:$0x3FD2] =	sst s25  }
0xbd: {  	s9 =	sshll.u32 s26, $0x1;
	_ =	strace $0x80000049;
	[dreg:$0x1] =	wrdreg $0xFFFFFFFF  }
0xbe: {  	s28 =	simm.s32 $_size_execute0_lowered;
	s7 =	sadd.s32 s7, s9;
	[dreg:$0x0] =	wrdreg $0x0  }
0xbf: {  	s9 =	sshll.u32 s28, $0x1;
	[dreg:$0x2] =	wrdreg s7  }
0xc0: {  	[dreg:$0x3] =	wrdreg s9  }
0xc1: {  	[dreg:$0x4] =	wrdreg $0xC0  }
0xc2: {  	_ =	task [dreg:s22], $0x5FFFF  }
0xc3: {  	[dreg:$0x1] =	wrdreg $0xFFFFFFFF  }
0xc4: {  	[dreg:$0x0] =	wrdreg $0x60  }
0xc5: {  	[dreg:$0x2] =	wrdreg s4  }
0xc6: {  	[dreg:$0x3] =	wrdreg s24  }
0xc7: {  	[dreg:$0x4] =	wrdreg s2  }
0xc8: {  	[dreg:$0x5] =	wrdreg s16  }
0xc9: {  	[dreg:$0x6] =	wrdreg s17  }
0xca: {  	[dreg:$0x7] =	wrdreg $0x9  }
0xcb: {  	_ =	task.clear_ibuf [dreg:s22], $0x8FFFF;
	_ =	strace $0x90000049  }
0xcc: {  	s29 =	simm.s32 $0x9;
	_ =	strace $0x8000004B  }
0xcd: {  	_ =	swait.ge [sflag:s29], $0x1  }
0xce: {  	[sflag:s29] =	ssyncadd.s32 $0xFFFFFFFF  }
0xcf: {  	_ =	strace $0x9000004B  }
0xd0: {  	_ =	sfence  }
0xd1: {  	s30 =	sld [smem:$0x0];
	_ =	sdelay $0x2  }
0xd2: {  	s31 =	sshll.u32 s1, $0xD;
	s1 =	sshrl.u32 s1, $0x2  }
0xd3: {  	s3 =	sand.u32 $0x4000, s31;
	s1 =	sadd.s32 s1, s30  }
0xd4: {  	s0 =	sor.u32 s3, s0;
	s1 =	sshll.u32 s1, $0x11  }
0xd5: {  	s0 =	sor.u32 s1, s0  }
0xd6: {  	s0 =	sadd.s32 $0x8F2B, s0  }
0xd7: {  	[sflag:s0] =	ssyncadd.remote.s32 $0x1  }
0xd8: {  	_ =	sfence.sel $0xFFFF  }
0xd9: {  	[dreg:$0x0] =	wrdreg $0xFFFFFFFF;
	(pc) =	sbr.abs _section_cstart, $3  }
0xda: {  	[dreg:$0x1] =	wrdreg $0xFFFFFFFF  }
0xdb: {  	_ =	task.clear_ibuf [dreg:s22], $0x2FFFF;
	_ =	strace $0x9FFFFFFF  }
0xdc: {  	(tm) =	ssettm $0x7FFFFFFF  }
0xdd: {  	_ =	shalt  }
tec
execute0_lowered:
.L_overlay_start_1:
0x0: {  	(tag) =	ssettag $0x1  }
0x1: {  	s0 =	rddreg [dreg:$0x1]  }
0x2: {  	s4 =	rddreg [dreg:$0x4]  }
0x3: {  	s5 =	simm.s32 $0x0;
	s1 =	srdreg.scid;
	s24 =	stileid.u32  }
0x4: {  	s12 =	simm.s32 $0x2;
	s15 =	simm.s32 $0x400000;
	s16 =	simm.s32 $0x1000  }
0x5: {  	s17 =	simm.s32 $0x400;
	s18 =	simm.s32 $0x800;
	s19 =	simm.s32 $0xC00  }
0x6: {  	s20 =	simm.s32 $0x9000;
	s21 =	simm.s32 $0xA000;
	s22 =	simm.s32 $0xB000  }
0x7: {  	s23 =	simm.s32 $0xC000;
	s28 =	simm.s32 $0xC400;
	s29 =	simm.s32 $0x9800  }
0x8: {  	s30 =	simm.s32 $0xA800;
	s31 =	simm.s32 $0xB800;
	s11 =	simm.s32 $0xBC00  }
0x9: {  	s13 =	simm.s32 $0xCC00;
	s14 =	simm.s32 $0x1;
	[smem:$0x7FF] =	sst s5  }
0xa: {  	s1 =	sand.u32 $0x1, s1;
	s3 =	sadd.s32 $0x800, s0;
	s25 =	sshll.u32 s24, $0x6  }
0xb: {  	s0 =	sadd.s32 $0x600, s0;
	s24 =	simm.s32 $0x9400;
	_ =	strace $0x8000004A  }
0xc: {  	s2 =	ssub.s32 $0x2, s1;
	[dreg:$0x6] =	wrdreg s3;
	s1 =	sshll.u32 s1, $0x5  }
0xd: {  	[dreg:$0x7] =	wrdreg s0;
	s0 =	simm.s32 $0xC800;
	s6 =	sshrl.u32 s2, $0x1  }
0xe: {  	v3 =	vlaneseq.u32;
	s3 =	simm.s32 $0x0;
	s9 =	sor.u32 s1, s25;
	s2 =	ssub.s32 s2, s6  }
0xf: {  	v0 =	vimm.f32 $0.0e+00;
	vm0 =	vmmov $0xff;
	v2 =	vshrl.u32 v3, $0x3;
	s25 =	simm.s32 $0xA400;
	s1 =	simm.s32 $0xAC00;
	s26 =	smax.u32 s2, $0x1  }
0x10: {  	v1 =	vand.u32 $0x7, v3;
	v3 =	vor.u32 $0x8, v3;
	v2 =	vmul.u32 $0x8, v2;
	s6 =	simm.s32 $0x9C00;
	[dreg:$0x8] =	wrdreg s26;
	s26 =	simm.s32 $0xB400  }
.LBB2_1:
0x11: {  	[dreg:$0x9] =	wrdreg s3  }
0x12: {  	s2 =	rddreg [dreg:$0x0];
	s10 =	simm.s32 $0xD000  }
0x13: {  	[tilespmem:s10], [sflag:$0x2] =	stream.linear.gather [hbm4b:s2+s5], $0x80, $0x38;
	[tilespmem:$0xD380] =	vst v63  }
0x14: {  	_ =	swait.ge [sflag:s12], $0x80  }
0x15: {  	[sflag:s12] =	ssyncset.done $0x0  }
0x16: {  	s7 =	simm.s32 $0xD280;
	s3 =	rddreg [dreg:$0x6];
	[sflag:s12] =	ssyncadd.s32 $0xFFFFFF80  }
0x17: {  	[tilespmem:s7], [sflag:$0x2] =	stream.linear.gather [hbm4b:s3+s5], $0x80, $0x38;
	[tilespmem:$0xD380] =	vst v63  }
0x18: {  	_ =	swait.ge [sflag:s12], $0x80  }
0x19: {  	[sflag:s12] =	ssyncset.done $0x0  }
0x1a: {  	s10 =	simm.s32 $0xD300;
	s8 =	rddreg [dreg:$0x7];
	[sflag:s12] =	ssyncadd.s32 $0xFFFFFF80  }
0x1b: {  	[tilespmem:s10], [sflag:$0x2] =	stream.linear.gather [hbm4b:s8+s5], $0x80, $0x38;
	[tilespmem:$0xD380] =	vst v63  }
0x1c: {  	_ =	swait.ge [sflag:s12], $0x80  }
0x1d: {  	[sflag:s12] =	ssyncset.done $0x0  }
0x1e: {  	s8 =	simm.s32 $0x0;
	[sflag:s12] =	ssyncadd.s32 $0xFFFFFF80  }
.LBB2_2:
0x1f: {  	s2 =	sadd.s32 s9, s8  }
0x20: {  	s3 =	rddreg [dreg:$0x3];
	s7 =	sshll.u32 s2, $0x9  }
0x21: {  	s7 =	sadd.s32 s3, s7  }
0x22: {  	[tilespmem:s16], [sflag:$0x2] =	stream.strided.gather [hbm4b:s7+s16], $0x8000, s15, s16, $0x38;
	[tilespmem:$0xD380] =	vst v63  }
0x23: {  	_ =	swait.ge [sflag:s12], $0x8000  }
0x24: {  	[sflag:s12] =	ssyncset.done $0x0  }
0x25: {  	[sflag:s12] =	ssyncadd.s32 $0xFFFF8000  }
0x26: {  	s3 =	sshll.u32 s2, $0x6;
	s10 =	rddreg [dreg:$0x2]  }
0x27: {  	s7 =	sadd.s32 s10, s3;
	s10 =	simm.s32 $0x0  }
0x28: {  	[tilespmem:s10], [sflag:$0x2] =	stream.linear.gather [hbm4b:s7+s10], $0x80, $0x38;
	[tilespmem:$0xD380] =	vst v63  }
0x29: {  	s3 =	sadd.s32 $0x10, s7  }
0x2a: {  	[tilespmem:s17], [sflag:$0x2] =	stream.linear.gather [hbm4b:s3+s10], $0x80, $0x38;
	[tilespmem:$0xD380] =	vst v63  }
0x2b: {  	s3 =	sadd.s32 $0x20, s7  }
0x2c: {  	[tilespmem:s18], [sflag:$0x2] =	stream.linear.gather [hbm4b:s3+s10], $0x80, $0x38;
	[tilespmem:$0xD380] =	vst v63  }
0x2d: {  	s7 =	sadd.s32 $0x30, s7  }
0x2e: {  	[tilespmem:s19], [sflag:$0x2] =	stream.linear.gather [hbm4b:s7+s10], $0x80, $0x38;
	[tilespmem:$0xD380] =	vst v63  }
0x2f: {  	_ =	swait.ge [sflag:s12], $0x200  }
0x30: {  	[sflag:s12] =	ssyncset.done $0x0  }
0x31: {  	[sflag:s12] =	ssyncadd.s32 $0xFFFFFE00  }
0x32: {  	[tilespmem:$0x80] =	vst v0  }
0x33: {  	[tilespmem:$0x90] =	vst v0  }
0x34: {  	[tilespmem:$0xA0] =	vst v0  }
0x35: {  	[tilespmem:$0xB0] =	vst v0  }
0x36: {  	[tilespmem:$0xC0] =	vst v0  }
0x37: {  	[tilespmem:$0xD0] =	vst v0  }
0x38: {  	[tilespmem:$0xE0] =	vst v0  }
0x39: {  	[tilespmem:$0xF0] =	vst v0  }
0x3a: {  	[tilespmem:$0x480] =	vst v0  }
0x3b: {  	[tilespmem:$0x490] =	vst v0  }
0x3c: {  	[tilespmem:$0x4A0] =	vst v0  }
0x3d: {  	[tilespmem:$0x4B0] =	vst v0  }
0x3e: {  	[tilespmem:$0x4C0] =	vst v0  }
0x3f: {  	[tilespmem:$0x4D0] =	vst v0  }
0x40: {  	[tilespmem:$0x4E0] =	vst v0;
	v4 =	vld [tilespmem:$0xD000]  }
0x41: {  	[tilespmem:$0x4F0] =	vst v0;
	v5 =	vld [tilespmem:$0xD010]  }
0x42: {  	[tilespmem:$0x880] =	vst v0  }
0x43: {  	[tilespmem:$0x890] =	vst v0  }
0x44: {  	s3 =	sshll.u32 s2, $0x2;
	[tilespmem:$0x8A0] =	vst v0  }
0x45: {  	[tilespmem:$0x8B0] =	vst v0;
	v4 =	vadd.s32 s3, v4  }
0x46: {  	[tilespmem:$0xD080] =	vst v4;
	v4 =	vadd.s32 s3, v5;
	v5 =	vld [tilespmem:$0xD000]  }
0x47: {  	[tilespmem:$0xD090] =	vst v4;
	v4 =	vld [tilespmem:$0xD010]  }
0x48: {  	[tilespmem:$0x8C0] =	vst v0  }
0x49: {  	[tilespmem:$0x8D0] =	vst v0  }
0x4a: {  	s10 =	sor.u32 $0x1, s3;
	[tilespmem:$0x8E0] =	vst v0  }
0x4b: {  	[tilespmem:$0x8F0] =	vst v0;
	v5 =	vadd.s32 s10, v5  }
0x4c: {  	[tilespmem:$0xD100] =	vst v5;
	v4 =	vadd.s32 s10, v4;
	v5 =	vld [tilespmem:$0xD000]  }
0x4d: {  	[tilespmem:$0xD110] =	vst v4;
	v4 =	vld [tilespmem:$0xD010]  }
0x4e: {  	[tilespmem:$0xC80] =	vst v0  }
0x4f: {  	[tilespmem:$0xC90] =	vst v0  }
0x50: {  	[tilespmem:$0xCA0] =	vst v0;
	s3 =	sor.u32 $0x2, s3  }
0x51: {  	[tilespmem:$0xCB0] =	vst v0;
	v5 =	vadd.s32 s3, v5  }
0x52: {  	[tilespmem:$0xD180] =	vst v5;
	v4 =	vadd.s32 s3, v4;
	v5 =	vld [tilespmem:$0xD000]  }
0x53: {  	[tilespmem:$0xD190] =	vst v4;
	v4 =	vld [tilespmem:$0xD010]  }
0x54: {  	[tilespmem:$0xCC0] =	vst v0  }
0x55: {  	[tilespmem:$0xCD0] =	vst v0  }
0x56: {  	s2 =	sshllo.u32 s2, $0x2;
	[tilespmem:$0xCE0] =	vst v0  }
0x57: {  	[tilespmem:$0xCF0] =	vst v0;
	v5 =	vadd.s32 s2, v5  }
0x58: {  	[tilespmem:$0xD200] =	vst v5;
	v4 =	vadd.s32 s2, v4  }
0x59: {  	s3 =	simm.s32 $0x0;
	[tilespmem:$0xD210] =	vst v4  }
0x5a: {  	v4 =	vld [tilespmem:s3+$0xD280];
	_ =	sdelay $0x4  }
0x5b: {  	(v2sf) =	vpush v4, $0x0;
	_ =	sdelay $0x1  }
0x5c: {  	v4 =	vld [tilespmem:s3+$0xD300];
	_ =	sdelay $0x4  }
0x5d: {  	(v2sf) =	vpush v4, $0x0;
	_ =	sdelay $0x7  }
0x5e: {  	s7 =	spop (v2sf)  }
0x5f: {  	s10 =	sshll.u32 s7, $0x9;
	s2 =	sshll.u32 s7, $0x7  }
0x60: {  	s3 =	sand.u32 $0xFFFFF000, s10;
	s2 =	sand.u32 $0x380, s2  }
0x61: {  	v4 =	vld [tilespmem:$0x80];
	s10 =	sor.u32 s2, s3  }
0x62: {  	v5 =	vld [tilespmem:s10+$0x0];
	_ =	sdelay $0x2  }
0x63: {  	s3 =	spop (v2sf)  }
0x64: {  	s7 =	sshll.u32 s3, $0x9;
	s2 =	sshll.u32 s3, $0x7  }
0x65: {  	s3 =	sand.u32 $0xFFFFF000, s7;
	s2 =	sand.u32 $0x380, s2;
	v4 =	vadd.f32 v5, v4  }
0x66: {  	s7 =	sor.u32 s2, s3  }
0x67: {  	[tilespmem:s7+$0x0] =	vst v4  }
0x68: {  	v4 =	vld [tilespmem:$0x90]  }
0x69: {  	v5 =	vld [tilespmem:s10+$0x10];
	_ =	sdelay $0x4  }
0x6a: {  	v4 =	vadd.f32 v5, v4;
	_ =	sdelay $0x1  }
0x6b: {  	[tilespmem:s7+$0x10] =	vst v4  }
0x6c: {  	v4 =	vld [tilespmem:$0xA0]  }
0x6d: {  	v5 =	vld [tilespmem:s10+$0x20];
	_ =	sdelay $0x4  }
0x6e: {  	v4 =	vadd.f32 v5, v4;
	_ =	sdelay $0x1  }
0x6f: {  	[tilespmem:s7+$0x20] =	vst v4  }
0x70: {  	v4 =	vld [tilespmem:$0xB0]  }
0x71: {  	v5 =	vld [tilespmem:s10+$0x30];
	_ =	sdelay $0x4  }
0x72: {  	v4 =	vadd.f32 v5, v4;
	_ =	sdelay $0x1  }
0x73: {  	[tilespmem:s7+$0x30] =	vst v4  }
0x74: {  	v4 =	vld [tilespmem:$0xC0]  }
0x75: {  	v5 =	vld [tilespmem:s10+$0x40];
	_ =	sdelay $0x4  }
0x76: {  	v4 =	vadd.f32 v5, v4;
	_ =	sdelay $0x1  }
0x77: {  	[tilespmem:s7+$0x40] =	vst v4  }
0x78: {  	v4 =	vld [tilespmem:$0xD0]  }
0x79: {  	v5 =	vld [tilespmem:s10+$0x50];
	_ =	sdelay $0x4  }
0x7a: {  	v4 =	vadd.f32 v5, v4;
	_ =	sdelay $0x1  }
0x7b: {  	[tilespmem:s7+$0x50] =	vst v4  }
0x7c: {  	v4 =	vld [tilespmem:$0xE0]  }
0x7d: {  	v5 =	vld [tilespmem:s10+$0x60];
	_ =	sdelay $0x4  }
0x7e: {  	v4 =	vadd.f32 v5, v4;
	_ =	sdelay $0x1  }
0x7f: {  	[tilespmem:s7+$0x60] =	vst v4  }
0x80: {  	v4 =	vld [tilespmem:$0xF0]  }
0x81: {  	v5 =	vld [tilespmem:s10+$0x70];
	_ =	sdelay $0x4  }
0x82: {  	v4 =	vadd.f32 v5, v4;
	_ =	sdelay $0x1  }
0x83: {  	[tilespmem:s7+$0x70] =	vst v4  }
0x84: {  	v4 =	vld [tilespmem:$0x480]  }
0x85: {  	v5 =	vld [tilespmem:s10+$0x400];
	_ =	sdelay $0x4  }
0x86: {  	v4 =	vadd.f32 v5, v4;
	_ =	sdelay $0x1  }
0x87: {  	[tilespmem:s7+$0x400] =	vst v4  }
0x88: {  	v4 =	vld [tilespmem:$0x490]  }
0x89: {  	v5 =	vld [tilespmem:s10+$0x410];
	_ =	sdelay $0x4  }
0x8a: {  	v4 =	vadd.f32 v5, v4;
	_ =	sdelay $0x1  }
0x8b: {  	[tilespmem:s7+$0x410] =	vst v4  }
0x8c: {  	v4 =	vld [tilespmem:$0x4A0]  }
0x8d: {  	v5 =	vld [tilespmem:s10+$0x420];
	_ =	sdelay $0x4  }
0x8e: {  	v4 =	vadd.f32 v5, v4;
	_ =	sdelay $0x1  }
0x8f: {  	[tilespmem:s7+$0x420] =	vst v4  }
0x90: {  	v4 =	vld [tilespmem:$0x4B0]  }
0x91: {  	v5 =	vld [tilespmem:s10+$0x430];
	_ =	sdelay $0x4  }
0x92: {  	v4 =	vadd.f32 v5, v4;
	_ =	sdelay $0x1  }
0x93: {  	[tilespmem:s7+$0x430] =	vst v4  }
0x94: {  	v4 =	vld [tilespmem:$0x4C0]  }
0x95: {  	v5 =	vld [tilespmem:s10+$0x440];
	_ =	sdelay $0x4  }
0x96: {  	v4 =	vadd.f32 v5, v4;
	_ =	sdelay $0x1  }
0x97: {  	[tilespmem:s7+$0x440] =	vst v4  }
0x98: {  	v4 =	vld [tilespmem:$0x4D0]  }
0x99: {  	v5 =	vld [tilespmem:s10+$0x450];
	_ =	sdelay $0x4  }
0x9a: {  	v4 =	vadd.f32 v5, v4;
	_ =	sdelay $0x1  }
0x9b: {  	[tilespmem:s7+$0x450] =	vst v4  }
0x9c: {  	v4 =	vld [tilespmem:$0x4E0]  }
0x9d: {  	v5 =	vld [tilespmem:s10+$0x460];
	_ =	sdelay $0x4  }
0x9e: {  	v4 =	vadd.f32 v5, v4;
	_ =	sdelay $0x1  }
0x9f: {  	[tilespmem:s7+$0x460] =	vst v4  }
0xa0: {  	v4 =	vld [tilespmem:$0x4F0]  }
0xa1: {  	v5 =	vld [tilespmem:s10+$0x470];
	_ =	sdelay $0x4  }
0xa2: {  	v4 =	vadd.f32 v5, v4;
	_ =	sdelay $0x1  }
0xa3: {  	[tilespmem:s7+$0x470] =	vst v4  }
0xa4: {  	v4 =	vld [tilespmem:$0x880]  }
0xa5: {  	v5 =	vld [tilespmem:s10+$0x800];
	_ =	sdelay $0x4  }
0xa6: {  	v4 =	vadd.f32 v5, v4;
	_ =	sdelay $0x1  }
0xa7: {  	[tilespmem:s7+$0x800] =	vst v4  }
0xa8: {  	v4 =	vld [tilespmem:$0x890]  }
0xa9: {  	v5 =	vld [tilespmem:s10+$0x810];
	_ =	sdelay $0x4  }
0xaa: {  	v4 =	vadd.f32 v5, v4;
	_ =	sdelay $0x1  }
0xab: {  	[tilespmem:s7+$0x810] =	vst v4  }
0xac: {  	v4 =	vld [tilespmem:$0x8A0]  }
0xad: {  	v5 =	vld [tilespmem:s10+$0x820];
	_ =	sdelay $0x4  }
0xae: {  	v4 =	vadd.f32 v5, v4;
	_ =	sdelay $0x1  }
0xaf: {  	[tilespmem:s7+$0x820] =	vst v4  }
0xb0: {  	v4 =	vld [tilespmem:$0x8B0]  }
0xb1: {  	v5 =	vld [tilespmem:s10+$0x830];
	_ =	sdelay $0x4  }
0xb2: {  	v4 =	vadd.f32 v5, v4;
	_ =	sdelay $0x1  }
0xb3: {  	[tilespmem:s7+$0x830] =	vst v4  }
0xb4: {  	v4 =	vld [tilespmem:$0x8C0]  }
0xb5: {  	v5 =	vld [tilespmem:s10+$0x840];
	_ =	sdelay $0x4  }
0xb6: {  	v4 =	vadd.f32 v5, v4;
	_ =	sdelay $0x1  }
0xb7: {  	[tilespmem:s7+$0x840] =	vst v4  }
0xb8: {  	v4 =	vld [tilespmem:$0x8D0]  }
0xb9: {  	v5 =	vld [tilespmem:s10+$0x850];
	_ =	sdelay $0x4  }
0xba: {  	v4 =	vadd.f32 v5, v4;
	_ =	sdelay $0x1  }
0xbb: {  	[tilespmem:s7+$0x850] =	vst v4  }
0xbc: {  	v4 =	vld [tilespmem:$0x8E0]  }
0xbd: {  	v5 =	vld [tilespmem:s10+$0x860];
	_ =	sdelay $0x4  }
0xbe: {  	v4 =	vadd.f32 v5, v4;
	_ =	sdelay $0x1  }
0xbf: {  	[tilespmem:s7+$0x860] =	vst v4  }
0xc0: {  	v4 =	vld [tilespmem:$0x8F0]  }
0xc1: {  	v5 =	vld [tilespmem:s10+$0x870];
	_ =	sdelay $0x4  }
0xc2: {  	v4 =	vadd.f32 v5, v4;
	_ =	sdelay $0x1  }
0xc3: {  	[tilespmem:s7+$0x870] =	vst v4  }
0xc4: {  	v4 =	vld [tilespmem:$0xC80]  }
0xc5: {  	v5 =	vld [tilespmem:s10+$0xC00];
	_ =	sdelay $0x4  }
0xc6: {  	v4 =	vadd.f32 v5, v4;
	_ =	sdelay $0x1  }
0xc7: {  	[tilespmem:s7+$0xC00] =	vst v4  }
0xc8: {  	v4 =	vld [tilespmem:$0xC90]  }
0xc9: {  	v5 =	vld [tilespmem:s10+$0xC10];
	_ =	sdelay $0x4  }
0xca: {  	v4 =	vadd.f32 v5, v4;
	_ =	sdelay $0x1  }
0xcb: {  	[tilespmem:s7+$0xC10] =	vst v4  }
0xcc: {  	v4 =	vld [tilespmem:$0xCA0]  }
0xcd: {  	v5 =	vld [tilespmem:s10+$0xC20];
	_ =	sdelay $0x4  }
0xce: {  	v4 =	vadd.f32 v5, v4;
	_ =	sdelay $0x1  }
0xcf: {  	[tilespmem:s7+$0xC20] =	vst v4  }
0xd0: {  	v4 =	vld [tilespmem:$0xCB0]  }
0xd1: {  	v5 =	vld [tilespmem:s10+$0xC30];
	_ =	sdelay $0x4  }
0xd2: {  	v4 =	vadd.f32 v5, v4;
	_ =	sdelay $0x1  }
0xd3: {  	[tilespmem:s7+$0xC30] =	vst v4  }
0xd4: {  	v4 =	vld [tilespmem:$0xCC0]  }
0xd5: {  	s2 =	simm.s32 $0x4;
	v5 =	vld [tilespmem:s10+$0xC40]  }
.LBB2_3:
0xd6: {  	_ =	sdelay $0x1  }
0xd7: {  	p0 =	sne.s32 s2, $0x17C;
	s3 =	smov.u32 s2;
	s2 =	sadd.s32 $0x4, s2  }
0xd8: {  	_ = 	snop  }
0xd9: {  	v4 =	vadd.f32 v5, v4;
	_ =	sdelay $0x1  }
0xda: {  	[tilespmem:s7+$0xC40] =	vst v4  }
0xdb: {  	v4 =	vld [tilespmem:$0xCD0]  }
0xdc: {  	v5 =	vld [tilespmem:s10+$0xC50];
	_ =	sdelay $0x4  }
0xdd: {  	v4 =	vadd.f32 v5, v4;
	_ =	sdelay $0x1  }
0xde: {  	[tilespmem:s7+$0xC50] =	vst v4  }
0xdf: {  	v4 =	vld [tilespmem:$0xCE0]  }
0xe0: {  	v5 =	vld [tilespmem:s10+$0xC60];
	_ =	sdelay $0x4  }
0xe1: {  	v4 =	vadd.f32 v5, v4;
	_ =	sdelay $0x1  }
0xe2: {  	[tilespmem:s7+$0xC60] =	vst v4  }
0xe3: {  	v4 =	vld [tilespmem:$0xCF0]  }
0xe4: {  	v5 =	vld [tilespmem:s10+$0xC70];
	_ =	sdelay $0x4  }
0xe5: {  	v4 =	vadd.f32 v5, v4;
	_ =	sdelay $0x1  }
0xe6: {  	s3 =	sshra.s32 s3, $0x2;
	[tilespmem:s7+$0xC70] =	vst v4  }
0xe7: {  	v4 =	vld [tilespmem:s3+$0xD280];
	_ =	sdelay $0x4  }
0xe8: {  	(v2sf) =	vpush v4, $0x0;
	_ =	sdelay $0x1  }
0xe9: {  	v4 =	vld [tilespmem:s3+$0xD300];
	_ =	sdelay $0x4  }
0xea: {  	(v2sf) =	vpush v4, $0x0;
	_ =	sdelay $0x7  }
0xeb: {  	s3 =	spop (v2sf)  }
0xec: {  	s7 =	sshll.u32 s3, $0x9;
	s3 =	sshll.u32 s3, $0x7  }
0xed: {  	s7 =	sand.u32 $0xFFFFF000, s7;
	s3 =	sand.u32 $0x380, s3  }
0xee: {  	v4 =	vld [tilespmem:$0x80];
	s10 =	sor.u32 s3, s7  }
0xef: {  	v5 =	vld [tilespmem:s10+$0x0];
	_ =	sdelay $0x2  }
0xf0: {  	s3 =	spop (v2sf)  }
0xf1: {  	s7 =	sshll.u32 s3, $0x9;
	s3 =	sshll.u32 s3, $0x7  }
0xf2: {  	v4 =	vadd.f32 v5, v4;
	s7 =	sand.u32 $0xFFFFF000, s7;
	s3 =	sand.u32 $0x380, s3  }
0xf3: {  	s7 =	sor.u32 s3, s7  }
0xf4: {  	[tilespmem:s7+$0x0] =	vst v4  }
0xf5: {  	v4 =	vld [tilespmem:$0x90]  }
0xf6: {  	v5 =	vld [tilespmem:s10+$0x10];
	_ =	sdelay $0x4  }
0xf7: {  	v4 =	vadd.f32 v5, v4;
	_ =	sdelay $0x1  }
0xf8: {  	[tilespmem:s7+$0x10] =	vst v4  }
0xf9: {  	v4 =	vld [tilespmem:$0xA0]  }
0xfa: {  	v5 =	vld [tilespmem:s10+$0x20];
	_ =	sdelay $0x4  }
0xfb: {  	v4 =	vadd.f32 v5, v4;
	_ =	sdelay $0x1  }
0xfc: {  	[tilespmem:s7+$0x20] =	vst v4  }
0xfd: {  	v4 =	vld [tilespmem:$0xB0]  }
0xfe: {  	v5 =	vld [tilespmem:s10+$0x30];
	_ =	sdelay $0x4  }
0xff: {  	v4 =	vadd.f32 v5, v4;
	_ =	sdelay $0x1  }
0x100: {  	[tilespmem:s7+$0x30] =	vst v4  }
0x101: {  	v4 =	vld [tilespmem:$0xC0]  }
0x102: {  	v5 =	vld [tilespmem:s10+$0x40];
	_ =	sdelay $0x4  }
0x103: {  	v4 =	vadd.f32 v5, v4;
	_ =	sdelay $0x1  }
0x104: {  	[tilespmem:s7+$0x40] =	vst v4  }
0x105: {  	v4 =	vld [tilespmem:$0xD0]  }
0x106: {  	v5 =	vld [tilespmem:s10+$0x50];
	_ =	sdelay $0x4  }
0x107: {  	v4 =	vadd.f32 v5, v4;
	_ =	sdelay $0x1  }
0x108: {  	[tilespmem:s7+$0x50] =	vst v4  }
0x109: {  	v4 =	vld [tilespmem:$0xE0]  }
0x10a: {  	v5 =	vld [tilespmem:s10+$0x60];
	_ =	sdelay $0x4  }
0x10b: {  	v4 =	vadd.f32 v5, v4;
	_ =	sdelay $0x1  }
0x10c: {  	[tilespmem:s7+$0x60] =	vst v4  }
0x10d: {  	v4 =	vld [tilespmem:$0xF0]  }
0x10e: {  	v5 =	vld [tilespmem:s10+$0x70];
	_ =	sdelay $0x4  }
0x10f: {  	v4 =	vadd.f32 v5, v4;
	_ =	sdelay $0x1  }
0x110: {  	[tilespmem:s7+$0x70] =	vst v4  }
0x111: {  	v4 =	vld [tilespmem:$0x480]  }
0x112: {  	v5 =	vld [tilespmem:s10+$0x400];
	_ =	sdelay $0x4  }
0x113: {  	v4 =	vadd.f32 v5, v4;
	_ =	sdelay $0x1  }
0x114: {  	[tilespmem:s7+$0x400] =	vst v4  }
0x115: {  	v4 =	vld [tilespmem:$0x490]  }
0x116: {  	v5 =	vld [tilespmem:s10+$0x410];
	_ =	sdelay $0x4  }
0x117: {  	v4 =	vadd.f32 v5, v4;
	_ =	sdelay $0x1  }
0x118: {  	[tilespmem:s7+$0x410] =	vst v4  }
0x119: {  	v4 =	vld [tilespmem:$0x4A0]  }
0x11a: {  	v5 =	vld [tilespmem:s10+$0x420];
	_ =	sdelay $0x4  }
0x11b: {  	v4 =	vadd.f32 v5, v4;
	_ =	sdelay $0x1  }
0x11c: {  	[tilespmem:s7+$0x420] =	vst v4  }
0x11d: {  	v4 =	vld [tilespmem:$0x4B0]  }
0x11e: {  	v5 =	vld [tilespmem:s10+$0x430];
	_ =	sdelay $0x4  }
0x11f: {  	v4 =	vadd.f32 v5, v4;
	_ =	sdelay $0x1  }
0x120: {  	[tilespmem:s7+$0x430] =	vst v4  }
0x121: {  	v4 =	vld [tilespmem:$0x4C0]  }
0x122: {  	v5 =	vld [tilespmem:s10+$0x440];
	_ =	sdelay $0x4  }
0x123: {  	v4 =	vadd.f32 v5, v4;
	_ =	sdelay $0x1  }
0x124: {  	[tilespmem:s7+$0x440] =	vst v4  }
0x125: {  	v4 =	vld [tilespmem:$0x4D0]  }
0x126: {  	v5 =	vld [tilespmem:s10+$0x450];
	_ =	sdelay $0x4  }
0x127: {  	v4 =	vadd.f32 v5, v4;
	_ =	sdelay $0x1  }
0x128: {  	[tilespmem:s7+$0x450] =	vst v4  }
0x129: {  	v4 =	vld [tilespmem:$0x4E0]  }
0x12a: {  	v5 =	vld [tilespmem:s10+$0x460];
	_ =	sdelay $0x4  }
0x12b: {  	v4 =	vadd.f32 v5, v4;
	_ =	sdelay $0x1  }
0x12c: {  	[tilespmem:s7+$0x460] =	vst v4  }
0x12d: {  	v4 =	vld [tilespmem:$0x4F0]  }
0x12e: {  	v5 =	vld [tilespmem:s10+$0x470];
	_ =	sdelay $0x4  }
0x12f: {  	v4 =	vadd.f32 v5, v4;
	_ =	sdelay $0x1  }
0x130: {  	[tilespmem:s7+$0x470] =	vst v4  }
0x131: {  	v4 =	vld [tilespmem:$0x880]  }
0x132: {  	v5 =	vld [tilespmem:s10+$0x800];
	_ =	sdelay $0x4  }
0x133: {  	v4 =	vadd.f32 v5, v4;
	_ =	sdelay $0x1  }
0x134: {  	[tilespmem:s7+$0x800] =	vst v4  }
0x135: {  	v4 =	vld [tilespmem:$0x890]  }
0x136: {  	v5 =	vld [tilespmem:s10+$0x810];
	_ =	sdelay $0x4  }
0x137: {  	v4 =	vadd.f32 v5, v4;
	_ =	sdelay $0x1  }
0x138: {  	[tilespmem:s7+$0x810] =	vst v4  }
0x139: {  	v4 =	vld [tilespmem:$0x8A0]  }
0x13a: {  	v5 =	vld [tilespmem:s10+$0x820];
	_ =	sdelay $0x4  }
0x13b: {  	v4 =	vadd.f32 v5, v4;
	_ =	sdelay $0x1  }
0x13c: {  	[tilespmem:s7+$0x820] =	vst v4  }
0x13d: {  	v4 =	vld [tilespmem:$0x8B0]  }
0x13e: {  	v5 =	vld [tilespmem:s10+$0x830];
	_ =	sdelay $0x4  }
0x13f: {  	v4 =	vadd.f32 v5, v4;
	_ =	sdelay $0x1  }
0x140: {  	[tilespmem:s7+$0x830] =	vst v4  }
0x141: {  	v4 =	vld [tilespmem:$0x8C0]  }
0x142: {  	v5 =	vld [tilespmem:s10+$0x840];
	_ =	sdelay $0x4  }
0x143: {  	v4 =	vadd.f32 v5, v4;
	_ =	sdelay $0x1  }
0x144: {  	[tilespmem:s7+$0x840] =	vst v4  }
0x145: {  	v4 =	vld [tilespmem:$0x8D0]  }
0x146: {  	v5 =	vld [tilespmem:s10+$0x850];
	_ =	sdelay $0x4  }
0x147: {  	v4 =	vadd.f32 v5, v4;
	_ =	sdelay $0x1  }
0x148: {  	[tilespmem:s7+$0x850] =	vst v4  }
0x149: {  	v4 =	vld [tilespmem:$0x8E0]  }
0x14a: {  	v5 =	vld [tilespmem:s10+$0x860];
	_ =	sdelay $0x4  }
0x14b: {  	v4 =	vadd.f32 v5, v4;
	_ =	sdelay $0x1  }
0x14c: {  	[tilespmem:s7+$0x860] =	vst v4  }
0x14d: {  	v4 =	vld [tilespmem:$0x8F0]  }
0x14e: {  	v5 =	vld [tilespmem:s10+$0x870];
	_ =	sdelay $0x4  }
0x14f: {  	v4 =	vadd.f32 v5, v4;
	_ =	sdelay $0x1  }
0x150: {  	[tilespmem:s7+$0x870] =	vst v4  }
0x151: {  	v4 =	vld [tilespmem:$0xC80]  }
0x152: {  	v5 =	vld [tilespmem:s10+$0xC00];
	_ =	sdelay $0x4  }
0x153: {  	v4 =	vadd.f32 v5, v4;
	_ =	sdelay $0x1  }
0x154: {  	[tilespmem:s7+$0xC00] =	vst v4  }
0x155: {  	v4 =	vld [tilespmem:$0xC90]  }
0x156: {  	v5 =	vld [tilespmem:s10+$0xC10];
	_ =	sdelay $0x4  }
0x157: {  	v4 =	vadd.f32 v5, v4;
	_ =	sdelay $0x1  }
0x158: {  	[tilespmem:s7+$0xC10] =	vst v4  }
0x159: {  	v4 =	vld [tilespmem:$0xCA0]  }
0x15a: {  	v5 =	vld [tilespmem:s10+$0xC20];
	_ =	sdelay $0x4  }
0x15b: {  	v4 =	vadd.f32 v5, v4;
	_ =	sdelay $0x1  }
0x15c: {  	[tilespmem:s7+$0xC20] =	vst v4  }
0x15d: {  	v4 =	vld [tilespmem:$0xCB0]  }
0x15e: {  	v5 =	vld [tilespmem:s10+$0xC30];
	_ =	sdelay $0x4  }
.Ltmp0:
0x15f: {  	v4 =	vadd.f32 v5, v4;
	(pc) =	sbr.rel @p0 .LBB2_3-.Ltmp0, $4  }
0x160: {  	_ = 	snop  }
0x161: {  	[tilespmem:s7+$0xC30] =	vst v4  }
0x162: {  	v4 =	vld [tilespmem:$0xCC0]  }
0x163: {  	v5 =	vld [tilespmem:s10+$0xC40]  }
0x164: {  	_ =	sdelay $0x3  }
0x165: {  	v4 =	vadd.f32 v5, v4;
	_ =	sdelay $0x1  }
0x166: {  	[tilespmem:s7+$0xC40] =	vst v4  }
0x167: {  	v4 =	vld [tilespmem:$0xCD0]  }
0x168: {  	v5 =	vld [tilespmem:s10+$0xC50];
	_ =	sdelay $0x4  }
0x169: {  	v4 =	vadd.f32 v5, v4;
	_ =	sdelay $0x1  }
0x16a: {  	[tilespmem:s7+$0xC50] =	vst v4  }
0x16b: {  	v4 =	vld [tilespmem:$0xCE0]  }
0x16c: {  	v5 =	vld [tilespmem:s10+$0xC60];
	_ =	sdelay $0x4  }
0x16d: {  	v4 =	vadd.f32 v5, v4;
	_ =	sdelay $0x1  }
0x16e: {  	[tilespmem:s7+$0xC60] =	vst v4  }
0x16f: {  	v4 =	vld [tilespmem:$0xCF0]  }
0x170: {  	v5 =	vld [tilespmem:s10+$0xC70];
	_ =	sdelay $0x4  }
0x171: {  	v4 =	vadd.f32 v5, v4;
	_ =	sdelay $0x1  }
0x172: {  	[tilespmem:s7+$0xC70] =	vst v4  }
0x173: {  	v4 =	vld [tilespmem:$0xD080];
	_ =	sdelay $0x4  }
0x174: {  	v5 =	vperm.xlane v4, v1;
	_ =	sdelay $0x1  }
0x175: {  	v4 =	vperm.xlane v4, v3;
	v5 =	vadd.s32 v2, v5;
	_ =	sdelay $0x1  }
0x176: {  	v4 =	vadd.s32 v2, v4;
	_ =	sdelay $0x2  }
0x177: {  	[hbm4b:s4+s5] =	stream.indirect_vreg.scatter [tilespmem:s20], [sflag:$0x1], $0x80, v5, vm0, $0xb8;
	[tilespmem:$0xD380] =	vst v63  }
0x178: {  	_ = 	snop  }
0x179: {  	[hbm4b:s4+s5] =	stream.indirect_vreg.scatter [tilespmem:s21], [sflag:$0x1], $0x80, v4, vm0, $0xb8;
	[tilespmem:$0xD380] =	vst v63  }
0x17a: {  	v4 =	vld [tilespmem:$0xD090];
	_ =	sdelay $0x4  }
0x17b: {  	v5 =	vperm.xlane v4, v1;
	_ =	sdelay $0x1  }
0x17c: {  	v4 =	vperm.xlane v4, v3;
	v5 =	vadd.s32 v2, v5;
	_ =	sdelay $0x1  }
0x17d: {  	v4 =	vadd.s32 v2, v4;
	_ =	sdelay $0x2  }
0x17e: {  	[hbm4b:s4+s5] =	stream.indirect_vreg.scatter [tilespmem:s22], [sflag:$0x1], $0x80, v5, vm0, $0xb8;
	[tilespmem:$0xD380] =	vst v63  }
0x17f: {  	_ = 	snop  }
0x180: {  	[hbm4b:s4+s5] =	stream.indirect_vreg.scatter [tilespmem:s23], [sflag:$0x1], $0x80, v4, vm0, $0xb8;
	[tilespmem:$0xD380] =	vst v63  }
0x181: {  	v4 =	vld [tilespmem:$0xD100];
	_ =	sdelay $0x4  }
0x182: {  	v5 =	vperm.xlane v4, v1;
	_ =	sdelay $0x1  }
0x183: {  	v4 =	vperm.xlane v4, v3;
	v5 =	vadd.s32 v2, v5;
	_ =	sdelay $0x1  }
0x184: {  	v4 =	vadd.s32 v2, v4;
	_ =	sdelay $0x2  }
0x185: {  	[hbm4b:s4+s5] =	stream.indirect_vreg.scatter [tilespmem:s24], [sflag:$0x1], $0x80, v5, vm0, $0xb8;
	[tilespmem:$0xD380] =	vst v63  }
0x186: {  	_ = 	snop  }
0x187: {  	[hbm4b:s4+s5] =	stream.indirect_vreg.scatter [tilespmem:s25], [sflag:$0x1], $0x80, v4, vm0, $0xb8;
	[tilespmem:$0xD380] =	vst v63  }
0x188: {  	v4 =	vld [tilespmem:$0xD110];
	_ =	sdelay $0x4  }
0x189: {  	v5 =	vperm.xlane v4, v1;
	_ =	sdelay $0x1  }
0x18a: {  	v4 =	vperm.xlane v4, v3;
	v5 =	vadd.s32 v2, v5;
	_ =	sdelay $0x1  }
0x18b: {  	v4 =	vadd.s32 v2, v4;
	_ =	sdelay $0x2  }
0x18c: {  	[hbm4b:s4+s5] =	stream.indirect_vreg.scatter [tilespmem:s26], [sflag:$0x1], $0x80, v5, vm0, $0xb8;
	[tilespmem:$0xD380] =	vst v63  }
0x18d: {  	_ = 	snop  }
0x18e: {  	[hbm4b:s4+s5] =	stream.indirect_vreg.scatter [tilespmem:s28], [sflag:$0x1], $0x80, v4, vm0, $0xb8;
	[tilespmem:$0xD380] =	vst v63  }
0x18f: {  	v4 =	vld [tilespmem:$0xD180];
	_ =	sdelay $0x4  }
0x190: {  	v5 =	vperm.xlane v4, v1;
	_ =	sdelay $0x1  }
0x191: {  	v4 =	vperm.xlane v4, v3;
	v5 =	vadd.s32 v2, v5;
	_ =	sdelay $0x1  }
0x192: {  	v4 =	vadd.s32 v2, v4;
	_ =	sdelay $0x2  }
0x193: {  	[hbm4b:s4+s5] =	stream.indirect_vreg.scatter [tilespmem:s29], [sflag:$0x1], $0x80, v5, vm0, $0xb8;
	[tilespmem:$0xD380] =	vst v63  }
0x194: {  	_ = 	snop  }
0x195: {  	[hbm4b:s4+s5] =	stream.indirect_vreg.scatter [tilespmem:s30], [sflag:$0x1], $0x80, v4, vm0, $0xb8;
	[tilespmem:$0xD380] =	vst v63  }
0x196: {  	v4 =	vld [tilespmem:$0xD190];
	_ =	sdelay $0x4  }
0x197: {  	v5 =	vperm.xlane v4, v1;
	_ =	sdelay $0x1  }
0x198: {  	v4 =	vperm.xlane v4, v3;
	v5 =	vadd.s32 v2, v5;
	_ =	sdelay $0x1  }
0x199: {  	v4 =	vadd.s32 v2, v4;
	_ =	sdelay $0x2  }
0x19a: {  	[hbm4b:s4+s5] =	stream.indirect_vreg.scatter [tilespmem:s31], [sflag:$0x1], $0x80, v5, vm0, $0xb8;
	[tilespmem:$0xD380] =	vst v63  }
0x19b: {  	_ = 	snop  }
0x19c: {  	[hbm4b:s4+s5] =	stream.indirect_vreg.scatter [tilespmem:s0], [sflag:$0x1], $0x80, v4, vm0, $0xb8;
	[tilespmem:$0xD380] =	vst v63  }
0x19d: {  	v4 =	vld [tilespmem:$0xD200];
	_ =	sdelay $0x4  }
0x19e: {  	v5 =	vperm.xlane v4, v1;
	_ =	sdelay $0x1  }
0x19f: {  	v4 =	vperm.xlane v4, v3;
	v5 =	vadd.s32 v2, v5;
	_ =	sdelay $0x1  }
0x1a0: {  	v4 =	vadd.s32 v2, v4;
	_ =	sdelay $0x2  }
0x1a1: {  	[hbm4b:s4+s5] =	stream.indirect_vreg.scatter [tilespmem:s6], [sflag:$0x1], $0x80, v5, vm0, $0xb8;
	[tilespmem:$0xD380] =	vst v63  }
0x1a2: {  	_ = 	snop  }
0x1a3: {  	[hbm4b:s4+s5] =	stream.indirect_vreg.scatter [tilespmem:s1], [sflag:$0x1], $0x80, v4, vm0, $0xb8;
	[tilespmem:$0xD380] =	vst v63  }
0x1a4: {  	v4 =	vld [tilespmem:$0xD210];
	_ =	sdelay $0x4  }
0x1a5: {  	v5 =	vperm.xlane v4, v1;
	_ =	sdelay $0x1  }
0x1a6: {  	v4 =	vperm.xlane v4, v3;
	v5 =	vadd.s32 v2, v5;
	_ =	sdelay $0x1  }
0x1a7: {  	v4 =	vadd.s32 v2, v4;
	_ =	sdelay $0x2  }
0x1a8: {  	[hbm4b:s4+s5] =	stream.indirect_vreg.scatter [tilespmem:s11], [sflag:$0x1], $0x80, v5, vm0, $0xb8;
	[tilespmem:$0xD380] =	vst v63  }
0x1a9: {  	_ = 	snop  }
0x1aa: {  	[hbm4b:s4+s5] =	stream.indirect_vreg.scatter [tilespmem:s13], [sflag:$0x1], $0x80, v4, vm0, $0xb8;
	[tilespmem:$0xD380] =	vst v63  }
0x1ab: {  	_ =	swait.ge [sflag:s14], $0x1000  }
0x1ac: {  	[sflag:s14] =	ssyncset.done $0x0  }
0x1ad: {  	[sflag:s14] =	ssyncadd.s32 $0xFFFFF000  }
0x1ae: {  	_ =	swait.ge [sflag:s14], $0x1000  }
0x1af: {  	[sflag:s14] =	ssyncset.done $0x0  }
0x1b0: {  	s8 =	sadd.s32 $0x1, s8;
	[sflag:s14] =	ssyncadd.s32 $0xFFFFF000  }
0x1b1: {  	p0 =	sne.s32 s8, $0x20;
	_ =	swait.ge [sflag:s14], $0x1000  }
.Ltmp1:
0x1b2: {  	[sflag:s14] =	ssyncset.done $0x0;
	(pc) =	sbr.rel @p0 .LBB2_2-.Ltmp1, $4  }
0x1b3: {  	[sflag:s14] =	ssyncadd.s32 $0xFFFFF000  }
0x1b4: {  	_ =	swait.ge [sflag:s14], $0x1000  }
0x1b5: {  	[sflag:s14] =	ssyncset.done $0x0  }
0x1b6: {  	[sflag:s14] =	ssyncadd.s32 $0xFFFFF000  }
0x1b7: {  	s3 =	rddreg [dreg:$0x9]  }
0x1b8: {  	s2 =	rddreg [dreg:$0x8];
	s3 =	sadd.s32 $0x1, s3  }
0x1b9: {  	p0 =	sne.s32 s3, s2  }
.Ltmp2:
0x1ba: {  	_ = 	snop;
	(pc) =	sbr.rel @p0 .LBB2_1-.Ltmp2, $1  }
0x1bb: {  	_ =	sdelay $0x3  }
0x1bc: {  	_ =	sfence.sel $0x180000  }
0x1bd: {  	[bflag:$0x0] =	sbarrier.arrive $0xFFFF  }
0x1be: {  	_ =	strace $0x9000004A  }
0x1bf: {  	s0 =	stileid.u32;
	[bflag:$0x2] =	sbarrier.arrive $0xFFFF  }
0x1c0: {  	p0 =	sne.s32 s0, $0x0;
	s0 =	rddreg [dreg:$0x5]  }
0x1c1: {  	s0 =	sadd.s32 @!p0 $0x100000, s0  }
0x1c2: {  	[sflag:s0] =	ssyncadd.tile.s32 @!p0 $0x1;
	_ =	shalt  }
.Lfunc_end2:
_tile_overlayer_lowered:
.L_overlay_start_2:
0x1c3: {  	(tag) =	ssettag $0x2  }
0x1c4: {  	s0 =	rddreg [dreg:$0x0];
	s2 =	stileid.u32  }
0x1c5: {  	s1 =	rddreg [dreg:$0x1];
	p0 =	sne.s32 s2, $0x0  }
0x1c6: {  	s3 =	rddreg [dreg:$0x2];
	[bflag:$0x3] =	sbarrier.arrive $0xFFFF;
	s2 =	simm.s32 @!p0 $0x1C02  }
0x1c7: {  	[timem:s3], [sflag:s2] =	dma.local @!p0 [hbm:s0], s1  }
0x1c8: {  	s0 =	simm.s32 @!p0 $0x2  }
0x1c9: {  	_ =	swait.ge @!p0 [sflag:s0], s1  }
0x1ca: {  	s1 =	ssub.s32 @!p0 $0x0, s1;
	[sflag:s0] =	ssyncset.done @!p0 $0x0  }
0x1cb: {  	[sflag:s0] =	ssyncadd.s32 @!p0 s1  }
0x1cc: {  	[bflag:$0x3] =	sbarrier.arrive $0xFFFF  }
0x1cd: {  	_ =	shalt  }

// kernel: _sc_call.7.cloned.1.call-start
scs
__scs_entry_jumppad:
0x0: {  	(pc) =	sbr.rel $0x88, $3  }
0x1: {  	(tag) =	ssettag $0x0;
	lr =	simm.s32 $0x1  }
0x2: {  	[smem:$0x3F9D] =	sst lr;
	_ =	strace $0xD0000000  }
0x3: {  	_ = 	snop  }
0x4: {  	_ = 	snop  }
0x5: {  	_ = 	snop  }
0x6: {  	_ = 	snop  }
0x7: {  	_ = 	snop  }
__scs_overlays_trampoline_lowered:
0x8: {  	[smem:$0x3FAC] =	sst s0  }
0x9: {  	[smem:$0x3FAD] =	sst s1  }
0xa: {  	[smem:$0x3FAE] =	sst s2  }
0xb: {  	[smem:$0x3FAF] =	sst s3  }
0xc: {  	[smem:$0x3FB0] =	sst s4  }
0xd: {  	[smem:$0x3FB1] =	sst s5  }
0xe: {  	[smem:$0x3FB2] =	sst s6  }
0xf: {  	[smem:$0x3FB3] =	sst s7  }
0x10: {  	[smem:$0x3FB4] =	sst s8  }
0x11: {  	[smem:$0x3FB5] =	sst s9;
	s0 =	simm.s32 @!p0 $0x0  }
0x12: {  	s1 =	sld [smem:$0x3F9B];
	s0 =	simm.s32 @p0 $0x1  }
0x13: {  	[smem:$0x3FB6] =	sst s0;
	s0 =	simm.s32 @!p1 $0x0  }
0x14: {  	s2 =	sld [smem:$0x3F9A];
	s0 =	simm.s32 @p1 $0x1  }
0x15: {  	[smem:$0x3FB7] =	sst s0;
	s0 =	simm.s32 @!p2 $0x0  }
0x16: {  	s3 =	sld [smem:$0x3FDB];
	s0 =	simm.s32 @p2 $0x1  }
0x17: {  	s4 =	simm.s32 $0x1BF5;
	[smem:$0x3FB9] =	sst s0  }
0x18: {  	s0 =	sld [smem:$0x3F9C];
	_ =	swait.ge [sflag:s4], $0x0  }
0x19: {  	s7 =	sld [smem:$0x3F9D]  }
0x1a: {  	s8 =	sadd.s32 $0xFFFFE003, lr  }
0x1b: {  	s9 =	sadd.s32 $0xFFFFFEF7, lr;
	s5 =	simm.s32 $0xFFFFFFFF;
	p2 =	slt.u32 s8, $0xFFFFF086  }
0x1c: {  	p1 =	slt.u32 s9, $0xF7A;
	s5 =	simm.s32 @!p2 $0x0  }
0x1d: {  	s5 =	simm.s32 @p1 $0x1;
	p0 =	seq.s32 s7, s2  }
0x1e: {  	s7 =	smul.u32 @!p0 $0xF7A, s2;
	p2 =	seq.s32 @!p0 s5, $0x0  }
0x1f: {  	s9 =	smul.u32 $0xF7A, s1;
	s8 =	simm.s32 @!p0 $0x1BF5;
	p2 =	por !p2, p0  }
0x20: {  	[sflag:s8] =	ssyncset.s32 @!p0 $0xFFFFF086;
	s6 =	sadd.s32 @!p0 s3, s7;
	s7 =	simm.s32 @!p0 $0x108  }
0x21: {  	s3 =	sadd.s32 s3, s9;
	s6 =	sadd.s32 @!p0 $0x88, s6;
	s7 =	simm.s32 @p2 $0x1082  }
0x22: {  	[simem:s7], [sflag:s8] =	dma.local @!p0 [hbm:s6], $0xF7A  }
0x23: {  	s9 =	sor.u32 $0xD0000000, s2;
	s6 =	simm.s32 $0x108;
	_ =	swait.ge @!p0 [sflag:s8], $0x0  }
0x24: {  	s3 =	sadd.s32 $0x88, s3;
	s6 =	simm.s32 @!p1 $0x1082;
	[sflag:s4] =	ssyncset.s32 $0xFFFFF086  }
0x25: {  	[simem:s6], [sflag:s4] =	dma.local [hbm:s3], $0xF7A  }
0x26: {  	[smem:$0x3F9D] =	sst s1;
	(tag) =	ssettag s2;
	_ =	strace s9  }
0x27: {  	s1 =	sld [smem:$0x3FAD]  }
0x28: {  	s2 =	sld [smem:$0x3FAE]  }
0x29: {  	s4 =	sld [smem:$0x3FB0]  }
0x2a: {  	p0 =	seq.s32 s5, $0x0;
	s5 =	sld [smem:$0x3FB1]  }
0x2b: {  	s6 =	sld [smem:$0x3FB2]  }
0x2c: {  	s7 =	sld [smem:$0x3FB3]  }
0x2d: {  	s3 =	simm.s32 $0x108;
	s8 =	sld [smem:$0x3FB4]  }
0x2e: {  	s3 =	simm.s32 @!p0 $0x1082;
	s9 =	sld [smem:$0x3FB5]  }
0x2f: {  	lr =	sadd.s32 s0, s3;
	s0 =	sld [smem:$0x3FAC]  }
0x30: {  	s3 =	sld [smem:$0x3FAF]  }
0x31: {  	[smem:$0x3FB8] =	sst s10  }
0x32: {  	s10 =	sld [smem:$0x3FB6];
	_ =	sdelay $0x3  }
0x33: {  	p0 =	seq.s32 s10, $0x1;
	s10 =	sld [smem:$0x3FB8];
	_ =	sdelay $0x3  }
0x34: {  	[smem:$0x3FB8] =	sst s10  }
0x35: {  	s10 =	sld [smem:$0x3FB7];
	_ =	sdelay $0x3  }
0x36: {  	p1 =	seq.s32 s10, $0x1;
	s10 =	sld [smem:$0x3FB8];
	_ =	sdelay $0x3  }
0x37: {  	[smem:$0x3FB8] =	sst s10  }
0x38: {  	s10 =	sld [smem:$0x3FB9]  }
0x39: {  	_ = 	snop;
	(pc) =	sbr.ind lr, $3  }
0x3a: {  	_ = 	snop  }
0x3b: {  	_ = 	snop  }
0x3c: {  	p2 =	seq.s32 s10, $0x1;
	s10 =	sld [smem:$0x3FB8]  }
0x3d: {  	_ =	shalt  }
0x3e: {  	_ =	shalt  }
0x3f: {  	_ =	shalt  }
0x40: {  	_ =	shalt  }
0x41: {  	_ =	shalt  }
0x42: {  	_ =	shalt  }
0x43: {  	_ =	shalt  }
0x44: {  	_ =	shalt  }
0x45: {  	_ =	shalt  }
0x46: {  	_ =	shalt  }
0x47: {  	_ =	shalt  }
0x48: {  	_ =	shalt  }
0x49: {  	_ =	shalt  }
0x4a: {  	_ =	shalt  }
0x4b: {  	_ =	shalt  }
0x4c: {  	_ =	shalt  }
0x4d: {  	_ =	shalt  }
0x4e: {  	_ =	shalt  }
0x4f: {  	_ =	shalt  }
0x50: {  	_ =	shalt  }
0x51: {  	_ =	shalt  }
0x52: {  	_ =	shalt  }
0x53: {  	_ =	shalt  }
0x54: {  	_ =	shalt  }
0x55: {  	_ =	shalt  }
0x56: {  	_ =	shalt  }
0x57: {  	_ =	shalt  }
0x58: {  	_ =	shalt  }
0x59: {  	_ =	shalt  }
0x5a: {  	_ =	shalt  }
0x5b: {  	_ =	shalt  }
0x5c: {  	_ =	shalt  }
0x5d: {  	_ =	shalt  }
0x5e: {  	_ =	shalt  }
0x5f: {  	_ =	shalt  }
0x60: {  	_ =	shalt  }
0x61: {  	_ =	shalt  }
0x62: {  	_ =	shalt  }
0x63: {  	_ =	shalt  }
0x64: {  	_ =	shalt  }
0x65: {  	_ =	shalt  }
0x66: {  	_ =	shalt  }
0x67: {  	_ =	shalt  }
0x68: {  	_ =	shalt  }
0x69: {  	_ =	shalt  }
0x6a: {  	_ =	shalt  }
0x6b: {  	_ =	shalt  }
0x6c: {  	_ =	shalt  }
0x6d: {  	_ =	shalt  }
0x6e: {  	_ =	shalt  }
0x6f: {  	_ =	shalt  }
0x70: {  	_ =	shalt  }
0x71: {  	_ =	shalt  }
0x72: {  	_ =	shalt  }
0x73: {  	_ =	shalt  }
0x74: {  	_ =	shalt  }
0x75: {  	_ =	shalt  }
0x76: {  	_ =	shalt  }
0x77: {  	_ =	shalt  }
0x78: {  	_ =	shalt  }
0x79: {  	_ =	shalt  }
0x7a: {  	_ =	shalt  }
0x7b: {  	_ =	shalt  }
0x7c: {  	_ =	shalt  }
0x7d: {  	_ =	shalt  }
0x7e: {  	_ =	shalt  }
0x7f: {  	_ =	shalt  }
0x80: {  	_ =	shalt  }
0x81: {  	_ =	shalt  }
0x82: {  	_ =	shalt  }
0x83: {  	_ =	shalt  }
0x84: {  	_ =	shalt  }
0x85: {  	_ =	shalt  }
0x86: {  	_ =	shalt  }
0x87: {  	_ =	shalt  }
.Lfunc_end0:
.L_simem_size_0:
called_computation.1_lowered:
.L_overlay_start_0:
0x88: {  	s2 =	sld [smem:$0x3FD9]  }
0x89: {  	s3 =	sld [smem:$0x3FFE];
	_ =	sdelay $0x1  }
0x8a: {  	s1 =	srdreg.scid  }
0x8b: {  	s0 =	sand.u32 $0x1, s1  }
0x8c: {  	s14 =	sshll.u32 s0, $0xA;
	s2 =	sadd.s32 s3, s2  }
0x8d: {  	s2 =	sadd.s32 s2, s14  }
0x8e: {  	[smem:$0x3FC4] =	sst s2  }
0x8f: {  	_ = 	snop  }
0x90: {  	s2 =	sld [smem:$0x3FD0]  }
0x91: {  	s15 =	sld [smem:$0x3FC8]  }
0x92: {  	s4 =	sld [smem:$0x3FC7]  }
0x93: {  	s6 =	simm.s32 $0xB;
	s7 =	simm.s32 $0x10;
	s5 =	sld [smem:$0x3FC6]  }
0x94: {  	[smem:s7], [sflag:s6] =	dma.local [hbm:s2], $0x1  }
0x95: {  	_ =	swait.eq [sflag:s6], $0x1  }
0x96: {  	[sflag:s6] =	ssyncset.done $0x0  }
0x97: {  	[sflag:s6] =	ssyncadd.s32 $0xFFFFFFFF  }
0x98: {  	s16 =	sld [smem:$0x11];
	(tm) =	ssettm $0x1  }
0x99: {  	s17 =	sld [smem:$0x3FFB];
	_ =	sdelay $0x3  }
0x9a: {  	_ =	strace s17  }
0x9b: {  	s6 =	sld [smem:$0x3FFC];
	_ =	sdelay $0x3  }
0x9c: {  	_ =	strace s6  }
0x9d: {  	s6 =	sld [smem:$0x3FFD];
	_ =	sdelay $0x3  }
0x9e: {  	_ =	strace s6  }
0x9f: {  	_ =	strace $0x8FFFFFFF  }
0xa0: {  	s18 =	sld [smem:$0x3FDB];
	_ =	sdelay $0x1  }
0xa1: {  	s19 =	simm.s32 $_scs_section_size  }
0xa2: {  	s8 =	simm.s32 $_size__tile_overlayer_lowered;
	s9 =	simm.s32 $_tile_overlayer_lowered  }
0xa3: {  	s22 =	simm.s32 $0x1BFF;
	s21 =	sshll.u32 s9, $0x1;
	s6 =	sadd.s32 s19, s18  }
0xa4: {  	s10 =	simm.s32 $0x0;
	s20 =	sshll.u32 s8, $0x1;
	s8 =	sadd.s32 s21, s6  }
0xa5: {  	[timem:s10], [sflag:s22] =	dma.local [hbm:s8], s20  }
0xa6: {  	_ =	swait.ge [sflag:s22], s20  }
0xa7: {  	s7 =	ssub.s32 $0x0, s20;
	[sflag:s22] =	ssyncset.done $0x0  }
0xa8: {  	[sflag:s22] =	ssyncadd.s32 s7;
	_ =	sdelay $0x1  }
0xa9: {  	s23 =	simm.s32 $0x1B8B  }
0xaa: {  	_ =	swait.ge [sflag:s23], $0x1  }
0xab: {  	[sflag:s23] =	ssyncset.done $0x0  }
0xac: {  	s25 =	simm.s32 $0x1B8E;
	s24 =	sld [smem:$0x3FFE];
	[sflag:s23] =	ssyncadd.s32 $0xFFFFFFFF  }
0xad: {  	s26 =	simm.s32 $execute0_lowered;
	[smem:$0x3FD2] =	sst s25  }
0xae: {  	s8 =	sshll.u32 s26, $0x1;
	_ =	strace $0x80000046;
	[dreg:$0x1] =	wrdreg $0xFFFFFFFF  }
0xaf: {  	s28 =	simm.s32 $_size_execute0_lowered;
	s6 =	sadd.s32 s6, s8;
	[dreg:$0x0] =	wrdreg $0x0  }
0xb0: {  	s8 =	sshll.u32 s28, $0x1;
	[dreg:$0x2] =	wrdreg s6  }
0xb1: {  	[dreg:$0x3] =	wrdreg s8  }
0xb2: {  	[dreg:$0x4] =	wrdreg $0xC0  }
0xb3: {  	_ =	task [dreg:s10], $0x5FFFF  }
0xb4: {  	[dreg:$0x1] =	wrdreg $0xFFFFFFFF  }
0xb5: {  	[dreg:$0x0] =	wrdreg $0x60  }
0xb6: {  	[dreg:$0x2] =	wrdreg s15  }
0xb7: {  	[dreg:$0x3] =	wrdreg s24  }
0xb8: {  	[dreg:$0x4] =	wrdreg s4  }
0xb9: {  	[dreg:$0x5] =	wrdreg s5  }
0xba: {  	[dreg:$0x6] =	wrdreg s16  }
0xbb: {  	[dreg:$0x7] =	wrdreg $0xA  }
0xbc: {  	_ =	task.clear_ibuf [dreg:s10], $0x8FFFF;
	_ =	strace $0x90000046  }
0xbd: {  	s29 =	simm.s32 $0xA;
	_ =	strace $0x80000048  }
0xbe: {  	_ =	swait.ge [sflag:s29], $0x1  }
0xbf: {  	[sflag:s29] =	ssyncadd.s32 $0xFFFFFFFF  }
0xc0: {  	_ =	strace $0x90000048  }
0xc1: {  	_ =	sfence  }
0xc2: {  	s30 =	sld [smem:$0x0];
	_ =	sdelay $0x2  }
0xc3: {  	s31 =	sshll.u32 s1, $0xD;
	s1 =	sshrl.u32 s1, $0x2  }
0xc4: {  	s3 =	sand.u32 $0x4000, s31;
	s1 =	sadd.s32 s1, s30  }
0xc5: {  	s0 =	sor.u32 s3, s0;
	s1 =	sshll.u32 s1, $0x11  }
0xc6: {  	s0 =	sor.u32 s1, s0  }
0xc7: {  	s0 =	sadd.s32 $0x8F2B, s0  }
0xc8: {  	[sflag:s0] =	ssyncadd.remote.s32 $0x1  }
0xc9: {  	_ =	sfence.sel $0xFFFF  }
0xca: {  	[dreg:$0x0] =	wrdreg $0xFFFFFFFF;
	(pc) =	sbr.abs _section_cstart, $3  }
0xcb: {  	[dreg:$0x1] =	wrdreg $0xFFFFFFFF  }
0xcc: {  	_ =	task.clear_ibuf [dreg:s10], $0x2FFFF;
	_ =	strace $0x9FFFFFFF  }
0xcd: {  	(tm) =	ssettm $0x7FFFFFFF  }
tec
execute0_lowered:
.L_overlay_start_1:
0x0: {  	(tag) =	ssettag $0x1  }
0x1: {  	s0 =	rddreg [dreg:$0x1]  }
0x2: {  	s4 =	rddreg [dreg:$0x4];
	s5 =	simm.s32 $0x0;
	s1 =	srdreg.scid  }
0x3: {  	s24 =	stileid.u32;
	s12 =	simm.s32 $0x2;
	s16 =	simm.s32 $0x1000  }
0x4: {  	s17 =	simm.s32 $0x400;
	s18 =	simm.s32 $0x800;
	s19 =	simm.s32 $0xC00  }
0x5: {  	s20 =	simm.s32 $0x9000;
	s21 =	simm.s32 $0xA000;
	s22 =	simm.s32 $0xB000  }
0x6: {  	s23 =	simm.s32 $0xC000;
	s28 =	simm.s32 $0xC400;
	s29 =	simm.s32 $0x9800  }
0x7: {  	s30 =	simm.s32 $0xA800;
	s31 =	simm.s32 $0xB800;
	s11 =	simm.s32 $0xBC00  }
0x8: {  	s13 =	simm.s32 $0xCC00;
	s14 =	simm.s32 $0x1;
	[smem:$0x7FF] =	sst s5  }
0x9: {  	s1 =	sand.u32 $0x1, s1;
	s3 =	sadd.s32 $0x800, s0;
	s25 =	sshll.u32 s24, $0x6  }
0xa: {  	s0 =	sadd.s32 $0x600, s0;
	s24 =	simm.s32 $0x9400;
	_ =	strace $0x80000047  }
0xb: {  	s2 =	ssub.s32 $0x2, s1;
	[dreg:$0x6] =	wrdreg s3;
	s1 =	sshll.u32 s1, $0x5  }
0xc: {  	[dreg:$0x7] =	wrdreg s0;
	s0 =	simm.s32 $0xC800;
	s6 =	sshrl.u32 s2, $0x1  }
0xd: {  	v3 =	vlaneseq.u32;
	s3 =	simm.s32 $0x0;
	s9 =	sor.u32 s1, s25;
	s2 =	ssub.s32 s2, s6  }
0xe: {  	v0 =	vimm.f32 $0.0e+00;
	vm0 =	vmmov $0xff;
	v2 =	vshrl.u32 v3, $0x3;
	s25 =	simm.s32 $0xA400;
	s1 =	simm.s32 $0xAC00;
	s26 =	smax.u32 s2, $0x1  }
0xf: {  	v1 =	vand.u32 $0x7, v3;
	v3 =	vor.u32 $0x8, v3;
	v2 =	vmul.u32 $0x8, v2;
	s6 =	simm.s32 $0x9C00;
	[dreg:$0x8] =	wrdreg s26;
	s26 =	simm.s32 $0xB400  }
.LBB2_1:
0x10: {  	[dreg:$0x9] =	wrdreg s3  }
0x11: {  	s2 =	rddreg [dreg:$0x0];
	s15 =	simm.s32 $0xD000  }
0x12: {  	[tilespmem:s15], [sflag:$0x2] =	stream.linear.gather [hbm4b:s2+s5], $0x80, $0x38;
	[tilespmem:$0xD380] =	vst v63  }
0x13: {  	_ =	swait.ge [sflag:s12], $0x80  }
0x14: {  	[sflag:s12] =	ssyncset.done $0x0  }
0x15: {  	s8 =	simm.s32 $0xD280;
	s7 =	rddreg [dreg:$0x6];
	[sflag:s12] =	ssyncadd.s32 $0xFFFFFF80  }
0x16: {  	[tilespmem:s8], [sflag:$0x2] =	stream.linear.gather [hbm4b:s7+s5], $0x80, $0x38;
	[tilespmem:$0xD380] =	vst v63  }
0x17: {  	_ =	swait.ge [sflag:s12], $0x80  }
0x18: {  	[sflag:s12] =	ssyncset.done $0x0  }
0x19: {  	s15 =	simm.s32 $0xD300;
	s10 =	rddreg [dreg:$0x7];
	[sflag:s12] =	ssyncadd.s32 $0xFFFFFF80  }
0x1a: {  	[tilespmem:s15], [sflag:$0x2] =	stream.linear.gather [hbm4b:s10+s5], $0x80, $0x38;
	[tilespmem:$0xD380] =	vst v63  }
0x1b: {  	_ =	swait.ge [sflag:s12], $0x80  }
0x1c: {  	[sflag:s12] =	ssyncset.done $0x0  }
0x1d: {  	s8 =	simm.s32 $0x0;
	[sflag:s12] =	ssyncadd.s32 $0xFFFFFF80  }
.LBB2_2:
0x1e: {  	s2 =	sadd.s32 s9, s8  }
0x1f: {  	s3 =	rddreg [dreg:$0x3];
	s7 =	sshll.u32 s2, $0x9  }
0x20: {  	s15 =	simm.s32 $0x400000;
	s7 =	sadd.s32 s3, s7  }
0x21: {  	[tilespmem:s16], [sflag:$0x2] =	stream.strided.gather [hbm4b:s7+s16], $0x8000, s15, s16, $0x38;
	[tilespmem:$0xD380] =	vst v63  }
0x22: {  	_ =	swait.ge [sflag:s12], $0x8000  }
0x23: {  	[sflag:s12] =	ssyncset.done $0x0  }
0x24: {  	[sflag:s12] =	ssyncadd.s32 $0xFFFF8000  }
0x25: {  	s3 =	sshll.u32 s2, $0x6;
	s10 =	rddreg [dreg:$0x2]  }
0x26: {  	s7 =	sadd.s32 s10, s3;
	s10 =	simm.s32 $0x0  }
0x27: {  	[tilespmem:s10], [sflag:$0x2] =	stream.linear.gather [hbm4b:s7+s10], $0x80, $0x38;
	[tilespmem:$0xD380] =	vst v63  }
0x28: {  	s3 =	sadd.s32 $0x10, s7  }
0x29: {  	[tilespmem:s17], [sflag:$0x2] =	stream.linear.gather [hbm4b:s3+s10], $0x80, $0x38;
	[tilespmem:$0xD380] =	vst v63  }
0x2a: {  	s15 =	sadd.s32 $0x20, s7  }
0x2b: {  	[tilespmem:s18], [sflag:$0x2] =	stream.linear.gather [hbm4b:s15+s10], $0x80, $0x38;
	[tilespmem:$0xD380] =	vst v63  }
0x2c: {  	s7 =	sadd.s32 $0x30, s7  }
0x2d: {  	[tilespmem:s19], [sflag:$0x2] =	stream.linear.gather [hbm4b:s7+s10], $0x80, $0x38;
	[tilespmem:$0xD380] =	vst v63  }
0x2e: {  	_ =	swait.ge [sflag:s12], $0x200  }
0x2f: {  	[sflag:s12] =	ssyncset.done $0x0  }
0x30: {  	[sflag:s12] =	ssyncadd.s32 $0xFFFFFE00  }
0x31: {  	[tilespmem:$0x80] =	vst v0  }
0x32: {  	[tilespmem:$0x90] =	vst v0  }
0x33: {  	[tilespmem:$0xA0] =	vst v0  }
0x34: {  	[tilespmem:$0xB0] =	vst v0  }
0x35: {  	[tilespmem:$0xC0] =	vst v0  }
0x36: {  	[tilespmem:$0xD0] =	vst v0  }
0x37: {  	[tilespmem:$0xE0] =	vst v0  }
0x38: {  	[tilespmem:$0xF0] =	vst v0  }
0x39: {  	[tilespmem:$0x480] =	vst v0  }
0x3a: {  	[tilespmem:$0x490] =	vst v0  }
0x3b: {  	[tilespmem:$0x4A0] =	vst v0  }
0x3c: {  	[tilespmem:$0x4B0] =	vst v0  }
0x3d: {  	[tilespmem:$0x4C0] =	vst v0  }
0x3e: {  	[tilespmem:$0x4D0] =	vst v0  }
0x3f: {  	[tilespmem:$0x4E0] =	vst v0;
	v4 =	vld [tilespmem:$0xD000]  }
0x40: {  	[tilespmem:$0x4F0] =	vst v0;
	v5 =	vld [tilespmem:$0xD010]  }
0x41: {  	[tilespmem:$0x880] =	vst v0  }
0x42: {  	[tilespmem:$0x890] =	vst v0  }
0x43: {  	s10 =	sshll.u32 s2, $0x2;
	[tilespmem:$0x8A0] =	vst v0  }
0x44: {  	[tilespmem:$0x8B0] =	vst v0;
	v4 =	vadd.s32 s10, v4  }
0x45: {  	[tilespmem:$0xD080] =	vst v4;
	v4 =	vadd.s32 s10, v5;
	v5 =	vld [tilespmem:$0xD000]  }
0x46: {  	[tilespmem:$0xD090] =	vst v4;
	v4 =	vld [tilespmem:$0xD010]  }
0x47: {  	[tilespmem:$0x8C0] =	vst v0  }
0x48: {  	[tilespmem:$0x8D0] =	vst v0  }
0x49: {  	s15 =	sor.u32 $0x1, s10;
	[tilespmem:$0x8E0] =	vst v0  }
0x4a: {  	[tilespmem:$0x8F0] =	vst v0;
	v5 =	vadd.s32 s15, v5  }
0x4b: {  	[tilespmem:$0xD100] =	vst v5;
	v4 =	vadd.s32 s15, v4;
	v5 =	vld [tilespmem:$0xD000]  }
0x4c: {  	[tilespmem:$0xD110] =	vst v4;
	v4 =	vld [tilespmem:$0xD010]  }
0x4d: {  	[tilespmem:$0xC80] =	vst v0  }
0x4e: {  	[tilespmem:$0xC90] =	vst v0  }
0x4f: {  	s3 =	sor.u32 $0x2, s10;
	[tilespmem:$0xCA0] =	vst v0  }
0x50: {  	[tilespmem:$0xCB0] =	vst v0;
	v5 =	vadd.s32 s3, v5  }
0x51: {  	[tilespmem:$0xD180] =	vst v5;
	v4 =	vadd.s32 s3, v4;
	v5 =	vld [tilespmem:$0xD000]  }
0x52: {  	[tilespmem:$0xD190] =	vst v4;
	v4 =	vld [tilespmem:$0xD010]  }
0x53: {  	[tilespmem:$0xCC0] =	vst v0  }
0x54: {  	[tilespmem:$0xCD0] =	vst v0  }
0x55: {  	s2 =	sshllo.u32 s2, $0x2;
	[tilespmem:$0xCE0] =	vst v0  }
0x56: {  	[tilespmem:$0xCF0] =	vst v0;
	v5 =	vadd.s32 s2, v5  }
0x57: {  	[tilespmem:$0xD200] =	vst v5;
	v4 =	vadd.s32 s2, v4  }
0x58: {  	s7 =	simm.s32 $0x0;
	[tilespmem:$0xD210] =	vst v4  }
0x59: {  	v4 =	vld [tilespmem:s7+$0xD280];
	_ =	sdelay $0x4  }
0x5a: {  	(v2sf) =	vpush v4, $0x0;
	_ =	sdelay $0x1  }
0x5b: {  	v4 =	vld [tilespmem:s7+$0xD300];
	_ =	sdelay $0x4  }
0x5c: {  	(v2sf) =	vpush v4, $0x0;
	_ =	sdelay $0x7  }
0x5d: {  	s10 =	spop (v2sf)  }
0x5e: {  	s15 =	sshll.u32 s10, $0x9;
	s2 =	sshll.u32 s10, $0x7  }
0x5f: {  	s3 =	sand.u32 $0xFFFFF000, s15;
	s2 =	sand.u32 $0x380, s2  }
0x60: {  	v4 =	vld [tilespmem:$0x80];
	s10 =	sor.u32 s2, s3  }
0x61: {  	v5 =	vld [tilespmem:s10+$0x0];
	_ =	sdelay $0x2  }
0x62: {  	s7 =	spop (v2sf)  }
0x63: {  	s15 =	sshll.u32 s7, $0x9;
	s2 =	sshll.u32 s7, $0x7  }
0x64: {  	s3 =	sand.u32 $0xFFFFF000, s15;
	s2 =	sand.u32 $0x380, s2;
	v4 =	vadd.f32 v5, v4  }
0x65: {  	s7 =	sor.u32 s2, s3  }
0x66: {  	[tilespmem:s7+$0x0] =	vst v4  }
0x67: {  	v4 =	vld [tilespmem:$0x90]  }
0x68: {  	v5 =	vld [tilespmem:s10+$0x10];
	_ =	sdelay $0x4  }
0x69: {  	v4 =	vadd.f32 v5, v4;
	_ =	sdelay $0x1  }
0x6a: {  	[tilespmem:s7+$0x10] =	vst v4  }
0x6b: {  	v4 =	vld [tilespmem:$0xA0]  }
0x6c: {  	v5 =	vld [tilespmem:s10+$0x20];
	_ =	sdelay $0x4  }
0x6d: {  	v4 =	vadd.f32 v5, v4;
	_ =	sdelay $0x1  }
0x6e: {  	[tilespmem:s7+$0x20] =	vst v4  }
0x6f: {  	v4 =	vld [tilespmem:$0xB0]  }
0x70: {  	v5 =	vld [tilespmem:s10+$0x30];
	_ =	sdelay $0x4  }
0x71: {  	v4 =	vadd.f32 v5, v4;
	_ =	sdelay $0x1  }
0x72: {  	[tilespmem:s7+$0x30] =	vst v4  }
0x73: {  	v4 =	vld [tilespmem:$0xC0]  }
0x74: {  	v5 =	vld [tilespmem:s10+$0x40];
	_ =	sdelay $0x4  }
0x75: {  	v4 =	vadd.f32 v5, v4;
	_ =	sdelay $0x1  }
0x76: {  	[tilespmem:s7+$0x40] =	vst v4  }
0x77: {  	v4 =	vld [tilespmem:$0xD0]  }
0x78: {  	v5 =	vld [tilespmem:s10+$0x50];
	_ =	sdelay $0x4  }
0x79: {  	v4 =	vadd.f32 v5, v4;
	_ =	sdelay $0x1  }
0x7a: {  	[tilespmem:s7+$0x50] =	vst v4  }
0x7b: {  	v4 =	vld [tilespmem:$0xE0]  }
0x7c: {  	v5 =	vld [tilespmem:s10+$0x60];
	_ =	sdelay $0x4  }
0x7d: {  	v4 =	vadd.f32 v5, v4;
	_ =	sdelay $0x1  }
0x7e: {  	[tilespmem:s7+$0x60] =	vst v4  }
0x7f: {  	v4 =	vld [tilespmem:$0xF0]  }
0x80: {  	v5 =	vld [tilespmem:s10+$0x70];
	_ =	sdelay $0x4  }
0x81: {  	v4 =	vadd.f32 v5, v4;
	_ =	sdelay $0x1  }
0x82: {  	[tilespmem:s7+$0x70] =	vst v4  }
0x83: {  	v4 =	vld [tilespmem:$0x480]  }
0x84: {  	v5 =	vld [tilespmem:s10+$0x400];
	_ =	sdelay $0x4  }
0x85: {  	v4 =	vadd.f32 v5, v4;
	_ =	sdelay $0x1  }
0x86: {  	[tilespmem:s7+$0x400] =	vst v4  }
0x87: {  	v4 =	vld [tilespmem:$0x490]  }
0x88: {  	v5 =	vld [tilespmem:s10+$0x410];
	_ =	sdelay $0x4  }
0x89: {  	v4 =	vadd.f32 v5, v4;
	_ =	sdelay $0x1  }
0x8a: {  	[tilespmem:s7+$0x410] =	vst v4  }
0x8b: {  	v4 =	vld [tilespmem:$0x4A0]  }
0x8c: {  	v5 =	vld [tilespmem:s10+$0x420];
	_ =	sdelay $0x4  }
0x8d: {  	v4 =	vadd.f32 v5, v4;
	_ =	sdelay $0x1  }
0x8e: {  	[tilespmem:s7+$0x420] =	vst v4  }
0x8f: {  	v4 =	vld [tilespmem:$0x4B0]  }
0x90: {  	v5 =	vld [tilespmem:s10+$0x430];
	_ =	sdelay $0x4  }
0x91: {  	v4 =	vadd.f32 v5, v4;
	_ =	sdelay $0x1  }
0x92: {  	[tilespmem:s7+$0x430] =	vst v4  }
0x93: {  	v4 =	vld [tilespmem:$0x4C0]  }
0x94: {  	v5 =	vld [tilespmem:s10+$0x440];
	_ =	sdelay $0x4  }
0x95: {  	v4 =	vadd.f32 v5, v4;
	_ =	sdelay $0x1  }
0x96: {  	[tilespmem:s7+$0x440] =	vst v4  }
0x97: {  	v4 =	vld [tilespmem:$0x4D0]  }
0x98: {  	v5 =	vld [tilespmem:s10+$0x450];
	_ =	sdelay $0x4  }
0x99: {  	v4 =	vadd.f32 v5, v4;
	_ =	sdelay $0x1  }
0x9a: {  	[tilespmem:s7+$0x450] =	vst v4  }
0x9b: {  	v4 =	vld [tilespmem:$0x4E0]  }
0x9c: {  	v5 =	vld [tilespmem:s10+$0x460];
	_ =	sdelay $0x4  }
0x9d: {  	v4 =	vadd.f32 v5, v4;
	_ =	sdelay $0x1  }
0x9e: {  	[tilespmem:s7+$0x460] =	vst v4  }
0x9f: {  	v4 =	vld [tilespmem:$0x4F0]  }
0xa0: {  	v5 =	vld [tilespmem:s10+$0x470];
	_ =	sdelay $0x4  }
0xa1: {  	v4 =	vadd.f32 v5, v4;
	_ =	sdelay $0x1  }
0xa2: {  	[tilespmem:s7+$0x470] =	vst v4  }
0xa3: {  	v4 =	vld [tilespmem:$0x880]  }
0xa4: {  	v5 =	vld [tilespmem:s10+$0x800];
	_ =	sdelay $0x4  }
0xa5: {  	v4 =	vadd.f32 v5, v4;
	_ =	sdelay $0x1  }
0xa6: {  	[tilespmem:s7+$0x800] =	vst v4  }
0xa7: {  	v4 =	vld [tilespmem:$0x890]  }
0xa8: {  	v5 =	vld [tilespmem:s10+$0x810];
	_ =	sdelay $0x4  }
0xa9: {  	v4 =	vadd.f32 v5, v4;
	_ =	sdelay $0x1  }
0xaa: {  	[tilespmem:s7+$0x810] =	vst v4  }
0xab: {  	v4 =	vld [tilespmem:$0x8A0]  }
0xac: {  	v5 =	vld [tilespmem:s10+$0x820];
	_ =	sdelay $0x4  }
0xad: {  	v4 =	vadd.f32 v5, v4;
	_ =	sdelay $0x1  }
0xae: {  	[tilespmem:s7+$0x820] =	vst v4  }
0xaf: {  	v4 =	vld [tilespmem:$0x8B0]  }
0xb0: {  	v5 =	vld [tilespmem:s10+$0x830];
	_ =	sdelay $0x4  }
0xb1: {  	v4 =	vadd.f32 v5, v4;
	_ =	sdelay $0x1  }
0xb2: {  	[tilespmem:s7+$0x830] =	vst v4  }
0xb3: {  	v4 =	vld [tilespmem:$0x8C0]  }
0xb4: {  	v5 =	vld [tilespmem:s10+$0x840];
	_ =	sdelay $0x4  }
0xb5: {  	v4 =	vadd.f32 v5, v4;
	_ =	sdelay $0x1  }
0xb6: {  	[tilespmem:s7+$0x840] =	vst v4  }
0xb7: {  	v4 =	vld [tilespmem:$0x8D0]  }
0xb8: {  	v5 =	vld [tilespmem:s10+$0x850];
	_ =	sdelay $0x4  }
0xb9: {  	v4 =	vadd.f32 v5, v4;
	_ =	sdelay $0x1  }
0xba: {  	[tilespmem:s7+$0x850] =	vst v4  }
0xbb: {  	v4 =	vld [tilespmem:$0x8E0]  }
0xbc: {  	v5 =	vld [tilespmem:s10+$0x860];
	_ =	sdelay $0x4  }
0xbd: {  	v4 =	vadd.f32 v5, v4;
	_ =	sdelay $0x1  }
0xbe: {  	[tilespmem:s7+$0x860] =	vst v4  }
0xbf: {  	v4 =	vld [tilespmem:$0x8F0]  }
0xc0: {  	v5 =	vld [tilespmem:s10+$0x870];
	_ =	sdelay $0x4  }
0xc1: {  	v4 =	vadd.f32 v5, v4;
	_ =	sdelay $0x1  }
0xc2: {  	[tilespmem:s7+$0x870] =	vst v4  }
0xc3: {  	v4 =	vld [tilespmem:$0xC80]  }
0xc4: {  	v5 =	vld [tilespmem:s10+$0xC00];
	_ =	sdelay $0x4  }
0xc5: {  	v4 =	vadd.f32 v5, v4;
	_ =	sdelay $0x1  }
0xc6: {  	[tilespmem:s7+$0xC00] =	vst v4  }
0xc7: {  	v4 =	vld [tilespmem:$0xC90]  }
0xc8: {  	v5 =	vld [tilespmem:s10+$0xC10];
	_ =	sdelay $0x4  }
0xc9: {  	v4 =	vadd.f32 v5, v4;
	_ =	sdelay $0x1  }
0xca: {  	[tilespmem:s7+$0xC10] =	vst v4  }
0xcb: {  	v4 =	vld [tilespmem:$0xCA0]  }
0xcc: {  	v5 =	vld [tilespmem:s10+$0xC20];
	_ =	sdelay $0x4  }
0xcd: {  	v4 =	vadd.f32 v5, v4;
	_ =	sdelay $0x1  }
0xce: {  	[tilespmem:s7+$0xC20] =	vst v4  }
0xcf: {  	v4 =	vld [tilespmem:$0xCB0]  }
0xd0: {  	v5 =	vld [tilespmem:s10+$0xC30];
	_ =	sdelay $0x4  }
0xd1: {  	v4 =	vadd.f32 v5, v4;
	_ =	sdelay $0x1  }
0xd2: {  	[tilespmem:s7+$0xC30] =	vst v4  }
0xd3: {  	v4 =	vld [tilespmem:$0xCC0]  }
0xd4: {  	s2 =	simm.s32 $0x4;
	v5 =	vld [tilespmem:s10+$0xC40]  }
.LBB2_3:
0xd5: {  	_ =	sdelay $0x1  }
0xd6: {  	p0 =	sne.s32 s2, $0x17C;
	s3 =	smov.u32 s2;
	s2 =	sadd.s32 $0x4, s2  }
0xd7: {  	_ = 	snop  }
0xd8: {  	v4 =	vadd.f32 v5, v4;
	_ =	sdelay $0x1  }
0xd9: {  	[tilespmem:s7+$0xC40] =	vst v4  }
0xda: {  	v4 =	vld [tilespmem:$0xCD0]  }
0xdb: {  	v5 =	vld [tilespmem:s10+$0xC50];
	_ =	sdelay $0x4  }
0xdc: {  	v4 =	vadd.f32 v5, v4;
	_ =	sdelay $0x1  }
0xdd: {  	[tilespmem:s7+$0xC50] =	vst v4  }
0xde: {  	v4 =	vld [tilespmem:$0xCE0]  }
0xdf: {  	v5 =	vld [tilespmem:s10+$0xC60];
	_ =	sdelay $0x4  }
0xe0: {  	v4 =	vadd.f32 v5, v4;
	_ =	sdelay $0x1  }
0xe1: {  	[tilespmem:s7+$0xC60] =	vst v4  }
0xe2: {  	v4 =	vld [tilespmem:$0xCF0]  }
0xe3: {  	v5 =	vld [tilespmem:s10+$0xC70];
	_ =	sdelay $0x4  }
0xe4: {  	v4 =	vadd.f32 v5, v4;
	_ =	sdelay $0x1  }
0xe5: {  	s3 =	sshra.s32 s3, $0x2;
	[tilespmem:s7+$0xC70] =	vst v4  }
0xe6: {  	v4 =	vld [tilespmem:s3+$0xD280];
	_ =	sdelay $0x4  }
0xe7: {  	(v2sf) =	vpush v4, $0x0;
	_ =	sdelay $0x1  }
0xe8: {  	v4 =	vld [tilespmem:s3+$0xD300];
	_ =	sdelay $0x4  }
0xe9: {  	(v2sf) =	vpush v4, $0x0;
	_ =	sdelay $0x7  }
0xea: {  	s3 =	spop (v2sf)  }
0xeb: {  	s7 =	sshll.u32 s3, $0x9;
	s3 =	sshll.u32 s3, $0x7  }
0xec: {  	s7 =	sand.u32 $0xFFFFF000, s7;
	s3 =	sand.u32 $0x380, s3  }
0xed: {  	v4 =	vld [tilespmem:$0x80];
	s10 =	sor.u32 s3, s7  }
0xee: {  	v5 =	vld [tilespmem:s10+$0x0];
	_ =	sdelay $0x2  }
0xef: {  	s3 =	spop (v2sf)  }
0xf0: {  	s7 =	sshll.u32 s3, $0x9;
	s3 =	sshll.u32 s3, $0x7  }
0xf1: {  	v4 =	vadd.f32 v5, v4;
	s7 =	sand.u32 $0xFFFFF000, s7;
	s3 =	sand.u32 $0x380, s3  }
0xf2: {  	s7 =	sor.u32 s3, s7  }
0xf3: {  	[tilespmem:s7+$0x0] =	vst v4  }
0xf4: {  	v4 =	vld [tilespmem:$0x90]  }
0xf5: {  	v5 =	vld [tilespmem:s10+$0x10];
	_ =	sdelay $0x4  }
0xf6: {  	v4 =	vadd.f32 v5, v4;
	_ =	sdelay $0x1  }
0xf7: {  	[tilespmem:s7+$0x10] =	vst v4  }
0xf8: {  	v4 =	vld [tilespmem:$0xA0]  }
0xf9: {  	v5 =	vld [tilespmem:s10+$0x20];
	_ =	sdelay $0x4  }
0xfa: {  	v4 =	vadd.f32 v5, v4;
	_ =	sdelay $0x1  }
0xfb: {  	[tilespmem:s7+$0x20] =	vst v4  }
0xfc: {  	v4 =	vld [tilespmem:$0xB0]  }
0xfd: {  	v5 =	vld [tilespmem:s10+$0x30];
	_ =	sdelay $0x4  }
0xfe: {  	v4 =	vadd.f32 v5, v4;
	_ =	sdelay $0x1  }
0xff: {  	[tilespmem:s7+$0x30] =	vst v4  }
0x100: {  	v4 =	vld [tilespmem:$0xC0]  }
0x101: {  	v5 =	vld [tilespmem:s10+$0x40];
	_ =	sdelay $0x4  }
0x102: {  	v4 =	vadd.f32 v5, v4;
	_ =	sdelay $0x1  }
0x103: {  	[tilespmem:s7+$0x40] =	vst v4  }
0x104: {  	v4 =	vld [tilespmem:$0xD0]  }
0x105: {  	v5 =	vld [tilespmem:s10+$0x50];
	_ =	sdelay $0x4  }
0x106: {  	v4 =	vadd.f32 v5, v4;
	_ =	sdelay $0x1  }
0x107: {  	[tilespmem:s7+$0x50] =	vst v4  }
0x108: {  	v4 =	vld [tilespmem:$0xE0]  }
0x109: {  	v5 =	vld [tilespmem:s10+$0x60];
	_ =	sdelay $0x4  }
0x10a: {  	v4 =	vadd.f32 v5, v4;
	_ =	sdelay $0x1  }
0x10b: {  	[tilespmem:s7+$0x60] =	vst v4  }
0x10c: {  	v4 =	vld [tilespmem:$0xF0]  }
0x10d: {  	v5 =	vld [tilespmem:s10+$0x70];
	_ =	sdelay $0x4  }
0x10e: {  	v4 =	vadd.f32 v5, v4;
	_ =	sdelay $0x1  }
0x10f: {  	[tilespmem:s7+$0x70] =	vst v4  }
0x110: {  	v4 =	vld [tilespmem:$0x480]  }
0x111: {  	v5 =	vld [tilespmem:s10+$0x400];
	_ =	sdelay $0x4  }
0x112: {  	v4 =	vadd.f32 v5, v4;
	_ =	sdelay $0x1  }
0x113: {  	[tilespmem:s7+$0x400] =	vst v4  }
0x114: {  	v4 =	vld [tilespmem:$0x490]  }
0x115: {  	v5 =	vld [tilespmem:s10+$0x410];
	_ =	sdelay $0x4  }
0x116: {  	v4 =	vadd.f32 v5, v4;
	_ =	sdelay $0x1  }
0x117: {  	[tilespmem:s7+$0x410] =	vst v4  }
0x118: {  	v4 =	vld [tilespmem:$0x4A0]  }
0x119: {  	v5 =	vld [tilespmem:s10+$0x420];
	_ =	sdelay $0x4  }
0x11a: {  	v4 =	vadd.f32 v5, v4;
	_ =	sdelay $0x1  }
0x11b: {  	[tilespmem:s7+$0x420] =	vst v4  }
0x11c: {  	v4 =	vld [tilespmem:$0x4B0]  }
0x11d: {  	v5 =	vld [tilespmem:s10+$0x430];
	_ =	sdelay $0x4  }
0x11e: {  	v4 =	vadd.f32 v5, v4;
	_ =	sdelay $0x1  }
0x11f: {  	[tilespmem:s7+$0x430] =	vst v4  }
0x120: {  	v4 =	vld [tilespmem:$0x4C0]  }
0x121: {  	v5 =	vld [tilespmem:s10+$0x440];
	_ =	sdelay $0x4  }
0x122: {  	v4 =	vadd.f32 v5, v4;
	_ =	sdelay $0x1  }
0x123: {  	[tilespmem:s7+$0x440] =	vst v4  }
0x124: {  	v4 =	vld [tilespmem:$0x4D0]  }
0x125: {  	v5 =	vld [tilespmem:s10+$0x450];
	_ =	sdelay $0x4  }
0x126: {  	v4 =	vadd.f32 v5, v4;
	_ =	sdelay $0x1  }
0x127: {  	[tilespmem:s7+$0x450] =	vst v4  }
0x128: {  	v4 =	vld [tilespmem:$0x4E0]  }
0x129: {  	v5 =	vld [tilespmem:s10+$0x460];
	_ =	sdelay $0x4  }
0x12a: {  	v4 =	vadd.f32 v5, v4;
	_ =	sdelay $0x1  }
0x12b: {  	[tilespmem:s7+$0x460] =	vst v4  }
0x12c: {  	v4 =	vld [tilespmem:$0x4F0]  }
0x12d: {  	v5 =	vld [tilespmem:s10+$0x470];
	_ =	sdelay $0x4  }
0x12e: {  	v4 =	vadd.f32 v5, v4;
	_ =	sdelay $0x1  }
0x12f: {  	[tilespmem:s7+$0x470] =	vst v4  }
0x130: {  	v4 =	vld [tilespmem:$0x880]  }
0x131: {  	v5 =	vld [tilespmem:s10+$0x800];
	_ =	sdelay $0x4  }
0x132: {  	v4 =	vadd.f32 v5, v4;
	_ =	sdelay $0x1  }
0x133: {  	[tilespmem:s7+$0x800] =	vst v4  }
0x134: {  	v4 =	vld [tilespmem:$0x890]  }
0x135: {  	v5 =	vld [tilespmem:s10+$0x810];
	_ =	sdelay $0x4  }
0x136: {  	v4 =	vadd.f32 v5, v4;
	_ =	sdelay $0x1  }
0x137: {  	[tilespmem:s7+$0x810] =	vst v4  }
0x138: {  	v4 =	vld [tilespmem:$0x8A0]  }
0x139: {  	v5 =	vld [tilespmem:s10+$0x820];
	_ =	sdelay $0x4  }
0x13a: {  	v4 =	vadd.f32 v5, v4;
	_ =	sdelay $0x1  }
0x13b: {  	[tilespmem:s7+$0x820] =	vst v4  }
0x13c: {  	v4 =	vld [tilespmem:$0x8B0]  }
0x13d: {  	v5 =	vld [tilespmem:s10+$0x830];
	_ =	sdelay $0x4  }
0x13e: {  	v4 =	vadd.f32 v5, v4;
	_ =	sdelay $0x1  }
0x13f: {  	[tilespmem:s7+$0x830] =	vst v4  }
0x140: {  	v4 =	vld [tilespmem:$0x8C0]  }
0x141: {  	v5 =	vld [tilespmem:s10+$0x840];
	_ =	sdelay $0x4  }
0x142: {  	v4 =	vadd.f32 v5, v4;
	_ =	sdelay $0x1  }
0x143: {  	[tilespmem:s7+$0x840] =	vst v4  }
0x144: {  	v4 =	vld [tilespmem:$0x8D0]  }
0x145: {  	v5 =	vld [tilespmem:s10+$0x850];
	_ =	sdelay $0x4  }
0x146: {  	v4 =	vadd.f32 v5, v4;
	_ =	sdelay $0x1  }
0x147: {  	[tilespmem:s7+$0x850] =	vst v4  }
0x148: {  	v4 =	vld [tilespmem:$0x8E0]  }
0x149: {  	v5 =	vld [tilespmem:s10+$0x860];
	_ =	sdelay $0x4  }
0x14a: {  	v4 =	vadd.f32 v5, v4;
	_ =	sdelay $0x1  }
0x14b: {  	[tilespmem:s7+$0x860] =	vst v4  }
0x14c: {  	v4 =	vld [tilespmem:$0x8F0]  }
0x14d: {  	v5 =	vld [tilespmem:s10+$0x870];
	_ =	sdelay $0x4  }
0x14e: {  	v4 =	vadd.f32 v5, v4;
	_ =	sdelay $0x1  }
0x14f: {  	[tilespmem:s7+$0x870] =	vst v4  }
0x150: {  	v4 =	vld [tilespmem:$0xC80]  }
0x151: {  	v5 =	vld [tilespmem:s10+$0xC00];
	_ =	sdelay $0x4  }
0x152: {  	v4 =	vadd.f32 v5, v4;
	_ =	sdelay $0x1  }
0x153: {  	[tilespmem:s7+$0xC00] =	vst v4  }
0x154: {  	v4 =	vld [tilespmem:$0xC90]  }
0x155: {  	v5 =	vld [tilespmem:s10+$0xC10];
	_ =	sdelay $0x4  }
0x156: {  	v4 =	vadd.f32 v5, v4;
	_ =	sdelay $0x1  }
0x157: {  	[tilespmem:s7+$0xC10] =	vst v4  }
0x158: {  	v4 =	vld [tilespmem:$0xCA0]  }
0x159: {  	v5 =	vld [tilespmem:s10+$0xC20];
	_ =	sdelay $0x4  }
0x15a: {  	v4 =	vadd.f32 v5, v4;
	_ =	sdelay $0x1  }
0x15b: {  	[tilespmem:s7+$0xC20] =	vst v4  }
0x15c: {  	v4 =	vld [tilespmem:$0xCB0]  }
0x15d: {  	v5 =	vld [tilespmem:s10+$0xC30];
	_ =	sdelay $0x4  }
.Ltmp0:
0x15e: {  	v4 =	vadd.f32 v5, v4;
	(pc) =	sbr.rel @p0 .LBB2_3-.Ltmp0, $4  }
0x15f: {  	_ = 	snop  }
0x160: {  	[tilespmem:s7+$0xC30] =	vst v4  }
0x161: {  	v4 =	vld [tilespmem:$0xCC0]  }
0x162: {  	v5 =	vld [tilespmem:s10+$0xC40]  }
0x163: {  	_ =	sdelay $0x3  }
0x164: {  	v4 =	vadd.f32 v5, v4;
	_ =	sdelay $0x1  }
0x165: {  	[tilespmem:s7+$0xC40] =	vst v4  }
0x166: {  	v4 =	vld [tilespmem:$0xCD0]  }
0x167: {  	v5 =	vld [tilespmem:s10+$0xC50];
	_ =	sdelay $0x4  }
0x168: {  	v4 =	vadd.f32 v5, v4;
	_ =	sdelay $0x1  }
0x169: {  	[tilespmem:s7+$0xC50] =	vst v4  }
0x16a: {  	v4 =	vld [tilespmem:$0xCE0]  }
0x16b: {  	v5 =	vld [tilespmem:s10+$0xC60];
	_ =	sdelay $0x4  }
0x16c: {  	v4 =	vadd.f32 v5, v4;
	_ =	sdelay $0x1  }
0x16d: {  	[tilespmem:s7+$0xC60] =	vst v4  }
0x16e: {  	v4 =	vld [tilespmem:$0xCF0]  }
0x16f: {  	v5 =	vld [tilespmem:s10+$0xC70];
	_ =	sdelay $0x3  }
0x170: {  	v7 =	vld [tilespmem:$0xB0]  }
0x171: {  	v15 =	vld [tilespmem:$0x4B0];
	v4 =	vadd.f32 v5, v4  }
0x172: {  	v23 =	vld [tilespmem:$0x8B0]  }
0x173: {  	v24 =	vld [tilespmem:$0xCB0];
	[tilespmem:s7+$0xC70] =	vst v4  }
0x174: {  	v4 =	vld [tilespmem:$0x80]  }
0x175: {  	v5 =	vld [tilespmem:$0x90]  }
0x176: {  	v6 =	vld [tilespmem:$0xA0]  }
0x177: {  	v8 =	vld [tilespmem:$0xC0]  }
0x178: {  	v9 =	vld [tilespmem:$0xD0]  }
0x179: {  	v10 =	vld [tilespmem:$0xE0]  }
0x17a: {  	v11 =	vld [tilespmem:$0xF0]  }
0x17b: {  	v12 =	vld [tilespmem:$0x480]  }
0x17c: {  	v13 =	vld [tilespmem:$0x490]  }
0x17d: {  	v14 =	vld [tilespmem:$0x4A0]  }
0x17e: {  	v16 =	vld [tilespmem:$0x4C0]  }
0x17f: {  	v17 =	vld [tilespmem:$0x4D0]  }
0x180: {  	v18 =	vld [tilespmem:$0x4E0]  }
0x181: {  	v19 =	vld [tilespmem:$0x4F0]  }
0x182: {  	v20 =	vld [tilespmem:$0x880]  }
0x183: {  	v21 =	vld [tilespmem:$0x890]  }
0x184: {  	v22 =	vld [tilespmem:$0x8A0]  }
0x185: {  	v25 =	vld [tilespmem:$0x8C0]  }
0x186: {  	v28 =	vld [tilespmem:$0x8D0]  }
0x187: {  	v29 =	vld [tilespmem:$0x8E0]  }
0x188: {  	v33 =	vld [tilespmem:$0x8F0]  }
0x189: {  	v35 =	vld [tilespmem:$0xC80]  }
0x18a: {  	s2 =	simm.s32 $0x0;
	v30 =	vld [tilespmem:$0xC90]  }
0x18b: {  	s3 =	sand.u32 $0x3000, s2;
	s2 =	sand.u32 $0x380, s2;
	v26 =	vld [tilespmem:$0xCA0]  }
0x18c: {  	s2 =	sor.u32 s2, s3;
	v27 =	vld [tilespmem:$0xCC0]  }
0x18d: {  	v34 =	vld [tilespmem:s2+$0x9000]  }
0x18e: {  	v36 =	vld [tilespmem:s2+$0x9010]  }
0x18f: {  	v31 =	vld [tilespmem:$0xCD0]  }
0x190: {  	v37 =	vld [tilespmem:s2+$0x9020]  }
0x191: {  	v32 =	vld [tilespmem:$0xCE0]  }
0x192: {  	v38 =	vld [tilespmem:s2+$0x9030]  }
0x193: {  	v40 =	vld [tilespmem:s2+$0x9040]  }
0x194: {  	v41 =	vld [tilespmem:s2+$0x9060]  }
0x195: {  	v42 =	vld [tilespmem:s2+$0x9070];
	v39 =	vsub.f32 v34, v4  }
0x196: {  	v46 =	vld [tilespmem:s2+$0x9420];
	v36 =	vsub.f32 v36, v5  }
0x197: {  	v34 =	vld [tilespmem:$0xCF0];
	v37 =	vsub.f32 v37, v6;
	[tilespmem:s2+$0x9000] =	vst v39  }
0x198: {  	v55 =	vld [tilespmem:s2+$0x9820];
	v38 =	vsub.f32 v38, v7;
	[tilespmem:s2+$0x9010] =	vst v36  }
0x199: {  	v56 =	vld [tilespmem:s2+$0x9830];
	v40 =	vsub.f32 v40, v8;
	[tilespmem:s2+$0x9020] =	vst v37  }
0x19a: {  	v62 =	vld [tilespmem:s2+$0x9050];
	v41 =	vsub.f32 v41, v10;
	[tilespmem:s2+$0x9030] =	vst v38  }
0x19b: {  	v63 =	vld [tilespmem:s2+$0x9400];
	v42 =	vsub.f32 v42, v11;
	[tilespmem:s2+$0x9040] =	vst v40  }
0x19c: {  	v45 =	vld [tilespmem:s2+$0x9410];
	v50 =	vsub.f32 v46, v14;
	[tilespmem:s2+$0x9060] =	vst v41  }
0x19d: {  	v47 =	vld [tilespmem:s2+$0x9430];
	v58 =	vsub.f32 v55, v22;
	[tilespmem:s2+$0x9070] =	vst v42  }
0x19e: {  	v49 =	vld [tilespmem:s2+$0x9450];
	v61 =	vsub.f32 v56, v23;
	[tilespmem:s2+$0x9420] =	vst v50  }
0x19f: {  	v52 =	vld [tilespmem:s2+$0x9460];
	v39 =	vsub.f32 v62, v9;
	[tilespmem:s2+$0x9820] =	vst v58  }
0x1a0: {  	v54 =	vld [tilespmem:s2+$0x9470];
	v36 =	vsub.f32 v63, v12;
	[tilespmem:s2+$0x9830] =	vst v61  }
0x1a1: {  	v57 =	vld [tilespmem:s2+$0x9840];
	v37 =	vsub.f32 v45, v13;
	[tilespmem:s2+$0x9050] =	vst v39  }
0x1a2: {  	v51 =	vld [tilespmem:s2+$0x9800];
	v40 =	vsub.f32 v47, v15;
	[tilespmem:s2+$0x9400] =	vst v36  }
0x1a3: {  	v48 =	vld [tilespmem:s2+$0x9440];
	v41 =	vsub.f32 v49, v17;
	[tilespmem:s2+$0x9410] =	vst v37  }
0x1a4: {  	v53 =	vld [tilespmem:s2+$0x9810];
	v38 =	vsub.f32 v52, v18;
	[tilespmem:s2+$0x9430] =	vst v40  }
0x1a5: {  	v60 =	vld [tilespmem:s2+$0x9860];
	v42 =	vsub.f32 v54, v19;
	[tilespmem:s2+$0x9450] =	vst v41  }
0x1a6: {  	v43 =	vld [tilespmem:s2+$0x9850];
	v62 =	vsub.f32 v57, v25;
	[tilespmem:s2+$0x9460] =	vst v38  }
0x1a7: {  	v44 =	vld [tilespmem:s2+$0x9870];
	v37 =	vsub.f32 v51, v20;
	[tilespmem:s2+$0x9470] =	vst v42  }
0x1a8: {  	v59 =	vld [tilespmem:s2+$0x9C00];
	v39 =	vsub.f32 v48, v16;
	[tilespmem:s2+$0x9840] =	vst v62  }
0x1a9: {  	v36 =	vsub.f32 v53, v21;
	[tilespmem:s2+$0x9800] =	vst v37;
	v37 =	vld [tilespmem:s2+$0x9C10]  }
0x1aa: {  	v38 =	vld [tilespmem:s2+$0x9C20];
	v42 =	vsub.f32 v60, v29;
	[tilespmem:s2+$0x9440] =	vst v39  }
0x1ab: {  	v63 =	vsub.f32 v43, v28;
	[tilespmem:s2+$0x9810] =	vst v36;
	v36 =	vld [tilespmem:s2+$0x9C30]  }
0x1ac: {  	v39 =	vld [tilespmem:s2+$0x9C40];
	[tilespmem:s2+$0x9860] =	vst v42;
	v42 =	vsub.f32 v44, v33  }
0x1ad: {  	s10 =	simm.s32 $0x200;
	s7 =	simm.s32 $0x80;
	[tilespmem:s2+$0x9850] =	vst v63;
	v41 =	vsub.f32 v59, v35;
	v40 =	vld [tilespmem:s2+$0x9C50]  }
.LBB2_5:
0x1ae: {  	s3 =	sand.u32 $0x3000, s10;
	s15 =	sand.u32 $0x380, s7;
	p0 =	sne.s32 s10, $0x3E00;
	[tilespmem:s2+$0x9870] =	vst v42;
	v37 =	vsub.f32 v37, v30;
	v42 =	vld [tilespmem:s2+$0x9C60]  }
0x1af: {  	s3 =	sor.u32 s15, s3;
	[tilespmem:s2+$0x9C00] =	vst v41;
	v38 =	vsub.f32 v38, v26;
	v41 =	vld [tilespmem:s2+$0x9C70]  }
0x1b0: {  	v43 =	vld [tilespmem:s3+$0x9000];
	[tilespmem:s2+$0x9C10] =	vst v37;
	v36 =	vsub.f32 v36, v24  }
0x1b1: {  	v37 =	vld [tilespmem:s3+$0x9010];
	[tilespmem:s2+$0x9C20] =	vst v38;
	v38 =	vsub.f32 v39, v27  }
0x1b2: {  	v39 =	vld [tilespmem:s3+$0x9020];
	[tilespmem:s2+$0x9C30] =	vst v36;
	v36 =	vsub.f32 v40, v31  }
0x1b3: {  	v40 =	vld [tilespmem:s3+$0x9030];
	[tilespmem:s2+$0x9C40] =	vst v38;
	v38 =	vsub.f32 v42, v32  }
0x1b4: {  	v42 =	vld [tilespmem:s3+$0x9040];
	[tilespmem:s2+$0x9C50] =	vst v36;
	v36 =	vsub.f32 v41, v34  }
0x1b5: {  	v41 =	vsub.f32 v43, v4;
	v43 =	vld [tilespmem:s3+$0x9050];
	[tilespmem:s2+$0x9C60] =	vst v38  }
0x1b6: {  	v37 =	vsub.f32 v37, v5;
	v38 =	vld [tilespmem:s3+$0x9060];
	[tilespmem:s2+$0x9C70] =	vst v36;
	s2 =	smov.u32 s3  }
0x1b7: {  	[tilespmem:s2+$0x9000] =	vst v41;
	v36 =	vsub.f32 v39, v6;
	v39 =	vld [tilespmem:s2+$0x9070]  }
0x1b8: {  	[tilespmem:s2+$0x9010] =	vst v37;
	v37 =	vsub.f32 v40, v7;
	v40 =	vld [tilespmem:s2+$0x9400]  }
0x1b9: {  	[tilespmem:s2+$0x9020] =	vst v36;
	v36 =	vsub.f32 v42, v8;
	v41 =	vld [tilespmem:s2+$0x9410]  }
0x1ba: {  	[tilespmem:s2+$0x9030] =	vst v37;
	v37 =	vsub.f32 v43, v9;
	v42 =	vld [tilespmem:s2+$0x9420]  }
0x1bb: {  	[tilespmem:s2+$0x9040] =	vst v36;
	v36 =	vsub.f32 v38, v10;
	v38 =	vld [tilespmem:s2+$0x9430]  }
0x1bc: {  	[tilespmem:s2+$0x9050] =	vst v37;
	v37 =	vsub.f32 v39, v11;
	v39 =	vld [tilespmem:s2+$0x9440]  }
0x1bd: {  	[tilespmem:s2+$0x9060] =	vst v36;
	v36 =	vsub.f32 v40, v12;
	v40 =	vld [tilespmem:s2+$0x9450]  }
0x1be: {  	[tilespmem:s2+$0x9070] =	vst v37;
	v37 =	vsub.f32 v41, v13;
	v41 =	vld [tilespmem:s2+$0x9460]  }
0x1bf: {  	[tilespmem:s2+$0x9400] =	vst v36;
	v36 =	vsub.f32 v42, v14;
	v42 =	vld [tilespmem:s2+$0x9470]  }
0x1c0: {  	[tilespmem:s2+$0x9410] =	vst v37;
	v37 =	vsub.f32 v38, v15;
	v38 =	vld [tilespmem:s2+$0x9800]  }
0x1c1: {  	[tilespmem:s2+$0x9420] =	vst v36;
	v36 =	vsub.f32 v39, v16;
	v39 =	vld [tilespmem:s2+$0x9810]  }
0x1c2: {  	[tilespmem:s2+$0x9430] =	vst v37;
	v37 =	vsub.f32 v40, v17;
	v40 =	vld [tilespmem:s2+$0x9820]  }
0x1c3: {  	[tilespmem:s2+$0x9440] =	vst v36;
	v36 =	vsub.f32 v41, v18;
	v41 =	vld [tilespmem:s2+$0x9830]  }
0x1c4: {  	[tilespmem:s2+$0x9450] =	vst v37;
	v37 =	vsub.f32 v42, v19;
	v42 =	vld [tilespmem:s2+$0x9840]  }
0x1c5: {  	[tilespmem:s2+$0x9460] =	vst v36;
	v36 =	vsub.f32 v38, v20;
	v38 =	vld [tilespmem:s2+$0x9850]  }
0x1c6: {  	[tilespmem:s2+$0x9470] =	vst v37;
	v37 =	vsub.f32 v39, v21;
	v39 =	vld [tilespmem:s2+$0x9860]  }
0x1c7: {  	[tilespmem:s2+$0x9800] =	vst v36;
	v36 =	vsub.f32 v40, v22;
	v40 =	vld [tilespmem:s2+$0x9870]  }
0x1c8: {  	[tilespmem:s2+$0x9810] =	vst v37;
	v41 =	vsub.f32 v41, v23;
	v43 =	vld [tilespmem:s2+$0x9C00]  }
.Ltmp1:
0x1c9: {  	[tilespmem:s2+$0x9820] =	vst v36;
	v36 =	vsub.f32 v42, v25;
	v37 =	vld [tilespmem:s2+$0x9C10];
	(pc) =	sbr.rel @p0 .LBB2_5-.Ltmp1, $4  }
0x1ca: {  	[tilespmem:s2+$0x9830] =	vst v41;
	v41 =	vsub.f32 v38, v28;
	v38 =	vld [tilespmem:s2+$0x9C20]  }
0x1cb: {  	[tilespmem:s2+$0x9840] =	vst v36;
	v44 =	vsub.f32 v39, v29;
	v36 =	vld [tilespmem:s2+$0x9C30]  }
0x1cc: {  	[tilespmem:s2+$0x9850] =	vst v41;
	v42 =	vsub.f32 v40, v33;
	v39 =	vld [tilespmem:s2+$0x9C40]  }
0x1cd: {  	s7 =	sadd.s32 $0x80, s7;
	s10 =	sadd.s32 $0x200, s10;
	[tilespmem:s2+$0x9860] =	vst v44;
	v41 =	vsub.f32 v43, v35;
	v40 =	vld [tilespmem:s2+$0x9C50]  }
0x1ce: {  	[tilespmem:s2+$0x9870] =	vst v42;
	v4 =	vsub.f32 v37, v30;
	v5 =	vld [tilespmem:s2+$0x9C60]  }
0x1cf: {  	v7 =	vld [tilespmem:s2+$0x9C70];
	[tilespmem:s2+$0x9C00] =	vst v41;
	v6 =	vsub.f32 v38, v26  }
0x1d0: {  	[tilespmem:s2+$0x9C10] =	vst v4;
	v4 =	vsub.f32 v36, v24  }
0x1d1: {  	[tilespmem:s2+$0x9C20] =	vst v6;
	v63 =	vsub.f32 v39, v27  }
0x1d2: {  	[tilespmem:s2+$0x9C30] =	vst v4;
	v4 =	vsub.f32 v40, v31  }
0x1d3: {  	[tilespmem:s2+$0x9C40] =	vst v63;
	v5 =	vsub.f32 v5, v32  }
0x1d4: {  	[tilespmem:s2+$0x9C50] =	vst v4;
	v4 =	vsub.f32 v7, v34  }
0x1d5: {  	[tilespmem:s2+$0x9C60] =	vst v5  }
0x1d6: {  	[tilespmem:s2+$0x9C70] =	vst v4  }
0x1d7: {  	v4 =	vld [tilespmem:$0xD080];
	_ =	sdelay $0x4  }
0x1d8: {  	v5 =	vperm.xlane v4, v1;
	_ =	sdelay $0x1  }
0x1d9: {  	v4 =	vperm.xlane v4, v3;
	v5 =	vadd.s32 v2, v5;
	_ =	sdelay $0x1  }
0x1da: {  	v4 =	vadd.s32 v2, v4;
	_ =	sdelay $0x2  }
0x1db: {  	[hbm4b:s4+s5] =	stream.indirect_vreg.scatter [tilespmem:s20], [sflag:$0x1], $0x80, v5, vm0, $0xb8;
	[tilespmem:$0xD380] =	vst v63  }
0x1dc: {  	_ = 	snop  }
0x1dd: {  	[hbm4b:s4+s5] =	stream.indirect_vreg.scatter [tilespmem:s21], [sflag:$0x1], $0x80, v4, vm0, $0xb8;
	[tilespmem:$0xD380] =	vst v63  }
0x1de: {  	v4 =	vld [tilespmem:$0xD090];
	_ =	sdelay $0x4  }
0x1df: {  	v5 =	vperm.xlane v4, v1;
	_ =	sdelay $0x1  }
0x1e0: {  	v4 =	vperm.xlane v4, v3;
	v5 =	vadd.s32 v2, v5;
	_ =	sdelay $0x1  }
0x1e1: {  	v4 =	vadd.s32 v2, v4;
	_ =	sdelay $0x2  }
0x1e2: {  	[hbm4b:s4+s5] =	stream.indirect_vreg.scatter [tilespmem:s22], [sflag:$0x1], $0x80, v5, vm0, $0xb8;
	[tilespmem:$0xD380] =	vst v63  }
0x1e3: {  	_ = 	snop  }
0x1e4: {  	[hbm4b:s4+s5] =	stream.indirect_vreg.scatter [tilespmem:s23], [sflag:$0x1], $0x80, v4, vm0, $0xb8;
	[tilespmem:$0xD380] =	vst v63  }
0x1e5: {  	v4 =	vld [tilespmem:$0xD100];
	_ =	sdelay $0x4  }
0x1e6: {  	v5 =	vperm.xlane v4, v1;
	_ =	sdelay $0x1  }
0x1e7: {  	v4 =	vperm.xlane v4, v3;
	v5 =	vadd.s32 v2, v5;
	_ =	sdelay $0x1  }
0x1e8: {  	v4 =	vadd.s32 v2, v4;
	_ =	sdelay $0x2  }
0x1e9: {  	[hbm4b:s4+s5] =	stream.indirect_vreg.scatter [tilespmem:s24], [sflag:$0x1], $0x80, v5, vm0, $0xb8;
	[tilespmem:$0xD380] =	vst v63  }
0x1ea: {  	_ = 	snop  }
0x1eb: {  	[hbm4b:s4+s5] =	stream.indirect_vreg.scatter [tilespmem:s25], [sflag:$0x1], $0x80, v4, vm0, $0xb8;
	[tilespmem:$0xD380] =	vst v63  }
0x1ec: {  	v4 =	vld [tilespmem:$0xD110];
	_ =	sdelay $0x4  }
0x1ed: {  	v5 =	vperm.xlane v4, v1;
	_ =	sdelay $0x1  }
0x1ee: {  	v4 =	vperm.xlane v4, v3;
	v5 =	vadd.s32 v2, v5;
	_ =	sdelay $0x1  }
0x1ef: {  	v4 =	vadd.s32 v2, v4;
	_ =	sdelay $0x2  }
0x1f0: {  	[hbm4b:s4+s5] =	stream.indirect_vreg.scatter [tilespmem:s26], [sflag:$0x1], $0x80, v5, vm0, $0xb8;
	[tilespmem:$0xD380] =	vst v63  }
0x1f1: {  	_ = 	snop  }
0x1f2: {  	[hbm4b:s4+s5] =	stream.indirect_vreg.scatter [tilespmem:s28], [sflag:$0x1], $0x80, v4, vm0, $0xb8;
	[tilespmem:$0xD380] =	vst v63  }
0x1f3: {  	v4 =	vld [tilespmem:$0xD180];
	_ =	sdelay $0x4  }
0x1f4: {  	v5 =	vperm.xlane v4, v1;
	_ =	sdelay $0x1  }
0x1f5: {  	v4 =	vperm.xlane v4, v3;
	v5 =	vadd.s32 v2, v5;
	_ =	sdelay $0x1  }
0x1f6: {  	v4 =	vadd.s32 v2, v4;
	_ =	sdelay $0x2  }
0x1f7: {  	[hbm4b:s4+s5] =	stream.indirect_vreg.scatter [tilespmem:s29], [sflag:$0x1], $0x80, v5, vm0, $0xb8;
	[tilespmem:$0xD380] =	vst v63  }
0x1f8: {  	_ = 	snop  }
0x1f9: {  	[hbm4b:s4+s5] =	stream.indirect_vreg.scatter [tilespmem:s30], [sflag:$0x1], $0x80, v4, vm0, $0xb8;
	[tilespmem:$0xD380] =	vst v63  }
0x1fa: {  	v4 =	vld [tilespmem:$0xD190];
	_ =	sdelay $0x4  }
0x1fb: {  	v5 =	vperm.xlane v4, v1;
	_ =	sdelay $0x1  }
0x1fc: {  	v4 =	vperm.xlane v4, v3;
	v5 =	vadd.s32 v2, v5;
	_ =	sdelay $0x1  }
0x1fd: {  	v4 =	vadd.s32 v2, v4;
	_ =	sdelay $0x2  }
0x1fe: {  	[hbm4b:s4+s5] =	stream.indirect_vreg.scatter [tilespmem:s31], [sflag:$0x1], $0x80, v5, vm0, $0xb8;
	[tilespmem:$0xD380] =	vst v63  }
0x1ff: {  	_ = 	snop  }
0x200: {  	[hbm4b:s4+s5] =	stream.indirect_vreg.scatter [tilespmem:s0], [sflag:$0x1], $0x80, v4, vm0, $0xb8;
	[tilespmem:$0xD380] =	vst v63  }
0x201: {  	v4 =	vld [tilespmem:$0xD200];
	_ =	sdelay $0x4  }
0x202: {  	v5 =	vperm.xlane v4, v1;
	_ =	sdelay $0x1  }
0x203: {  	v4 =	vperm.xlane v4, v3;
	v5 =	vadd.s32 v2, v5;
	_ =	sdelay $0x1  }
0x204: {  	v4 =	vadd.s32 v2, v4;
	_ =	sdelay $0x2  }
0x205: {  	[hbm4b:s4+s5] =	stream.indirect_vreg.scatter [tilespmem:s6], [sflag:$0x1], $0x80, v5, vm0, $0xb8;
	[tilespmem:$0xD380] =	vst v63  }
0x206: {  	_ = 	snop  }
0x207: {  	[hbm4b:s4+s5] =	stream.indirect_vreg.scatter [tilespmem:s1], [sflag:$0x1], $0x80, v4, vm0, $0xb8;
	[tilespmem:$0xD380] =	vst v63  }
0x208: {  	v4 =	vld [tilespmem:$0xD210];
	_ =	sdelay $0x4  }
0x209: {  	v5 =	vperm.xlane v4, v1;
	_ =	sdelay $0x1  }
0x20a: {  	v4 =	vperm.xlane v4, v3;
	v5 =	vadd.s32 v2, v5;
	_ =	sdelay $0x1  }
0x20b: {  	v4 =	vadd.s32 v2, v4;
	_ =	sdelay $0x2  }
0x20c: {  	[hbm4b:s4+s5] =	stream.indirect_vreg.scatter [tilespmem:s11], [sflag:$0x1], $0x80, v5, vm0, $0xb8;
	[tilespmem:$0xD380] =	vst v63  }
0x20d: {  	_ = 	snop  }
0x20e: {  	[hbm4b:s4+s5] =	stream.indirect_vreg.scatter [tilespmem:s13], [sflag:$0x1], $0x80, v4, vm0, $0xb8;
	[tilespmem:$0xD380] =	vst v63  }
0x20f: {  	_ =	swait.ge [sflag:s14], $0x1000  }
0x210: {  	[sflag:s14] =	ssyncset.done $0x0  }
0x211: {  	[sflag:s14] =	ssyncadd.s32 $0xFFFFF000  }
0x212: {  	_ =	swait.ge [sflag:s14], $0x1000  }
0x213: {  	[sflag:s14] =	ssyncset.done $0x0  }
0x214: {  	s8 =	sadd.s32 $0x1, s8;
	[sflag:s14] =	ssyncadd.s32 $0xFFFFF000  }
0x215: {  	p0 =	sne.s32 s8, $0x20;
	_ =	swait.ge [sflag:s14], $0x1000  }
.Ltmp2:
0x216: {  	[sflag:s14] =	ssyncset.done $0x0;
	(pc) =	sbr.rel @p0 .LBB2_2-.Ltmp2, $4  }
0x217: {  	[sflag:s14] =	ssyncadd.s32 $0xFFFFF000  }
0x218: {  	_ =	swait.ge [sflag:s14], $0x1000  }
0x219: {  	[sflag:s14] =	ssyncset.done $0x0  }
0x21a: {  	[sflag:s14] =	ssyncadd.s32 $0xFFFFF000  }
0x21b: {  	s3 =	rddreg [dreg:$0x9]  }
0x21c: {  	s2 =	rddreg [dreg:$0x8];
	s3 =	sadd.s32 $0x1, s3  }
0x21d: {  	p0 =	sne.s32 s3, s2  }
.Ltmp3:
0x21e: {  	_ = 	snop;
	(pc) =	sbr.rel @p0 .LBB2_1-.Ltmp3, $1  }
0x21f: {  	_ =	sdelay $0x3  }
0x220: {  	_ =	sfence.sel $0x180000  }
0x221: {  	[bflag:$0x0] =	sbarrier.arrive $0xFFFF  }
0x222: {  	_ =	strace $0x90000047  }
0x223: {  	s0 =	stileid.u32;
	[bflag:$0x2] =	sbarrier.arrive $0xFFFF  }
0x224: {  	p0 =	sne.s32 s0, $0x0;
	s0 =	rddreg [dreg:$0x5]  }
0x225: {  	s0 =	sadd.s32 @!p0 $0x100000, s0  }
0x226: {  	[sflag:s0] =	ssyncadd.tile.s32 @!p0 $0x1;
	_ =	shalt  }
.Lfunc_end2:
_tile_overlayer_lowered:
.L_overlay_start_2:
0x227: {  	(tag) =	ssettag $0x2  }
0x228: {  	s0 =	rddreg [dreg:$0x0];
	s2 =	stileid.u32  }
0x229: {  	s1 =	rddreg [dreg:$0x1];
	p0 =	sne.s32 s2, $0x0  }
0x22a: {  	s3 =	rddreg [dreg:$0x2];
	[bflag:$0x3] =	sbarrier.arrive $0xFFFF;
	s2 =	simm.s32 @!p0 $0x1C02  }
0x22b: {  	[timem:s3], [sflag:s2] =	dma.local @!p0 [hbm:s0], s1  }
0x22c: {  	s0 =	simm.s32 @!p0 $0x2  }
0x22d: {  	_ =	swait.ge @!p0 [sflag:s0], s1  }
0x22e: {  	s1 =	ssub.s32 @!p0 $0x0, s1;
	[sflag:s0] =	ssyncset.done @!p0 $0x0  }
0x22f: {  	[sflag:s0] =	ssyncadd.s32 @!p0 s1  }
0x230: {  	[bflag:$0x3] =	sbarrier.arrive $0xFFFF  }
0x231: {  	_ =	shalt  }

</sc_bundles>
